<compile_context>
chip_gen: v7x
topology: tpu7x:2x2x1
jax: 0.10.2.dev20260603
libtpu: 0.0.44.dev20260713+nightly
codegen_flags: <defaults>
</compile_context>

<pallas_src>
import functools

import jax
import jax.numpy as jnp
from jax import lax
from jax.experimental import pallas as pl
from jax.experimental.pallas import tpu as pltpu
from jax.experimental.pallas import tpu_sc as plsc

NC = 2
NS = 16
L = 16

CH = 80


def _pre_body(x_ref, w1_ref, w2_ref, b_ref, p_ref, q_ref):
    x = x_ref[...]
    p_ref[...] = jnp.dot(x, w1_ref[...], preferred_element_type=jnp.float32)
    q_ref[...] = (
        jnp.dot(x, w2_ref[...], preferred_element_type=jnp.float32)
        + b_ref[...]
    )


def _upd_body(agg_ref, x_ref, w1_ref, w2_ref, b_ref, o_ref):
    n = x_ref.shape[0]
    a = agg_ref[0, :n] + agg_ref[1, :n]
    o_ref[...] = jnp.maximum(
        jnp.dot(a, w1_ref[...], preferred_element_type=jnp.float32)
        + jnp.dot(x_ref[...], w2_ref[...], preferred_element_type=jnp.float32)
        + b_ref[...],
        0.0,
    )


def _make_sc_edge(N, D, E):
    assert E % (NC * NS) == 0
    ew = E // (NC * NS)
    assert ew % CH == 0
    n_chunks = ew // CH
    n_pad = -(-N // (NS * CH)) * (NS * CH)
    rows_w = n_pad // NS
    st = CH
    n_st = rows_w // st
    assert st % 8 == 0 and rows_w % st == 0

    mesh = plsc.VectorSubcoreMesh(
        core_axis_name="c", subcore_axis_name="s",
        num_cores=NC, num_subcores=NS,
    )

    SBC = 25
    assert n_chunks % SBC == 0 and SBC % 2 == 1 and SBC >= 3
    n_sup = n_chunks // SBC
    kk = (SBC - 3) // 2

    @functools.partial(
        pl.kernel,
        out_type=jax.ShapeDtypeStruct((NC, n_pad, D), jnp.float32),
        mesh=mesh,
        scratch_types=[
            pltpu.VMEM((SBC * CH,), jnp.int32),
            pltpu.VMEM((SBC * CH,), jnp.int32),
            pltpu.VMEM((CH,), jnp.int32),
            pltpu.VMEM((CH,), jnp.int32),
            pltpu.VMEM((CH, D), jnp.float32),
            pltpu.VMEM((CH, D), jnp.float32),
            pltpu.VMEM((CH, D), jnp.float32),
            pltpu.VMEM((CH, D), jnp.float32),
            pltpu.VMEM_SHARED((n_pad, D), jnp.float32),
            pltpu.SemaphoreType.DMA,
            pltpu.SemaphoreType.DMA,
        ],
    )
    def sc_edge(p_hbm, q_hbm, ei_hbm, out_hbm,
                sidx_sc, didx_sc, didx0, didx1, prow0, prow1, qrow0, qrow1,
                agg_sh, semg, sems):
        cid = lax.axis_index("c")
        sid = lax.axis_index("s")
        dxb = [didx0, didx1]
        pr = [prow0, prow1]
        qr = [qrow0, qrow1]

        def zrow(r, _):
            for k in range(D // L):
                prow0[r, pl.ds(k * L, L)] = jnp.zeros((L,), jnp.float32)
            return 0
        lax.fori_loop(0, st, zrow, 0)
        for j in range(n_st):
            pltpu.async_copy(
                prow0, agg_sh.at[pl.ds(sid * rows_w + j * st, st)], semg)
        for j in range(n_st):
            pltpu.make_async_copy(
                prow0, agg_sh.at[pl.ds(sid * rows_w, st)], semg).wait()
        plsc.subcore_barrier()

        base_w = (cid * NS + sid) * ew

        def load_super(s):
            base = base_w + s * (SBC * CH)
            pltpu.sync_copy(ei_hbm.at[pl.ds(base, SBC * CH)], sidx_sc)
            pltpu.sync_copy(ei_hbm.at[pl.ds(E + base, SBC * CH)], didx_sc)

        def fire_gather(c, b):
            pltpu.async_copy(
                p_hbm.at[sidx_sc.at[pl.ds(c * CH, CH)]], pr[b], semg)
            pltpu.async_copy(
                q_hbm.at[didx_sc.at[pl.ds(c * CH, CH)]], qr[b], semg)

        def wait_gather(b):
            pltpu.make_async_copy(
                p_hbm.at[sidx_sc.at[pl.ds(0, CH)]], pr[b], semg).wait()
            pltpu.make_async_copy(
                q_hbm.at[didx_sc.at[pl.ds(0, CH)]], qr[b], semg).wait()

        def fire_scatter(b):
            pltpu.async_copy(pr[b], agg_sh.at[dxb[b]], sems, add=True)

        def wait_scatter(b):
            pltpu.make_async_copy(pr[b], agg_sh.at[dxb[b]], sems).wait()

        def stage_didx(c, b):
            for k in range(CH // L):
                dxb[b][pl.ds(k * L, L)] = didx_sc[pl.ds(c * CH + k * L, L)]

        def compute(b):
            @plsc.parallel_loop(0, CH, unroll=2)
            def _(r):
                for k in range(D // L):
                    s = pl.ds(k * L, L)
                    pr[b][r, s] = jnp.maximum(pr[b][r, s] + qr[b][r, s], 0.0)

        def full_step(c, b, prefetch, pending_scatter):
            if prefetch:
                if pending_scatter:
                    wait_scatter(1 - b)
                fire_gather(c + 1, 1 - b)
            wait_gather(b)
            stage_didx(c, b)
            compute(b)
            fire_scatter(b)

        def super_body(s, first):
            load_super(s)
            if not first:
                wait_scatter(0)
            fire_gather(0, 0)
            full_step(0, 0, prefetch=True, pending_scatter=not first)

            def body(j, _):
                c = 2 * j + 1
                full_step(c, 1, prefetch=True, pending_scatter=True)
                full_step(c + 1, 0, prefetch=True, pending_scatter=True)
                return 0
            lax.fori_loop(0, kk, body, 0)

            full_step(SBC - 2, 1, prefetch=True, pending_scatter=True)
            full_step(SBC - 1, 0, prefetch=False, pending_scatter=False)

        super_body(0, first=True)

        def sbody(s, _):
            super_body(s, first=False)
            return 0
        lax.fori_loop(1, n_sup, sbody, 0)
        wait_scatter(1)
        wait_scatter(0)

        plsc.subcore_barrier()
        for j in range(n_st):
            off = sid * rows_w + j * st
            buf = pr[j % 2]
            if j >= 2:
                pltpu.make_async_copy(
                    buf, out_hbm.at[cid, pl.ds(0, st)], semg).wait()
            pltpu.sync_copy(agg_sh.at[pl.ds(off, st)], buf)
            pltpu.async_copy(buf, out_hbm.at[cid, pl.ds(off, st)], semg)
        pltpu.make_async_copy(
            prow0, out_hbm.at[cid, pl.ds(0, st)], semg).wait()
        pltpu.make_async_copy(
            prow1, out_hbm.at[cid, pl.ds(0, st)], semg).wait()

    return sc_edge


def kernel(x, edge_index, W_msg, b_msg, W_upd, b_upd):
    N, D = x.shape
    E = edge_index.shape[1]

    P, Q = pl.pallas_call(
        _pre_body,
        out_shape=[jax.ShapeDtypeStruct((N, D), jnp.float32)] * 2,
    )(x, W_msg[:D], W_msg[D:], b_msg.reshape(1, D))

    agg = _make_sc_edge(N, D, E)(P, Q, edge_index.reshape(2 * E))

    out = pl.pallas_call(
        _upd_body,
        out_shape=jax.ShapeDtypeStruct((N, D), jnp.float32),
    )(agg, x, W_upd[:D], W_upd[D:], b_upd.reshape(1, D))
    return out

# --- scband reference (transcript-rebuilt; emitter-appended) ---
"""Pipeline reference for scband-gnn-model-68839735821122 (READ-ONLY COPY).

The authoritative reference and input builder live on the scoring server;
editing this copy changes nothing except your own understanding.
"""

import jax, jax.numpy as jnp
import numpy as np

N = 10000
E = 320000
D = 128

def setup_inputs(seed: int = 0) -> dict:
    key = jax.random.key(seed)
    k1, k2, k3, k4, k5, k6 = jax.random.split(key, 6)
    x = jax.random.normal(k1, (N, D), dtype=jnp.float32)
    edge_index = jax.random.randint(k2, (2, E), 0, N, dtype=jnp.int32)
    # message-creation feed-forward: input = [hs_source, hs_dst] -> 2D in, D out
    W_msg = jax.random.normal(k3, (2 * D, D), dtype=jnp.float32) * 0.05
    b_msg = jnp.zeros((D,), dtype=jnp.float32)
    # update feed-forward: input = [aggregated_message, hs_dst] -> 2D in, D out
    W_upd = jax.random.normal(k4, (2 * D, D), dtype=jnp.float32) * 0.05
    b_upd = jnp.zeros((D,), dtype=jnp.float32)
    return {"x": x, "edge_index": edge_index, "W_msg": W_msg, "b_msg": b_msg, "W_upd": W_upd, "b_upd": b_upd}

def reference(x, edge_index, W_msg, b_msg, W_upd, b_upd):
    src = edge_index[0]
    dst = edge_index[1]
    # message creation: gather source and destination hidden states per edge
    h_src = jnp.take(x, src, axis=0)
    h_dst = jnp.take(x, dst, axis=0)
    msg_in = jnp.concatenate([h_src, h_dst], axis=1)
    messages = jax.nn.relu(msg_in @ W_msg + b_msg)
    # aggregation: sum messages per destination node (scatter-add)
    agg = jax.ops.segment_sum(messages, dst, num_segments=N)
    # update: feed-forward over [aggregated, hs_dst]
    upd_in = jnp.concatenate([agg, x], axis=1)
    out = jax.nn.relu(upd_in @ W_upd + b_upd)
    return out

if __name__ == "__main__":
    import jax
    _d = setup_inputs()
    print(jax.jit(kernel)(*tuple(_d.values())))

</pallas_src>

<mosaic_0001>
#map = affine_map<(d0, d1) -> (0, 0)>
#map1 = affine_map<(d0, d1) -> (0)>
#map2 = affine_map<(d0, d1) -> (0, 0, 0)>
module attributes {stable_mosaic.version = 14 : i64} {
  func.func @sc_edge(%arg0: i32, %arg1: i32, %arg2: memref<10000x128xf32, #tpu.memory_space<hbm>>, %arg3: memref<10000x128xf32, #tpu.memory_space<hbm>>, %arg4: memref<640000xi32, #tpu.memory_space<hbm>>, %arg5: memref<2x10240x128xf32, #tpu.memory_space<hbm>>, %arg6: memref<2000xi32, #tpu.memory_space<vmem>>, %arg7: memref<2000xi32, #tpu.memory_space<vmem>>, %arg8: memref<80xi32, #tpu.memory_space<vmem>>, %arg9: memref<80xi32, #tpu.memory_space<vmem>>, %arg10: memref<80x128xf32, #tpu.memory_space<vmem>>, %arg11: memref<80x128xf32, #tpu.memory_space<vmem>>, %arg12: memref<80x128xf32, #tpu.memory_space<vmem>>, %arg13: memref<80x128xf32, #tpu.memory_space<vmem>>, %arg14: memref<10240x128xf32, #tpu.memory_space<vmem_shared>>, %arg15: memref<!tpu.dma_semaphore, #tpu.memory_space<semaphore_mem>>, %arg16: memref<!tpu.dma_semaphore, #tpu.memory_space<semaphore_mem>>) attributes {dimension_semantics = [#tpu.dimension_semantics<core_parallel>, #tpu.dimension_semantics<subcore_parallel>], iteration_bounds = array<i64: 2, 16>, scalar_prefetch = 0 : i64, scratch_operands = 11 : i64, tpu.core_type = #tpu.core_type<sc_vector_subcore>, window_params = [{transform_indices = #map}, {transform_indices = #map}, {transform_indices = #map1}, {transform_indices = #map2}]} {
    %scan3A = arith.constant 0 : i32
    %scan3A_0 = arith.constant 0 : i32
    %scan3A_1 = arith.constant 80 : i32
    %scan3A_2 = arith.addi %scan3A_0, %scan3A_1 : i32
    %scan3A_3 = arith.constant 1 : i32
    %scan3A_4 = scf.for %scan3A_471 = %scan3A_0 to %scan3A_2 step %scan3A_3 iter_args(%scan3A_472 = %scan3A) -> (i32)  : i32 {
      %broadcast_in_dim3A = arith.constant 0.000000e+00 : f32
      %broadcast_in_dim3A_473 = vector.broadcast %broadcast_in_dim3A : f32 to vector<16xf32>
      %swap3A_474 = arith.index_cast %scan3A_471 : i32 to index
      %swap3A_475 = arith.constant 0 : index
      %swap3A_476 = tpu.vector_load %arg10[%swap3A_474, %swap3A_475] {strides = array<i32>} : memref<80x128xf32, #tpu.memory_space<vmem>>, vector<1x16xf32>,
      %swap3A_477 = vector.shape_cast %swap3A_476 : vector<1x16xf32> to vector<16xf32>
      %swap3A_478 = vector.shape_cast %broadcast_in_dim3A_473 : vector<16xf32> to vector<1x16xf32>
      tpu.vector_store %arg10[%swap3A_474, %swap3A_475], %swap3A_478 {strides = array<i32>} : memref<80x128xf32, #tpu.memory_space<vmem>>, vector<1x16xf32>,
      %broadcast_in_dim3A_479 = arith.constant 0.000000e+00 : f32
      %broadcast_in_dim3A_480 = vector.broadcast %broadcast_in_dim3A_479 : f32 to vector<16xf32>
      %swap3A_481 = arith.index_cast %scan3A_471 : i32 to index
      %swap3A_482 = arith.constant 16 : index
      %swap3A_483 = tpu.vector_load %arg10[%swap3A_481, %swap3A_482] {strides = array<i32>} : memref<80x128xf32, #tpu.memory_space<vmem>>, vector<1x16xf32>,
      %swap3A_484 = vector.shape_cast %swap3A_483 : vector<1x16xf32> to vector<16xf32>
      %swap3A_485 = vector.shape_cast %broadcast_in_dim3A_480 : vector<16xf32> to vector<1x16xf32>
      tpu.vector_store %arg10[%swap3A_481, %swap3A_482], %swap3A_485 {strides = array<i32>} : memref<80x128xf32, #tpu.memory_space<vmem>>, vector<1x16xf32>,
      %broadcast_in_dim3A_486 = arith.constant 0.000000e+00 : f32
      %broadcast_in_dim3A_487 = vector.broadcast %broadcast_in_dim3A_486 : f32 to vector<16xf32>
      %swap3A_488 = arith.index_cast %scan3A_471 : i32 to index
      %swap3A_489 = arith.constant 32 : index
      %swap3A_490 = tpu.vector_load %arg10[%swap3A_488, %swap3A_489] {strides = array<i32>} : memref<80x128xf32, #tpu.memory_space<vmem>>, vector<1x16xf32>,
      %swap3A_491 = vector.shape_cast %swap3A_490 : vector<1x16xf32> to vector<16xf32>
      %swap3A_492 = vector.shape_cast %broadcast_in_dim3A_487 : vector<16xf32> to vector<1x16xf32>
      tpu.vector_store %arg10[%swap3A_488, %swap3A_489], %swap3A_492 {strides = array<i32>} : memref<80x128xf32, #tpu.memory_space<vmem>>, vector<1x16xf32>,
      %broadcast_in_dim3A_493 = arith.constant 0.000000e+00 : f32
      %broadcast_in_dim3A_494 = vector.broadcast %broadcast_in_dim3A_493 : f32 to vector<16xf32>
      %swap3A_495 = arith.index_cast %scan3A_471 : i32 to index
      %swap3A_496 = arith.constant 48 : index
      %swap3A_497 = tpu.vector_load %arg10[%swap3A_495, %swap3A_496] {strides = array<i32>} : memref<80x128xf32, #tpu.memory_space<vmem>>, vector<1x16xf32>,
      %swap3A_498 = vector.shape_cast %swap3A_497 : vector<1x16xf32> to vector<16xf32>
      %swap3A_499 = vector.shape_cast %broadcast_in_dim3A_494 : vector<16xf32> to vector<1x16xf32>
      tpu.vector_store %arg10[%swap3A_495, %swap3A_496], %swap3A_499 {strides = array<i32>} : memref<80x128xf32, #tpu.memory_space<vmem>>, vector<1x16xf32>,
      %broadcast_in_dim3A_500 = arith.constant 0.000000e+00 : f32
      %broadcast_in_dim3A_501 = vector.broadcast %broadcast_in_dim3A_500 : f32 to vector<16xf32>
      %swap3A_502 = arith.index_cast %scan3A_471 : i32 to index
      %swap3A_503 = arith.constant 64 : index
      %swap3A_504 = tpu.vector_load %arg10[%swap3A_502, %swap3A_503] {strides = array<i32>} : memref<80x128xf32, #tpu.memory_space<vmem>>, vector<1x16xf32>,
      %swap3A_505 = vector.shape_cast %swap3A_504 : vector<1x16xf32> to vector<16xf32>
      %swap3A_506 = vector.shape_cast %broadcast_in_dim3A_501 : vector<16xf32> to vector<1x16xf32>
      tpu.vector_store %arg10[%swap3A_502, %swap3A_503], %swap3A_506 {strides = array<i32>} : memref<80x128xf32, #tpu.memory_space<vmem>>, vector<1x16xf32>,
      %broadcast_in_dim3A_507 = arith.constant 0.000000e+00 : f32
      %broadcast_in_dim3A_508 = vector.broadcast %broadcast_in_dim3A_507 : f32 to vector<16xf32>
      %swap3A_509 = arith.index_cast %scan3A_471 : i32 to index
      %swap3A_510 = arith.constant 80 : index
      %swap3A_511 = tpu.vector_load %arg10[%swap3A_509, %swap3A_510] {strides = array<i32>} : memref<80x128xf32, #tpu.memory_space<vmem>>, vector<1x16xf32>,
      %swap3A_512 = vector.shape_cast %swap3A_511 : vector<1x16xf32> to vector<16xf32>
      %swap3A_513 = vector.shape_cast %broadcast_in_dim3A_508 : vector<16xf32> to vector<1x16xf32>
      tpu.vector_store %arg10[%swap3A_509, %swap3A_510], %swap3A_513 {strides = array<i32>} : memref<80x128xf32, #tpu.memory_space<vmem>>, vector<1x16xf32>,
      %broadcast_in_dim3A_514 = arith.constant 0.000000e+00 : f32
      %broadcast_in_dim3A_515 = vector.broadcast %broadcast_in_dim3A_514 : f32 to vector<16xf32>
      %swap3A_516 = arith.index_cast %scan3A_471 : i32 to index
      %swap3A_517 = arith.constant 96 : index
      %swap3A_518 = tpu.vector_load %arg10[%swap3A_516, %swap3A_517] {strides = array<i32>} : memref<80x128xf32, #tpu.memory_space<vmem>>, vector<1x16xf32>,
      %swap3A_519 = vector.shape_cast %swap3A_518 : vector<1x16xf32> to vector<16xf32>
      %swap3A_520 = vector.shape_cast %broadcast_in_dim3A_515 : vector<16xf32> to vector<1x16xf32>
      tpu.vector_store %arg10[%swap3A_516, %swap3A_517], %swap3A_520 {strides = array<i32>} : memref<80x128xf32, #tpu.memory_space<vmem>>, vector<1x16xf32>,
      %broadcast_in_dim3A_521 = arith.constant 0.000000e+00 : f32
      %broadcast_in_dim3A_522 = vector.broadcast %broadcast_in_dim3A_521 : f32 to vector<16xf32>
      %swap3A_523 = arith.index_cast %scan3A_471 : i32 to index
      %swap3A_524 = arith.constant 112 : index
      %swap3A_525 = tpu.vector_load %arg10[%swap3A_523, %swap3A_524] {strides = array<i32>} : memref<80x128xf32, #tpu.memory_space<vmem>>, vector<1x16xf32>,
      %swap3A_526 = vector.shape_cast %swap3A_525 : vector<1x16xf32> to vector<16xf32>
      %swap3A_527 = vector.shape_cast %broadcast_in_dim3A_522 : vector<16xf32> to vector<1x16xf32>
      tpu.vector_store %arg10[%swap3A_523, %swap3A_524], %swap3A_527 {strides = array<i32>} : memref<80x128xf32, #tpu.memory_space<vmem>>, vector<1x16xf32>,
      %scan3A_528 = arith.constant 0 : i32
      scf.yield %scan3A_528 : i32
    }
    %scan3A_5 = arith.constant 80 : i32
    %mul3A = arith.constant 640 : i32
    %mul3A_6 = arith.muli %arg1, %mul3A : i32
    %add3A = arith.constant 0 : i32
    %add3A_7 = arith.addi %mul3A_6, %add3A : i32
    %dma_start3A = arith.constant 0 : i32
    %dma_start3A_8 = tpu.memref_slice %arg14[%add3A_7, %dma_start3A] : memref<10240x128xf32, #tpu.memory_space<vmem_shared>> -> memref<80x128xf32, #tpu.memory_space<vmem_shared>>
    %dma_start3A_9 = arith.constant 0 : i32
    %dma_start3A_10 = tpu.memref_slice %arg14[%add3A_7, %dma_start3A_9] : memref<10240x128xf32, #tpu.memory_space<vmem_shared>> -> memref<80x128xf32, #tpu.memory_space<vmem_shared>>
    tpu.enqueue_dma source(%arg10 : memref<80x128xf32, #tpu.memory_space<vmem>>) target(%dma_start3A_10 : memref<80x128xf32, #tpu.memory_space<vmem_shared>>) target_semaphore(%arg15 : memref<!tpu.dma_semaphore, #tpu.memory_space<semaphore_mem>>)
    %mul3A_11 = arith.constant 640 : i32
    %mul3A_12 = arith.muli %arg1, %mul3A_11 : i32
    %add3A_13 = arith.constant 80 : i32
    %add3A_14 = arith.addi %mul3A_12, %add3A_13 : i32
    %dma_start3A_15 = arith.constant 0 : i32
    %dma_start3A_16 = tpu.memref_slice %arg14[%add3A_14, %dma_start3A_15] : memref<10240x128xf32, #tpu.memory_space<vmem_shared>> -> memref<80x128xf32, #tpu.memory_space<vmem_shared>>
    %dma_start3A_17 = arith.constant 0 : i32
    %dma_start3A_18 = tpu.memref_slice %arg14[%add3A_14, %dma_start3A_17] : memref<10240x128xf32, #tpu.memory_space<vmem_shared>> -> memref<80x128xf32, #tpu.memory_space<vmem_shared>>
    tpu.enqueue_dma source(%arg10 : memref<80x128xf32, #tpu.memory_space<vmem>>) target(%dma_start3A_18 : memref<80x128xf32, #tpu.memory_space<vmem_shared>>) target_semaphore(%arg15 : memref<!tpu.dma_semaphore, #tpu.memory_space<semaphore_mem>>)
    %mul3A_19 = arith.constant 640 : i32
    %mul3A_20 = arith.muli %arg1, %mul3A_19 : i32
    %add3A_21 = arith.constant 160 : i32
    %add3A_22 = arith.addi %mul3A_20, %add3A_21 : i32
    %dma_start3A_23 = arith.constant 0 : i32
    %dma_start3A_24 = tpu.memref_slice %arg14[%add3A_22, %dma_start3A_23] : memref<10240x128xf32, #tpu.memory_space<vmem_shared>> -> memref<80x128xf32, #tpu.memory_space<vmem_shared>>
    %dma_start3A_25 = arith.constant 0 : i32
    %dma_start3A_26 = tpu.memref_slice %arg14[%add3A_22, %dma_start3A_25] : memref<10240x128xf32, #tpu.memory_space<vmem_shared>> -> memref<80x128xf32, #tpu.memory_space<vmem_shared>>
    tpu.enqueue_dma source(%arg10 : memref<80x128xf32, #tpu.memory_space<vmem>>) target(%dma_start3A_26 : memref<80x128xf32, #tpu.memory_space<vmem_shared>>) target_semaphore(%arg15 : memref<!tpu.dma_semaphore, #tpu.memory_space<semaphore_mem>>)
    %mul3A_27 = arith.constant 640 : i32
    %mul3A_28 = arith.muli %arg1, %mul3A_27 : i32
    %add3A_29 = arith.constant 240 : i32
    %add3A_30 = arith.addi %mul3A_28, %add3A_29 : i32
    %dma_start3A_31 = arith.constant 0 : i32
    %dma_start3A_32 = tpu.memref_slice %arg14[%add3A_30, %dma_start3A_31] : memref<10240x128xf32, #tpu.memory_space<vmem_shared>> -> memref<80x128xf32, #tpu.memory_space<vmem_shared>>
    %dma_start3A_33 = arith.constant 0 : i32
    %dma_start3A_34 = tpu.memref_slice %arg14[%add3A_30, %dma_start3A_33] : memref<10240x128xf32, #tpu.memory_space<vmem_shared>> -> memref<80x128xf32, #tpu.memory_space<vmem_shared>>
    tpu.enqueue_dma source(%arg10 : memref<80x128xf32, #tpu.memory_space<vmem>>) target(%dma_start3A_34 : memref<80x128xf32, #tpu.memory_space<vmem_shared>>) target_semaphore(%arg15 : memref<!tpu.dma_semaphore, #tpu.memory_space<semaphore_mem>>)
    %mul3A_35 = arith.constant 640 : i32
    %mul3A_36 = arith.muli %arg1, %mul3A_35 : i32
    %add3A_37 = arith.constant 320 : i32
    %add3A_38 = arith.addi %mul3A_36, %add3A_37 : i32
    %dma_start3A_39 = arith.constant 0 : i32
    %dma_start3A_40 = tpu.memref_slice %arg14[%add3A_38, %dma_start3A_39] : memref<10240x128xf32, #tpu.memory_space<vmem_shared>> -> memref<80x128xf32, #tpu.memory_space<vmem_shared>>
    %dma_start3A_41 = arith.constant 0 : i32
    %dma_start3A_42 = tpu.memref_slice %arg14[%add3A_38, %dma_start3A_41] : memref<10240x128xf32, #tpu.memory_space<vmem_shared>> -> memref<80x128xf32, #tpu.memory_space<vmem_shared>>
    tpu.enqueue_dma source(%arg10 : memref<80x128xf32, #tpu.memory_space<vmem>>) target(%dma_start3A_42 : memref<80x128xf32, #tpu.memory_space<vmem_shared>>) target_semaphore(%arg15 : memref<!tpu.dma_semaphore, #tpu.memory_space<semaphore_mem>>)
    %mul3A_43 = arith.constant 640 : i32
    %mul3A_44 = arith.muli %arg1, %mul3A_43 : i32
    %add3A_45 = arith.constant 400 : i32
    %add3A_46 = arith.addi %mul3A_44, %add3A_45 : i32
    %dma_start3A_47 = arith.constant 0 : i32
    %dma_start3A_48 = tpu.memref_slice %arg14[%add3A_46, %dma_start3A_47] : memref<10240x128xf32, #tpu.memory_space<vmem_shared>> -> memref<80x128xf32, #tpu.memory_space<vmem_shared>>
    %dma_start3A_49 = arith.constant 0 : i32
    %dma_start3A_50 = tpu.memref_slice %arg14[%add3A_46, %dma_start3A_49] : memref<10240x128xf32, #tpu.memory_space<vmem_shared>> -> memref<80x128xf32, #tpu.memory_space<vmem_shared>>
    tpu.enqueue_dma source(%arg10 : memref<80x128xf32, #tpu.memory_space<vmem>>) target(%dma_start3A_50 : memref<80x128xf32, #tpu.memory_space<vmem_shared>>) target_semaphore(%arg15 : memref<!tpu.dma_semaphore, #tpu.memory_space<semaphore_mem>>)
    %mul3A_51 = arith.constant 640 : i32
    %mul3A_52 = arith.muli %arg1, %mul3A_51 : i32
    %add3A_53 = arith.constant 480 : i32
    %add3A_54 = arith.addi %mul3A_52, %add3A_53 : i32
    %dma_start3A_55 = arith.constant 0 : i32
    %dma_start3A_56 = tpu.memref_slice %arg14[%add3A_54, %dma_start3A_55] : memref<10240x128xf32, #tpu.memory_space<vmem_shared>> -> memref<80x128xf32, #tpu.memory_space<vmem_shared>>
    %dma_start3A_57 = arith.constant 0 : i32
    %dma_start3A_58 = tpu.memref_slice %arg14[%add3A_54, %dma_start3A_57] : memref<10240x128xf32, #tpu.memory_space<vmem_shared>> -> memref<80x128xf32, #tpu.memory_space<vmem_shared>>
    tpu.enqueue_dma source(%arg10 : memref<80x128xf32, #tpu.memory_space<vmem>>) target(%dma_start3A_58 : memref<80x128xf32, #tpu.memory_space<vmem_shared>>) target_semaphore(%arg15 : memref<!tpu.dma_semaphore, #tpu.memory_space<semaphore_mem>>)
    %mul3A_59 = arith.constant 640 : i32
    %mul3A_60 = arith.muli %arg1, %mul3A_59 : i32
    %add3A_61 = arith.constant 560 : i32
    %add3A_62 = arith.addi %mul3A_60, %add3A_61 : i32
    %dma_start3A_63 = arith.constant 0 : i32
    %dma_start3A_64 = tpu.memref_slice %arg14[%add3A_62, %dma_start3A_63] : memref<10240x128xf32, #tpu.memory_space<vmem_shared>> -> memref<80x128xf32, #tpu.memory_space<vmem_shared>>
    %dma_start3A_65 = arith.constant 0 : i32
    %dma_start3A_66 = tpu.memref_slice %arg14[%add3A_62, %dma_start3A_65] : memref<10240x128xf32, #tpu.memory_space<vmem_shared>> -> memref<80x128xf32, #tpu.memory_space<vmem_shared>>
    tpu.enqueue_dma source(%arg10 : memref<80x128xf32, #tpu.memory_space<vmem>>) target(%dma_start3A_66 : memref<80x128xf32, #tpu.memory_space<vmem_shared>>) target_semaphore(%arg15 : memref<!tpu.dma_semaphore, #tpu.memory_space<semaphore_mem>>)
    %mul3A_67 = arith.constant 640 : i32
    %mul3A_68 = arith.muli %arg1, %mul3A_67 : i32
    %dma_wait3A = arith.constant 0 : i32
    %dma_wait3A_69 = tpu.memref_slice %arg14[%mul3A_68, %dma_wait3A] : memref<10240x128xf32, #tpu.memory_space<vmem_shared>> -> memref<80x128xf32, #tpu.memory_space<vmem_shared>>
    %dma_wait3A_70 = arith.constant 0 : i32
    %dma_wait3A_71 = tpu.memref_slice %arg14[%mul3A_68, %dma_wait3A_70] : memref<10240x128xf32, #tpu.memory_space<vmem_shared>> -> memref<80x128xf32, #tpu.memory_space<vmem_shared>>
    tpu.wait_dma2 semaphore(%arg15 : memref<!tpu.dma_semaphore, #tpu.memory_space<semaphore_mem>>) src(%arg10 : memref<80x128xf32, #tpu.memory_space<vmem>>) dst(%dma_wait3A_71 : memref<80x128xf32, #tpu.memory_space<vmem_shared>>)
    %mul3A_72 = arith.constant 640 : i32
    %mul3A_73 = arith.muli %arg1, %mul3A_72 : i32
    %dma_wait3A_74 = arith.constant 0 : i32
    %dma_wait3A_75 = tpu.memref_slice %arg14[%mul3A_73, %dma_wait3A_74] : memref<10240x128xf32, #tpu.memory_space<vmem_shared>> -> memref<80x128xf32, #tpu.memory_space<vmem_shared>>
    %dma_wait3A_76 = arith.constant 0 : i32
    %dma_wait3A_77 = tpu.memref_slice %arg14[%mul3A_73, %dma_wait3A_76] : memref<10240x128xf32, #tpu.memory_space<vmem_shared>> -> memref<80x128xf32, #tpu.memory_space<vmem_shared>>
    tpu.wait_dma2 semaphore(%arg15 : memref<!tpu.dma_semaphore, #tpu.memory_space<semaphore_mem>>) src(%arg10 : memref<80x128xf32, #tpu.memory_space<vmem>>) dst(%dma_wait3A_77 : memref<80x128xf32, #tpu.memory_space<vmem_shared>>)
    %mul3A_78 = arith.constant 640 : i32
    %mul3A_79 = arith.muli %arg1, %mul3A_78 : i32
    %dma_wait3A_80 = arith.constant 0 : i32
    %dma_wait3A_81 = tpu.memref_slice %arg14[%mul3A_79, %dma_wait3A_80] : memref<10240x128xf32, #tpu.memory_space<vmem_shared>> -> memref<80x128xf32, #tpu.memory_space<vmem_shared>>
    %dma_wait3A_82 = arith.constant 0 : i32
    %dma_wait3A_83 = tpu.memref_slice %arg14[%mul3A_79, %dma_wait3A_82] : memref<10240x128xf32, #tpu.memory_space<vmem_shared>> -> memref<80x128xf32, #tpu.memory_space<vmem_shared>>
    tpu.wait_dma2 semaphore(%arg15 : memref<!tpu.dma_semaphore, #tpu.memory_space<semaphore_mem>>) src(%arg10 : memref<80x128xf32, #tpu.memory_space<vmem>>) dst(%dma_wait3A_83 : memref<80x128xf32, #tpu.memory_space<vmem_shared>>)
    %mul3A_84 = arith.constant 640 : i32
    %mul3A_85 = arith.muli %arg1, %mul3A_84 : i32
    %dma_wait3A_86 = arith.constant 0 : i32
    %dma_wait3A_87 = tpu.memref_slice %arg14[%mul3A_85, %dma_wait3A_86] : memref<10240x128xf32, #tpu.memory_space<vmem_shared>> -> memref<80x128xf32, #tpu.memory_space<vmem_shared>>
    %dma_wait3A_88 = arith.constant 0 : i32
    %dma_wait3A_89 = tpu.memref_slice %arg14[%mul3A_85, %dma_wait3A_88] : memref<10240x128xf32, #tpu.memory_space<vmem_shared>> -> memref<80x128xf32, #tpu.memory_space<vmem_shared>>
    tpu.wait_dma2 semaphore(%arg15 : memref<!tpu.dma_semaphore, #tpu.memory_space<semaphore_mem>>) src(%arg10 : memref<80x128xf32, #tpu.memory_space<vmem>>) dst(%dma_wait3A_89 : memref<80x128xf32, #tpu.memory_space<vmem_shared>>)
    %mul3A_90 = arith.constant 640 : i32
    %mul3A_91 = arith.muli %arg1, %mul3A_90 : i32
    %dma_wait3A_92 = arith.constant 0 : i32
    %dma_wait3A_93 = tpu.memref_slice %arg14[%mul3A_91, %dma_wait3A_92] : memref<10240x128xf32, #tpu.memory_space<vmem_shared>> -> memref<80x128xf32, #tpu.memory_space<vmem_shared>>
    %dma_wait3A_94 = arith.constant 0 : i32
    %dma_wait3A_95 = tpu.memref_slice %arg14[%mul3A_91, %dma_wait3A_94] : memref<10240x128xf32, #tpu.memory_space<vmem_shared>> -> memref<80x128xf32, #tpu.memory_space<vmem_shared>>
    tpu.wait_dma2 semaphore(%arg15 : memref<!tpu.dma_semaphore, #tpu.memory_space<semaphore_mem>>) src(%arg10 : memref<80x128xf32, #tpu.memory_space<vmem>>) dst(%dma_wait3A_95 : memref<80x128xf32, #tpu.memory_space<vmem_shared>>)
    %mul3A_96 = arith.constant 640 : i32
    %mul3A_97 = arith.muli %arg1, %mul3A_96 : i32
    %dma_wait3A_98 = arith.constant 0 : i32
    %dma_wait3A_99 = tpu.memref_slice %arg14[%mul3A_97, %dma_wait3A_98] : memref<10240x128xf32, #tpu.memory_space<vmem_shared>> -> memref<80x128xf32, #tpu.memory_space<vmem_shared>>
    %dma_wait3A_100 = arith.constant 0 : i32
    %dma_wait3A_101 = tpu.memref_slice %arg14[%mul3A_97, %dma_wait3A_100] : memref<10240x128xf32, #tpu.memory_space<vmem_shared>> -> memref<80x128xf32, #tpu.memory_space<vmem_shared>>
    tpu.wait_dma2 semaphore(%arg15 : memref<!tpu.dma_semaphore, #tpu.memory_space<semaphore_mem>>) src(%arg10 : memref<80x128xf32, #tpu.memory_space<vmem>>) dst(%dma_wait3A_101 : memref<80x128xf32, #tpu.memory_space<vmem_shared>>)
    %mul3A_102 = arith.constant 640 : i32
    %mul3A_103 = arith.muli %arg1, %mul3A_102 : i32
    %dma_wait3A_104 = arith.constant 0 : i32
    %dma_wait3A_105 = tpu.memref_slice %arg14[%mul3A_103, %dma_wait3A_104] : memref<10240x128xf32, #tpu.memory_space<vmem_shared>> -> memref<80x128xf32, #tpu.memory_space<vmem_shared>>
    %dma_wait3A_106 = arith.constant 0 : i32
    %dma_wait3A_107 = tpu.memref_slice %arg14[%mul3A_103, %dma_wait3A_106] : memref<10240x128xf32, #tpu.memory_space<vmem_shared>> -> memref<80x128xf32, #tpu.memory_space<vmem_shared>>
    tpu.wait_dma2 semaphore(%arg15 : memref<!tpu.dma_semaphore, #tpu.memory_space<semaphore_mem>>) src(%arg10 : memref<80x128xf32, #tpu.memory_space<vmem>>) dst(%dma_wait3A_107 : memref<80x128xf32, #tpu.memory_space<vmem_shared>>)
    %mul3A_108 = arith.constant 640 : i32
    %mul3A_109 = arith.muli %arg1, %mul3A_108 : i32
    %dma_wait3A_110 = arith.constant 0 : i32
    %dma_wait3A_111 = tpu.memref_slice %arg14[%mul3A_109, %dma_wait3A_110] : memref<10240x128xf32, #tpu.memory_space<vmem_shared>> -> memref<80x128xf32, #tpu.memory_space<vmem_shared>>
    %dma_wait3A_112 = arith.constant 0 : i32
    %dma_wait3A_113 = tpu.memref_slice %arg14[%mul3A_109, %dma_wait3A_112] : memref<10240x128xf32, #tpu.memory_space<vmem_shared>> -> memref<80x128xf32, #tpu.memory_space<vmem_shared>>
    tpu.wait_dma2 semaphore(%arg15 : memref<!tpu.dma_semaphore, #tpu.memory_space<semaphore_mem>>) src(%arg10 : memref<80x128xf32, #tpu.memory_space<vmem>>) dst(%dma_wait3A_113 : memref<80x128xf32, #tpu.memory_space<vmem_shared>>)
    %barrier3A = arith.constant 0 : index
    tpu.barrier barrier_id(%barrier3A)
    %mul3A_114 = arith.constant 16 : i32
    %mul3A_115 = arith.muli %arg0, %mul3A_114 : i32
    %add3A_116 = arith.addi %mul3A_115, %arg1 : i32
    %mul3A_117 = arith.constant 10000 : i32
    %mul3A_118 = arith.muli %add3A_116, %mul3A_117 : i32
    %add3A_119 = arith.constant 0 : i32
    %add3A_120 = arith.addi %mul3A_118, %add3A_119 : i32
    "tpu.region"() ({
      %run_scoped3A = tpu.sem_alloc : memref<!tpu.dma_semaphore, #tpu.memory_space<semaphore_mem>>
      %dma_start3A_471 = tpu.memref_slice %arg4[%add3A_120] : memref<640000xi32, #tpu.memory_space<hbm>> -> memref<2000xi32, #tpu.memory_space<hbm>>
      %dma_start3A_472 = tpu.memref_slice %arg4[%add3A_120] : memref<640000xi32, #tpu.memory_space<hbm>> -> memref<2000xi32, #tpu.memory_space<hbm>>
      tpu.enqueue_dma source(%dma_start3A_472 : memref<2000xi32, #tpu.memory_space<hbm>>) target(%arg6 : memref<2000xi32, #tpu.memory_space<vmem>>) target_semaphore(%run_scoped3A : memref<!tpu.dma_semaphore, #tpu.memory_space<semaphore_mem>>)
      %dma_wait3A_473 = tpu.memref_slice %arg4[%add3A_120] : memref<640000xi32, #tpu.memory_space<hbm>> -> memref<2000xi32, #tpu.memory_space<hbm>>
      %dma_wait3A_474 = tpu.memref_slice %arg4[%add3A_120] : memref<640000xi32, #tpu.memory_space<hbm>> -> memref<2000xi32, #tpu.memory_space<hbm>>
      tpu.wait_dma2 semaphore(%run_scoped3A : memref<!tpu.dma_semaphore, #tpu.memory_space<semaphore_mem>>) src(%dma_wait3A_474 : memref<2000xi32, #tpu.memory_space<hbm>>) dst(%arg6 : memref<2000xi32, #tpu.memory_space<vmem>>)
      tpu.yield
    }) : () -> ()
    %add3A_121 = arith.constant 320000 : i32
    %add3A_122 = arith.addi %add3A_121, %add3A_120 : i32
    "tpu.region"() ({
      %run_scoped3A = tpu.sem_alloc : memref<!tpu.dma_semaphore, #tpu.memory_space<semaphore_mem>>
      %dma_start3A_471 = tpu.memref_slice %arg4[%add3A_122] : memref<640000xi32, #tpu.memory_space<hbm>> -> memref<2000xi32, #tpu.memory_space<hbm>>
      %dma_start3A_472 = tpu.memref_slice %arg4[%add3A_122] : memref<640000xi32, #tpu.memory_space<hbm>> -> memref<2000xi32, #tpu.memory_space<hbm>>
      tpu.enqueue_dma source(%dma_start3A_472 : memref<2000xi32, #tpu.memory_space<hbm>>) target(%arg7 : memref<2000xi32, #tpu.memory_space<vmem>>) target_semaphore(%run_scoped3A : memref<!tpu.dma_semaphore, #tpu.memory_space<semaphore_mem>>)
      %dma_wait3A_473 = tpu.memref_slice %arg4[%add3A_122] : memref<640000xi32, #tpu.memory_space<hbm>> -> memref<2000xi32, #tpu.memory_space<hbm>>
      %dma_wait3A_474 = tpu.memref_slice %arg4[%add3A_122] : memref<640000xi32, #tpu.memory_space<hbm>> -> memref<2000xi32, #tpu.memory_space<hbm>>
      tpu.wait_dma2 semaphore(%run_scoped3A : memref<!tpu.dma_semaphore, #tpu.memory_space<semaphore_mem>>) src(%dma_wait3A_474 : memref<2000xi32, #tpu.memory_space<hbm>>) dst(%arg7 : memref<2000xi32, #tpu.memory_space<vmem>>)
      tpu.yield
    }) : () -> ()
    %dma_start3A_123 = arith.constant 0 : i32
    %dma_start3A_124 = tpu.memref_slice %arg6[%dma_start3A_123] : memref<2000xi32, #tpu.memory_space<vmem>> -> memref<80xi32, #tpu.memory_space<vmem>>
    %dma_start3A_125 = arith.constant 0 : i32
    %dma_start3A_126 = arith.constant 0 : i32
    %dma_start3A_127 = tpu.memref_slice %arg2[%dma_start3A_125, %dma_start3A_126] : memref<10000x128xf32, #tpu.memory_space<hbm>> -> memref<10000x128xf32, #tpu.memory_space<hbm>>
    tpu.enqueue_indirect_dma source(%dma_start3A_127 : memref<10000x128xf32, #tpu.memory_space<hbm>>) target(%arg10 : memref<80x128xf32, #tpu.memory_space<vmem>>) offsets(%dma_start3A_124 : memref<80xi32, #tpu.memory_space<vmem>>) semaphore(%arg15 : memref<!tpu.dma_semaphore, #tpu.memory_space<semaphore_mem>>)
    %dma_start3A_128 = arith.constant 0 : i32
    %dma_start3A_129 = tpu.memref_slice %arg7[%dma_start3A_128] : memref<2000xi32, #tpu.memory_space<vmem>> -> memref<80xi32, #tpu.memory_space<vmem>>
    %dma_start3A_130 = arith.constant 0 : i32
    %dma_start3A_131 = arith.constant 0 : i32
    %dma_start3A_132 = tpu.memref_slice %arg3[%dma_start3A_130, %dma_start3A_131] : memref<10000x128xf32, #tpu.memory_space<hbm>> -> memref<10000x128xf32, #tpu.memory_space<hbm>>
    tpu.enqueue_indirect_dma source(%dma_start3A_132 : memref<10000x128xf32, #tpu.memory_space<hbm>>) target(%arg12 : memref<80x128xf32, #tpu.memory_space<vmem>>) offsets(%dma_start3A_129 : memref<80xi32, #tpu.memory_space<vmem>>) semaphore(%arg15 : memref<!tpu.dma_semaphore, #tpu.memory_space<semaphore_mem>>)
    %dma_start3A_133 = arith.constant 80 : i32
    %dma_start3A_134 = tpu.memref_slice %arg6[%dma_start3A_133] : memref<2000xi32, #tpu.memory_space<vmem>> -> memref<80xi32, #tpu.memory_space<vmem>>
    %dma_start3A_135 = arith.constant 0 : i32
    %dma_start3A_136 = arith.constant 0 : i32
    %dma_start3A_137 = tpu.memref_slice %arg2[%dma_start3A_135, %dma_start3A_136] : memref<10000x128xf32, #tpu.memory_space<hbm>> -> memref<10000x128xf32, #tpu.memory_space<hbm>>
    tpu.enqueue_indirect_dma source(%dma_start3A_137 : memref<10000x128xf32, #tpu.memory_space<hbm>>) target(%arg11 : memref<80x128xf32, #tpu.memory_space<vmem>>) offsets(%dma_start3A_134 : memref<80xi32, #tpu.memory_space<vmem>>) semaphore(%arg15 : memref<!tpu.dma_semaphore, #tpu.memory_space<semaphore_mem>>)
    %dma_start3A_138 = arith.constant 80 : i32
    %dma_start3A_139 = tpu.memref_slice %arg7[%dma_start3A_138] : memref<2000xi32, #tpu.memory_space<vmem>> -> memref<80xi32, #tpu.memory_space<vmem>>
    %dma_start3A_140 = arith.constant 0 : i32
    %dma_start3A_141 = arith.constant 0 : i32
    %dma_start3A_142 = tpu.memref_slice %arg3[%dma_start3A_140, %dma_start3A_141] : memref<10000x128xf32, #tpu.memory_space<hbm>> -> memref<10000x128xf32, #tpu.memory_space<hbm>>
    tpu.enqueue_indirect_dma source(%dma_start3A_142 : memref<10000x128xf32, #tpu.memory_space<hbm>>) target(%arg13 : memref<80x128xf32, #tpu.memory_space<vmem>>) offsets(%dma_start3A_139 : memref<80xi32, #tpu.memory_space<vmem>>) semaphore(%arg15 : memref<!tpu.dma_semaphore, #tpu.memory_space<semaphore_mem>>)
    %dma_wait3A_143 = arith.constant 0 : i32
    %dma_wait3A_144 = tpu.memref_slice %arg6[%dma_wait3A_143] : memref<2000xi32, #tpu.memory_space<vmem>> -> memref<80xi32, #tpu.memory_space<vmem>>
    %dma_wait3A_145 = arith.constant 0 : i32
    %dma_wait3A_146 = arith.constant 0 : i32
    %dma_wait3A_147 = tpu.memref_slice %arg2[%dma_wait3A_145, %dma_wait3A_146] : memref<10000x128xf32, #tpu.memory_space<hbm>> -> memref<10000x128xf32, #tpu.memory_space<hbm>>
    tpu.wait_indirect_dma semaphore(%arg15 : memref<!tpu.dma_semaphore, #tpu.memory_space<semaphore_mem>>) src(%dma_wait3A_147 : memref<10000x128xf32, #tpu.memory_space<hbm>>) dst(%arg10 : memref<80x128xf32, #tpu.memory_space<vmem>>)
    %dma_wait3A_148 = arith.constant 0 : i32
    %dma_wait3A_149 = tpu.memref_slice %arg7[%dma_wait3A_148] : memref<2000xi32, #tpu.memory_space<vmem>> -> memref<80xi32, #tpu.memory_space<vmem>>
    %dma_wait3A_150 = arith.constant 0 : i32
    %dma_wait3A_151 = arith.constant 0 : i32
    %dma_wait3A_152 = tpu.memref_slice %arg3[%dma_wait3A_150, %dma_wait3A_151] : memref<10000x128xf32, #tpu.memory_space<hbm>> -> memref<10000x128xf32, #tpu.memory_space<hbm>>
    tpu.wait_indirect_dma semaphore(%arg15 : memref<!tpu.dma_semaphore, #tpu.memory_space<semaphore_mem>>) src(%dma_wait3A_152 : memref<10000x128xf32, #tpu.memory_space<hbm>>) dst(%arg12 : memref<80x128xf32, #tpu.memory_space<vmem>>)
    %get3A = arith.constant 0 : index
    %get3A_153 = tpu.vector_load %arg7[%get3A] {strides = array<i32>} : memref<2000xi32, #tpu.memory_space<vmem>>, vector<16xi32>,
    %get3A_154 = vector.shape_cast %get3A_153 : vector<16xi32> to vector<16xi32>
    %swap3A = arith.constant 0 : index
    %swap3A_155 = tpu.vector_load %arg8[%swap3A] {strides = array<i32>} : memref<80xi32, #tpu.memory_space<vmem>>, vector<16xi32>,
    %swap3A_156 = vector.shape_cast %swap3A_155 : vector<16xi32> to vector<16xi32>
    %swap3A_157 = vector.shape_cast %get3A_154 : vector<16xi32> to vector<16xi32>
    tpu.vector_store %arg8[%swap3A], %swap3A_157 {strides = array<i32>} : memref<80xi32, #tpu.memory_space<vmem>>, vector<16xi32>,
    %get3A_158 = arith.constant 16 : index
    %get3A_159 = tpu.vector_load %arg7[%get3A_158] {strides = array<i32>} : memref<2000xi32, #tpu.memory_space<vmem>>, vector<16xi32>,
    %get3A_160 = vector.shape_cast %get3A_159 : vector<16xi32> to vector<16xi32>
    %swap3A_161 = arith.constant 16 : index
    %swap3A_162 = tpu.vector_load %arg8[%swap3A_161] {strides = array<i32>} : memref<80xi32, #tpu.memory_space<vmem>>, vector<16xi32>,
    %swap3A_163 = vector.shape_cast %swap3A_162 : vector<16xi32> to vector<16xi32>
    %swap3A_164 = vector.shape_cast %get3A_160 : vector<16xi32> to vector<16xi32>
    tpu.vector_store %arg8[%swap3A_161], %swap3A_164 {strides = array<i32>} : memref<80xi32, #tpu.memory_space<vmem>>, vector<16xi32>,
    %get3A_165 = arith.constant 32 : index
    %get3A_166 = tpu.vector_load %arg7[%get3A_165] {strides = array<i32>} : memref<2000xi32, #tpu.memory_space<vmem>>, vector<16xi32>,
    %get3A_167 = vector.shape_cast %get3A_166 : vector<16xi32> to vector<16xi32>
    %swap3A_168 = arith.constant 32 : index
    %swap3A_169 = tpu.vector_load %arg8[%swap3A_168] {strides = array<i32>} : memref<80xi32, #tpu.memory_space<vmem>>, vector<16xi32>,
    %swap3A_170 = vector.shape_cast %swap3A_169 : vector<16xi32> to vector<16xi32>
    %swap3A_171 = vector.shape_cast %get3A_167 : vector<16xi32> to vector<16xi32>
    tpu.vector_store %arg8[%swap3A_168], %swap3A_171 {strides = array<i32>} : memref<80xi32, #tpu.memory_space<vmem>>, vector<16xi32>,
    %get3A_172 = arith.constant 48 : index
    %get3A_173 = tpu.vector_load %arg7[%get3A_172] {strides = array<i32>} : memref<2000xi32, #tpu.memory_space<vmem>>, vector<16xi32>,
    %get3A_174 = vector.shape_cast %get3A_173 : vector<16xi32> to vector<16xi32>
    %swap3A_175 = arith.constant 48 : index
    %swap3A_176 = tpu.vector_load %arg8[%swap3A_175] {strides = array<i32>} : memref<80xi32, #tpu.memory_space<vmem>>, vector<16xi32>,
    %swap3A_177 = vector.shape_cast %swap3A_176 : vector<16xi32> to vector<16xi32>
    %swap3A_178 = vector.shape_cast %get3A_174 : vector<16xi32> to vector<16xi32>
    tpu.vector_store %arg8[%swap3A_175], %swap3A_178 {strides = array<i32>} : memref<80xi32, #tpu.memory_space<vmem>>, vector<16xi32>,
    %get3A_179 = arith.constant 64 : index
    %get3A_180 = tpu.vector_load %arg7[%get3A_179] {strides = array<i32>} : memref<2000xi32, #tpu.memory_space<vmem>>, vector<16xi32>,
    %get3A_181 = vector.shape_cast %get3A_180 : vector<16xi32> to vector<16xi32>
    %swap3A_182 = arith.constant 64 : index
    %swap3A_183 = tpu.vector_load %arg8[%swap3A_182] {strides = array<i32>} : memref<80xi32, #tpu.memory_space<vmem>>, vector<16xi32>,
    %swap3A_184 = vector.shape_cast %swap3A_183 : vector<16xi32> to vector<16xi32>
    %swap3A_185 = vector.shape_cast %get3A_181 : vector<16xi32> to vector<16xi32>
    tpu.vector_store %arg8[%swap3A_182], %swap3A_185 {strides = array<i32>} : memref<80xi32, #tpu.memory_space<vmem>>, vector<16xi32>,
    %parallel_loop3A = arith.constant 0 : i32
    %parallel_loop3A_186 = arith.constant 80 : i32
    %parallel_loop3A_187 = arith.constant 1 : i32
    scf.for %parallel_loop3A_471 = %parallel_loop3A to %parallel_loop3A_186 step %parallel_loop3A_187  : i32 {
      %parallel_loop3A_472 = arith.index_cast %parallel_loop3A_471 : i32 to index
      %parallel_loop3A_473 = arith.constant 0 : index
      %parallel_loop3A_474 = tpu.vector_load %arg10[%parallel_loop3A_472, %parallel_loop3A_473] {strides = array<i32>} : memref<80x128xf32, #tpu.memory_space<vmem>>, vector<1x16xf32>,
      %parallel_loop3A_475 = vector.shape_cast %parallel_loop3A_474 : vector<1x16xf32> to vector<16xf32>
      %parallel_loop3A_476 = arith.index_cast %parallel_loop3A_471 : i32 to index
      %parallel_loop3A_477 = arith.constant 0 : index
      %parallel_loop3A_478 = tpu.vector_load %arg12[%parallel_loop3A_476, %parallel_loop3A_477] {strides = array<i32>} : memref<80x128xf32, #tpu.memory_space<vmem>>, vector<1x16xf32>,
      %parallel_loop3A_479 = vector.shape_cast %parallel_loop3A_478 : vector<1x16xf32> to vector<16xf32>
      %parallel_loop3A_480 = arith.addf %parallel_loop3A_475, %parallel_loop3A_479 : vector<16xf32>
      %parallel_loop3A_481 = arith.constant 0.000000e+00 : f32
      %parallel_loop3A_482 = vector.broadcast %parallel_loop3A_481 : f32 to vector<16xf32>
      %parallel_loop3A_483 = arith.maximumf %parallel_loop3A_480, %parallel_loop3A_482 : vector<16xf32>
      %parallel_loop3A_484 = arith.index_cast %parallel_loop3A_471 : i32 to index
      %parallel_loop3A_485 = arith.constant 0 : index
      %parallel_loop3A_486 = tpu.vector_load %arg10[%parallel_loop3A_484, %parallel_loop3A_485] {strides = array<i32>} : memref<80x128xf32, #tpu.memory_space<vmem>>, vector<1x16xf32>,
      %parallel_loop3A_487 = vector.shape_cast %parallel_loop3A_486 : vector<1x16xf32> to vector<16xf32>
      %parallel_loop3A_488 = vector.shape_cast %parallel_loop3A_483 : vector<16xf32> to vector<1x16xf32>
      tpu.vector_store %arg10[%parallel_loop3A_484, %parallel_loop3A_485], %parallel_loop3A_488 {strides = array<i32>} : memref<80x128xf32, #tpu.memory_space<vmem>>, vector<1x16xf32>,
      %parallel_loop3A_489 = arith.index_cast %parallel_loop3A_471 : i32 to index
      %parallel_loop3A_490 = arith.constant 16 : index
      %parallel_loop3A_491 = tpu.vector_load %arg10[%parallel_loop3A_489, %parallel_loop3A_490] {strides = array<i32>} : memref<80x128xf32, #tpu.memory_space<vmem>>, vector<1x16xf32>,
      %parallel_loop3A_492 = vector.shape_cast %parallel_loop3A_491 : vector<1x16xf32> to vector<16xf32>
      %parallel_loop3A_493 = arith.index_cast %parallel_loop3A_471 : i32 to index
      %parallel_loop3A_494 = arith.constant 16 : index
      %parallel_loop3A_495 = tpu.vector_load %arg12[%parallel_loop3A_493, %parallel_loop3A_494] {strides = array<i32>} : memref<80x128xf32, #tpu.memory_space<vmem>>, vector<1x16xf32>,
      %parallel_loop3A_496 = vector.shape_cast %parallel_loop3A_495 : vector<1x16xf32> to vector<16xf32>
      %parallel_loop3A_497 = arith.addf %parallel_loop3A_492, %parallel_loop3A_496 : vector<16xf32>
      %parallel_loop3A_498 = arith.constant 0.000000e+00 : f32
      %parallel_loop3A_499 = vector.broadcast %parallel_loop3A_498 : f32 to vector<16xf32>
      %parallel_loop3A_500 = arith.maximumf %parallel_loop3A_497, %parallel_loop3A_499 : vector<16xf32>
      %parallel_loop3A_501 = arith.index_cast %parallel_loop3A_471 : i32 to index
      %parallel_loop3A_502 = arith.constant 16 : index
      %parallel_loop3A_503 = tpu.vector_load %arg10[%parallel_loop3A_501, %parallel_loop3A_502] {strides = array<i32>} : memref<80x128xf32, #tpu.memory_space<vmem>>, vector<1x16xf32>,
      %parallel_loop3A_504 = vector.shape_cast %parallel_loop3A_503 : vector<1x16xf32> to vector<16xf32>
      %parallel_loop3A_505 = vector.shape_cast %parallel_loop3A_500 : vector<16xf32> to vector<1x16xf32>
      tpu.vector_store %arg10[%parallel_loop3A_501, %parallel_loop3A_502], %parallel_loop3A_505 {strides = array<i32>} : memref<80x128xf32, #tpu.memory_space<vmem>>, vector<1x16xf32>,
      %parallel_loop3A_506 = arith.index_cast %parallel_loop3A_471 : i32 to index
      %parallel_loop3A_507 = arith.constant 32 : index
      %parallel_loop3A_508 = tpu.vector_load %arg10[%parallel_loop3A_506, %parallel_loop3A_507] {strides = array<i32>} : memref<80x128xf32, #tpu.memory_space<vmem>>, vector<1x16xf32>,
      %parallel_loop3A_509 = vector.shape_cast %parallel_loop3A_508 : vector<1x16xf32> to vector<16xf32>
      %parallel_loop3A_510 = arith.index_cast %parallel_loop3A_471 : i32 to index
      %parallel_loop3A_511 = arith.constant 32 : index
      %parallel_loop3A_512 = tpu.vector_load %arg12[%parallel_loop3A_510, %parallel_loop3A_511] {strides = array<i32>} : memref<80x128xf32, #tpu.memory_space<vmem>>, vector<1x16xf32>,
      %parallel_loop3A_513 = vector.shape_cast %parallel_loop3A_512 : vector<1x16xf32> to vector<16xf32>
      %parallel_loop3A_514 = arith.addf %parallel_loop3A_509, %parallel_loop3A_513 : vector<16xf32>
      %parallel_loop3A_515 = arith.constant 0.000000e+00 : f32
      %parallel_loop3A_516 = vector.broadcast %parallel_loop3A_515 : f32 to vector<16xf32>
      %parallel_loop3A_517 = arith.maximumf %parallel_loop3A_514, %parallel_loop3A_516 : vector<16xf32>
      %parallel_loop3A_518 = arith.index_cast %parallel_loop3A_471 : i32 to index
      %parallel_loop3A_519 = arith.constant 32 : index
      %parallel_loop3A_520 = tpu.vector_load %arg10[%parallel_loop3A_518, %parallel_loop3A_519] {strides = array<i32>} : memref<80x128xf32, #tpu.memory_space<vmem>>, vector<1x16xf32>,
      %parallel_loop3A_521 = vector.shape_cast %parallel_loop3A_520 : vector<1x16xf32> to vector<16xf32>
      %parallel_loop3A_522 = vector.shape_cast %parallel_loop3A_517 : vector<16xf32> to vector<1x16xf32>
      tpu.vector_store %arg10[%parallel_loop3A_518, %parallel_loop3A_519], %parallel_loop3A_522 {strides = array<i32>} : memref<80x128xf32, #tpu.memory_space<vmem>>, vector<1x16xf32>,
      %parallel_loop3A_523 = arith.index_cast %parallel_loop3A_471 : i32 to index
      %parallel_loop3A_524 = arith.constant 48 : index
      %parallel_loop3A_525 = tpu.vector_load %arg10[%parallel_loop3A_523, %parallel_loop3A_524] {strides = array<i32>} : memref<80x128xf32, #tpu.memory_space<vmem>>, vector<1x16xf32>,
      %parallel_loop3A_526 = vector.shape_cast %parallel_loop3A_525 : vector<1x16xf32> to vector<16xf32>
      %parallel_loop3A_527 = arith.index_cast %parallel_loop3A_471 : i32 to index
      %parallel_loop3A_528 = arith.constant 48 : index
      %parallel_loop3A_529 = tpu.vector_load %arg12[%parallel_loop3A_527, %parallel_loop3A_528] {strides = array<i32>} : memref<80x128xf32, #tpu.memory_space<vmem>>, vector<1x16xf32>,
      %parallel_loop3A_530 = vector.shape_cast %parallel_loop3A_529 : vector<1x16xf32> to vector<16xf32>
      %parallel_loop3A_531 = arith.addf %parallel_loop3A_526, %parallel_loop3A_530 : vector<16xf32>
      %parallel_loop3A_532 = arith.constant 0.000000e+00 : f32
      %parallel_loop3A_533 = vector.broadcast %parallel_loop3A_532 : f32 to vector<16xf32>
      %parallel_loop3A_534 = arith.maximumf %parallel_loop3A_531, %parallel_loop3A_533 : vector<16xf32>
      %parallel_loop3A_535 = arith.index_cast %parallel_loop3A_471 : i32 to index
      %parallel_loop3A_536 = arith.constant 48 : index
      %parallel_loop3A_537 = tpu.vector_load %arg10[%parallel_loop3A_535, %parallel_loop3A_536] {strides = array<i32>} : memref<80x128xf32, #tpu.memory_space<vmem>>, vector<1x16xf32>,
      %parallel_loop3A_538 = vector.shape_cast %parallel_loop3A_537 : vector<1x16xf32> to vector<16xf32>
      %parallel_loop3A_539 = vector.shape_cast %parallel_loop3A_534 : vector<16xf32> to vector<1x16xf32>
      tpu.vector_store %arg10[%parallel_loop3A_535, %parallel_loop3A_536], %parallel_loop3A_539 {strides = array<i32>} : memref<80x128xf32, #tpu.memory_space<vmem>>, vector<1x16xf32>,
      %parallel_loop3A_540 = arith.index_cast %parallel_loop3A_471 : i32 to index
      %parallel_loop3A_541 = arith.constant 64 : index
      %parallel_loop3A_542 = tpu.vector_load %arg10[%parallel_loop3A_540, %parallel_loop3A_541] {strides = array<i32>} : memref<80x128xf32, #tpu.memory_space<vmem>>, vector<1x16xf32>,
      %parallel_loop3A_543 = vector.shape_cast %parallel_loop3A_542 : vector<1x16xf32> to vector<16xf32>
      %parallel_loop3A_544 = arith.index_cast %parallel_loop3A_471 : i32 to index
      %parallel_loop3A_545 = arith.constant 64 : index
      %parallel_loop3A_546 = tpu.vector_load %arg12[%parallel_loop3A_544, %parallel_loop3A_545] {strides = array<i32>} : memref<80x128xf32, #tpu.memory_space<vmem>>, vector<1x16xf32>,
      %parallel_loop3A_547 = vector.shape_cast %parallel_loop3A_546 : vector<1x16xf32> to vector<16xf32>
      %parallel_loop3A_548 = arith.addf %parallel_loop3A_543, %parallel_loop3A_547 : vector<16xf32>
      %parallel_loop3A_549 = arith.constant 0.000000e+00 : f32
      %parallel_loop3A_550 = vector.broadcast %parallel_loop3A_549 : f32 to vector<16xf32>
      %parallel_loop3A_551 = arith.maximumf %parallel_loop3A_548, %parallel_loop3A_550 : vector<16xf32>
      %parallel_loop3A_552 = arith.index_cast %parallel_loop3A_471 : i32 to index
      %parallel_loop3A_553 = arith.constant 64 : index
      %parallel_loop3A_554 = tpu.vector_load %arg10[%parallel_loop3A_552, %parallel_loop3A_553] {strides = array<i32>} : memref<80x128xf32, #tpu.memory_space<vmem>>, vector<1x16xf32>,
      %parallel_loop3A_555 = vector.shape_cast %parallel_loop3A_554 : vector<1x16xf32> to vector<16xf32>
      %parallel_loop3A_556 = vector.shape_cast %parallel_loop3A_551 : vector<16xf32> to vector<1x16xf32>
      tpu.vector_store %arg10[%parallel_loop3A_552, %parallel_loop3A_553], %parallel_loop3A_556 {strides = array<i32>} : memref<80x128xf32, #tpu.memory_space<vmem>>, vector<1x16xf32>,
      %parallel_loop3A_557 = arith.index_cast %parallel_loop3A_471 : i32 to index
      %parallel_loop3A_558 = arith.constant 80 : index
      %parallel_loop3A_559 = tpu.vector_load %arg10[%parallel_loop3A_557, %parallel_loop3A_558] {strides = array<i32>} : memref<80x128xf32, #tpu.memory_space<vmem>>, vector<1x16xf32>,
      %parallel_loop3A_560 = vector.shape_cast %parallel_loop3A_559 : vector<1x16xf32> to vector<16xf32>
      %parallel_loop3A_561 = arith.index_cast %parallel_loop3A_471 : i32 to index
      %parallel_loop3A_562 = arith.constant 80 : index
      %parallel_loop3A_563 = tpu.vector_load %arg12[%parallel_loop3A_561, %parallel_loop3A_562] {strides = array<i32>} : memref<80x128xf32, #tpu.memory_space<vmem>>, vector<1x16xf32>,
      %parallel_loop3A_564 = vector.shape_cast %parallel_loop3A_563 : vector<1x16xf32> to vector<16xf32>
      %parallel_loop3A_565 = arith.addf %parallel_loop3A_560, %parallel_loop3A_564 : vector<16xf32>
      %parallel_loop3A_566 = arith.constant 0.000000e+00 : f32
      %parallel_loop3A_567 = vector.broadcast %parallel_loop3A_566 : f32 to vector<16xf32>
      %parallel_loop3A_568 = arith.maximumf %parallel_loop3A_565, %parallel_loop3A_567 : vector<16xf32>
      %parallel_loop3A_569 = arith.index_cast %parallel_loop3A_471 : i32 to index
      %parallel_loop3A_570 = arith.constant 80 : index
      %parallel_loop3A_571 = tpu.vector_load %arg10[%parallel_loop3A_569, %parallel_loop3A_570] {strides = array<i32>} : memref<80x128xf32, #tpu.memory_space<vmem>>, vector<1x16xf32>,
      %parallel_loop3A_572 = vector.shape_cast %parallel_loop3A_571 : vector<1x16xf32> to vector<16xf32>
      %parallel_loop3A_573 = vector.shape_cast %parallel_loop3A_568 : vector<16xf32> to vector<1x16xf32>
      tpu.vector_store %arg10[%parallel_loop3A_569, %parallel_loop3A_570], %parallel_loop3A_573 {strides = array<i32>} : memref<80x128xf32, #tpu.memory_space<vmem>>, vector<1x16xf32>,
      %parallel_loop3A_574 = arith.index_cast %parallel_loop3A_471 : i32 to index
      %parallel_loop3A_575 = arith.constant 96 : index
      %parallel_loop3A_576 = tpu.vector_load %arg10[%parallel_loop3A_574, %parallel_loop3A_575] {strides = array<i32>} : memref<80x128xf32, #tpu.memory_space<vmem>>, vector<1x16xf32>,
      %parallel_loop3A_577 = vector.shape_cast %parallel_loop3A_576 : vector<1x16xf32> to vector<16xf32>
      %parallel_loop3A_578 = arith.index_cast %parallel_loop3A_471 : i32 to index
      %parallel_loop3A_579 = arith.constant 96 : index
      %parallel_loop3A_580 = tpu.vector_load %arg12[%parallel_loop3A_578, %parallel_loop3A_579] {strides = array<i32>} : memref<80x128xf32, #tpu.memory_space<vmem>>, vector<1x16xf32>,
      %parallel_loop3A_581 = vector.shape_cast %parallel_loop3A_580 : vector<1x16xf32> to vector<16xf32>
      %parallel_loop3A_582 = arith.addf %parallel_loop3A_577, %parallel_loop3A_581 : vector<16xf32>
      %parallel_loop3A_583 = arith.constant 0.000000e+00 : f32
      %parallel_loop3A_584 = vector.broadcast %parallel_loop3A_583 : f32 to vector<16xf32>
      %parallel_loop3A_585 = arith.maximumf %parallel_loop3A_582, %parallel_loop3A_584 : vector<16xf32>
      %parallel_loop3A_586 = arith.index_cast %parallel_loop3A_471 : i32 to index
      %parallel_loop3A_587 = arith.constant 96 : index
      %parallel_loop3A_588 = tpu.vector_load %arg10[%parallel_loop3A_586, %parallel_loop3A_587] {strides = array<i32>} : memref<80x128xf32, #tpu.memory_space<vmem>>, vector<1x16xf32>,
      %parallel_loop3A_589 = vector.shape_cast %parallel_loop3A_588 : vector<1x16xf32> to vector<16xf32>
      %parallel_loop3A_590 = vector.shape_cast %parallel_loop3A_585 : vector<16xf32> to vector<1x16xf32>
      tpu.vector_store %arg10[%parallel_loop3A_586, %parallel_loop3A_587], %parallel_loop3A_590 {strides = array<i32>} : memref<80x128xf32, #tpu.memory_space<vmem>>, vector<1x16xf32>,
      %parallel_loop3A_591 = arith.index_cast %parallel_loop3A_471 : i32 to index
      %parallel_loop3A_592 = arith.constant 112 : index
      %parallel_loop3A_593 = tpu.vector_load %arg10[%parallel_loop3A_591, %parallel_loop3A_592] {strides = array<i32>} : memref<80x128xf32, #tpu.memory_space<vmem>>, vector<1x16xf32>,
      %parallel_loop3A_594 = vector.shape_cast %parallel_loop3A_593 : vector<1x16xf32> to vector<16xf32>
      %parallel_loop3A_595 = arith.index_cast %parallel_loop3A_471 : i32 to index
      %parallel_loop3A_596 = arith.constant 112 : index
      %parallel_loop3A_597 = tpu.vector_load %arg12[%parallel_loop3A_595, %parallel_loop3A_596] {strides = array<i32>} : memref<80x128xf32, #tpu.memory_space<vmem>>, vector<1x16xf32>,
      %parallel_loop3A_598 = vector.shape_cast %parallel_loop3A_597 : vector<1x16xf32> to vector<16xf32>
      %parallel_loop3A_599 = arith.addf %parallel_loop3A_594, %parallel_loop3A_598 : vector<16xf32>
      %parallel_loop3A_600 = arith.constant 0.000000e+00 : f32
      %parallel_loop3A_601 = vector.broadcast %parallel_loop3A_600 : f32 to vector<16xf32>
      %parallel_loop3A_602 = arith.maximumf %parallel_loop3A_599, %parallel_loop3A_601 : vector<16xf32>
      %parallel_loop3A_603 = arith.index_cast %parallel_loop3A_471 : i32 to index
      %parallel_loop3A_604 = arith.constant 112 : index
      %parallel_loop3A_605 = tpu.vector_load %arg10[%parallel_loop3A_603, %parallel_loop3A_604] {strides = array<i32>} : memref<80x128xf32, #tpu.memory_space<vmem>>, vector<1x16xf32>,
      %parallel_loop3A_606 = vector.shape_cast %parallel_loop3A_605 : vector<1x16xf32> to vector<16xf32>
      %parallel_loop3A_607 = vector.shape_cast %parallel_loop3A_602 : vector<16xf32> to vector<1x16xf32>
      tpu.vector_store %arg10[%parallel_loop3A_603, %parallel_loop3A_604], %parallel_loop3A_607 {strides = array<i32>} : memref<80x128xf32, #tpu.memory_space<vmem>>, vector<1x16xf32>,
    } {sc.loop_unroll_factor = 2 : i64, sc.parallel_access}
    %dma_start3A_188 = arith.constant 0 : i32
    %dma_start3A_189 = arith.constant 0 : i32
    %dma_start3A_190 = tpu.memref_slice %arg14[%dma_start3A_188, %dma_start3A_189] : memref<10240x128xf32, #tpu.memory_space<vmem_shared>> -> memref<10240x128xf32, #tpu.memory_space<vmem_shared>>
    tpu.enqueue_indirect_dma source(%arg10 : memref<80x128xf32, #tpu.memory_space<vmem>>) target(%dma_start3A_190 : memref<10240x128xf32, #tpu.memory_space<vmem_shared>>) offsets(%arg8 : memref<80xi32, #tpu.memory_space<vmem>>) semaphore(%arg16 : memref<!tpu.dma_semaphore, #tpu.memory_space<semaphore_mem>>) {add = true}
    %scan3A_191 = arith.constant 0 : i32
    %scan3A_192 = arith.constant 0 : i32
    %scan3A_193 = arith.constant 11 : i32
    %scan3A_194 = arith.addi %scan3A_192, %scan3A_193 : i32
    %scan3A_195 = arith.constant 1 : i32
    %scan3A_196 = scf.for %scan3A_471 = %scan3A_192 to %scan3A_194 step %scan3A_195 iter_args(%scan3A_472 = %scan3A_191) -> (i32)  : i32 {
      %mul3A_473 = arith.constant 2 : i32
      %mul3A_474 = arith.muli %mul3A_473, %scan3A_471 : i32
      %add3A_475 = arith.constant 1 : i32
      %add3A_476 = arith.addi %mul3A_474, %add3A_475 : i32
      %dma_wait3A_477 = arith.constant 0 : i32
      %dma_wait3A_478 = arith.constant 0 : i32
      %dma_wait3A_479 = tpu.memref_slice %arg14[%dma_wait3A_477, %dma_wait3A_478] : memref<10240x128xf32, #tpu.memory_space<vmem_shared>> -> memref<10240x128xf32, #tpu.memory_space<vmem_shared>>
      tpu.wait_indirect_dma semaphore(%arg16 : memref<!tpu.dma_semaphore, #tpu.memory_space<semaphore_mem>>) src(%arg10 : memref<80x128xf32, #tpu.memory_space<vmem>>) dst(%dma_wait3A_479 : memref<10240x128xf32, #tpu.memory_space<vmem_shared>>)
      %add3A_480 = arith.constant 1 : i32
      %add3A_481 = arith.addi %add3A_476, %add3A_480 : i32
      %mul3A_482 = arith.constant 80 : i32
      %mul3A_483 = arith.muli %add3A_481, %mul3A_482 : i32
      %dma_start3A_484 = tpu.memref_slice %arg6[%mul3A_483] : memref<2000xi32, #tpu.memory_space<vmem>> -> memref<80xi32, #tpu.memory_space<vmem>>
      %dma_start3A_485 = arith.constant 0 : i32
      %dma_start3A_486 = arith.constant 0 : i32
      %dma_start3A_487 = tpu.memref_slice %arg2[%dma_start3A_485, %dma_start3A_486] : memref<10000x128xf32, #tpu.memory_space<hbm>> -> memref<10000x128xf32, #tpu.memory_space<hbm>>
      tpu.enqueue_indirect_dma source(%dma_start3A_487 : memref<10000x128xf32, #tpu.memory_space<hbm>>) target(%arg10 : memref<80x128xf32, #tpu.memory_space<vmem>>) offsets(%dma_start3A_484 : memref<80xi32, #tpu.memory_space<vmem>>) semaphore(%arg15 : memref<!tpu.dma_semaphore, #tpu.memory_space<semaphore_mem>>)
      %mul3A_488 = arith.constant 80 : i32
      %mul3A_489 = arith.muli %add3A_481, %mul3A_488 : i32
      %dma_start3A_490 = tpu.memref_slice %arg7[%mul3A_489] : memref<2000xi32, #tpu.memory_space<vmem>> -> memref<80xi32, #tpu.memory_space<vmem>>
      %dma_start3A_491 = arith.constant 0 : i32
      %dma_start3A_492 = arith.constant 0 : i32
      %dma_start3A_493 = tpu.memref_slice %arg3[%dma_start3A_491, %dma_start3A_492] : memref<10000x128xf32, #tpu.memory_space<hbm>> -> memref<10000x128xf32, #tpu.memory_space<hbm>>
      tpu.enqueue_indirect_dma source(%dma_start3A_493 : memref<10000x128xf32, #tpu.memory_space<hbm>>) target(%arg12 : memref<80x128xf32, #tpu.memory_space<vmem>>) offsets(%dma_start3A_490 : memref<80xi32, #tpu.memory_space<vmem>>) semaphore(%arg15 : memref<!tpu.dma_semaphore, #tpu.memory_space<semaphore_mem>>)
      %dma_wait3A_494 = arith.constant 0 : i32
      %dma_wait3A_495 = tpu.memref_slice %arg6[%dma_wait3A_494] : memref<2000xi32, #tpu.memory_space<vmem>> -> memref<80xi32, #tpu.memory_space<vmem>>
      %dma_wait3A_496 = arith.constant 0 : i32
      %dma_wait3A_497 = arith.constant 0 : i32
      %dma_wait3A_498 = tpu.memref_slice %arg2[%dma_wait3A_496, %dma_wait3A_497] : memref<10000x128xf32, #tpu.memory_space<hbm>> -> memref<10000x128xf32, #tpu.memory_space<hbm>>
      tpu.wait_indirect_dma semaphore(%arg15 : memref<!tpu.dma_semaphore, #tpu.memory_space<semaphore_mem>>) src(%dma_wait3A_498 : memref<10000x128xf32, #tpu.memory_space<hbm>>) dst(%arg11 : memref<80x128xf32, #tpu.memory_space<vmem>>)
      %dma_wait3A_499 = arith.constant 0 : i32
      %dma_wait3A_500 = tpu.memref_slice %arg7[%dma_wait3A_499] : memref<2000xi32, #tpu.memory_space<vmem>> -> memref<80xi32, #tpu.memory_space<vmem>>
      %dma_wait3A_501 = arith.constant 0 : i32
      %dma_wait3A_502 = arith.constant 0 : i32
      %dma_wait3A_503 = tpu.memref_slice %arg3[%dma_wait3A_501, %dma_wait3A_502] : memref<10000x128xf32, #tpu.memory_space<hbm>> -> memref<10000x128xf32, #tpu.memory_space<hbm>>
      tpu.wait_indirect_dma semaphore(%arg15 : memref<!tpu.dma_semaphore, #tpu.memory_space<semaphore_mem>>) src(%dma_wait3A_503 : memref<10000x128xf32, #tpu.memory_space<hbm>>) dst(%arg13 : memref<80x128xf32, #tpu.memory_space<vmem>>)
      %mul3A_504 = arith.constant 80 : i32
      %mul3A_505 = arith.muli %add3A_476, %mul3A_504 : i32
      %add3A_506 = arith.constant 0 : i32
      %add3A_507 = arith.addi %mul3A_505, %add3A_506 : i32
      %get3A_508 = arith.index_cast %add3A_507 : i32 to index
      %get3A_509 = tpu.vector_load %arg7[%get3A_508] {strides = array<i32>} : memref<2000xi32, #tpu.memory_space<vmem>>, vector<16xi32>,
      %get3A_510 = vector.shape_cast %get3A_509 : vector<16xi32> to vector<16xi32>
      %swap3A_511 = arith.constant 0 : index
      %swap3A_512 = tpu.vector_load %arg9[%swap3A_511] {strides = array<i32>} : memref<80xi32, #tpu.memory_space<vmem>>, vector<16xi32>,
      %swap3A_513 = vector.shape_cast %swap3A_512 : vector<16xi32> to vector<16xi32>
      %swap3A_514 = vector.shape_cast %get3A_510 : vector<16xi32> to vector<16xi32>
      tpu.vector_store %arg9[%swap3A_511], %swap3A_514 {strides = array<i32>} : memref<80xi32, #tpu.memory_space<vmem>>, vector<16xi32>,
      %mul3A_515 = arith.constant 80 : i32
      %mul3A_516 = arith.muli %add3A_476, %mul3A_515 : i32
      %add3A_517 = arith.constant 16 : i32
      %add3A_518 = arith.addi %mul3A_516, %add3A_517 : i32
      %get3A_519 = arith.index_cast %add3A_518 : i32 to index
      %get3A_520 = tpu.vector_load %arg7[%get3A_519] {strides = array<i32>} : memref<2000xi32, #tpu.memory_space<vmem>>, vector<16xi32>,
      %get3A_521 = vector.shape_cast %get3A_520 : vector<16xi32> to vector<16xi32>
      %swap3A_522 = arith.constant 16 : index
      %swap3A_523 = tpu.vector_load %arg9[%swap3A_522] {strides = array<i32>} : memref<80xi32, #tpu.memory_space<vmem>>, vector<16xi32>,
      %swap3A_524 = vector.shape_cast %swap3A_523 : vector<16xi32> to vector<16xi32>
      %swap3A_525 = vector.shape_cast %get3A_521 : vector<16xi32> to vector<16xi32>
      tpu.vector_store %arg9[%swap3A_522], %swap3A_525 {strides = array<i32>} : memref<80xi32, #tpu.memory_space<vmem>>, vector<16xi32>,
      %mul3A_526 = arith.constant 80 : i32
      %mul3A_527 = arith.muli %add3A_476, %mul3A_526 : i32
      %add3A_528 = arith.constant 32 : i32
      %add3A_529 = arith.addi %mul3A_527, %add3A_528 : i32
      %get3A_530 = arith.index_cast %add3A_529 : i32 to index
      %get3A_531 = tpu.vector_load %arg7[%get3A_530] {strides = array<i32>} : memref<2000xi32, #tpu.memory_space<vmem>>, vector<16xi32>,
      %get3A_532 = vector.shape_cast %get3A_531 : vector<16xi32> to vector<16xi32>
      %swap3A_533 = arith.constant 32 : index
      %swap3A_534 = tpu.vector_load %arg9[%swap3A_533] {strides = array<i32>} : memref<80xi32, #tpu.memory_space<vmem>>, vector<16xi32>,
      %swap3A_535 = vector.shape_cast %swap3A_534 : vector<16xi32> to vector<16xi32>
      %swap3A_536 = vector.shape_cast %get3A_532 : vector<16xi32> to vector<16xi32>
      tpu.vector_store %arg9[%swap3A_533], %swap3A_536 {strides = array<i32>} : memref<80xi32, #tpu.memory_space<vmem>>, vector<16xi32>,
      %mul3A_537 = arith.constant 80 : i32
      %mul3A_538 = arith.muli %add3A_476, %mul3A_537 : i32
      %add3A_539 = arith.constant 48 : i32
      %add3A_540 = arith.addi %mul3A_538, %add3A_539 : i32
      %get3A_541 = arith.index_cast %add3A_540 : i32 to index
      %get3A_542 = tpu.vector_load %arg7[%get3A_541] {strides = array<i32>} : memref<2000xi32, #tpu.memory_space<vmem>>, vector<16xi32>,
      %get3A_543 = vector.shape_cast %get3A_542 : vector<16xi32> to vector<16xi32>
      %swap3A_544 = arith.constant 48 : index
      %swap3A_545 = tpu.vector_load %arg9[%swap3A_544] {strides = array<i32>} : memref<80xi32, #tpu.memory_space<vmem>>, vector<16xi32>,
      %swap3A_546 = vector.shape_cast %swap3A_545 : vector<16xi32> to vector<16xi32>
      %swap3A_547 = vector.shape_cast %get3A_543 : vector<16xi32> to vector<16xi32>
      tpu.vector_store %arg9[%swap3A_544], %swap3A_547 {strides = array<i32>} : memref<80xi32, #tpu.memory_space<vmem>>, vector<16xi32>,
      %mul3A_548 = arith.constant 80 : i32
      %mul3A_549 = arith.muli %add3A_476, %mul3A_548 : i32
      %add3A_550 = arith.constant 64 : i32
      %add3A_551 = arith.addi %mul3A_549, %add3A_550 : i32
      %get3A_552 = arith.index_cast %add3A_551 : i32 to index
      %get3A_553 = tpu.vector_load %arg7[%get3A_552] {strides = array<i32>} : memref<2000xi32, #tpu.memory_space<vmem>>, vector<16xi32>,
      %get3A_554 = vector.shape_cast %get3A_553 : vector<16xi32> to vector<16xi32>
      %swap3A_555 = arith.constant 64 : index
      %swap3A_556 = tpu.vector_load %arg9[%swap3A_555] {strides = array<i32>} : memref<80xi32, #tpu.memory_space<vmem>>, vector<16xi32>,
      %swap3A_557 = vector.shape_cast %swap3A_556 : vector<16xi32> to vector<16xi32>
      %swap3A_558 = vector.shape_cast %get3A_554 : vector<16xi32> to vector<16xi32>
      tpu.vector_store %arg9[%swap3A_555], %swap3A_558 {strides = array<i32>} : memref<80xi32, #tpu.memory_space<vmem>>, vector<16xi32>,
      %parallel_loop3A_559 = arith.constant 0 : i32
      %parallel_loop3A_560 = arith.constant 80 : i32
      %parallel_loop3A_561 = arith.constant 1 : i32
      scf.for %parallel_loop3A_656 = %parallel_loop3A_559 to %parallel_loop3A_560 step %parallel_loop3A_561  : i32 {
        %parallel_loop3A_657 = arith.index_cast %parallel_loop3A_656 : i32 to index
        %parallel_loop3A_658 = arith.constant 0 : index
        %parallel_loop3A_659 = tpu.vector_load %arg11[%parallel_loop3A_657, %parallel_loop3A_658] {strides = array<i32>} : memref<80x128xf32, #tpu.memory_space<vmem>>, vector<1x16xf32>,
        %parallel_loop3A_660 = vector.shape_cast %parallel_loop3A_659 : vector<1x16xf32> to vector<16xf32>
        %parallel_loop3A_661 = arith.index_cast %parallel_loop3A_656 : i32 to index
        %parallel_loop3A_662 = arith.constant 0 : index
        %parallel_loop3A_663 = tpu.vector_load %arg13[%parallel_loop3A_661, %parallel_loop3A_662] {strides = array<i32>} : memref<80x128xf32, #tpu.memory_space<vmem>>, vector<1x16xf32>,
        %parallel_loop3A_664 = vector.shape_cast %parallel_loop3A_663 : vector<1x16xf32> to vector<16xf32>
        %parallel_loop3A_665 = arith.addf %parallel_loop3A_660, %parallel_loop3A_664 : vector<16xf32>
        %parallel_loop3A_666 = arith.constant 0.000000e+00 : f32
        %parallel_loop3A_667 = vector.broadcast %parallel_loop3A_666 : f32 to vector<16xf32>
        %parallel_loop3A_668 = arith.maximumf %parallel_loop3A_665, %parallel_loop3A_667 : vector<16xf32>
        %parallel_loop3A_669 = arith.index_cast %parallel_loop3A_656 : i32 to index
        %parallel_loop3A_670 = arith.constant 0 : index
        %parallel_loop3A_671 = tpu.vector_load %arg11[%parallel_loop3A_669, %parallel_loop3A_670] {strides = array<i32>} : memref<80x128xf32, #tpu.memory_space<vmem>>, vector<1x16xf32>,
        %parallel_loop3A_672 = vector.shape_cast %parallel_loop3A_671 : vector<1x16xf32> to vector<16xf32>
        %parallel_loop3A_673 = vector.shape_cast %parallel_loop3A_668 : vector<16xf32> to vector<1x16xf32>
        tpu.vector_store %arg11[%parallel_loop3A_669, %parallel_loop3A_670], %parallel_loop3A_673 {strides = array<i32>} : memref<80x128xf32, #tpu.memory_space<vmem>>, vector<1x16xf32>,
        %parallel_loop3A_674 = arith.index_cast %parallel_loop3A_656 : i32 to index
        %parallel_loop3A_675 = arith.constant 16 : index
        %parallel_loop3A_676 = tpu.vector_load %arg11[%parallel_loop3A_674, %parallel_loop3A_675] {strides = array<i32>} : memref<80x128xf32, #tpu.memory_space<vmem>>, vector<1x16xf32>,
        %parallel_loop3A_677 = vector.shape_cast %parallel_loop3A_676 : vector<1x16xf32> to vector<16xf32>
        %parallel_loop3A_678 = arith.index_cast %parallel_loop3A_656 : i32 to index
        %parallel_loop3A_679 = arith.constant 16 : index
        %parallel_loop3A_680 = tpu.vector_load %arg13[%parallel_loop3A_678, %parallel_loop3A_679] {strides = array<i32>} : memref<80x128xf32, #tpu.memory_space<vmem>>, vector<1x16xf32>,
        %parallel_loop3A_681 = vector.shape_cast %parallel_loop3A_680 : vector<1x16xf32> to vector<16xf32>
        %parallel_loop3A_682 = arith.addf %parallel_loop3A_677, %parallel_loop3A_681 : vector<16xf32>
        %parallel_loop3A_683 = arith.constant 0.000000e+00 : f32
        %parallel_loop3A_684 = vector.broadcast %parallel_loop3A_683 : f32 to vector<16xf32>
        %parallel_loop3A_685 = arith.maximumf %parallel_loop3A_682, %parallel_loop3A_684 : vector<16xf32>
        %parallel_loop3A_686 = arith.index_cast %parallel_loop3A_656 : i32 to index
        %parallel_loop3A_687 = arith.constant 16 : index
        %parallel_loop3A_688 = tpu.vector_load %arg11[%parallel_loop3A_686, %parallel_loop3A_687] {strides = array<i32>} : memref<80x128xf32, #tpu.memory_space<vmem>>, vector<1x16xf32>,
        %parallel_loop3A_689 = vector.shape_cast %parallel_loop3A_688 : vector<1x16xf32> to vector<16xf32>
        %parallel_loop3A_690 = vector.shape_cast %parallel_loop3A_685 : vector<16xf32> to vector<1x16xf32>
        tpu.vector_store %arg11[%parallel_loop3A_686, %parallel_loop3A_687], %parallel_loop3A_690 {strides = array<i32>} : memref<80x128xf32, #tpu.memory_space<vmem>>, vector<1x16xf32>,
        %parallel_loop3A_691 = arith.index_cast %parallel_loop3A_656 : i32 to index
        %parallel_loop3A_692 = arith.constant 32 : index
        %parallel_loop3A_693 = tpu.vector_load %arg11[%parallel_loop3A_691, %parallel_loop3A_692] {strides = array<i32>} : memref<80x128xf32, #tpu.memory_space<vmem>>, vector<1x16xf32>,
        %parallel_loop3A_694 = vector.shape_cast %parallel_loop3A_693 : vector<1x16xf32> to vector<16xf32>
        %parallel_loop3A_695 = arith.index_cast %parallel_loop3A_656 : i32 to index
        %parallel_loop3A_696 = arith.constant 32 : index
        %parallel_loop3A_697 = tpu.vector_load %arg13[%parallel_loop3A_695, %parallel_loop3A_696] {strides = array<i32>} : memref<80x128xf32, #tpu.memory_space<vmem>>, vector<1x16xf32>,
        %parallel_loop3A_698 = vector.shape_cast %parallel_loop3A_697 : vector<1x16xf32> to vector<16xf32>
        %parallel_loop3A_699 = arith.addf %parallel_loop3A_694, %parallel_loop3A_698 : vector<16xf32>
        %parallel_loop3A_700 = arith.constant 0.000000e+00 : f32
        %parallel_loop3A_701 = vector.broadcast %parallel_loop3A_700 : f32 to vector<16xf32>
        %parallel_loop3A_702 = arith.maximumf %parallel_loop3A_699, %parallel_loop3A_701 : vector<16xf32>
        %parallel_loop3A_703 = arith.index_cast %parallel_loop3A_656 : i32 to index
        %parallel_loop3A_704 = arith.constant 32 : index
        %parallel_loop3A_705 = tpu.vector_load %arg11[%parallel_loop3A_703, %parallel_loop3A_704] {strides = array<i32>} : memref<80x128xf32, #tpu.memory_space<vmem>>, vector<1x16xf32>,
        %parallel_loop3A_706 = vector.shape_cast %parallel_loop3A_705 : vector<1x16xf32> to vector<16xf32>
        %parallel_loop3A_707 = vector.shape_cast %parallel_loop3A_702 : vector<16xf32> to vector<1x16xf32>
        tpu.vector_store %arg11[%parallel_loop3A_703, %parallel_loop3A_704], %parallel_loop3A_707 {strides = array<i32>} : memref<80x128xf32, #tpu.memory_space<vmem>>, vector<1x16xf32>,
        %parallel_loop3A_708 = arith.index_cast %parallel_loop3A_656 : i32 to index
        %parallel_loop3A_709 = arith.constant 48 : index
        %parallel_loop3A_710 = tpu.vector_load %arg11[%parallel_loop3A_708, %parallel_loop3A_709] {strides = array<i32>} : memref<80x128xf32, #tpu.memory_space<vmem>>, vector<1x16xf32>,
        %parallel_loop3A_711 = vector.shape_cast %parallel_loop3A_710 : vector<1x16xf32> to vector<16xf32>
        %parallel_loop3A_712 = arith.index_cast %parallel_loop3A_656 : i32 to index
        %parallel_loop3A_713 = arith.constant 48 : index
        %parallel_loop3A_714 = tpu.vector_load %arg13[%parallel_loop3A_712, %parallel_loop3A_713] {strides = array<i32>} : memref<80x128xf32, #tpu.memory_space<vmem>>, vector<1x16xf32>,
        %parallel_loop3A_715 = vector.shape_cast %parallel_loop3A_714 : vector<1x16xf32> to vector<16xf32>
        %parallel_loop3A_716 = arith.addf %parallel_loop3A_711, %parallel_loop3A_715 : vector<16xf32>
        %parallel_loop3A_717 = arith.constant 0.000000e+00 : f32
        %parallel_loop3A_718 = vector.broadcast %parallel_loop3A_717 : f32 to vector<16xf32>
        %parallel_loop3A_719 = arith.maximumf %parallel_loop3A_716, %parallel_loop3A_718 : vector<16xf32>
        %parallel_loop3A_720 = arith.index_cast %parallel_loop3A_656 : i32 to index
        %parallel_loop3A_721 = arith.constant 48 : index
        %parallel_loop3A_722 = tpu.vector_load %arg11[%parallel_loop3A_720, %parallel_loop3A_721] {strides = array<i32>} : memref<80x128xf32, #tpu.memory_space<vmem>>, vector<1x16xf32>,
        %parallel_loop3A_723 = vector.shape_cast %parallel_loop3A_722 : vector<1x16xf32> to vector<16xf32>
        %parallel_loop3A_724 = vector.shape_cast %parallel_loop3A_719 : vector<16xf32> to vector<1x16xf32>
        tpu.vector_store %arg11[%parallel_loop3A_720, %parallel_loop3A_721], %parallel_loop3A_724 {strides = array<i32>} : memref<80x128xf32, #tpu.memory_space<vmem>>, vector<1x16xf32>,
        %parallel_loop3A_725 = arith.index_cast %parallel_loop3A_656 : i32 to index
        %parallel_loop3A_726 = arith.constant 64 : index
        %parallel_loop3A_727 = tpu.vector_load %arg11[%parallel_loop3A_725, %parallel_loop3A_726] {strides = array<i32>} : memref<80x128xf32, #tpu.memory_space<vmem>>, vector<1x16xf32>,
        %parallel_loop3A_728 = vector.shape_cast %parallel_loop3A_727 : vector<1x16xf32> to vector<16xf32>
        %parallel_loop3A_729 = arith.index_cast %parallel_loop3A_656 : i32 to index
        %parallel_loop3A_730 = arith.constant 64 : index
        %parallel_loop3A_731 = tpu.vector_load %arg13[%parallel_loop3A_729, %parallel_loop3A_730] {strides = array<i32>} : memref<80x128xf32, #tpu.memory_space<vmem>>, vector<1x16xf32>,
        %parallel_loop3A_732 = vector.shape_cast %parallel_loop3A_731 : vector<1x16xf32> to vector<16xf32>
        %parallel_loop3A_733 = arith.addf %parallel_loop3A_728, %parallel_loop3A_732 : vector<16xf32>
        %parallel_loop3A_734 = arith.constant 0.000000e+00 : f32
        %parallel_loop3A_735 = vector.broadcast %parallel_loop3A_734 : f32 to vector<16xf32>
        %parallel_loop3A_736 = arith.maximumf %parallel_loop3A_733, %parallel_loop3A_735 : vector<16xf32>
        %parallel_loop3A_737 = arith.index_cast %parallel_loop3A_656 : i32 to index
        %parallel_loop3A_738 = arith.constant 64 : index
        %parallel_loop3A_739 = tpu.vector_load %arg11[%parallel_loop3A_737, %parallel_loop3A_738] {strides = array<i32>} : memref<80x128xf32, #tpu.memory_space<vmem>>, vector<1x16xf32>,
        %parallel_loop3A_740 = vector.shape_cast %parallel_loop3A_739 : vector<1x16xf32> to vector<16xf32>
        %parallel_loop3A_741 = vector.shape_cast %parallel_loop3A_736 : vector<16xf32> to vector<1x16xf32>
        tpu.vector_store %arg11[%parallel_loop3A_737, %parallel_loop3A_738], %parallel_loop3A_741 {strides = array<i32>} : memref<80x128xf32, #tpu.memory_space<vmem>>, vector<1x16xf32>,
        %parallel_loop3A_742 = arith.index_cast %parallel_loop3A_656 : i32 to index
        %parallel_loop3A_743 = arith.constant 80 : index
        %parallel_loop3A_744 = tpu.vector_load %arg11[%parallel_loop3A_742, %parallel_loop3A_743] {strides = array<i32>} : memref<80x128xf32, #tpu.memory_space<vmem>>, vector<1x16xf32>,
        %parallel_loop3A_745 = vector.shape_cast %parallel_loop3A_744 : vector<1x16xf32> to vector<16xf32>
        %parallel_loop3A_746 = arith.index_cast %parallel_loop3A_656 : i32 to index
        %parallel_loop3A_747 = arith.constant 80 : index
        %parallel_loop3A_748 = tpu.vector_load %arg13[%parallel_loop3A_746, %parallel_loop3A_747] {strides = array<i32>} : memref<80x128xf32, #tpu.memory_space<vmem>>, vector<1x16xf32>,
        %parallel_loop3A_749 = vector.shape_cast %parallel_loop3A_748 : vector<1x16xf32> to vector<16xf32>
        %parallel_loop3A_750 = arith.addf %parallel_loop3A_745, %parallel_loop3A_749 : vector<16xf32>
        %parallel_loop3A_751 = arith.constant 0.000000e+00 : f32
        %parallel_loop3A_752 = vector.broadcast %parallel_loop3A_751 : f32 to vector<16xf32>
        %parallel_loop3A_753 = arith.maximumf %parallel_loop3A_750, %parallel_loop3A_752 : vector<16xf32>
        %parallel_loop3A_754 = arith.index_cast %parallel_loop3A_656 : i32 to index
        %parallel_loop3A_755 = arith.constant 80 : index
        %parallel_loop3A_756 = tpu.vector_load %arg11[%parallel_loop3A_754, %parallel_loop3A_755] {strides = array<i32>} : memref<80x128xf32, #tpu.memory_space<vmem>>, vector<1x16xf32>,
        %parallel_loop3A_757 = vector.shape_cast %parallel_loop3A_756 : vector<1x16xf32> to vector<16xf32>
        %parallel_loop3A_758 = vector.shape_cast %parallel_loop3A_753 : vector<16xf32> to vector<1x16xf32>
        tpu.vector_store %arg11[%parallel_loop3A_754, %parallel_loop3A_755], %parallel_loop3A_758 {strides = array<i32>} : memref<80x128xf32, #tpu.memory_space<vmem>>, vector<1x16xf32>,
        %parallel_loop3A_759 = arith.index_cast %parallel_loop3A_656 : i32 to index
        %parallel_loop3A_760 = arith.constant 96 : index
        %parallel_loop3A_761 = tpu.vector_load %arg11[%parallel_loop3A_759, %parallel_loop3A_760] {strides = array<i32>} : memref<80x128xf32, #tpu.memory_space<vmem>>, vector<1x16xf32>,
        %parallel_loop3A_762 = vector.shape_cast %parallel_loop3A_761 : vector<1x16xf32> to vector<16xf32>
        %parallel_loop3A_763 = arith.index_cast %parallel_loop3A_656 : i32 to index
        %parallel_loop3A_764 = arith.constant 96 : index
        %parallel_loop3A_765 = tpu.vector_load %arg13[%parallel_loop3A_763, %parallel_loop3A_764] {strides = array<i32>} : memref<80x128xf32, #tpu.memory_space<vmem>>, vector<1x16xf32>,
        %parallel_loop3A_766 = vector.shape_cast %parallel_loop3A_765 : vector<1x16xf32> to vector<16xf32>
        %parallel_loop3A_767 = arith.addf %parallel_loop3A_762, %parallel_loop3A_766 : vector<16xf32>
        %parallel_loop3A_768 = arith.constant 0.000000e+00 : f32
        %parallel_loop3A_769 = vector.broadcast %parallel_loop3A_768 : f32 to vector<16xf32>
        %parallel_loop3A_770 = arith.maximumf %parallel_loop3A_767, %parallel_loop3A_769 : vector<16xf32>
        %parallel_loop3A_771 = arith.index_cast %parallel_loop3A_656 : i32 to index
        %parallel_loop3A_772 = arith.constant 96 : index
        %parallel_loop3A_773 = tpu.vector_load %arg11[%parallel_loop3A_771, %parallel_loop3A_772] {strides = array<i32>} : memref<80x128xf32, #tpu.memory_space<vmem>>, vector<1x16xf32>,
        %parallel_loop3A_774 = vector.shape_cast %parallel_loop3A_773 : vector<1x16xf32> to vector<16xf32>
        %parallel_loop3A_775 = vector.shape_cast %parallel_loop3A_770 : vector<16xf32> to vector<1x16xf32>
        tpu.vector_store %arg11[%parallel_loop3A_771, %parallel_loop3A_772], %parallel_loop3A_775 {strides = array<i32>} : memref<80x128xf32, #tpu.memory_space<vmem>>, vector<1x16xf32>,
        %parallel_loop3A_776 = arith.index_cast %parallel_loop3A_656 : i32 to index
        %parallel_loop3A_777 = arith.constant 112 : index
        %parallel_loop3A_778 = tpu.vector_load %arg11[%parallel_loop3A_776, %parallel_loop3A_777] {strides = array<i32>} : memref<80x128xf32, #tpu.memory_space<vmem>>, vector<1x16xf32>,
        %parallel_loop3A_779 = vector.shape_cast %parallel_loop3A_778 : vector<1x16xf32> to vector<16xf32>
        %parallel_loop3A_780 = arith.index_cast %parallel_loop3A_656 : i32 to index
        %parallel_loop3A_781 = arith.constant 112 : index
        %parallel_loop3A_782 = tpu.vector_load %arg13[%parallel_loop3A_780, %parallel_loop3A_781] {strides = array<i32>} : memref<80x128xf32, #tpu.memory_space<vmem>>, vector<1x16xf32>,
        %parallel_loop3A_783 = vector.shape_cast %parallel_loop3A_782 : vector<1x16xf32> to vector<16xf32>
        %parallel_loop3A_784 = arith.addf %parallel_loop3A_779, %parallel_loop3A_783 : vector<16xf32>
        %parallel_loop3A_785 = arith.constant 0.000000e+00 : f32
        %parallel_loop3A_786 = vector.broadcast %parallel_loop3A_785 : f32 to vector<16xf32>
        %parallel_loop3A_787 = arith.maximumf %parallel_loop3A_784, %parallel_loop3A_786 : vector<16xf32>
        %parallel_loop3A_788 = arith.index_cast %parallel_loop3A_656 : i32 to index
        %parallel_loop3A_789 = arith.constant 112 : index
        %parallel_loop3A_790 = tpu.vector_load %arg11[%parallel_loop3A_788, %parallel_loop3A_789] {strides = array<i32>} : memref<80x128xf32, #tpu.memory_space<vmem>>, vector<1x16xf32>,
        %parallel_loop3A_791 = vector.shape_cast %parallel_loop3A_790 : vector<1x16xf32> to vector<16xf32>
        %parallel_loop3A_792 = vector.shape_cast %parallel_loop3A_787 : vector<16xf32> to vector<1x16xf32>
        tpu.vector_store %arg11[%parallel_loop3A_788, %parallel_loop3A_789], %parallel_loop3A_792 {strides = array<i32>} : memref<80x128xf32, #tpu.memory_space<vmem>>, vector<1x16xf32>,
      } {sc.loop_unroll_factor = 2 : i64, sc.parallel_access}
      %dma_start3A_562 = arith.constant 0 : i32
      %dma_start3A_563 = arith.constant 0 : i32
      %dma_start3A_564 = tpu.memref_slice %arg14[%dma_start3A_562, %dma_start3A_563] : memref<10240x128xf32, #tpu.memory_space<vmem_shared>> -> memref<10240x128xf32, #tpu.memory_space<vmem_shared>>
      tpu.enqueue_indirect_dma source(%arg11 : memref<80x128xf32, #tpu.memory_space<vmem>>) target(%dma_start3A_564 : memref<10240x128xf32, #tpu.memory_space<vmem_shared>>) offsets(%arg9 : memref<80xi32, #tpu.memory_space<vmem>>) semaphore(%arg16 : memref<!tpu.dma_semaphore, #tpu.memory_space<semaphore_mem>>) {add = true}
      %add3A_565 = arith.constant 1 : i32
      %add3A_566 = arith.addi %add3A_476, %add3A_565 : i32
      %dma_wait3A_567 = arith.constant 0 : i32
      %dma_wait3A_568 = arith.constant 0 : i32
      %dma_wait3A_569 = tpu.memref_slice %arg14[%dma_wait3A_567, %dma_wait3A_568] : memref<10240x128xf32, #tpu.memory_space<vmem_shared>> -> memref<10240x128xf32, #tpu.memory_space<vmem_shared>>
      tpu.wait_indirect_dma semaphore(%arg16 : memref<!tpu.dma_semaphore, #tpu.memory_space<semaphore_mem>>) src(%arg11 : memref<80x128xf32, #tpu.memory_space<vmem>>) dst(%dma_wait3A_569 : memref<10240x128xf32, #tpu.memory_space<vmem_shared>>)
      %add3A_570 = arith.constant 1 : i32
      %add3A_571 = arith.addi %add3A_566, %add3A_570 : i32
      %mul3A_572 = arith.constant 80 : i32
      %mul3A_573 = arith.muli %add3A_571, %mul3A_572 : i32
      %dma_start3A_574 = tpu.memref_slice %arg6[%mul3A_573] : memref<2000xi32, #tpu.memory_space<vmem>> -> memref<80xi32, #tpu.memory_space<vmem>>
      %dma_start3A_575 = arith.constant 0 : i32
      %dma_start3A_576 = arith.constant 0 : i32
      %dma_start3A_577 = tpu.memref_slice %arg2[%dma_start3A_575, %dma_start3A_576] : memref<10000x128xf32, #tpu.memory_space<hbm>> -> memref<10000x128xf32, #tpu.memory_space<hbm>>
      tpu.enqueue_indirect_dma source(%dma_start3A_577 : memref<10000x128xf32, #tpu.memory_space<hbm>>) target(%arg11 : memref<80x128xf32, #tpu.memory_space<vmem>>) offsets(%dma_start3A_574 : memref<80xi32, #tpu.memory_space<vmem>>) semaphore(%arg15 : memref<!tpu.dma_semaphore, #tpu.memory_space<semaphore_mem>>)
      %mul3A_578 = arith.constant 80 : i32
      %mul3A_579 = arith.muli %add3A_571, %mul3A_578 : i32
      %dma_start3A_580 = tpu.memref_slice %arg7[%mul3A_579] : memref<2000xi32, #tpu.memory_space<vmem>> -> memref<80xi32, #tpu.memory_space<vmem>>
      %dma_start3A_581 = arith.constant 0 : i32
      %dma_start3A_582 = arith.constant 0 : i32
      %dma_start3A_583 = tpu.memref_slice %arg3[%dma_start3A_581, %dma_start3A_582] : memref<10000x128xf32, #tpu.memory_space<hbm>> -> memref<10000x128xf32, #tpu.memory_space<hbm>>
      tpu.enqueue_indirect_dma source(%dma_start3A_583 : memref<10000x128xf32, #tpu.memory_space<hbm>>) target(%arg13 : memref<80x128xf32, #tpu.memory_space<vmem>>) offsets(%dma_start3A_580 : memref<80xi32, #tpu.memory_space<vmem>>) semaphore(%arg15 : memref<!tpu.dma_semaphore, #tpu.memory_space<semaphore_mem>>)
      %dma_wait3A_584 = arith.constant 0 : i32
      %dma_wait3A_585 = tpu.memref_slice %arg6[%dma_wait3A_584] : memref<2000xi32, #tpu.memory_space<vmem>> -> memref<80xi32, #tpu.memory_space<vmem>>
      %dma_wait3A_586 = arith.constant 0 : i32
      %dma_wait3A_587 = arith.constant 0 : i32
      %dma_wait3A_588 = tpu.memref_slice %arg2[%dma_wait3A_586, %dma_wait3A_587] : memref<10000x128xf32, #tpu.memory_space<hbm>> -> memref<10000x128xf32, #tpu.memory_space<hbm>>
      tpu.wait_indirect_dma semaphore(%arg15 : memref<!tpu.dma_semaphore, #tpu.memory_space<semaphore_mem>>) src(%dma_wait3A_588 : memref<10000x128xf32, #tpu.memory_space<hbm>>) dst(%arg10 : memref<80x128xf32, #tpu.memory_space<vmem>>)
      %dma_wait3A_589 = arith.constant 0 : i32
      %dma_wait3A_590 = tpu.memref_slice %arg7[%dma_wait3A_589] : memref<2000xi32, #tpu.memory_space<vmem>> -> memref<80xi32, #tpu.memory_space<vmem>>
      %dma_wait3A_591 = arith.constant 0 : i32
      %dma_wait3A_592 = arith.constant 0 : i32
      %dma_wait3A_593 = tpu.memref_slice %arg3[%dma_wait3A_591, %dma_wait3A_592] : memref<10000x128xf32, #tpu.memory_space<hbm>> -> memref<10000x128xf32, #tpu.memory_space<hbm>>
      tpu.wait_indirect_dma semaphore(%arg15 : memref<!tpu.dma_semaphore, #tpu.memory_space<semaphore_mem>>) src(%dma_wait3A_593 : memref<10000x128xf32, #tpu.memory_space<hbm>>) dst(%arg12 : memref<80x128xf32, #tpu.memory_space<vmem>>)
      %mul3A_594 = arith.constant 80 : i32
      %mul3A_595 = arith.muli %add3A_566, %mul3A_594 : i32
      %add3A_596 = arith.constant 0 : i32
      %add3A_597 = arith.addi %mul3A_595, %add3A_596 : i32
      %get3A_598 = arith.index_cast %add3A_597 : i32 to index
      %get3A_599 = tpu.vector_load %arg7[%get3A_598] {strides = array<i32>} : memref<2000xi32, #tpu.memory_space<vmem>>, vector<16xi32>,
      %get3A_600 = vector.shape_cast %get3A_599 : vector<16xi32> to vector<16xi32>
      %swap3A_601 = arith.constant 0 : index
      %swap3A_602 = tpu.vector_load %arg8[%swap3A_601] {strides = array<i32>} : memref<80xi32, #tpu.memory_space<vmem>>, vector<16xi32>,
      %swap3A_603 = vector.shape_cast %swap3A_602 : vector<16xi32> to vector<16xi32>
      %swap3A_604 = vector.shape_cast %get3A_600 : vector<16xi32> to vector<16xi32>
      tpu.vector_store %arg8[%swap3A_601], %swap3A_604 {strides = array<i32>} : memref<80xi32, #tpu.memory_space<vmem>>, vector<16xi32>,
      %mul3A_605 = arith.constant 80 : i32
      %mul3A_606 = arith.muli %add3A_566, %mul3A_605 : i32
      %add3A_607 = arith.constant 16 : i32
      %add3A_608 = arith.addi %mul3A_606, %add3A_607 : i32
      %get3A_609 = arith.index_cast %add3A_608 : i32 to index
      %get3A_610 = tpu.vector_load %arg7[%get3A_609] {strides = array<i32>} : memref<2000xi32, #tpu.memory_space<vmem>>, vector<16xi32>,
      %get3A_611 = vector.shape_cast %get3A_610 : vector<16xi32> to vector<16xi32>
      %swap3A_612 = arith.constant 16 : index
      %swap3A_613 = tpu.vector_load %arg8[%swap3A_612] {strides = array<i32>} : memref<80xi32, #tpu.memory_space<vmem>>, vector<16xi32>,
      %swap3A_614 = vector.shape_cast %swap3A_613 : vector<16xi32> to vector<16xi32>
      %swap3A_615 = vector.shape_cast %get3A_611 : vector<16xi32> to vector<16xi32>
      tpu.vector_store %arg8[%swap3A_612], %swap3A_615 {strides = array<i32>} : memref<80xi32, #tpu.memory_space<vmem>>, vector<16xi32>,
      %mul3A_616 = arith.constant 80 : i32
      %mul3A_617 = arith.muli %add3A_566, %mul3A_616 : i32
      %add3A_618 = arith.constant 32 : i32
      %add3A_619 = arith.addi %mul3A_617, %add3A_618 : i32
      %get3A_620 = arith.index_cast %add3A_619 : i32 to index
      %get3A_621 = tpu.vector_load %arg7[%get3A_620] {strides = array<i32>} : memref<2000xi32, #tpu.memory_space<vmem>>, vector<16xi32>,
      %get3A_622 = vector.shape_cast %get3A_621 : vector<16xi32> to vector<16xi32>
      %swap3A_623 = arith.constant 32 : index
      %swap3A_624 = tpu.vector_load %arg8[%swap3A_623] {strides = array<i32>} : memref<80xi32, #tpu.memory_space<vmem>>, vector<16xi32>,
      %swap3A_625 = vector.shape_cast %swap3A_624 : vector<16xi32> to vector<16xi32>
      %swap3A_626 = vector.shape_cast %get3A_622 : vector<16xi32> to vector<16xi32>
      tpu.vector_store %arg8[%swap3A_623], %swap3A_626 {strides = array<i32>} : memref<80xi32, #tpu.memory_space<vmem>>, vector<16xi32>,
      %mul3A_627 = arith.constant 80 : i32
      %mul3A_628 = arith.muli %add3A_566, %mul3A_627 : i32
      %add3A_629 = arith.constant 48 : i32
      %add3A_630 = arith.addi %mul3A_628, %add3A_629 : i32
      %get3A_631 = arith.index_cast %add3A_630 : i32 to index
      %get3A_632 = tpu.vector_load %arg7[%get3A_631] {strides = array<i32>} : memref<2000xi32, #tpu.memory_space<vmem>>, vector<16xi32>,
      %get3A_633 = vector.shape_cast %get3A_632 : vector<16xi32> to vector<16xi32>
      %swap3A_634 = arith.constant 48 : index
      %swap3A_635 = tpu.vector_load %arg8[%swap3A_634] {strides = array<i32>} : memref<80xi32, #tpu.memory_space<vmem>>, vector<16xi32>,
      %swap3A_636 = vector.shape_cast %swap3A_635 : vector<16xi32> to vector<16xi32>
      %swap3A_637 = vector.shape_cast %get3A_633 : vector<16xi32> to vector<16xi32>
      tpu.vector_store %arg8[%swap3A_634], %swap3A_637 {strides = array<i32>} : memref<80xi32, #tpu.memory_space<vmem>>, vector<16xi32>,
      %mul3A_638 = arith.constant 80 : i32
      %mul3A_639 = arith.muli %add3A_566, %mul3A_638 : i32
      %add3A_640 = arith.constant 64 : i32
      %add3A_641 = arith.addi %mul3A_639, %add3A_640 : i32
      %get3A_642 = arith.index_cast %add3A_641 : i32 to index
      %get3A_643 = tpu.vector_load %arg7[%get3A_642] {strides = array<i32>} : memref<2000xi32, #tpu.memory_space<vmem>>, vector<16xi32>,
      %get3A_644 = vector.shape_cast %get3A_643 : vector<16xi32> to vector<16xi32>
      %swap3A_645 = arith.constant 64 : index
      %swap3A_646 = tpu.vector_load %arg8[%swap3A_645] {strides = array<i32>} : memref<80xi32, #tpu.memory_space<vmem>>, vector<16xi32>,
      %swap3A_647 = vector.shape_cast %swap3A_646 : vector<16xi32> to vector<16xi32>
      %swap3A_648 = vector.shape_cast %get3A_644 : vector<16xi32> to vector<16xi32>
      tpu.vector_store %arg8[%swap3A_645], %swap3A_648 {strides = array<i32>} : memref<80xi32, #tpu.memory_space<vmem>>, vector<16xi32>,
      %parallel_loop3A_649 = arith.constant 0 : i32
      %parallel_loop3A_650 = arith.constant 80 : i32
      %parallel_loop3A_651 = arith.constant 1 : i32
      scf.for %parallel_loop3A_656 = %parallel_loop3A_649 to %parallel_loop3A_650 step %parallel_loop3A_651  : i32 {
        %parallel_loop3A_657 = arith.index_cast %parallel_loop3A_656 : i32 to index
        %parallel_loop3A_658 = arith.constant 0 : index
        %parallel_loop3A_659 = tpu.vector_load %arg10[%parallel_loop3A_657, %parallel_loop3A_658] {strides = array<i32>} : memref<80x128xf32, #tpu.memory_space<vmem>>, vector<1x16xf32>,
        %parallel_loop3A_660 = vector.shape_cast %parallel_loop3A_659 : vector<1x16xf32> to vector<16xf32>
        %parallel_loop3A_661 = arith.index_cast %parallel_loop3A_656 : i32 to index
        %parallel_loop3A_662 = arith.constant 0 : index
        %parallel_loop3A_663 = tpu.vector_load %arg12[%parallel_loop3A_661, %parallel_loop3A_662] {strides = array<i32>} : memref<80x128xf32, #tpu.memory_space<vmem>>, vector<1x16xf32>,
        %parallel_loop3A_664 = vector.shape_cast %parallel_loop3A_663 : vector<1x16xf32> to vector<16xf32>
        %parallel_loop3A_665 = arith.addf %parallel_loop3A_660, %parallel_loop3A_664 : vector<16xf32>
        %parallel_loop3A_666 = arith.constant 0.000000e+00 : f32
        %parallel_loop3A_667 = vector.broadcast %parallel_loop3A_666 : f32 to vector<16xf32>
        %parallel_loop3A_668 = arith.maximumf %parallel_loop3A_665, %parallel_loop3A_667 : vector<16xf32>
        %parallel_loop3A_669 = arith.index_cast %parallel_loop3A_656 : i32 to index
        %parallel_loop3A_670 = arith.constant 0 : index
        %parallel_loop3A_671 = tpu.vector_load %arg10[%parallel_loop3A_669, %parallel_loop3A_670] {strides = array<i32>} : memref<80x128xf32, #tpu.memory_space<vmem>>, vector<1x16xf32>,
        %parallel_loop3A_672 = vector.shape_cast %parallel_loop3A_671 : vector<1x16xf32> to vector<16xf32>
        %parallel_loop3A_673 = vector.shape_cast %parallel_loop3A_668 : vector<16xf32> to vector<1x16xf32>
        tpu.vector_store %arg10[%parallel_loop3A_669, %parallel_loop3A_670], %parallel_loop3A_673 {strides = array<i32>} : memref<80x128xf32, #tpu.memory_space<vmem>>, vector<1x16xf32>,
        %parallel_loop3A_674 = arith.index_cast %parallel_loop3A_656 : i32 to index
        %parallel_loop3A_675 = arith.constant 16 : index
        %parallel_loop3A_676 = tpu.vector_load %arg10[%parallel_loop3A_674, %parallel_loop3A_675] {strides = array<i32>} : memref<80x128xf32, #tpu.memory_space<vmem>>, vector<1x16xf32>,
        %parallel_loop3A_677 = vector.shape_cast %parallel_loop3A_676 : vector<1x16xf32> to vector<16xf32>
        %parallel_loop3A_678 = arith.index_cast %parallel_loop3A_656 : i32 to index
        %parallel_loop3A_679 = arith.constant 16 : index
        %parallel_loop3A_680 = tpu.vector_load %arg12[%parallel_loop3A_678, %parallel_loop3A_679] {strides = array<i32>} : memref<80x128xf32, #tpu.memory_space<vmem>>, vector<1x16xf32>,
        %parallel_loop3A_681 = vector.shape_cast %parallel_loop3A_680 : vector<1x16xf32> to vector<16xf32>
        %parallel_loop3A_682 = arith.addf %parallel_loop3A_677, %parallel_loop3A_681 : vector<16xf32>
        %parallel_loop3A_683 = arith.constant 0.000000e+00 : f32
        %parallel_loop3A_684 = vector.broadcast %parallel_loop3A_683 : f32 to vector<16xf32>
        %parallel_loop3A_685 = arith.maximumf %parallel_loop3A_682, %parallel_loop3A_684 : vector<16xf32>
        %parallel_loop3A_686 = arith.index_cast %parallel_loop3A_656 : i32 to index
        %parallel_loop3A_687 = arith.constant 16 : index
        %parallel_loop3A_688 = tpu.vector_load %arg10[%parallel_loop3A_686, %parallel_loop3A_687] {strides = array<i32>} : memref<80x128xf32, #tpu.memory_space<vmem>>, vector<1x16xf32>,
        %parallel_loop3A_689 = vector.shape_cast %parallel_loop3A_688 : vector<1x16xf32> to vector<16xf32>
        %parallel_loop3A_690 = vector.shape_cast %parallel_loop3A_685 : vector<16xf32> to vector<1x16xf32>
        tpu.vector_store %arg10[%parallel_loop3A_686, %parallel_loop3A_687], %parallel_loop3A_690 {strides = array<i32>} : memref<80x128xf32, #tpu.memory_space<vmem>>, vector<1x16xf32>,
        %parallel_loop3A_691 = arith.index_cast %parallel_loop3A_656 : i32 to index
        %parallel_loop3A_692 = arith.constant 32 : index
        %parallel_loop3A_693 = tpu.vector_load %arg10[%parallel_loop3A_691, %parallel_loop3A_692] {strides = array<i32>} : memref<80x128xf32, #tpu.memory_space<vmem>>, vector<1x16xf32>,
        %parallel_loop3A_694 = vector.shape_cast %parallel_loop3A_693 : vector<1x16xf32> to vector<16xf32>
        %parallel_loop3A_695 = arith.index_cast %parallel_loop3A_656 : i32 to index
        %parallel_loop3A_696 = arith.constant 32 : index
        %parallel_loop3A_697 = tpu.vector_load %arg12[%parallel_loop3A_695, %parallel_loop3A_696] {strides = array<i32>} : memref<80x128xf32, #tpu.memory_space<vmem>>, vector<1x16xf32>,
        %parallel_loop3A_698 = vector.shape_cast %parallel_loop3A_697 : vector<1x16xf32> to vector<16xf32>
        %parallel_loop3A_699 = arith.addf %parallel_loop3A_694, %parallel_loop3A_698 : vector<16xf32>
        %parallel_loop3A_700 = arith.constant 0.000000e+00 : f32
        %parallel_loop3A_701 = vector.broadcast %parallel_loop3A_700 : f32 to vector<16xf32>
        %parallel_loop3A_702 = arith.maximumf %parallel_loop3A_699, %parallel_loop3A_701 : vector<16xf32>
        %parallel_loop3A_703 = arith.index_cast %parallel_loop3A_656 : i32 to index
        %parallel_loop3A_704 = arith.constant 32 : index
        %parallel_loop3A_705 = tpu.vector_load %arg10[%parallel_loop3A_703, %parallel_loop3A_704] {strides = array<i32>} : memref<80x128xf32, #tpu.memory_space<vmem>>, vector<1x16xf32>,
        %parallel_loop3A_706 = vector.shape_cast %parallel_loop3A_705 : vector<1x16xf32> to vector<16xf32>
        %parallel_loop3A_707 = vector.shape_cast %parallel_loop3A_702 : vector<16xf32> to vector<1x16xf32>
        tpu.vector_store %arg10[%parallel_loop3A_703, %parallel_loop3A_704], %parallel_loop3A_707 {strides = array<i32>} : memref<80x128xf32, #tpu.memory_space<vmem>>, vector<1x16xf32>,
        %parallel_loop3A_708 = arith.index_cast %parallel_loop3A_656 : i32 to index
        %parallel_loop3A_709 = arith.constant 48 : index
        %parallel_loop3A_710 = tpu.vector_load %arg10[%parallel_loop3A_708, %parallel_loop3A_709] {strides = array<i32>} : memref<80x128xf32, #tpu.memory_space<vmem>>, vector<1x16xf32>,
        %parallel_loop3A_711 = vector.shape_cast %parallel_loop3A_710 : vector<1x16xf32> to vector<16xf32>
        %parallel_loop3A_712 = arith.index_cast %parallel_loop3A_656 : i32 to index
        %parallel_loop3A_713 = arith.constant 48 : index
        %parallel_loop3A_714 = tpu.vector_load %arg12[%parallel_loop3A_712, %parallel_loop3A_713] {strides = array<i32>} : memref<80x128xf32, #tpu.memory_space<vmem>>, vector<1x16xf32>,
        %parallel_loop3A_715 = vector.shape_cast %parallel_loop3A_714 : vector<1x16xf32> to vector<16xf32>
        %parallel_loop3A_716 = arith.addf %parallel_loop3A_711, %parallel_loop3A_715 : vector<16xf32>
        %parallel_loop3A_717 = arith.constant 0.000000e+00 : f32
        %parallel_loop3A_718 = vector.broadcast %parallel_loop3A_717 : f32 to vector<16xf32>
        %parallel_loop3A_719 = arith.maximumf %parallel_loop3A_716, %parallel_loop3A_718 : vector<16xf32>
        %parallel_loop3A_720 = arith.index_cast %parallel_loop3A_656 : i32 to index
        %parallel_loop3A_721 = arith.constant 48 : index
        %parallel_loop3A_722 = tpu.vector_load %arg10[%parallel_loop3A_720, %parallel_loop3A_721] {strides = array<i32>} : memref<80x128xf32, #tpu.memory_space<vmem>>, vector<1x16xf32>,
        %parallel_loop3A_723 = vector.shape_cast %parallel_loop3A_722 : vector<1x16xf32> to vector<16xf32>
        %parallel_loop3A_724 = vector.shape_cast %parallel_loop3A_719 : vector<16xf32> to vector<1x16xf32>
        tpu.vector_store %arg10[%parallel_loop3A_720, %parallel_loop3A_721], %parallel_loop3A_724 {strides = array<i32>} : memref<80x128xf32, #tpu.memory_space<vmem>>, vector<1x16xf32>,
        %parallel_loop3A_725 = arith.index_cast %parallel_loop3A_656 : i32 to index
        %parallel_loop3A_726 = arith.constant 64 : index
        %parallel_loop3A_727 = tpu.vector_load %arg10[%parallel_loop3A_725, %parallel_loop3A_726] {strides = array<i32>} : memref<80x128xf32, #tpu.memory_space<vmem>>, vector<1x16xf32>,
        %parallel_loop3A_728 = vector.shape_cast %parallel_loop3A_727 : vector<1x16xf32> to vector<16xf32>
        %parallel_loop3A_729 = arith.index_cast %parallel_loop3A_656 : i32 to index
        %parallel_loop3A_730 = arith.constant 64 : index
        %parallel_loop3A_731 = tpu.vector_load %arg12[%parallel_loop3A_729, %parallel_loop3A_730] {strides = array<i32>} : memref<80x128xf32, #tpu.memory_space<vmem>>, vector<1x16xf32>,
        %parallel_loop3A_732 = vector.shape_cast %parallel_loop3A_731 : vector<1x16xf32> to vector<16xf32>
        %parallel_loop3A_733 = arith.addf %parallel_loop3A_728, %parallel_loop3A_732 : vector<16xf32>
        %parallel_loop3A_734 = arith.constant 0.000000e+00 : f32
        %parallel_loop3A_735 = vector.broadcast %parallel_loop3A_734 : f32 to vector<16xf32>
        %parallel_loop3A_736 = arith.maximumf %parallel_loop3A_733, %parallel_loop3A_735 : vector<16xf32>
        %parallel_loop3A_737 = arith.index_cast %parallel_loop3A_656 : i32 to index
        %parallel_loop3A_738 = arith.constant 64 : index
        %parallel_loop3A_739 = tpu.vector_load %arg10[%parallel_loop3A_737, %parallel_loop3A_738] {strides = array<i32>} : memref<80x128xf32, #tpu.memory_space<vmem>>, vector<1x16xf32>,
        %parallel_loop3A_740 = vector.shape_cast %parallel_loop3A_739 : vector<1x16xf32> to vector<16xf32>
        %parallel_loop3A_741 = vector.shape_cast %parallel_loop3A_736 : vector<16xf32> to vector<1x16xf32>
        tpu.vector_store %arg10[%parallel_loop3A_737, %parallel_loop3A_738], %parallel_loop3A_741 {strides = array<i32>} : memref<80x128xf32, #tpu.memory_space<vmem>>, vector<1x16xf32>,
        %parallel_loop3A_742 = arith.index_cast %parallel_loop3A_656 : i32 to index
        %parallel_loop3A_743 = arith.constant 80 : index
        %parallel_loop3A_744 = tpu.vector_load %arg10[%parallel_loop3A_742, %parallel_loop3A_743] {strides = array<i32>} : memref<80x128xf32, #tpu.memory_space<vmem>>, vector<1x16xf32>,
        %parallel_loop3A_745 = vector.shape_cast %parallel_loop3A_744 : vector<1x16xf32> to vector<16xf32>
        %parallel_loop3A_746 = arith.index_cast %parallel_loop3A_656 : i32 to index
        %parallel_loop3A_747 = arith.constant 80 : index
        %parallel_loop3A_748 = tpu.vector_load %arg12[%parallel_loop3A_746, %parallel_loop3A_747] {strides = array<i32>} : memref<80x128xf32, #tpu.memory_space<vmem>>, vector<1x16xf32>,
        %parallel_loop3A_749 = vector.shape_cast %parallel_loop3A_748 : vector<1x16xf32> to vector<16xf32>
        %parallel_loop3A_750 = arith.addf %parallel_loop3A_745, %parallel_loop3A_749 : vector<16xf32>
        %parallel_loop3A_751 = arith.constant 0.000000e+00 : f32
        %parallel_loop3A_752 = vector.broadcast %parallel_loop3A_751 : f32 to vector<16xf32>
        %parallel_loop3A_753 = arith.maximumf %parallel_loop3A_750, %parallel_loop3A_752 : vector<16xf32>
        %parallel_loop3A_754 = arith.index_cast %parallel_loop3A_656 : i32 to index
        %parallel_loop3A_755 = arith.constant 80 : index
        %parallel_loop3A_756 = tpu.vector_load %arg10[%parallel_loop3A_754, %parallel_loop3A_755] {strides = array<i32>} : memref<80x128xf32, #tpu.memory_space<vmem>>, vector<1x16xf32>,
        %parallel_loop3A_757 = vector.shape_cast %parallel_loop3A_756 : vector<1x16xf32> to vector<16xf32>
        %parallel_loop3A_758 = vector.shape_cast %parallel_loop3A_753 : vector<16xf32> to vector<1x16xf32>
        tpu.vector_store %arg10[%parallel_loop3A_754, %parallel_loop3A_755], %parallel_loop3A_758 {strides = array<i32>} : memref<80x128xf32, #tpu.memory_space<vmem>>, vector<1x16xf32>,
        %parallel_loop3A_759 = arith.index_cast %parallel_loop3A_656 : i32 to index
        %parallel_loop3A_760 = arith.constant 96 : index
        %parallel_loop3A_761 = tpu.vector_load %arg10[%parallel_loop3A_759, %parallel_loop3A_760] {strides = array<i32>} : memref<80x128xf32, #tpu.memory_space<vmem>>, vector<1x16xf32>,
        %parallel_loop3A_762 = vector.shape_cast %parallel_loop3A_761 : vector<1x16xf32> to vector<16xf32>
        %parallel_loop3A_763 = arith.index_cast %parallel_loop3A_656 : i32 to index
        %parallel_loop3A_764 = arith.constant 96 : index
        %parallel_loop3A_765 = tpu.vector_load %arg12[%parallel_loop3A_763, %parallel_loop3A_764] {strides = array<i32>} : memref<80x128xf32, #tpu.memory_space<vmem>>, vector<1x16xf32>,
        %parallel_loop3A_766 = vector.shape_cast %parallel_loop3A_765 : vector<1x16xf32> to vector<16xf32>
        %parallel_loop3A_767 = arith.addf %parallel_loop3A_762, %parallel_loop3A_766 : vector<16xf32>
        %parallel_loop3A_768 = arith.constant 0.000000e+00 : f32
        %parallel_loop3A_769 = vector.broadcast %parallel_loop3A_768 : f32 to vector<16xf32>
        %parallel_loop3A_770 = arith.maximumf %parallel_loop3A_767, %parallel_loop3A_769 : vector<16xf32>
        %parallel_loop3A_771 = arith.index_cast %parallel_loop3A_656 : i32 to index
        %parallel_loop3A_772 = arith.constant 96 : index
        %parallel_loop3A_773 = tpu.vector_load %arg10[%parallel_loop3A_771, %parallel_loop3A_772] {strides = array<i32>} : memref<80x128xf32, #tpu.memory_space<vmem>>, vector<1x16xf32>,
        %parallel_loop3A_774 = vector.shape_cast %parallel_loop3A_773 : vector<1x16xf32> to vector<16xf32>
        %parallel_loop3A_775 = vector.shape_cast %parallel_loop3A_770 : vector<16xf32> to vector<1x16xf32>
        tpu.vector_store %arg10[%parallel_loop3A_771, %parallel_loop3A_772], %parallel_loop3A_775 {strides = array<i32>} : memref<80x128xf32, #tpu.memory_space<vmem>>, vector<1x16xf32>,
        %parallel_loop3A_776 = arith.index_cast %parallel_loop3A_656 : i32 to index
        %parallel_loop3A_777 = arith.constant 112 : index
        %parallel_loop3A_778 = tpu.vector_load %arg10[%parallel_loop3A_776, %parallel_loop3A_777] {strides = array<i32>} : memref<80x128xf32, #tpu.memory_space<vmem>>, vector<1x16xf32>,
        %parallel_loop3A_779 = vector.shape_cast %parallel_loop3A_778 : vector<1x16xf32> to vector<16xf32>
        %parallel_loop3A_780 = arith.index_cast %parallel_loop3A_656 : i32 to index
        %parallel_loop3A_781 = arith.constant 112 : index
        %parallel_loop3A_782 = tpu.vector_load %arg12[%parallel_loop3A_780, %parallel_loop3A_781] {strides = array<i32>} : memref<80x128xf32, #tpu.memory_space<vmem>>, vector<1x16xf32>,
        %parallel_loop3A_783 = vector.shape_cast %parallel_loop3A_782 : vector<1x16xf32> to vector<16xf32>
        %parallel_loop3A_784 = arith.addf %parallel_loop3A_779, %parallel_loop3A_783 : vector<16xf32>
        %parallel_loop3A_785 = arith.constant 0.000000e+00 : f32
        %parallel_loop3A_786 = vector.broadcast %parallel_loop3A_785 : f32 to vector<16xf32>
        %parallel_loop3A_787 = arith.maximumf %parallel_loop3A_784, %parallel_loop3A_786 : vector<16xf32>
        %parallel_loop3A_788 = arith.index_cast %parallel_loop3A_656 : i32 to index
        %parallel_loop3A_789 = arith.constant 112 : index
        %parallel_loop3A_790 = tpu.vector_load %arg10[%parallel_loop3A_788, %parallel_loop3A_789] {strides = array<i32>} : memref<80x128xf32, #tpu.memory_space<vmem>>, vector<1x16xf32>,
        %parallel_loop3A_791 = vector.shape_cast %parallel_loop3A_790 : vector<1x16xf32> to vector<16xf32>
        %parallel_loop3A_792 = vector.shape_cast %parallel_loop3A_787 : vector<16xf32> to vector<1x16xf32>
        tpu.vector_store %arg10[%parallel_loop3A_788, %parallel_loop3A_789], %parallel_loop3A_792 {strides = array<i32>} : memref<80x128xf32, #tpu.memory_space<vmem>>, vector<1x16xf32>,
      } {sc.loop_unroll_factor = 2 : i64, sc.parallel_access}
      %dma_start3A_652 = arith.constant 0 : i32
      %dma_start3A_653 = arith.constant 0 : i32
      %dma_start3A_654 = tpu.memref_slice %arg14[%dma_start3A_652, %dma_start3A_653] : memref<10240x128xf32, #tpu.memory_space<vmem_shared>> -> memref<10240x128xf32, #tpu.memory_space<vmem_shared>>
      tpu.enqueue_indirect_dma source(%arg10 : memref<80x128xf32, #tpu.memory_space<vmem>>) target(%dma_start3A_654 : memref<10240x128xf32, #tpu.memory_space<vmem_shared>>) offsets(%arg8 : memref<80xi32, #tpu.memory_space<vmem>>) semaphore(%arg16 : memref<!tpu.dma_semaphore, #tpu.memory_space<semaphore_mem>>) {add = true}
      %scan3A_655 = arith.constant 0 : i32
      scf.yield %scan3A_655 : i32
    }
    %scan3A_197 = arith.constant 11 : i32
    %dma_wait3A_198 = arith.constant 0 : i32
    %dma_wait3A_199 = arith.constant 0 : i32
    %dma_wait3A_200 = tpu.memref_slice %arg14[%dma_wait3A_198, %dma_wait3A_199] : memref<10240x128xf32, #tpu.memory_space<vmem_shared>> -> memref<10240x128xf32, #tpu.memory_space<vmem_shared>>
    tpu.wait_indirect_dma semaphore(%arg16 : memref<!tpu.dma_semaphore, #tpu.memory_space<semaphore_mem>>) src(%arg10 : memref<80x128xf32, #tpu.memory_space<vmem>>) dst(%dma_wait3A_200 : memref<10240x128xf32, #tpu.memory_space<vmem_shared>>)
    %dma_start3A_201 = arith.constant 1920 : i32
    %dma_start3A_202 = tpu.memref_slice %arg6[%dma_start3A_201] : memref<2000xi32, #tpu.memory_space<vmem>> -> memref<80xi32, #tpu.memory_space<vmem>>
    %dma_start3A_203 = arith.constant 0 : i32
    %dma_start3A_204 = arith.constant 0 : i32
    %dma_start3A_205 = tpu.memref_slice %arg2[%dma_start3A_203, %dma_start3A_204] : memref<10000x128xf32, #tpu.memory_space<hbm>> -> memref<10000x128xf32, #tpu.memory_space<hbm>>
    tpu.enqueue_indirect_dma source(%dma_start3A_205 : memref<10000x128xf32, #tpu.memory_space<hbm>>) target(%arg10 : memref<80x128xf32, #tpu.memory_space<vmem>>) offsets(%dma_start3A_202 : memref<80xi32, #tpu.memory_space<vmem>>) semaphore(%arg15 : memref<!tpu.dma_semaphore, #tpu.memory_space<semaphore_mem>>)
    %dma_start3A_206 = arith.constant 1920 : i32
    %dma_start3A_207 = tpu.memref_slice %arg7[%dma_start3A_206] : memref<2000xi32, #tpu.memory_space<vmem>> -> memref<80xi32, #tpu.memory_space<vmem>>
    %dma_start3A_208 = arith.constant 0 : i32
    %dma_start3A_209 = arith.constant 0 : i32
    %dma_start3A_210 = tpu.memref_slice %arg3[%dma_start3A_208, %dma_start3A_209] : memref<10000x128xf32, #tpu.memory_space<hbm>> -> memref<10000x128xf32, #tpu.memory_space<hbm>>
    tpu.enqueue_indirect_dma source(%dma_start3A_210 : memref<10000x128xf32, #tpu.memory_space<hbm>>) target(%arg12 : memref<80x128xf32, #tpu.memory_space<vmem>>) offsets(%dma_start3A_207 : memref<80xi32, #tpu.memory_space<vmem>>) semaphore(%arg15 : memref<!tpu.dma_semaphore, #tpu.memory_space<semaphore_mem>>)
    %dma_wait3A_211 = arith.constant 0 : i32
    %dma_wait3A_212 = tpu.memref_slice %arg6[%dma_wait3A_211] : memref<2000xi32, #tpu.memory_space<vmem>> -> memref<80xi32, #tpu.memory_space<vmem>>
    %dma_wait3A_213 = arith.constant 0 : i32
    %dma_wait3A_214 = arith.constant 0 : i32
    %dma_wait3A_215 = tpu.memref_slice %arg2[%dma_wait3A_213, %dma_wait3A_214] : memref<10000x128xf32, #tpu.memory_space<hbm>> -> memref<10000x128xf32, #tpu.memory_space<hbm>>
    tpu.wait_indirect_dma semaphore(%arg15 : memref<!tpu.dma_semaphore, #tpu.memory_space<semaphore_mem>>) src(%dma_wait3A_215 : memref<10000x128xf32, #tpu.memory_space<hbm>>) dst(%arg11 : memref<80x128xf32, #tpu.memory_space<vmem>>)
    %dma_wait3A_216 = arith.constant 0 : i32
    %dma_wait3A_217 = tpu.memref_slice %arg7[%dma_wait3A_216] : memref<2000xi32, #tpu.memory_space<vmem>> -> memref<80xi32, #tpu.memory_space<vmem>>
    %dma_wait3A_218 = arith.constant 0 : i32
    %dma_wait3A_219 = arith.constant 0 : i32
    %dma_wait3A_220 = tpu.memref_slice %arg3[%dma_wait3A_218, %dma_wait3A_219] : memref<10000x128xf32, #tpu.memory_space<hbm>> -> memref<10000x128xf32, #tpu.memory_space<hbm>>
    tpu.wait_indirect_dma semaphore(%arg15 : memref<!tpu.dma_semaphore, #tpu.memory_space<semaphore_mem>>) src(%dma_wait3A_220 : memref<10000x128xf32, #tpu.memory_space<hbm>>) dst(%arg13 : memref<80x128xf32, #tpu.memory_space<vmem>>)
    %get3A_221 = arith.constant 1840 : index
    %get3A_222 = tpu.vector_load %arg7[%get3A_221] {strides = array<i32>} : memref<2000xi32, #tpu.memory_space<vmem>>, vector<16xi32>,
    %get3A_223 = vector.shape_cast %get3A_222 : vector<16xi32> to vector<16xi32>
    %swap3A_224 = arith.constant 0 : index
    %swap3A_225 = tpu.vector_load %arg9[%swap3A_224] {strides = array<i32>} : memref<80xi32, #tpu.memory_space<vmem>>, vector<16xi32>,
    %swap3A_226 = vector.shape_cast %swap3A_225 : vector<16xi32> to vector<16xi32>
    %swap3A_227 = vector.shape_cast %get3A_223 : vector<16xi32> to vector<16xi32>
    tpu.vector_store %arg9[%swap3A_224], %swap3A_227 {strides = array<i32>} : memref<80xi32, #tpu.memory_space<vmem>>, vector<16xi32>,
    %get3A_228 = arith.constant 1856 : index
    %get3A_229 = tpu.vector_load %arg7[%get3A_228] {strides = array<i32>} : memref<2000xi32, #tpu.memory_space<vmem>>, vector<16xi32>,
    %get3A_230 = vector.shape_cast %get3A_229 : vector<16xi32> to vector<16xi32>
    %swap3A_231 = arith.constant 16 : index
    %swap3A_232 = tpu.vector_load %arg9[%swap3A_231] {strides = array<i32>} : memref<80xi32, #tpu.memory_space<vmem>>, vector<16xi32>,
    %swap3A_233 = vector.shape_cast %swap3A_232 : vector<16xi32> to vector<16xi32>
    %swap3A_234 = vector.shape_cast %get3A_230 : vector<16xi32> to vector<16xi32>
    tpu.vector_store %arg9[%swap3A_231], %swap3A_234 {strides = array<i32>} : memref<80xi32, #tpu.memory_space<vmem>>, vector<16xi32>,
    %get3A_235 = arith.constant 1872 : index
    %get3A_236 = tpu.vector_load %arg7[%get3A_235] {strides = array<i32>} : memref<2000xi32, #tpu.memory_space<vmem>>, vector<16xi32>,
    %get3A_237 = vector.shape_cast %get3A_236 : vector<16xi32> to vector<16xi32>
    %swap3A_238 = arith.constant 32 : index
    %swap3A_239 = tpu.vector_load %arg9[%swap3A_238] {strides = array<i32>} : memref<80xi32, #tpu.memory_space<vmem>>, vector<16xi32>,
    %swap3A_240 = vector.shape_cast %swap3A_239 : vector<16xi32> to vector<16xi32>
    %swap3A_241 = vector.shape_cast %get3A_237 : vector<16xi32> to vector<16xi32>
    tpu.vector_store %arg9[%swap3A_238], %swap3A_241 {strides = array<i32>} : memref<80xi32, #tpu.memory_space<vmem>>, vector<16xi32>,
    %get3A_242 = arith.constant 1888 : index
    %get3A_243 = tpu.vector_load %arg7[%get3A_242] {strides = array<i32>} : memref<2000xi32, #tpu.memory_space<vmem>>, vector<16xi32>,
    %get3A_244 = vector.shape_cast %get3A_243 : vector<16xi32> to vector<16xi32>
    %swap3A_245 = arith.constant 48 : index
    %swap3A_246 = tpu.vector_load %arg9[%swap3A_245] {strides = array<i32>} : memref<80xi32, #tpu.memory_space<vmem>>, vector<16xi32>,
    %swap3A_247 = vector.shape_cast %swap3A_246 : vector<16xi32> to vector<16xi32>
    %swap3A_248 = vector.shape_cast %get3A_244 : vector<16xi32> to vector<16xi32>
    tpu.vector_store %arg9[%swap3A_245], %swap3A_248 {strides = array<i32>} : memref<80xi32, #tpu.memory_space<vmem>>, vector<16xi32>,
    %get3A_249 = arith.constant 1904 : index
    %get3A_250 = tpu.vector_load %arg7[%get3A_249] {strides = array<i32>} : memref<2000xi32, #tpu.memory_space<vmem>>, vector<16xi32>,
    %get3A_251 = vector.shape_cast %get3A_250 : vector<16xi32> to vector<16xi32>
    %swap3A_252 = arith.constant 64 : index
    %swap3A_253 = tpu.vector_load %arg9[%swap3A_252] {strides = array<i32>} : memref<80xi32, #tpu.memory_space<vmem>>, vector<16xi32>,
    %swap3A_254 = vector.shape_cast %swap3A_253 : vector<16xi32> to vector<16xi32>
    %swap3A_255 = vector.shape_cast %get3A_251 : vector<16xi32> to vector<16xi32>
    tpu.vector_store %arg9[%swap3A_252], %swap3A_255 {strides = array<i32>} : memref<80xi32, #tpu.memory_space<vmem>>, vector<16xi32>,
    %parallel_loop3A_256 = arith.constant 0 : i32
    %parallel_loop3A_257 = arith.constant 80 : i32
    %parallel_loop3A_258 = arith.constant 1 : i32
    scf.for %parallel_loop3A_471 = %parallel_loop3A_256 to %parallel_loop3A_257 step %parallel_loop3A_258  : i32 {
      %parallel_loop3A_472 = arith.index_cast %parallel_loop3A_471 : i32 to index
      %parallel_loop3A_473 = arith.constant 0 : index
      %parallel_loop3A_474 = tpu.vector_load %arg11[%parallel_loop3A_472, %parallel_loop3A_473] {strides = array<i32>} : memref<80x128xf32, #tpu.memory_space<vmem>>, vector<1x16xf32>,
      %parallel_loop3A_475 = vector.shape_cast %parallel_loop3A_474 : vector<1x16xf32> to vector<16xf32>
      %parallel_loop3A_476 = arith.index_cast %parallel_loop3A_471 : i32 to index
      %parallel_loop3A_477 = arith.constant 0 : index
      %parallel_loop3A_478 = tpu.vector_load %arg13[%parallel_loop3A_476, %parallel_loop3A_477] {strides = array<i32>} : memref<80x128xf32, #tpu.memory_space<vmem>>, vector<1x16xf32>,
      %parallel_loop3A_479 = vector.shape_cast %parallel_loop3A_478 : vector<1x16xf32> to vector<16xf32>
      %parallel_loop3A_480 = arith.addf %parallel_loop3A_475, %parallel_loop3A_479 : vector<16xf32>
      %parallel_loop3A_481 = arith.constant 0.000000e+00 : f32
      %parallel_loop3A_482 = vector.broadcast %parallel_loop3A_481 : f32 to vector<16xf32>
      %parallel_loop3A_483 = arith.maximumf %parallel_loop3A_480, %parallel_loop3A_482 : vector<16xf32>
      %parallel_loop3A_484 = arith.index_cast %parallel_loop3A_471 : i32 to index
      %parallel_loop3A_485 = arith.constant 0 : index
      %parallel_loop3A_486 = tpu.vector_load %arg11[%parallel_loop3A_484, %parallel_loop3A_485] {strides = array<i32>} : memref<80x128xf32, #tpu.memory_space<vmem>>, vector<1x16xf32>,
      %parallel_loop3A_487 = vector.shape_cast %parallel_loop3A_486 : vector<1x16xf32> to vector<16xf32>
      %parallel_loop3A_488 = vector.shape_cast %parallel_loop3A_483 : vector<16xf32> to vector<1x16xf32>
      tpu.vector_store %arg11[%parallel_loop3A_484, %parallel_loop3A_485], %parallel_loop3A_488 {strides = array<i32>} : memref<80x128xf32, #tpu.memory_space<vmem>>, vector<1x16xf32>,
      %parallel_loop3A_489 = arith.index_cast %parallel_loop3A_471 : i32 to index
      %parallel_loop3A_490 = arith.constant 16 : index
      %parallel_loop3A_491 = tpu.vector_load %arg11[%parallel_loop3A_489, %parallel_loop3A_490] {strides = array<i32>} : memref<80x128xf32, #tpu.memory_space<vmem>>, vector<1x16xf32>,
      %parallel_loop3A_492 = vector.shape_cast %parallel_loop3A_491 : vector<1x16xf32> to vector<16xf32>
      %parallel_loop3A_493 = arith.index_cast %parallel_loop3A_471 : i32 to index
      %parallel_loop3A_494 = arith.constant 16 : index
      %parallel_loop3A_495 = tpu.vector_load %arg13[%parallel_loop3A_493, %parallel_loop3A_494] {strides = array<i32>} : memref<80x128xf32, #tpu.memory_space<vmem>>, vector<1x16xf32>,
      %parallel_loop3A_496 = vector.shape_cast %parallel_loop3A_495 : vector<1x16xf32> to vector<16xf32>
      %parallel_loop3A_497 = arith.addf %parallel_loop3A_492, %parallel_loop3A_496 : vector<16xf32>
      %parallel_loop3A_498 = arith.constant 0.000000e+00 : f32
      %parallel_loop3A_499 = vector.broadcast %parallel_loop3A_498 : f32 to vector<16xf32>
      %parallel_loop3A_500 = arith.maximumf %parallel_loop3A_497, %parallel_loop3A_499 : vector<16xf32>
      %parallel_loop3A_501 = arith.index_cast %parallel_loop3A_471 : i32 to index
      %parallel_loop3A_502 = arith.constant 16 : index
      %parallel_loop3A_503 = tpu.vector_load %arg11[%parallel_loop3A_501, %parallel_loop3A_502] {strides = array<i32>} : memref<80x128xf32, #tpu.memory_space<vmem>>, vector<1x16xf32>,
      %parallel_loop3A_504 = vector.shape_cast %parallel_loop3A_503 : vector<1x16xf32> to vector<16xf32>
      %parallel_loop3A_505 = vector.shape_cast %parallel_loop3A_500 : vector<16xf32> to vector<1x16xf32>
      tpu.vector_store %arg11[%parallel_loop3A_501, %parallel_loop3A_502], %parallel_loop3A_505 {strides = array<i32>} : memref<80x128xf32, #tpu.memory_space<vmem>>, vector<1x16xf32>,
      %parallel_loop3A_506 = arith.index_cast %parallel_loop3A_471 : i32 to index
      %parallel_loop3A_507 = arith.constant 32 : index
      %parallel_loop3A_508 = tpu.vector_load %arg11[%parallel_loop3A_506, %parallel_loop3A_507] {strides = array<i32>} : memref<80x128xf32, #tpu.memory_space<vmem>>, vector<1x16xf32>,
      %parallel_loop3A_509 = vector.shape_cast %parallel_loop3A_508 : vector<1x16xf32> to vector<16xf32>
      %parallel_loop3A_510 = arith.index_cast %parallel_loop3A_471 : i32 to index
      %parallel_loop3A_511 = arith.constant 32 : index
      %parallel_loop3A_512 = tpu.vector_load %arg13[%parallel_loop3A_510, %parallel_loop3A_511] {strides = array<i32>} : memref<80x128xf32, #tpu.memory_space<vmem>>, vector<1x16xf32>,
      %parallel_loop3A_513 = vector.shape_cast %parallel_loop3A_512 : vector<1x16xf32> to vector<16xf32>
      %parallel_loop3A_514 = arith.addf %parallel_loop3A_509, %parallel_loop3A_513 : vector<16xf32>
      %parallel_loop3A_515 = arith.constant 0.000000e+00 : f32
      %parallel_loop3A_516 = vector.broadcast %parallel_loop3A_515 : f32 to vector<16xf32>
      %parallel_loop3A_517 = arith.maximumf %parallel_loop3A_514, %parallel_loop3A_516 : vector<16xf32>
      %parallel_loop3A_518 = arith.index_cast %parallel_loop3A_471 : i32 to index
      %parallel_loop3A_519 = arith.constant 32 : index
      %parallel_loop3A_520 = tpu.vector_load %arg11[%parallel_loop3A_518, %parallel_loop3A_519] {strides = array<i32>} : memref<80x128xf32, #tpu.memory_space<vmem>>, vector<1x16xf32>,
      %parallel_loop3A_521 = vector.shape_cast %parallel_loop3A_520 : vector<1x16xf32> to vector<16xf32>
      %parallel_loop3A_522 = vector.shape_cast %parallel_loop3A_517 : vector<16xf32> to vector<1x16xf32>
      tpu.vector_store %arg11[%parallel_loop3A_518, %parallel_loop3A_519], %parallel_loop3A_522 {strides = array<i32>} : memref<80x128xf32, #tpu.memory_space<vmem>>, vector<1x16xf32>,
      %parallel_loop3A_523 = arith.index_cast %parallel_loop3A_471 : i32 to index
      %parallel_loop3A_524 = arith.constant 48 : index
      %parallel_loop3A_525 = tpu.vector_load %arg11[%parallel_loop3A_523, %parallel_loop3A_524] {strides = array<i32>} : memref<80x128xf32, #tpu.memory_space<vmem>>, vector<1x16xf32>,
      %parallel_loop3A_526 = vector.shape_cast %parallel_loop3A_525 : vector<1x16xf32> to vector<16xf32>
      %parallel_loop3A_527 = arith.index_cast %parallel_loop3A_471 : i32 to index
      %parallel_loop3A_528 = arith.constant 48 : index
      %parallel_loop3A_529 = tpu.vector_load %arg13[%parallel_loop3A_527, %parallel_loop3A_528] {strides = array<i32>} : memref<80x128xf32, #tpu.memory_space<vmem>>, vector<1x16xf32>,
      %parallel_loop3A_530 = vector.shape_cast %parallel_loop3A_529 : vector<1x16xf32> to vector<16xf32>
      %parallel_loop3A_531 = arith.addf %parallel_loop3A_526, %parallel_loop3A_530 : vector<16xf32>
      %parallel_loop3A_532 = arith.constant 0.000000e+00 : f32
      %parallel_loop3A_533 = vector.broadcast %parallel_loop3A_532 : f32 to vector<16xf32>
      %parallel_loop3A_534 = arith.maximumf %parallel_loop3A_531, %parallel_loop3A_533 : vector<16xf32>
      %parallel_loop3A_535 = arith.index_cast %parallel_loop3A_471 : i32 to index
      %parallel_loop3A_536 = arith.constant 48 : index
      %parallel_loop3A_537 = tpu.vector_load %arg11[%parallel_loop3A_535, %parallel_loop3A_536] {strides = array<i32>} : memref<80x128xf32, #tpu.memory_space<vmem>>, vector<1x16xf32>,
      %parallel_loop3A_538 = vector.shape_cast %parallel_loop3A_537 : vector<1x16xf32> to vector<16xf32>
      %parallel_loop3A_539 = vector.shape_cast %parallel_loop3A_534 : vector<16xf32> to vector<1x16xf32>
      tpu.vector_store %arg11[%parallel_loop3A_535, %parallel_loop3A_536], %parallel_loop3A_539 {strides = array<i32>} : memref<80x128xf32, #tpu.memory_space<vmem>>, vector<1x16xf32>,
      %parallel_loop3A_540 = arith.index_cast %parallel_loop3A_471 : i32 to index
      %parallel_loop3A_541 = arith.constant 64 : index
      %parallel_loop3A_542 = tpu.vector_load %arg11[%parallel_loop3A_540, %parallel_loop3A_541] {strides = array<i32>} : memref<80x128xf32, #tpu.memory_space<vmem>>, vector<1x16xf32>,
      %parallel_loop3A_543 = vector.shape_cast %parallel_loop3A_542 : vector<1x16xf32> to vector<16xf32>
      %parallel_loop3A_544 = arith.index_cast %parallel_loop3A_471 : i32 to index
      %parallel_loop3A_545 = arith.constant 64 : index
      %parallel_loop3A_546 = tpu.vector_load %arg13[%parallel_loop3A_544, %parallel_loop3A_545] {strides = array<i32>} : memref<80x128xf32, #tpu.memory_space<vmem>>, vector<1x16xf32>,
      %parallel_loop3A_547 = vector.shape_cast %parallel_loop3A_546 : vector<1x16xf32> to vector<16xf32>
      %parallel_loop3A_548 = arith.addf %parallel_loop3A_543, %parallel_loop3A_547 : vector<16xf32>
      %parallel_loop3A_549 = arith.constant 0.000000e+00 : f32
      %parallel_loop3A_550 = vector.broadcast %parallel_loop3A_549 : f32 to vector<16xf32>
      %parallel_loop3A_551 = arith.maximumf %parallel_loop3A_548, %parallel_loop3A_550 : vector<16xf32>
      %parallel_loop3A_552 = arith.index_cast %parallel_loop3A_471 : i32 to index
      %parallel_loop3A_553 = arith.constant 64 : index
      %parallel_loop3A_554 = tpu.vector_load %arg11[%parallel_loop3A_552, %parallel_loop3A_553] {strides = array<i32>} : memref<80x128xf32, #tpu.memory_space<vmem>>, vector<1x16xf32>,
      %parallel_loop3A_555 = vector.shape_cast %parallel_loop3A_554 : vector<1x16xf32> to vector<16xf32>
      %parallel_loop3A_556 = vector.shape_cast %parallel_loop3A_551 : vector<16xf32> to vector<1x16xf32>
      tpu.vector_store %arg11[%parallel_loop3A_552, %parallel_loop3A_553], %parallel_loop3A_556 {strides = array<i32>} : memref<80x128xf32, #tpu.memory_space<vmem>>, vector<1x16xf32>,
      %parallel_loop3A_557 = arith.index_cast %parallel_loop3A_471 : i32 to index
      %parallel_loop3A_558 = arith.constant 80 : index
      %parallel_loop3A_559 = tpu.vector_load %arg11[%parallel_loop3A_557, %parallel_loop3A_558] {strides = array<i32>} : memref<80x128xf32, #tpu.memory_space<vmem>>, vector<1x16xf32>,
      %parallel_loop3A_560 = vector.shape_cast %parallel_loop3A_559 : vector<1x16xf32> to vector<16xf32>
      %parallel_loop3A_561 = arith.index_cast %parallel_loop3A_471 : i32 to index
      %parallel_loop3A_562 = arith.constant 80 : index
      %parallel_loop3A_563 = tpu.vector_load %arg13[%parallel_loop3A_561, %parallel_loop3A_562] {strides = array<i32>} : memref<80x128xf32, #tpu.memory_space<vmem>>, vector<1x16xf32>,
      %parallel_loop3A_564 = vector.shape_cast %parallel_loop3A_563 : vector<1x16xf32> to vector<16xf32>
      %parallel_loop3A_565 = arith.addf %parallel_loop3A_560, %parallel_loop3A_564 : vector<16xf32>
      %parallel_loop3A_566 = arith.constant 0.000000e+00 : f32
      %parallel_loop3A_567 = vector.broadcast %parallel_loop3A_566 : f32 to vector<16xf32>
      %parallel_loop3A_568 = arith.maximumf %parallel_loop3A_565, %parallel_loop3A_567 : vector<16xf32>
      %parallel_loop3A_569 = arith.index_cast %parallel_loop3A_471 : i32 to index
      %parallel_loop3A_570 = arith.constant 80 : index
      %parallel_loop3A_571 = tpu.vector_load %arg11[%parallel_loop3A_569, %parallel_loop3A_570] {strides = array<i32>} : memref<80x128xf32, #tpu.memory_space<vmem>>, vector<1x16xf32>,
      %parallel_loop3A_572 = vector.shape_cast %parallel_loop3A_571 : vector<1x16xf32> to vector<16xf32>
      %parallel_loop3A_573 = vector.shape_cast %parallel_loop3A_568 : vector<16xf32> to vector<1x16xf32>
      tpu.vector_store %arg11[%parallel_loop3A_569, %parallel_loop3A_570], %parallel_loop3A_573 {strides = array<i32>} : memref<80x128xf32, #tpu.memory_space<vmem>>, vector<1x16xf32>,
      %parallel_loop3A_574 = arith.index_cast %parallel_loop3A_471 : i32 to index
      %parallel_loop3A_575 = arith.constant 96 : index
      %parallel_loop3A_576 = tpu.vector_load %arg11[%parallel_loop3A_574, %parallel_loop3A_575] {strides = array<i32>} : memref<80x128xf32, #tpu.memory_space<vmem>>, vector<1x16xf32>,
      %parallel_loop3A_577 = vector.shape_cast %parallel_loop3A_576 : vector<1x16xf32> to vector<16xf32>
      %parallel_loop3A_578 = arith.index_cast %parallel_loop3A_471 : i32 to index
      %parallel_loop3A_579 = arith.constant 96 : index
      %parallel_loop3A_580 = tpu.vector_load %arg13[%parallel_loop3A_578, %parallel_loop3A_579] {strides = array<i32>} : memref<80x128xf32, #tpu.memory_space<vmem>>, vector<1x16xf32>,
      %parallel_loop3A_581 = vector.shape_cast %parallel_loop3A_580 : vector<1x16xf32> to vector<16xf32>
      %parallel_loop3A_582 = arith.addf %parallel_loop3A_577, %parallel_loop3A_581 : vector<16xf32>
      %parallel_loop3A_583 = arith.constant 0.000000e+00 : f32
      %parallel_loop3A_584 = vector.broadcast %parallel_loop3A_583 : f32 to vector<16xf32>
      %parallel_loop3A_585 = arith.maximumf %parallel_loop3A_582, %parallel_loop3A_584 : vector<16xf32>
      %parallel_loop3A_586 = arith.index_cast %parallel_loop3A_471 : i32 to index
      %parallel_loop3A_587 = arith.constant 96 : index
      %parallel_loop3A_588 = tpu.vector_load %arg11[%parallel_loop3A_586, %parallel_loop3A_587] {strides = array<i32>} : memref<80x128xf32, #tpu.memory_space<vmem>>, vector<1x16xf32>,
      %parallel_loop3A_589 = vector.shape_cast %parallel_loop3A_588 : vector<1x16xf32> to vector<16xf32>
      %parallel_loop3A_590 = vector.shape_cast %parallel_loop3A_585 : vector<16xf32> to vector<1x16xf32>
      tpu.vector_store %arg11[%parallel_loop3A_586, %parallel_loop3A_587], %parallel_loop3A_590 {strides = array<i32>} : memref<80x128xf32, #tpu.memory_space<vmem>>, vector<1x16xf32>,
      %parallel_loop3A_591 = arith.index_cast %parallel_loop3A_471 : i32 to index
      %parallel_loop3A_592 = arith.constant 112 : index
      %parallel_loop3A_593 = tpu.vector_load %arg11[%parallel_loop3A_591, %parallel_loop3A_592] {strides = array<i32>} : memref<80x128xf32, #tpu.memory_space<vmem>>, vector<1x16xf32>,
      %parallel_loop3A_594 = vector.shape_cast %parallel_loop3A_593 : vector<1x16xf32> to vector<16xf32>
      %parallel_loop3A_595 = arith.index_cast %parallel_loop3A_471 : i32 to index
      %parallel_loop3A_596 = arith.constant 112 : index
      %parallel_loop3A_597 = tpu.vector_load %arg13[%parallel_loop3A_595, %parallel_loop3A_596] {strides = array<i32>} : memref<80x128xf32, #tpu.memory_space<vmem>>, vector<1x16xf32>,
      %parallel_loop3A_598 = vector.shape_cast %parallel_loop3A_597 : vector<1x16xf32> to vector<16xf32>
      %parallel_loop3A_599 = arith.addf %parallel_loop3A_594, %parallel_loop3A_598 : vector<16xf32>
      %parallel_loop3A_600 = arith.constant 0.000000e+00 : f32
      %parallel_loop3A_601 = vector.broadcast %parallel_loop3A_600 : f32 to vector<16xf32>
      %parallel_loop3A_602 = arith.maximumf %parallel_loop3A_599, %parallel_loop3A_601 : vector<16xf32>
      %parallel_loop3A_603 = arith.index_cast %parallel_loop3A_471 : i32 to index
      %parallel_loop3A_604 = arith.constant 112 : index
      %parallel_loop3A_605 = tpu.vector_load %arg11[%parallel_loop3A_603, %parallel_loop3A_604] {strides = array<i32>} : memref<80x128xf32, #tpu.memory_space<vmem>>, vector<1x16xf32>,
      %parallel_loop3A_606 = vector.shape_cast %parallel_loop3A_605 : vector<1x16xf32> to vector<16xf32>
      %parallel_loop3A_607 = vector.shape_cast %parallel_loop3A_602 : vector<16xf32> to vector<1x16xf32>
      tpu.vector_store %arg11[%parallel_loop3A_603, %parallel_loop3A_604], %parallel_loop3A_607 {strides = array<i32>} : memref<80x128xf32, #tpu.memory_space<vmem>>, vector<1x16xf32>,
    } {sc.loop_unroll_factor = 2 : i64, sc.parallel_access}
    %dma_start3A_259 = arith.constant 0 : i32
    %dma_start3A_260 = arith.constant 0 : i32
    %dma_start3A_261 = tpu.memref_slice %arg14[%dma_start3A_259, %dma_start3A_260] : memref<10240x128xf32, #tpu.memory_space<vmem_shared>> -> memref<10240x128xf32, #tpu.memory_space<vmem_shared>>
    tpu.enqueue_indirect_dma source(%arg11 : memref<80x128xf32, #tpu.memory_space<vmem>>) target(%dma_start3A_261 : memref<10240x128xf32, #tpu.memory_space<vmem_shared>>) offsets(%arg9 : memref<80xi32, #tpu.memory_space<vmem>>) semaphore(%arg16 : memref<!tpu.dma_semaphore, #tpu.memory_space<semaphore_mem>>) {add = true}
    %dma_wait3A_262 = arith.constant 0 : i32
    %dma_wait3A_263 = tpu.memref_slice %arg6[%dma_wait3A_262] : memref<2000xi32, #tpu.memory_space<vmem>> -> memref<80xi32, #tpu.memory_space<vmem>>
    %dma_wait3A_264 = arith.constant 0 : i32
    %dma_wait3A_265 = arith.constant 0 : i32
    %dma_wait3A_266 = tpu.memref_slice %arg2[%dma_wait3A_264, %dma_wait3A_265] : memref<10000x128xf32, #tpu.memory_space<hbm>> -> memref<10000x128xf32, #tpu.memory_space<hbm>>
    tpu.wait_indirect_dma semaphore(%arg15 : memref<!tpu.dma_semaphore, #tpu.memory_space<semaphore_mem>>) src(%dma_wait3A_266 : memref<10000x128xf32, #tpu.memory_space<hbm>>) dst(%arg10 : memref<80x128xf32, #tpu.memory_space<vmem>>)
    %dma_wait3A_267 = arith.constant 0 : i32
    %dma_wait3A_268 = tpu.memref_slice %arg7[%dma_wait3A_267] : memref<2000xi32, #tpu.memory_space<vmem>> -> memref<80xi32, #tpu.memory_space<vmem>>
    %dma_wait3A_269 = arith.constant 0 : i32
    %dma_wait3A_270 = arith.constant 0 : i32
    %dma_wait3A_271 = tpu.memref_slice %arg3[%dma_wait3A_269, %dma_wait3A_270] : memref<10000x128xf32, #tpu.memory_space<hbm>> -> memref<10000x128xf32, #tpu.memory_space<hbm>>
    tpu.wait_indirect_dma semaphore(%arg15 : memref<!tpu.dma_semaphore, #tpu.memory_space<semaphore_mem>>) src(%dma_wait3A_271 : memref<10000x128xf32, #tpu.memory_space<hbm>>) dst(%arg12 : memref<80x128xf32, #tpu.memory_space<vmem>>)
    %get3A_272 = arith.constant 1920 : index
    %get3A_273 = tpu.vector_load %arg7[%get3A_272] {strides = array<i32>} : memref<2000xi32, #tpu.memory_space<vmem>>, vector<16xi32>,
    %get3A_274 = vector.shape_cast %get3A_273 : vector<16xi32> to vector<16xi32>
    %swap3A_275 = arith.constant 0 : index
    %swap3A_276 = tpu.vector_load %arg8[%swap3A_275] {strides = array<i32>} : memref<80xi32, #tpu.memory_space<vmem>>, vector<16xi32>,
    %swap3A_277 = vector.shape_cast %swap3A_276 : vector<16xi32> to vector<16xi32>
    %swap3A_278 = vector.shape_cast %get3A_274 : vector<16xi32> to vector<16xi32>
    tpu.vector_store %arg8[%swap3A_275], %swap3A_278 {strides = array<i32>} : memref<80xi32, #tpu.memory_space<vmem>>, vector<16xi32>,
    %get3A_279 = arith.constant 1936 : index
    %get3A_280 = tpu.vector_load %arg7[%get3A_279] {strides = array<i32>} : memref<2000xi32, #tpu.memory_space<vmem>>, vector<16xi32>,
    %get3A_281 = vector.shape_cast %get3A_280 : vector<16xi32> to vector<16xi32>
    %swap3A_282 = arith.constant 16 : index
    %swap3A_283 = tpu.vector_load %arg8[%swap3A_282] {strides = array<i32>} : memref<80xi32, #tpu.memory_space<vmem>>, vector<16xi32>,
    %swap3A_284 = vector.shape_cast %swap3A_283 : vector<16xi32> to vector<16xi32>
    %swap3A_285 = vector.shape_cast %get3A_281 : vector<16xi32> to vector<16xi32>
    tpu.vector_store %arg8[%swap3A_282], %swap3A_285 {strides = array<i32>} : memref<80xi32, #tpu.memory_space<vmem>>, vector<16xi32>,
    %get3A_286 = arith.constant 1952 : index
    %get3A_287 = tpu.vector_load %arg7[%get3A_286] {strides = array<i32>} : memref<2000xi32, #tpu.memory_space<vmem>>, vector<16xi32>,
    %get3A_288 = vector.shape_cast %get3A_287 : vector<16xi32> to vector<16xi32>
    %swap3A_289 = arith.constant 32 : index
    %swap3A_290 = tpu.vector_load %arg8[%swap3A_289] {strides = array<i32>} : memref<80xi32, #tpu.memory_space<vmem>>, vector<16xi32>,
    %swap3A_291 = vector.shape_cast %swap3A_290 : vector<16xi32> to vector<16xi32>
    %swap3A_292 = vector.shape_cast %get3A_288 : vector<16xi32> to vector<16xi32>
    tpu.vector_store %arg8[%swap3A_289], %swap3A_292 {strides = array<i32>} : memref<80xi32, #tpu.memory_space<vmem>>, vector<16xi32>,
    %get3A_293 = arith.constant 1968 : index
    %get3A_294 = tpu.vector_load %arg7[%get3A_293] {strides = array<i32>} : memref<2000xi32, #tpu.memory_space<vmem>>, vector<16xi32>,
    %get3A_295 = vector.shape_cast %get3A_294 : vector<16xi32> to vector<16xi32>
    %swap3A_296 = arith.constant 48 : index
    %swap3A_297 = tpu.vector_load %arg8[%swap3A_296] {strides = array<i32>} : memref<80xi32, #tpu.memory_space<vmem>>, vector<16xi32>,
    %swap3A_298 = vector.shape_cast %swap3A_297 : vector<16xi32> to vector<16xi32>
    %swap3A_299 = vector.shape_cast %get3A_295 : vector<16xi32> to vector<16xi32>
    tpu.vector_store %arg8[%swap3A_296], %swap3A_299 {strides = array<i32>} : memref<80xi32, #tpu.memory_space<vmem>>, vector<16xi32>,
    %get3A_300 = arith.constant 1984 : index
    %get3A_301 = tpu.vector_load %arg7[%get3A_300] {strides = array<i32>} : memref<2000xi32, #tpu.memory_space<vmem>>, vector<16xi32>,
    %get3A_302 = vector.shape_cast %get3A_301 : vector<16xi32> to vector<16xi32>
    %swap3A_303 = arith.constant 64 : index
    %swap3A_304 = tpu.vector_load %arg8[%swap3A_303] {strides = array<i32>} : memref<80xi32, #tpu.memory_space<vmem>>, vector<16xi32>,
    %swap3A_305 = vector.shape_cast %swap3A_304 : vector<16xi32> to vector<16xi32>
    %swap3A_306 = vector.shape_cast %get3A_302 : vector<16xi32> to vector<16xi32>
    tpu.vector_store %arg8[%swap3A_303], %swap3A_306 {strides = array<i32>} : memref<80xi32, #tpu.memory_space<vmem>>, vector<16xi32>,
    %parallel_loop3A_307 = arith.constant 0 : i32
    %parallel_loop3A_308 = arith.constant 80 : i32
    %parallel_loop3A_309 = arith.constant 1 : i32
    scf.for %parallel_loop3A_471 = %parallel_loop3A_307 to %parallel_loop3A_308 step %parallel_loop3A_309  : i32 {
      %parallel_loop3A_472 = arith.index_cast %parallel_loop3A_471 : i32 to index
      %parallel_loop3A_473 = arith.constant 0 : index
      %parallel_loop3A_474 = tpu.vector_load %arg10[%parallel_loop3A_472, %parallel_loop3A_473] {strides = array<i32>} : memref<80x128xf32, #tpu.memory_space<vmem>>, vector<1x16xf32>,
      %parallel_loop3A_475 = vector.shape_cast %parallel_loop3A_474 : vector<1x16xf32> to vector<16xf32>
      %parallel_loop3A_476 = arith.index_cast %parallel_loop3A_471 : i32 to index
      %parallel_loop3A_477 = arith.constant 0 : index
      %parallel_loop3A_478 = tpu.vector_load %arg12[%parallel_loop3A_476, %parallel_loop3A_477] {strides = array<i32>} : memref<80x128xf32, #tpu.memory_space<vmem>>, vector<1x16xf32>,
      %parallel_loop3A_479 = vector.shape_cast %parallel_loop3A_478 : vector<1x16xf32> to vector<16xf32>
      %parallel_loop3A_480 = arith.addf %parallel_loop3A_475, %parallel_loop3A_479 : vector<16xf32>
      %parallel_loop3A_481 = arith.constant 0.000000e+00 : f32
      %parallel_loop3A_482 = vector.broadcast %parallel_loop3A_481 : f32 to vector<16xf32>
      %parallel_loop3A_483 = arith.maximumf %parallel_loop3A_480, %parallel_loop3A_482 : vector<16xf32>
      %parallel_loop3A_484 = arith.index_cast %parallel_loop3A_471 : i32 to index
      %parallel_loop3A_485 = arith.constant 0 : index
      %parallel_loop3A_486 = tpu.vector_load %arg10[%parallel_loop3A_484, %parallel_loop3A_485] {strides = array<i32>} : memref<80x128xf32, #tpu.memory_space<vmem>>, vector<1x16xf32>,
      %parallel_loop3A_487 = vector.shape_cast %parallel_loop3A_486 : vector<1x16xf32> to vector<16xf32>
      %parallel_loop3A_488 = vector.shape_cast %parallel_loop3A_483 : vector<16xf32> to vector<1x16xf32>
      tpu.vector_store %arg10[%parallel_loop3A_484, %parallel_loop3A_485], %parallel_loop3A_488 {strides = array<i32>} : memref<80x128xf32, #tpu.memory_space<vmem>>, vector<1x16xf32>,
      %parallel_loop3A_489 = arith.index_cast %parallel_loop3A_471 : i32 to index
      %parallel_loop3A_490 = arith.constant 16 : index
      %parallel_loop3A_491 = tpu.vector_load %arg10[%parallel_loop3A_489, %parallel_loop3A_490] {strides = array<i32>} : memref<80x128xf32, #tpu.memory_space<vmem>>, vector<1x16xf32>,
      %parallel_loop3A_492 = vector.shape_cast %parallel_loop3A_491 : vector<1x16xf32> to vector<16xf32>
      %parallel_loop3A_493 = arith.index_cast %parallel_loop3A_471 : i32 to index
      %parallel_loop3A_494 = arith.constant 16 : index
      %parallel_loop3A_495 = tpu.vector_load %arg12[%parallel_loop3A_493, %parallel_loop3A_494] {strides = array<i32>} : memref<80x128xf32, #tpu.memory_space<vmem>>, vector<1x16xf32>,
      %parallel_loop3A_496 = vector.shape_cast %parallel_loop3A_495 : vector<1x16xf32> to vector<16xf32>
      %parallel_loop3A_497 = arith.addf %parallel_loop3A_492, %parallel_loop3A_496 : vector<16xf32>
      %parallel_loop3A_498 = arith.constant 0.000000e+00 : f32
      %parallel_loop3A_499 = vector.broadcast %parallel_loop3A_498 : f32 to vector<16xf32>
      %parallel_loop3A_500 = arith.maximumf %parallel_loop3A_497, %parallel_loop3A_499 : vector<16xf32>
      %parallel_loop3A_501 = arith.index_cast %parallel_loop3A_471 : i32 to index
      %parallel_loop3A_502 = arith.constant 16 : index
      %parallel_loop3A_503 = tpu.vector_load %arg10[%parallel_loop3A_501, %parallel_loop3A_502] {strides = array<i32>} : memref<80x128xf32, #tpu.memory_space<vmem>>, vector<1x16xf32>,
      %parallel_loop3A_504 = vector.shape_cast %parallel_loop3A_503 : vector<1x16xf32> to vector<16xf32>
      %parallel_loop3A_505 = vector.shape_cast %parallel_loop3A_500 : vector<16xf32> to vector<1x16xf32>
      tpu.vector_store %arg10[%parallel_loop3A_501, %parallel_loop3A_502], %parallel_loop3A_505 {strides = array<i32>} : memref<80x128xf32, #tpu.memory_space<vmem>>, vector<1x16xf32>,
      %parallel_loop3A_506 = arith.index_cast %parallel_loop3A_471 : i32 to index
      %parallel_loop3A_507 = arith.constant 32 : index
      %parallel_loop3A_508 = tpu.vector_load %arg10[%parallel_loop3A_506, %parallel_loop3A_507] {strides = array<i32>} : memref<80x128xf32, #tpu.memory_space<vmem>>, vector<1x16xf32>,
      %parallel_loop3A_509 = vector.shape_cast %parallel_loop3A_508 : vector<1x16xf32> to vector<16xf32>
      %parallel_loop3A_510 = arith.index_cast %parallel_loop3A_471 : i32 to index
      %parallel_loop3A_511 = arith.constant 32 : index
      %parallel_loop3A_512 = tpu.vector_load %arg12[%parallel_loop3A_510, %parallel_loop3A_511] {strides = array<i32>} : memref<80x128xf32, #tpu.memory_space<vmem>>, vector<1x16xf32>,
      %parallel_loop3A_513 = vector.shape_cast %parallel_loop3A_512 : vector<1x16xf32> to vector<16xf32>
      %parallel_loop3A_514 = arith.addf %parallel_loop3A_509, %parallel_loop3A_513 : vector<16xf32>
      %parallel_loop3A_515 = arith.constant 0.000000e+00 : f32
      %parallel_loop3A_516 = vector.broadcast %parallel_loop3A_515 : f32 to vector<16xf32>
      %parallel_loop3A_517 = arith.maximumf %parallel_loop3A_514, %parallel_loop3A_516 : vector<16xf32>
      %parallel_loop3A_518 = arith.index_cast %parallel_loop3A_471 : i32 to index
      %parallel_loop3A_519 = arith.constant 32 : index
      %parallel_loop3A_520 = tpu.vector_load %arg10[%parallel_loop3A_518, %parallel_loop3A_519] {strides = array<i32>} : memref<80x128xf32, #tpu.memory_space<vmem>>, vector<1x16xf32>,
      %parallel_loop3A_521 = vector.shape_cast %parallel_loop3A_520 : vector<1x16xf32> to vector<16xf32>
      %parallel_loop3A_522 = vector.shape_cast %parallel_loop3A_517 : vector<16xf32> to vector<1x16xf32>
      tpu.vector_store %arg10[%parallel_loop3A_518, %parallel_loop3A_519], %parallel_loop3A_522 {strides = array<i32>} : memref<80x128xf32, #tpu.memory_space<vmem>>, vector<1x16xf32>,
      %parallel_loop3A_523 = arith.index_cast %parallel_loop3A_471 : i32 to index
      %parallel_loop3A_524 = arith.constant 48 : index
      %parallel_loop3A_525 = tpu.vector_load %arg10[%parallel_loop3A_523, %parallel_loop3A_524] {strides = array<i32>} : memref<80x128xf32, #tpu.memory_space<vmem>>, vector<1x16xf32>,
      %parallel_loop3A_526 = vector.shape_cast %parallel_loop3A_525 : vector<1x16xf32> to vector<16xf32>
      %parallel_loop3A_527 = arith.index_cast %parallel_loop3A_471 : i32 to index
      %parallel_loop3A_528 = arith.constant 48 : index
      %parallel_loop3A_529 = tpu.vector_load %arg12[%parallel_loop3A_527, %parallel_loop3A_528] {strides = array<i32>} : memref<80x128xf32, #tpu.memory_space<vmem>>, vector<1x16xf32>,
      %parallel_loop3A_530 = vector.shape_cast %parallel_loop3A_529 : vector<1x16xf32> to vector<16xf32>
      %parallel_loop3A_531 = arith.addf %parallel_loop3A_526, %parallel_loop3A_530 : vector<16xf32>
      %parallel_loop3A_532 = arith.constant 0.000000e+00 : f32
      %parallel_loop3A_533 = vector.broadcast %parallel_loop3A_532 : f32 to vector<16xf32>
      %parallel_loop3A_534 = arith.maximumf %parallel_loop3A_531, %parallel_loop3A_533 : vector<16xf32>
      %parallel_loop3A_535 = arith.index_cast %parallel_loop3A_471 : i32 to index
      %parallel_loop3A_536 = arith.constant 48 : index
      %parallel_loop3A_537 = tpu.vector_load %arg10[%parallel_loop3A_535, %parallel_loop3A_536] {strides = array<i32>} : memref<80x128xf32, #tpu.memory_space<vmem>>, vector<1x16xf32>,
      %parallel_loop3A_538 = vector.shape_cast %parallel_loop3A_537 : vector<1x16xf32> to vector<16xf32>
      %parallel_loop3A_539 = vector.shape_cast %parallel_loop3A_534 : vector<16xf32> to vector<1x16xf32>
      tpu.vector_store %arg10[%parallel_loop3A_535, %parallel_loop3A_536], %parallel_loop3A_539 {strides = array<i32>} : memref<80x128xf32, #tpu.memory_space<vmem>>, vector<1x16xf32>,
      %parallel_loop3A_540 = arith.index_cast %parallel_loop3A_471 : i32 to index
      %parallel_loop3A_541 = arith.constant 64 : index
      %parallel_loop3A_542 = tpu.vector_load %arg10[%parallel_loop3A_540, %parallel_loop3A_541] {strides = array<i32>} : memref<80x128xf32, #tpu.memory_space<vmem>>, vector<1x16xf32>,
      %parallel_loop3A_543 = vector.shape_cast %parallel_loop3A_542 : vector<1x16xf32> to vector<16xf32>
      %parallel_loop3A_544 = arith.index_cast %parallel_loop3A_471 : i32 to index
      %parallel_loop3A_545 = arith.constant 64 : index
      %parallel_loop3A_546 = tpu.vector_load %arg12[%parallel_loop3A_544, %parallel_loop3A_545] {strides = array<i32>} : memref<80x128xf32, #tpu.memory_space<vmem>>, vector<1x16xf32>,
      %parallel_loop3A_547 = vector.shape_cast %parallel_loop3A_546 : vector<1x16xf32> to vector<16xf32>
      %parallel_loop3A_548 = arith.addf %parallel_loop3A_543, %parallel_loop3A_547 : vector<16xf32>
      %parallel_loop3A_549 = arith.constant 0.000000e+00 : f32
      %parallel_loop3A_550 = vector.broadcast %parallel_loop3A_549 : f32 to vector<16xf32>
      %parallel_loop3A_551 = arith.maximumf %parallel_loop3A_548, %parallel_loop3A_550 : vector<16xf32>
      %parallel_loop3A_552 = arith.index_cast %parallel_loop3A_471 : i32 to index
      %parallel_loop3A_553 = arith.constant 64 : index
      %parallel_loop3A_554 = tpu.vector_load %arg10[%parallel_loop3A_552, %parallel_loop3A_553] {strides = array<i32>} : memref<80x128xf32, #tpu.memory_space<vmem>>, vector<1x16xf32>,
      %parallel_loop3A_555 = vector.shape_cast %parallel_loop3A_554 : vector<1x16xf32> to vector<16xf32>
      %parallel_loop3A_556 = vector.shape_cast %parallel_loop3A_551 : vector<16xf32> to vector<1x16xf32>
      tpu.vector_store %arg10[%parallel_loop3A_552, %parallel_loop3A_553], %parallel_loop3A_556 {strides = array<i32>} : memref<80x128xf32, #tpu.memory_space<vmem>>, vector<1x16xf32>,
      %parallel_loop3A_557 = arith.index_cast %parallel_loop3A_471 : i32 to index
      %parallel_loop3A_558 = arith.constant 80 : index
      %parallel_loop3A_559 = tpu.vector_load %arg10[%parallel_loop3A_557, %parallel_loop3A_558] {strides = array<i32>} : memref<80x128xf32, #tpu.memory_space<vmem>>, vector<1x16xf32>,
      %parallel_loop3A_560 = vector.shape_cast %parallel_loop3A_559 : vector<1x16xf32> to vector<16xf32>
      %parallel_loop3A_561 = arith.index_cast %parallel_loop3A_471 : i32 to index
      %parallel_loop3A_562 = arith.constant 80 : index
      %parallel_loop3A_563 = tpu.vector_load %arg12[%parallel_loop3A_561, %parallel_loop3A_562] {strides = array<i32>} : memref<80x128xf32, #tpu.memory_space<vmem>>, vector<1x16xf32>,
      %parallel_loop3A_564 = vector.shape_cast %parallel_loop3A_563 : vector<1x16xf32> to vector<16xf32>
      %parallel_loop3A_565 = arith.addf %parallel_loop3A_560, %parallel_loop3A_564 : vector<16xf32>
      %parallel_loop3A_566 = arith.constant 0.000000e+00 : f32
      %parallel_loop3A_567 = vector.broadcast %parallel_loop3A_566 : f32 to vector<16xf32>
      %parallel_loop3A_568 = arith.maximumf %parallel_loop3A_565, %parallel_loop3A_567 : vector<16xf32>
      %parallel_loop3A_569 = arith.index_cast %parallel_loop3A_471 : i32 to index
      %parallel_loop3A_570 = arith.constant 80 : index
      %parallel_loop3A_571 = tpu.vector_load %arg10[%parallel_loop3A_569, %parallel_loop3A_570] {strides = array<i32>} : memref<80x128xf32, #tpu.memory_space<vmem>>, vector<1x16xf32>,
      %parallel_loop3A_572 = vector.shape_cast %parallel_loop3A_571 : vector<1x16xf32> to vector<16xf32>
      %parallel_loop3A_573 = vector.shape_cast %parallel_loop3A_568 : vector<16xf32> to vector<1x16xf32>
      tpu.vector_store %arg10[%parallel_loop3A_569, %parallel_loop3A_570], %parallel_loop3A_573 {strides = array<i32>} : memref<80x128xf32, #tpu.memory_space<vmem>>, vector<1x16xf32>,
      %parallel_loop3A_574 = arith.index_cast %parallel_loop3A_471 : i32 to index
      %parallel_loop3A_575 = arith.constant 96 : index
      %parallel_loop3A_576 = tpu.vector_load %arg10[%parallel_loop3A_574, %parallel_loop3A_575] {strides = array<i32>} : memref<80x128xf32, #tpu.memory_space<vmem>>, vector<1x16xf32>,
      %parallel_loop3A_577 = vector.shape_cast %parallel_loop3A_576 : vector<1x16xf32> to vector<16xf32>
      %parallel_loop3A_578 = arith.index_cast %parallel_loop3A_471 : i32 to index
      %parallel_loop3A_579 = arith.constant 96 : index
      %parallel_loop3A_580 = tpu.vector_load %arg12[%parallel_loop3A_578, %parallel_loop3A_579] {strides = array<i32>} : memref<80x128xf32, #tpu.memory_space<vmem>>, vector<1x16xf32>,
      %parallel_loop3A_581 = vector.shape_cast %parallel_loop3A_580 : vector<1x16xf32> to vector<16xf32>
      %parallel_loop3A_582 = arith.addf %parallel_loop3A_577, %parallel_loop3A_581 : vector<16xf32>
      %parallel_loop3A_583 = arith.constant 0.000000e+00 : f32
      %parallel_loop3A_584 = vector.broadcast %parallel_loop3A_583 : f32 to vector<16xf32>
      %parallel_loop3A_585 = arith.maximumf %parallel_loop3A_582, %parallel_loop3A_584 : vector<16xf32>
      %parallel_loop3A_586 = arith.index_cast %parallel_loop3A_471 : i32 to index
      %parallel_loop3A_587 = arith.constant 96 : index
      %parallel_loop3A_588 = tpu.vector_load %arg10[%parallel_loop3A_586, %parallel_loop3A_587] {strides = array<i32>} : memref<80x128xf32, #tpu.memory_space<vmem>>, vector<1x16xf32>,
      %parallel_loop3A_589 = vector.shape_cast %parallel_loop3A_588 : vector<1x16xf32> to vector<16xf32>
      %parallel_loop3A_590 = vector.shape_cast %parallel_loop3A_585 : vector<16xf32> to vector<1x16xf32>
      tpu.vector_store %arg10[%parallel_loop3A_586, %parallel_loop3A_587], %parallel_loop3A_590 {strides = array<i32>} : memref<80x128xf32, #tpu.memory_space<vmem>>, vector<1x16xf32>,
      %parallel_loop3A_591 = arith.index_cast %parallel_loop3A_471 : i32 to index
      %parallel_loop3A_592 = arith.constant 112 : index
      %parallel_loop3A_593 = tpu.vector_load %arg10[%parallel_loop3A_591, %parallel_loop3A_592] {strides = array<i32>} : memref<80x128xf32, #tpu.memory_space<vmem>>, vector<1x16xf32>,
      %parallel_loop3A_594 = vector.shape_cast %parallel_loop3A_593 : vector<1x16xf32> to vector<16xf32>
      %parallel_loop3A_595 = arith.index_cast %parallel_loop3A_471 : i32 to index
      %parallel_loop3A_596 = arith.constant 112 : index
      %parallel_loop3A_597 = tpu.vector_load %arg12[%parallel_loop3A_595, %parallel_loop3A_596] {strides = array<i32>} : memref<80x128xf32, #tpu.memory_space<vmem>>, vector<1x16xf32>,
      %parallel_loop3A_598 = vector.shape_cast %parallel_loop3A_597 : vector<1x16xf32> to vector<16xf32>
      %parallel_loop3A_599 = arith.addf %parallel_loop3A_594, %parallel_loop3A_598 : vector<16xf32>
      %parallel_loop3A_600 = arith.constant 0.000000e+00 : f32
      %parallel_loop3A_601 = vector.broadcast %parallel_loop3A_600 : f32 to vector<16xf32>
      %parallel_loop3A_602 = arith.maximumf %parallel_loop3A_599, %parallel_loop3A_601 : vector<16xf32>
      %parallel_loop3A_603 = arith.index_cast %parallel_loop3A_471 : i32 to index
      %parallel_loop3A_604 = arith.constant 112 : index
      %parallel_loop3A_605 = tpu.vector_load %arg10[%parallel_loop3A_603, %parallel_loop3A_604] {strides = array<i32>} : memref<80x128xf32, #tpu.memory_space<vmem>>, vector<1x16xf32>,
      %parallel_loop3A_606 = vector.shape_cast %parallel_loop3A_605 : vector<1x16xf32> to vector<16xf32>
      %parallel_loop3A_607 = vector.shape_cast %parallel_loop3A_602 : vector<16xf32> to vector<1x16xf32>
      tpu.vector_store %arg10[%parallel_loop3A_603, %parallel_loop3A_604], %parallel_loop3A_607 {strides = array<i32>} : memref<80x128xf32, #tpu.memory_space<vmem>>, vector<1x16xf32>,
    } {sc.loop_unroll_factor = 2 : i64, sc.parallel_access}
    %dma_start3A_310 = arith.constant 0 : i32
    %dma_start3A_311 = arith.constant 0 : i32
    %dma_start3A_312 = tpu.memref_slice %arg14[%dma_start3A_310, %dma_start3A_311] : memref<10240x128xf32, #tpu.memory_space<vmem_shared>> -> memref<10240x128xf32, #tpu.memory_space<vmem_shared>>
    tpu.enqueue_indirect_dma source(%arg10 : memref<80x128xf32, #tpu.memory_space<vmem>>) target(%dma_start3A_312 : memref<10240x128xf32, #tpu.memory_space<vmem_shared>>) offsets(%arg8 : memref<80xi32, #tpu.memory_space<vmem>>) semaphore(%arg16 : memref<!tpu.dma_semaphore, #tpu.memory_space<semaphore_mem>>) {add = true}
    %scan3A_313 = arith.constant 0 : i32
    %scan3A_314 = arith.constant 1 : i32
    %scan3A_315 = arith.constant 4 : i32
    %scan3A_316 = arith.addi %scan3A_314, %scan3A_315 : i32
    %scan3A_317 = arith.constant 1 : i32
    %scan3A_318 = scf.for %scan3A_471 = %scan3A_314 to %scan3A_316 step %scan3A_317 iter_args(%scan3A_472 = %scan3A_313) -> (i32)  : i32 {
      %mul3A_473 = arith.constant 2000 : i32
      %mul3A_474 = arith.muli %scan3A_471, %mul3A_473 : i32
      %add3A_475 = arith.addi %mul3A_118, %mul3A_474 : i32
      "tpu.region"() ({
        %run_scoped3A = tpu.sem_alloc : memref<!tpu.dma_semaphore, #tpu.memory_space<semaphore_mem>>
        %dma_start3A_678 = tpu.memref_slice %arg4[%add3A_475] : memref<640000xi32, #tpu.memory_space<hbm>> -> memref<2000xi32, #tpu.memory_space<hbm>>
        %dma_start3A_679 = tpu.memref_slice %arg4[%add3A_475] : memref<640000xi32, #tpu.memory_space<hbm>> -> memref<2000xi32, #tpu.memory_space<hbm>>
        tpu.enqueue_dma source(%dma_start3A_679 : memref<2000xi32, #tpu.memory_space<hbm>>) target(%arg6 : memref<2000xi32, #tpu.memory_space<vmem>>) target_semaphore(%run_scoped3A : memref<!tpu.dma_semaphore, #tpu.memory_space<semaphore_mem>>)
        %dma_wait3A_680 = tpu.memref_slice %arg4[%add3A_475] : memref<640000xi32, #tpu.memory_space<hbm>> -> memref<2000xi32, #tpu.memory_space<hbm>>
        %dma_wait3A_681 = tpu.memref_slice %arg4[%add3A_475] : memref<640000xi32, #tpu.memory_space<hbm>> -> memref<2000xi32, #tpu.memory_space<hbm>>
        tpu.wait_dma2 semaphore(%run_scoped3A : memref<!tpu.dma_semaphore, #tpu.memory_space<semaphore_mem>>) src(%dma_wait3A_681 : memref<2000xi32, #tpu.memory_space<hbm>>) dst(%arg6 : memref<2000xi32, #tpu.memory_space<vmem>>)
        tpu.yield
      }) : () -> ()
      %add3A_476 = arith.constant 320000 : i32
      %add3A_477 = arith.addi %add3A_476, %add3A_475 : i32
      "tpu.region"() ({
        %run_scoped3A = tpu.sem_alloc : memref<!tpu.dma_semaphore, #tpu.memory_space<semaphore_mem>>
        %dma_start3A_678 = tpu.memref_slice %arg4[%add3A_477] : memref<640000xi32, #tpu.memory_space<hbm>> -> memref<2000xi32, #tpu.memory_space<hbm>>
        %dma_start3A_679 = tpu.memref_slice %arg4[%add3A_477] : memref<640000xi32, #tpu.memory_space<hbm>> -> memref<2000xi32, #tpu.memory_space<hbm>>
        tpu.enqueue_dma source(%dma_start3A_679 : memref<2000xi32, #tpu.memory_space<hbm>>) target(%arg7 : memref<2000xi32, #tpu.memory_space<vmem>>) target_semaphore(%run_scoped3A : memref<!tpu.dma_semaphore, #tpu.memory_space<semaphore_mem>>)
        %dma_wait3A_680 = tpu.memref_slice %arg4[%add3A_477] : memref<640000xi32, #tpu.memory_space<hbm>> -> memref<2000xi32, #tpu.memory_space<hbm>>
        %dma_wait3A_681 = tpu.memref_slice %arg4[%add3A_477] : memref<640000xi32, #tpu.memory_space<hbm>> -> memref<2000xi32, #tpu.memory_space<hbm>>
        tpu.wait_dma2 semaphore(%run_scoped3A : memref<!tpu.dma_semaphore, #tpu.memory_space<semaphore_mem>>) src(%dma_wait3A_681 : memref<2000xi32, #tpu.memory_space<hbm>>) dst(%arg7 : memref<2000xi32, #tpu.memory_space<vmem>>)
        tpu.yield
      }) : () -> ()
      %dma_wait3A_478 = arith.constant 0 : i32
      %dma_wait3A_479 = arith.constant 0 : i32
      %dma_wait3A_480 = tpu.memref_slice %arg14[%dma_wait3A_478, %dma_wait3A_479] : memref<10240x128xf32, #tpu.memory_space<vmem_shared>> -> memref<10240x128xf32, #tpu.memory_space<vmem_shared>>
      tpu.wait_indirect_dma semaphore(%arg16 : memref<!tpu.dma_semaphore, #tpu.memory_space<semaphore_mem>>) src(%arg10 : memref<80x128xf32, #tpu.memory_space<vmem>>) dst(%dma_wait3A_480 : memref<10240x128xf32, #tpu.memory_space<vmem_shared>>)
      %dma_start3A_481 = arith.constant 0 : i32
      %dma_start3A_482 = tpu.memref_slice %arg6[%dma_start3A_481] : memref<2000xi32, #tpu.memory_space<vmem>> -> memref<80xi32, #tpu.memory_space<vmem>>
      %dma_start3A_483 = arith.constant 0 : i32
      %dma_start3A_484 = arith.constant 0 : i32
      %dma_start3A_485 = tpu.memref_slice %arg2[%dma_start3A_483, %dma_start3A_484] : memref<10000x128xf32, #tpu.memory_space<hbm>> -> memref<10000x128xf32, #tpu.memory_space<hbm>>
      tpu.enqueue_indirect_dma source(%dma_start3A_485 : memref<10000x128xf32, #tpu.memory_space<hbm>>) target(%arg10 : memref<80x128xf32, #tpu.memory_space<vmem>>) offsets(%dma_start3A_482 : memref<80xi32, #tpu.memory_space<vmem>>) semaphore(%arg15 : memref<!tpu.dma_semaphore, #tpu.memory_space<semaphore_mem>>)
      %dma_start3A_486 = arith.constant 0 : i32
      %dma_start3A_487 = tpu.memref_slice %arg7[%dma_start3A_486] : memref<2000xi32, #tpu.memory_space<vmem>> -> memref<80xi32, #tpu.memory_space<vmem>>
      %dma_start3A_488 = arith.constant 0 : i32
      %dma_start3A_489 = arith.constant 0 : i32
      %dma_start3A_490 = tpu.memref_slice %arg3[%dma_start3A_488, %dma_start3A_489] : memref<10000x128xf32, #tpu.memory_space<hbm>> -> memref<10000x128xf32, #tpu.memory_space<hbm>>
      tpu.enqueue_indirect_dma source(%dma_start3A_490 : memref<10000x128xf32, #tpu.memory_space<hbm>>) target(%arg12 : memref<80x128xf32, #tpu.memory_space<vmem>>) offsets(%dma_start3A_487 : memref<80xi32, #tpu.memory_space<vmem>>) semaphore(%arg15 : memref<!tpu.dma_semaphore, #tpu.memory_space<semaphore_mem>>)
      %dma_wait3A_491 = arith.constant 0 : i32
      %dma_wait3A_492 = arith.constant 0 : i32
      %dma_wait3A_493 = tpu.memref_slice %arg14[%dma_wait3A_491, %dma_wait3A_492] : memref<10240x128xf32, #tpu.memory_space<vmem_shared>> -> memref<10240x128xf32, #tpu.memory_space<vmem_shared>>
      tpu.wait_indirect_dma semaphore(%arg16 : memref<!tpu.dma_semaphore, #tpu.memory_space<semaphore_mem>>) src(%arg11 : memref<80x128xf32, #tpu.memory_space<vmem>>) dst(%dma_wait3A_493 : memref<10240x128xf32, #tpu.memory_space<vmem_shared>>)
      %dma_start3A_494 = arith.constant 80 : i32
      %dma_start3A_495 = tpu.memref_slice %arg6[%dma_start3A_494] : memref<2000xi32, #tpu.memory_space<vmem>> -> memref<80xi32, #tpu.memory_space<vmem>>
      %dma_start3A_496 = arith.constant 0 : i32
      %dma_start3A_497 = arith.constant 0 : i32
      %dma_start3A_498 = tpu.memref_slice %arg2[%dma_start3A_496, %dma_start3A_497] : memref<10000x128xf32, #tpu.memory_space<hbm>> -> memref<10000x128xf32, #tpu.memory_space<hbm>>
      tpu.enqueue_indirect_dma source(%dma_start3A_498 : memref<10000x128xf32, #tpu.memory_space<hbm>>) target(%arg11 : memref<80x128xf32, #tpu.memory_space<vmem>>) offsets(%dma_start3A_495 : memref<80xi32, #tpu.memory_space<vmem>>) semaphore(%arg15 : memref<!tpu.dma_semaphore, #tpu.memory_space<semaphore_mem>>)
      %dma_start3A_499 = arith.constant 80 : i32
      %dma_start3A_500 = tpu.memref_slice %arg7[%dma_start3A_499] : memref<2000xi32, #tpu.memory_space<vmem>> -> memref<80xi32, #tpu.memory_space<vmem>>
      %dma_start3A_501 = arith.constant 0 : i32
      %dma_start3A_502 = arith.constant 0 : i32
      %dma_start3A_503 = tpu.memref_slice %arg3[%dma_start3A_501, %dma_start3A_502] : memref<10000x128xf32, #tpu.memory_space<hbm>> -> memref<10000x128xf32, #tpu.memory_space<hbm>>
      tpu.enqueue_indirect_dma source(%dma_start3A_503 : memref<10000x128xf32, #tpu.memory_space<hbm>>) target(%arg13 : memref<80x128xf32, #tpu.memory_space<vmem>>) offsets(%dma_start3A_500 : memref<80xi32, #tpu.memory_space<vmem>>) semaphore(%arg15 : memref<!tpu.dma_semaphore, #tpu.memory_space<semaphore_mem>>)
      %dma_wait3A_504 = arith.constant 0 : i32
      %dma_wait3A_505 = tpu.memref_slice %arg6[%dma_wait3A_504] : memref<2000xi32, #tpu.memory_space<vmem>> -> memref<80xi32, #tpu.memory_space<vmem>>
      %dma_wait3A_506 = arith.constant 0 : i32
      %dma_wait3A_507 = arith.constant 0 : i32
      %dma_wait3A_508 = tpu.memref_slice %arg2[%dma_wait3A_506, %dma_wait3A_507] : memref<10000x128xf32, #tpu.memory_space<hbm>> -> memref<10000x128xf32, #tpu.memory_space<hbm>>
      tpu.wait_indirect_dma semaphore(%arg15 : memref<!tpu.dma_semaphore, #tpu.memory_space<semaphore_mem>>) src(%dma_wait3A_508 : memref<10000x128xf32, #tpu.memory_space<hbm>>) dst(%arg10 : memref<80x128xf32, #tpu.memory_space<vmem>>)
      %dma_wait3A_509 = arith.constant 0 : i32
      %dma_wait3A_510 = tpu.memref_slice %arg7[%dma_wait3A_509] : memref<2000xi32, #tpu.memory_space<vmem>> -> memref<80xi32, #tpu.memory_space<vmem>>
      %dma_wait3A_511 = arith.constant 0 : i32
      %dma_wait3A_512 = arith.constant 0 : i32
      %dma_wait3A_513 = tpu.memref_slice %arg3[%dma_wait3A_511, %dma_wait3A_512] : memref<10000x128xf32, #tpu.memory_space<hbm>> -> memref<10000x128xf32, #tpu.memory_space<hbm>>
      tpu.wait_indirect_dma semaphore(%arg15 : memref<!tpu.dma_semaphore, #tpu.memory_space<semaphore_mem>>) src(%dma_wait3A_513 : memref<10000x128xf32, #tpu.memory_space<hbm>>) dst(%arg12 : memref<80x128xf32, #tpu.memory_space<vmem>>)
      %get3A_514 = arith.constant 0 : index
      %get3A_515 = tpu.vector_load %arg7[%get3A_514] {strides = array<i32>} : memref<2000xi32, #tpu.memory_space<vmem>>, vector<16xi32>,
      %get3A_516 = vector.shape_cast %get3A_515 : vector<16xi32> to vector<16xi32>
      %swap3A_517 = arith.constant 0 : index
      %swap3A_518 = tpu.vector_load %arg8[%swap3A_517] {strides = array<i32>} : memref<80xi32, #tpu.memory_space<vmem>>, vector<16xi32>,
      %swap3A_519 = vector.shape_cast %swap3A_518 : vector<16xi32> to vector<16xi32>
      %swap3A_520 = vector.shape_cast %get3A_516 : vector<16xi32> to vector<16xi32>
      tpu.vector_store %arg8[%swap3A_517], %swap3A_520 {strides = array<i32>} : memref<80xi32, #tpu.memory_space<vmem>>, vector<16xi32>,
      %get3A_521 = arith.constant 16 : index
      %get3A_522 = tpu.vector_load %arg7[%get3A_521] {strides = array<i32>} : memref<2000xi32, #tpu.memory_space<vmem>>, vector<16xi32>,
      %get3A_523 = vector.shape_cast %get3A_522 : vector<16xi32> to vector<16xi32>
      %swap3A_524 = arith.constant 16 : index
      %swap3A_525 = tpu.vector_load %arg8[%swap3A_524] {strides = array<i32>} : memref<80xi32, #tpu.memory_space<vmem>>, vector<16xi32>,
      %swap3A_526 = vector.shape_cast %swap3A_525 : vector<16xi32> to vector<16xi32>
      %swap3A_527 = vector.shape_cast %get3A_523 : vector<16xi32> to vector<16xi32>
      tpu.vector_store %arg8[%swap3A_524], %swap3A_527 {strides = array<i32>} : memref<80xi32, #tpu.memory_space<vmem>>, vector<16xi32>,
      %get3A_528 = arith.constant 32 : index
      %get3A_529 = tpu.vector_load %arg7[%get3A_528] {strides = array<i32>} : memref<2000xi32, #tpu.memory_space<vmem>>, vector<16xi32>,
      %get3A_530 = vector.shape_cast %get3A_529 : vector<16xi32> to vector<16xi32>
      %swap3A_531 = arith.constant 32 : index
      %swap3A_532 = tpu.vector_load %arg8[%swap3A_531] {strides = array<i32>} : memref<80xi32, #tpu.memory_space<vmem>>, vector<16xi32>,
      %swap3A_533 = vector.shape_cast %swap3A_532 : vector<16xi32> to vector<16xi32>
      %swap3A_534 = vector.shape_cast %get3A_530 : vector<16xi32> to vector<16xi32>
      tpu.vector_store %arg8[%swap3A_531], %swap3A_534 {strides = array<i32>} : memref<80xi32, #tpu.memory_space<vmem>>, vector<16xi32>,
      %get3A_535 = arith.constant 48 : index
      %get3A_536 = tpu.vector_load %arg7[%get3A_535] {strides = array<i32>} : memref<2000xi32, #tpu.memory_space<vmem>>, vector<16xi32>,
      %get3A_537 = vector.shape_cast %get3A_536 : vector<16xi32> to vector<16xi32>
      %swap3A_538 = arith.constant 48 : index
      %swap3A_539 = tpu.vector_load %arg8[%swap3A_538] {strides = array<i32>} : memref<80xi32, #tpu.memory_space<vmem>>, vector<16xi32>,
      %swap3A_540 = vector.shape_cast %swap3A_539 : vector<16xi32> to vector<16xi32>
      %swap3A_541 = vector.shape_cast %get3A_537 : vector<16xi32> to vector<16xi32>
      tpu.vector_store %arg8[%swap3A_538], %swap3A_541 {strides = array<i32>} : memref<80xi32, #tpu.memory_space<vmem>>, vector<16xi32>,
      %get3A_542 = arith.constant 64 : index
      %get3A_543 = tpu.vector_load %arg7[%get3A_542] {strides = array<i32>} : memref<2000xi32, #tpu.memory_space<vmem>>, vector<16xi32>,
      %get3A_544 = vector.shape_cast %get3A_543 : vector<16xi32> to vector<16xi32>
      %swap3A_545 = arith.constant 64 : index
      %swap3A_546 = tpu.vector_load %arg8[%swap3A_545] {strides = array<i32>} : memref<80xi32, #tpu.memory_space<vmem>>, vector<16xi32>,
      %swap3A_547 = vector.shape_cast %swap3A_546 : vector<16xi32> to vector<16xi32>
      %swap3A_548 = vector.shape_cast %get3A_544 : vector<16xi32> to vector<16xi32>
      tpu.vector_store %arg8[%swap3A_545], %swap3A_548 {strides = array<i32>} : memref<80xi32, #tpu.memory_space<vmem>>, vector<16xi32>,
      %parallel_loop3A_549 = arith.constant 0 : i32
      %parallel_loop3A_550 = arith.constant 80 : i32
      %parallel_loop3A_551 = arith.constant 1 : i32
      scf.for %parallel_loop3A_678 = %parallel_loop3A_549 to %parallel_loop3A_550 step %parallel_loop3A_551  : i32 {
        %parallel_loop3A_679 = arith.index_cast %parallel_loop3A_678 : i32 to index
        %parallel_loop3A_680 = arith.constant 0 : index
        %parallel_loop3A_681 = tpu.vector_load %arg10[%parallel_loop3A_679, %parallel_loop3A_680] {strides = array<i32>} : memref<80x128xf32, #tpu.memory_space<vmem>>, vector<1x16xf32>,
        %parallel_loop3A_682 = vector.shape_cast %parallel_loop3A_681 : vector<1x16xf32> to vector<16xf32>
        %parallel_loop3A_683 = arith.index_cast %parallel_loop3A_678 : i32 to index
        %parallel_loop3A_684 = arith.constant 0 : index
        %parallel_loop3A_685 = tpu.vector_load %arg12[%parallel_loop3A_683, %parallel_loop3A_684] {strides = array<i32>} : memref<80x128xf32, #tpu.memory_space<vmem>>, vector<1x16xf32>,
        %parallel_loop3A_686 = vector.shape_cast %parallel_loop3A_685 : vector<1x16xf32> to vector<16xf32>
        %parallel_loop3A_687 = arith.addf %parallel_loop3A_682, %parallel_loop3A_686 : vector<16xf32>
        %parallel_loop3A_688 = arith.constant 0.000000e+00 : f32
        %parallel_loop3A_689 = vector.broadcast %parallel_loop3A_688 : f32 to vector<16xf32>
        %parallel_loop3A_690 = arith.maximumf %parallel_loop3A_687, %parallel_loop3A_689 : vector<16xf32>
        %parallel_loop3A_691 = arith.index_cast %parallel_loop3A_678 : i32 to index
        %parallel_loop3A_692 = arith.constant 0 : index
        %parallel_loop3A_693 = tpu.vector_load %arg10[%parallel_loop3A_691, %parallel_loop3A_692] {strides = array<i32>} : memref<80x128xf32, #tpu.memory_space<vmem>>, vector<1x16xf32>,
        %parallel_loop3A_694 = vector.shape_cast %parallel_loop3A_693 : vector<1x16xf32> to vector<16xf32>
        %parallel_loop3A_695 = vector.shape_cast %parallel_loop3A_690 : vector<16xf32> to vector<1x16xf32>
        tpu.vector_store %arg10[%parallel_loop3A_691, %parallel_loop3A_692], %parallel_loop3A_695 {strides = array<i32>} : memref<80x128xf32, #tpu.memory_space<vmem>>, vector<1x16xf32>,
        %parallel_loop3A_696 = arith.index_cast %parallel_loop3A_678 : i32 to index
        %parallel_loop3A_697 = arith.constant 16 : index
        %parallel_loop3A_698 = tpu.vector_load %arg10[%parallel_loop3A_696, %parallel_loop3A_697] {strides = array<i32>} : memref<80x128xf32, #tpu.memory_space<vmem>>, vector<1x16xf32>,
        %parallel_loop3A_699 = vector.shape_cast %parallel_loop3A_698 : vector<1x16xf32> to vector<16xf32>
        %parallel_loop3A_700 = arith.index_cast %parallel_loop3A_678 : i32 to index
        %parallel_loop3A_701 = arith.constant 16 : index
        %parallel_loop3A_702 = tpu.vector_load %arg12[%parallel_loop3A_700, %parallel_loop3A_701] {strides = array<i32>} : memref<80x128xf32, #tpu.memory_space<vmem>>, vector<1x16xf32>,
        %parallel_loop3A_703 = vector.shape_cast %parallel_loop3A_702 : vector<1x16xf32> to vector<16xf32>
        %parallel_loop3A_704 = arith.addf %parallel_loop3A_699, %parallel_loop3A_703 : vector<16xf32>
        %parallel_loop3A_705 = arith.constant 0.000000e+00 : f32
        %parallel_loop3A_706 = vector.broadcast %parallel_loop3A_705 : f32 to vector<16xf32>
        %parallel_loop3A_707 = arith.maximumf %parallel_loop3A_704, %parallel_loop3A_706 : vector<16xf32>
        %parallel_loop3A_708 = arith.index_cast %parallel_loop3A_678 : i32 to index
        %parallel_loop3A_709 = arith.constant 16 : index
        %parallel_loop3A_710 = tpu.vector_load %arg10[%parallel_loop3A_708, %parallel_loop3A_709] {strides = array<i32>} : memref<80x128xf32, #tpu.memory_space<vmem>>, vector<1x16xf32>,
        %parallel_loop3A_711 = vector.shape_cast %parallel_loop3A_710 : vector<1x16xf32> to vector<16xf32>
        %parallel_loop3A_712 = vector.shape_cast %parallel_loop3A_707 : vector<16xf32> to vector<1x16xf32>
        tpu.vector_store %arg10[%parallel_loop3A_708, %parallel_loop3A_709], %parallel_loop3A_712 {strides = array<i32>} : memref<80x128xf32, #tpu.memory_space<vmem>>, vector<1x16xf32>,
        %parallel_loop3A_713 = arith.index_cast %parallel_loop3A_678 : i32 to index
        %parallel_loop3A_714 = arith.constant 32 : index
        %parallel_loop3A_715 = tpu.vector_load %arg10[%parallel_loop3A_713, %parallel_loop3A_714] {strides = array<i32>} : memref<80x128xf32, #tpu.memory_space<vmem>>, vector<1x16xf32>,
        %parallel_loop3A_716 = vector.shape_cast %parallel_loop3A_715 : vector<1x16xf32> to vector<16xf32>
        %parallel_loop3A_717 = arith.index_cast %parallel_loop3A_678 : i32 to index
        %parallel_loop3A_718 = arith.constant 32 : index
        %parallel_loop3A_719 = tpu.vector_load %arg12[%parallel_loop3A_717, %parallel_loop3A_718] {strides = array<i32>} : memref<80x128xf32, #tpu.memory_space<vmem>>, vector<1x16xf32>,
        %parallel_loop3A_720 = vector.shape_cast %parallel_loop3A_719 : vector<1x16xf32> to vector<16xf32>
        %parallel_loop3A_721 = arith.addf %parallel_loop3A_716, %parallel_loop3A_720 : vector<16xf32>
        %parallel_loop3A_722 = arith.constant 0.000000e+00 : f32
        %parallel_loop3A_723 = vector.broadcast %parallel_loop3A_722 : f32 to vector<16xf32>
        %parallel_loop3A_724 = arith.maximumf %parallel_loop3A_721, %parallel_loop3A_723 : vector<16xf32>
        %parallel_loop3A_725 = arith.index_cast %parallel_loop3A_678 : i32 to index
        %parallel_loop3A_726 = arith.constant 32 : index
        %parallel_loop3A_727 = tpu.vector_load %arg10[%parallel_loop3A_725, %parallel_loop3A_726] {strides = array<i32>} : memref<80x128xf32, #tpu.memory_space<vmem>>, vector<1x16xf32>,
        %parallel_loop3A_728 = vector.shape_cast %parallel_loop3A_727 : vector<1x16xf32> to vector<16xf32>
        %parallel_loop3A_729 = vector.shape_cast %parallel_loop3A_724 : vector<16xf32> to vector<1x16xf32>
        tpu.vector_store %arg10[%parallel_loop3A_725, %parallel_loop3A_726], %parallel_loop3A_729 {strides = array<i32>} : memref<80x128xf32, #tpu.memory_space<vmem>>, vector<1x16xf32>,
        %parallel_loop3A_730 = arith.index_cast %parallel_loop3A_678 : i32 to index
        %parallel_loop3A_731 = arith.constant 48 : index
        %parallel_loop3A_732 = tpu.vector_load %arg10[%parallel_loop3A_730, %parallel_loop3A_731] {strides = array<i32>} : memref<80x128xf32, #tpu.memory_space<vmem>>, vector<1x16xf32>,
        %parallel_loop3A_733 = vector.shape_cast %parallel_loop3A_732 : vector<1x16xf32> to vector<16xf32>
        %parallel_loop3A_734 = arith.index_cast %parallel_loop3A_678 : i32 to index
        %parallel_loop3A_735 = arith.constant 48 : index
        %parallel_loop3A_736 = tpu.vector_load %arg12[%parallel_loop3A_734, %parallel_loop3A_735] {strides = array<i32>} : memref<80x128xf32, #tpu.memory_space<vmem>>, vector<1x16xf32>,
        %parallel_loop3A_737 = vector.shape_cast %parallel_loop3A_736 : vector<1x16xf32> to vector<16xf32>
        %parallel_loop3A_738 = arith.addf %parallel_loop3A_733, %parallel_loop3A_737 : vector<16xf32>
        %parallel_loop3A_739 = arith.constant 0.000000e+00 : f32
        %parallel_loop3A_740 = vector.broadcast %parallel_loop3A_739 : f32 to vector<16xf32>
        %parallel_loop3A_741 = arith.maximumf %parallel_loop3A_738, %parallel_loop3A_740 : vector<16xf32>
        %parallel_loop3A_742 = arith.index_cast %parallel_loop3A_678 : i32 to index
        %parallel_loop3A_743 = arith.constant 48 : index
        %parallel_loop3A_744 = tpu.vector_load %arg10[%parallel_loop3A_742, %parallel_loop3A_743] {strides = array<i32>} : memref<80x128xf32, #tpu.memory_space<vmem>>, vector<1x16xf32>,
        %parallel_loop3A_745 = vector.shape_cast %parallel_loop3A_744 : vector<1x16xf32> to vector<16xf32>
        %parallel_loop3A_746 = vector.shape_cast %parallel_loop3A_741 : vector<16xf32> to vector<1x16xf32>
        tpu.vector_store %arg10[%parallel_loop3A_742, %parallel_loop3A_743], %parallel_loop3A_746 {strides = array<i32>} : memref<80x128xf32, #tpu.memory_space<vmem>>, vector<1x16xf32>,
        %parallel_loop3A_747 = arith.index_cast %parallel_loop3A_678 : i32 to index
        %parallel_loop3A_748 = arith.constant 64 : index
        %parallel_loop3A_749 = tpu.vector_load %arg10[%parallel_loop3A_747, %parallel_loop3A_748] {strides = array<i32>} : memref<80x128xf32, #tpu.memory_space<vmem>>, vector<1x16xf32>,
        %parallel_loop3A_750 = vector.shape_cast %parallel_loop3A_749 : vector<1x16xf32> to vector<16xf32>
        %parallel_loop3A_751 = arith.index_cast %parallel_loop3A_678 : i32 to index
        %parallel_loop3A_752 = arith.constant 64 : index
        %parallel_loop3A_753 = tpu.vector_load %arg12[%parallel_loop3A_751, %parallel_loop3A_752] {strides = array<i32>} : memref<80x128xf32, #tpu.memory_space<vmem>>, vector<1x16xf32>,
        %parallel_loop3A_754 = vector.shape_cast %parallel_loop3A_753 : vector<1x16xf32> to vector<16xf32>
        %parallel_loop3A_755 = arith.addf %parallel_loop3A_750, %parallel_loop3A_754 : vector<16xf32>
        %parallel_loop3A_756 = arith.constant 0.000000e+00 : f32
        %parallel_loop3A_757 = vector.broadcast %parallel_loop3A_756 : f32 to vector<16xf32>
        %parallel_loop3A_758 = arith.maximumf %parallel_loop3A_755, %parallel_loop3A_757 : vector<16xf32>
        %parallel_loop3A_759 = arith.index_cast %parallel_loop3A_678 : i32 to index
        %parallel_loop3A_760 = arith.constant 64 : index
        %parallel_loop3A_761 = tpu.vector_load %arg10[%parallel_loop3A_759, %parallel_loop3A_760] {strides = array<i32>} : memref<80x128xf32, #tpu.memory_space<vmem>>, vector<1x16xf32>,
        %parallel_loop3A_762 = vector.shape_cast %parallel_loop3A_761 : vector<1x16xf32> to vector<16xf32>
        %parallel_loop3A_763 = vector.shape_cast %parallel_loop3A_758 : vector<16xf32> to vector<1x16xf32>
        tpu.vector_store %arg10[%parallel_loop3A_759, %parallel_loop3A_760], %parallel_loop3A_763 {strides = array<i32>} : memref<80x128xf32, #tpu.memory_space<vmem>>, vector<1x16xf32>,
        %parallel_loop3A_764 = arith.index_cast %parallel_loop3A_678 : i32 to index
        %parallel_loop3A_765 = arith.constant 80 : index
        %parallel_loop3A_766 = tpu.vector_load %arg10[%parallel_loop3A_764, %parallel_loop3A_765] {strides = array<i32>} : memref<80x128xf32, #tpu.memory_space<vmem>>, vector<1x16xf32>,
        %parallel_loop3A_767 = vector.shape_cast %parallel_loop3A_766 : vector<1x16xf32> to vector<16xf32>
        %parallel_loop3A_768 = arith.index_cast %parallel_loop3A_678 : i32 to index
        %parallel_loop3A_769 = arith.constant 80 : index
        %parallel_loop3A_770 = tpu.vector_load %arg12[%parallel_loop3A_768, %parallel_loop3A_769] {strides = array<i32>} : memref<80x128xf32, #tpu.memory_space<vmem>>, vector<1x16xf32>,
        %parallel_loop3A_771 = vector.shape_cast %parallel_loop3A_770 : vector<1x16xf32> to vector<16xf32>
        %parallel_loop3A_772 = arith.addf %parallel_loop3A_767, %parallel_loop3A_771 : vector<16xf32>
        %parallel_loop3A_773 = arith.constant 0.000000e+00 : f32
        %parallel_loop3A_774 = vector.broadcast %parallel_loop3A_773 : f32 to vector<16xf32>
        %parallel_loop3A_775 = arith.maximumf %parallel_loop3A_772, %parallel_loop3A_774 : vector<16xf32>
        %parallel_loop3A_776 = arith.index_cast %parallel_loop3A_678 : i32 to index
        %parallel_loop3A_777 = arith.constant 80 : index
        %parallel_loop3A_778 = tpu.vector_load %arg10[%parallel_loop3A_776, %parallel_loop3A_777] {strides = array<i32>} : memref<80x128xf32, #tpu.memory_space<vmem>>, vector<1x16xf32>,
        %parallel_loop3A_779 = vector.shape_cast %parallel_loop3A_778 : vector<1x16xf32> to vector<16xf32>
        %parallel_loop3A_780 = vector.shape_cast %parallel_loop3A_775 : vector<16xf32> to vector<1x16xf32>
        tpu.vector_store %arg10[%parallel_loop3A_776, %parallel_loop3A_777], %parallel_loop3A_780 {strides = array<i32>} : memref<80x128xf32, #tpu.memory_space<vmem>>, vector<1x16xf32>,
        %parallel_loop3A_781 = arith.index_cast %parallel_loop3A_678 : i32 to index
        %parallel_loop3A_782 = arith.constant 96 : index
        %parallel_loop3A_783 = tpu.vector_load %arg10[%parallel_loop3A_781, %parallel_loop3A_782] {strides = array<i32>} : memref<80x128xf32, #tpu.memory_space<vmem>>, vector<1x16xf32>,
        %parallel_loop3A_784 = vector.shape_cast %parallel_loop3A_783 : vector<1x16xf32> to vector<16xf32>
        %parallel_loop3A_785 = arith.index_cast %parallel_loop3A_678 : i32 to index
        %parallel_loop3A_786 = arith.constant 96 : index
        %parallel_loop3A_787 = tpu.vector_load %arg12[%parallel_loop3A_785, %parallel_loop3A_786] {strides = array<i32>} : memref<80x128xf32, #tpu.memory_space<vmem>>, vector<1x16xf32>,
        %parallel_loop3A_788 = vector.shape_cast %parallel_loop3A_787 : vector<1x16xf32> to vector<16xf32>
        %parallel_loop3A_789 = arith.addf %parallel_loop3A_784, %parallel_loop3A_788 : vector<16xf32>
        %parallel_loop3A_790 = arith.constant 0.000000e+00 : f32
        %parallel_loop3A_791 = vector.broadcast %parallel_loop3A_790 : f32 to vector<16xf32>
        %parallel_loop3A_792 = arith.maximumf %parallel_loop3A_789, %parallel_loop3A_791 : vector<16xf32>
        %parallel_loop3A_793 = arith.index_cast %parallel_loop3A_678 : i32 to index
        %parallel_loop3A_794 = arith.constant 96 : index
        %parallel_loop3A_795 = tpu.vector_load %arg10[%parallel_loop3A_793, %parallel_loop3A_794] {strides = array<i32>} : memref<80x128xf32, #tpu.memory_space<vmem>>, vector<1x16xf32>,
        %parallel_loop3A_796 = vector.shape_cast %parallel_loop3A_795 : vector<1x16xf32> to vector<16xf32>
        %parallel_loop3A_797 = vector.shape_cast %parallel_loop3A_792 : vector<16xf32> to vector<1x16xf32>
        tpu.vector_store %arg10[%parallel_loop3A_793, %parallel_loop3A_794], %parallel_loop3A_797 {strides = array<i32>} : memref<80x128xf32, #tpu.memory_space<vmem>>, vector<1x16xf32>,
        %parallel_loop3A_798 = arith.index_cast %parallel_loop3A_678 : i32 to index
        %parallel_loop3A_799 = arith.constant 112 : index
        %parallel_loop3A_800 = tpu.vector_load %arg10[%parallel_loop3A_798, %parallel_loop3A_799] {strides = array<i32>} : memref<80x128xf32, #tpu.memory_space<vmem>>, vector<1x16xf32>,
        %parallel_loop3A_801 = vector.shape_cast %parallel_loop3A_800 : vector<1x16xf32> to vector<16xf32>
        %parallel_loop3A_802 = arith.index_cast %parallel_loop3A_678 : i32 to index
        %parallel_loop3A_803 = arith.constant 112 : index
        %parallel_loop3A_804 = tpu.vector_load %arg12[%parallel_loop3A_802, %parallel_loop3A_803] {strides = array<i32>} : memref<80x128xf32, #tpu.memory_space<vmem>>, vector<1x16xf32>,
        %parallel_loop3A_805 = vector.shape_cast %parallel_loop3A_804 : vector<1x16xf32> to vector<16xf32>
        %parallel_loop3A_806 = arith.addf %parallel_loop3A_801, %parallel_loop3A_805 : vector<16xf32>
        %parallel_loop3A_807 = arith.constant 0.000000e+00 : f32
        %parallel_loop3A_808 = vector.broadcast %parallel_loop3A_807 : f32 to vector<16xf32>
        %parallel_loop3A_809 = arith.maximumf %parallel_loop3A_806, %parallel_loop3A_808 : vector<16xf32>
        %parallel_loop3A_810 = arith.index_cast %parallel_loop3A_678 : i32 to index
        %parallel_loop3A_811 = arith.constant 112 : index
        %parallel_loop3A_812 = tpu.vector_load %arg10[%parallel_loop3A_810, %parallel_loop3A_811] {strides = array<i32>} : memref<80x128xf32, #tpu.memory_space<vmem>>, vector<1x16xf32>,
        %parallel_loop3A_813 = vector.shape_cast %parallel_loop3A_812 : vector<1x16xf32> to vector<16xf32>
        %parallel_loop3A_814 = vector.shape_cast %parallel_loop3A_809 : vector<16xf32> to vector<1x16xf32>
        tpu.vector_store %arg10[%parallel_loop3A_810, %parallel_loop3A_811], %parallel_loop3A_814 {strides = array<i32>} : memref<80x128xf32, #tpu.memory_space<vmem>>, vector<1x16xf32>,
      } {sc.loop_unroll_factor = 2 : i64, sc.parallel_access}
      %dma_start3A_552 = arith.constant 0 : i32
      %dma_start3A_553 = arith.constant 0 : i32
      %dma_start3A_554 = tpu.memref_slice %arg14[%dma_start3A_552, %dma_start3A_553] : memref<10240x128xf32, #tpu.memory_space<vmem_shared>> -> memref<10240x128xf32, #tpu.memory_space<vmem_shared>>
      tpu.enqueue_indirect_dma source(%arg10 : memref<80x128xf32, #tpu.memory_space<vmem>>) target(%dma_start3A_554 : memref<10240x128xf32, #tpu.memory_space<vmem_shared>>) offsets(%arg8 : memref<80xi32, #tpu.memory_space<vmem>>) semaphore(%arg16 : memref<!tpu.dma_semaphore, #tpu.memory_space<semaphore_mem>>) {add = true}
      %scan3A_555 = arith.constant 0 : i32
      %scan3A_556 = arith.constant 0 : i32
      %scan3A_557 = arith.constant 11 : i32
      %scan3A_558 = arith.addi %scan3A_556, %scan3A_557 : i32
      %scan3A_559 = arith.constant 1 : i32
      %scan3A_560 = scf.for %scan3A_678 = %scan3A_556 to %scan3A_558 step %scan3A_559 iter_args(%scan3A_679 = %scan3A_555) -> (i32)  : i32 {
        %mul3A_680 = arith.constant 2 : i32
        %mul3A_681 = arith.muli %mul3A_680, %scan3A_678 : i32
        %add3A_682 = arith.constant 1 : i32
        %add3A_683 = arith.addi %mul3A_681, %add3A_682 : i32
        %dma_wait3A_684 = arith.constant 0 : i32
        %dma_wait3A_685 = arith.constant 0 : i32
        %dma_wait3A_686 = tpu.memref_slice %arg14[%dma_wait3A_684, %dma_wait3A_685] : memref<10240x128xf32, #tpu.memory_space<vmem_shared>> -> memref<10240x128xf32, #tpu.memory_space<vmem_shared>>
        tpu.wait_indirect_dma semaphore(%arg16 : memref<!tpu.dma_semaphore, #tpu.memory_space<semaphore_mem>>) src(%arg10 : memref<80x128xf32, #tpu.memory_space<vmem>>) dst(%dma_wait3A_686 : memref<10240x128xf32, #tpu.memory_space<vmem_shared>>)
        %add3A_687 = arith.constant 1 : i32
        %add3A_688 = arith.addi %add3A_683, %add3A_687 : i32
        %mul3A_689 = arith.constant 80 : i32
        %mul3A_690 = arith.muli %add3A_688, %mul3A_689 : i32
        %dma_start3A_691 = tpu.memref_slice %arg6[%mul3A_690] : memref<2000xi32, #tpu.memory_space<vmem>> -> memref<80xi32, #tpu.memory_space<vmem>>
        %dma_start3A_692 = arith.constant 0 : i32
        %dma_start3A_693 = arith.constant 0 : i32
        %dma_start3A_694 = tpu.memref_slice %arg2[%dma_start3A_692, %dma_start3A_693] : memref<10000x128xf32, #tpu.memory_space<hbm>> -> memref<10000x128xf32, #tpu.memory_space<hbm>>
        tpu.enqueue_indirect_dma source(%dma_start3A_694 : memref<10000x128xf32, #tpu.memory_space<hbm>>) target(%arg10 : memref<80x128xf32, #tpu.memory_space<vmem>>) offsets(%dma_start3A_691 : memref<80xi32, #tpu.memory_space<vmem>>) semaphore(%arg15 : memref<!tpu.dma_semaphore, #tpu.memory_space<semaphore_mem>>)
        %mul3A_695 = arith.constant 80 : i32
        %mul3A_696 = arith.muli %add3A_688, %mul3A_695 : i32
        %dma_start3A_697 = tpu.memref_slice %arg7[%mul3A_696] : memref<2000xi32, #tpu.memory_space<vmem>> -> memref<80xi32, #tpu.memory_space<vmem>>
        %dma_start3A_698 = arith.constant 0 : i32
        %dma_start3A_699 = arith.constant 0 : i32
        %dma_start3A_700 = tpu.memref_slice %arg3[%dma_start3A_698, %dma_start3A_699] : memref<10000x128xf32, #tpu.memory_space<hbm>> -> memref<10000x128xf32, #tpu.memory_space<hbm>>
        tpu.enqueue_indirect_dma source(%dma_start3A_700 : memref<10000x128xf32, #tpu.memory_space<hbm>>) target(%arg12 : memref<80x128xf32, #tpu.memory_space<vmem>>) offsets(%dma_start3A_697 : memref<80xi32, #tpu.memory_space<vmem>>) semaphore(%arg15 : memref<!tpu.dma_semaphore, #tpu.memory_space<semaphore_mem>>)
        %dma_wait3A_701 = arith.constant 0 : i32
        %dma_wait3A_702 = tpu.memref_slice %arg6[%dma_wait3A_701] : memref<2000xi32, #tpu.memory_space<vmem>> -> memref<80xi32, #tpu.memory_space<vmem>>
        %dma_wait3A_703 = arith.constant 0 : i32
        %dma_wait3A_704 = arith.constant 0 : i32
        %dma_wait3A_705 = tpu.memref_slice %arg2[%dma_wait3A_703, %dma_wait3A_704] : memref<10000x128xf32, #tpu.memory_space<hbm>> -> memref<10000x128xf32, #tpu.memory_space<hbm>>
        tpu.wait_indirect_dma semaphore(%arg15 : memref<!tpu.dma_semaphore, #tpu.memory_space<semaphore_mem>>) src(%dma_wait3A_705 : memref<10000x128xf32, #tpu.memory_space<hbm>>) dst(%arg11 : memref<80x128xf32, #tpu.memory_space<vmem>>)
        %dma_wait3A_706 = arith.constant 0 : i32
        %dma_wait3A_707 = tpu.memref_slice %arg7[%dma_wait3A_706] : memref<2000xi32, #tpu.memory_space<vmem>> -> memref<80xi32, #tpu.memory_space<vmem>>
        %dma_wait3A_708 = arith.constant 0 : i32
        %dma_wait3A_709 = arith.constant 0 : i32
        %dma_wait3A_710 = tpu.memref_slice %arg3[%dma_wait3A_708, %dma_wait3A_709] : memref<10000x128xf32, #tpu.memory_space<hbm>> -> memref<10000x128xf32, #tpu.memory_space<hbm>>
        tpu.wait_indirect_dma semaphore(%arg15 : memref<!tpu.dma_semaphore, #tpu.memory_space<semaphore_mem>>) src(%dma_wait3A_710 : memref<10000x128xf32, #tpu.memory_space<hbm>>) dst(%arg13 : memref<80x128xf32, #tpu.memory_space<vmem>>)
        %mul3A_711 = arith.constant 80 : i32
        %mul3A_712 = arith.muli %add3A_683, %mul3A_711 : i32
        %add3A_713 = arith.constant 0 : i32
        %add3A_714 = arith.addi %mul3A_712, %add3A_713 : i32
        %get3A_715 = arith.index_cast %add3A_714 : i32 to index
        %get3A_716 = tpu.vector_load %arg7[%get3A_715] {strides = array<i32>} : memref<2000xi32, #tpu.memory_space<vmem>>, vector<16xi32>,
        %get3A_717 = vector.shape_cast %get3A_716 : vector<16xi32> to vector<16xi32>
        %swap3A_718 = arith.constant 0 : index
        %swap3A_719 = tpu.vector_load %arg9[%swap3A_718] {strides = array<i32>} : memref<80xi32, #tpu.memory_space<vmem>>, vector<16xi32>,
        %swap3A_720 = vector.shape_cast %swap3A_719 : vector<16xi32> to vector<16xi32>
        %swap3A_721 = vector.shape_cast %get3A_717 : vector<16xi32> to vector<16xi32>
        tpu.vector_store %arg9[%swap3A_718], %swap3A_721 {strides = array<i32>} : memref<80xi32, #tpu.memory_space<vmem>>, vector<16xi32>,
        %mul3A_722 = arith.constant 80 : i32
        %mul3A_723 = arith.muli %add3A_683, %mul3A_722 : i32
        %add3A_724 = arith.constant 16 : i32
        %add3A_725 = arith.addi %mul3A_723, %add3A_724 : i32
        %get3A_726 = arith.index_cast %add3A_725 : i32 to index
        %get3A_727 = tpu.vector_load %arg7[%get3A_726] {strides = array<i32>} : memref<2000xi32, #tpu.memory_space<vmem>>, vector<16xi32>,
        %get3A_728 = vector.shape_cast %get3A_727 : vector<16xi32> to vector<16xi32>
        %swap3A_729 = arith.constant 16 : index
        %swap3A_730 = tpu.vector_load %arg9[%swap3A_729] {strides = array<i32>} : memref<80xi32, #tpu.memory_space<vmem>>, vector<16xi32>,
        %swap3A_731 = vector.shape_cast %swap3A_730 : vector<16xi32> to vector<16xi32>
        %swap3A_732 = vector.shape_cast %get3A_728 : vector<16xi32> to vector<16xi32>
        tpu.vector_store %arg9[%swap3A_729], %swap3A_732 {strides = array<i32>} : memref<80xi32, #tpu.memory_space<vmem>>, vector<16xi32>,
        %mul3A_733 = arith.constant 80 : i32
        %mul3A_734 = arith.muli %add3A_683, %mul3A_733 : i32
        %add3A_735 = arith.constant 32 : i32
        %add3A_736 = arith.addi %mul3A_734, %add3A_735 : i32
        %get3A_737 = arith.index_cast %add3A_736 : i32 to index
        %get3A_738 = tpu.vector_load %arg7[%get3A_737] {strides = array<i32>} : memref<2000xi32, #tpu.memory_space<vmem>>, vector<16xi32>,
        %get3A_739 = vector.shape_cast %get3A_738 : vector<16xi32> to vector<16xi32>
        %swap3A_740 = arith.constant 32 : index
        %swap3A_741 = tpu.vector_load %arg9[%swap3A_740] {strides = array<i32>} : memref<80xi32, #tpu.memory_space<vmem>>, vector<16xi32>,
        %swap3A_742 = vector.shape_cast %swap3A_741 : vector<16xi32> to vector<16xi32>
        %swap3A_743 = vector.shape_cast %get3A_739 : vector<16xi32> to vector<16xi32>
        tpu.vector_store %arg9[%swap3A_740], %swap3A_743 {strides = array<i32>} : memref<80xi32, #tpu.memory_space<vmem>>, vector<16xi32>,
        %mul3A_744 = arith.constant 80 : i32
        %mul3A_745 = arith.muli %add3A_683, %mul3A_744 : i32
        %add3A_746 = arith.constant 48 : i32
        %add3A_747 = arith.addi %mul3A_745, %add3A_746 : i32
        %get3A_748 = arith.index_cast %add3A_747 : i32 to index
        %get3A_749 = tpu.vector_load %arg7[%get3A_748] {strides = array<i32>} : memref<2000xi32, #tpu.memory_space<vmem>>, vector<16xi32>,
        %get3A_750 = vector.shape_cast %get3A_749 : vector<16xi32> to vector<16xi32>
        %swap3A_751 = arith.constant 48 : index
        %swap3A_752 = tpu.vector_load %arg9[%swap3A_751] {strides = array<i32>} : memref<80xi32, #tpu.memory_space<vmem>>, vector<16xi32>,
        %swap3A_753 = vector.shape_cast %swap3A_752 : vector<16xi32> to vector<16xi32>
        %swap3A_754 = vector.shape_cast %get3A_750 : vector<16xi32> to vector<16xi32>
        tpu.vector_store %arg9[%swap3A_751], %swap3A_754 {strides = array<i32>} : memref<80xi32, #tpu.memory_space<vmem>>, vector<16xi32>,
        %mul3A_755 = arith.constant 80 : i32
        %mul3A_756 = arith.muli %add3A_683, %mul3A_755 : i32
        %add3A_757 = arith.constant 64 : i32
        %add3A_758 = arith.addi %mul3A_756, %add3A_757 : i32
        %get3A_759 = arith.index_cast %add3A_758 : i32 to index
        %get3A_760 = tpu.vector_load %arg7[%get3A_759] {strides = array<i32>} : memref<2000xi32, #tpu.memory_space<vmem>>, vector<16xi32>,
        %get3A_761 = vector.shape_cast %get3A_760 : vector<16xi32> to vector<16xi32>
        %swap3A_762 = arith.constant 64 : index
        %swap3A_763 = tpu.vector_load %arg9[%swap3A_762] {strides = array<i32>} : memref<80xi32, #tpu.memory_space<vmem>>, vector<16xi32>,
        %swap3A_764 = vector.shape_cast %swap3A_763 : vector<16xi32> to vector<16xi32>
        %swap3A_765 = vector.shape_cast %get3A_761 : vector<16xi32> to vector<16xi32>
        tpu.vector_store %arg9[%swap3A_762], %swap3A_765 {strides = array<i32>} : memref<80xi32, #tpu.memory_space<vmem>>, vector<16xi32>,
        %parallel_loop3A_766 = arith.constant 0 : i32
        %parallel_loop3A_767 = arith.constant 80 : i32
        %parallel_loop3A_768 = arith.constant 1 : i32
        scf.for %parallel_loop3A_863 = %parallel_loop3A_766 to %parallel_loop3A_767 step %parallel_loop3A_768  : i32 {
          %parallel_loop3A_864 = arith.index_cast %parallel_loop3A_863 : i32 to index
          %parallel_loop3A_865 = arith.constant 0 : index
          %parallel_loop3A_866 = tpu.vector_load %arg11[%parallel_loop3A_864, %parallel_loop3A_865] {strides = array<i32>} : memref<80x128xf32, #tpu.memory_space<vmem>>, vector<1x16xf32>,
          %parallel_loop3A_867 = vector.shape_cast %parallel_loop3A_866 : vector<1x16xf32> to vector<16xf32>
          %parallel_loop3A_868 = arith.index_cast %parallel_loop3A_863 : i32 to index
          %parallel_loop3A_869 = arith.constant 0 : index
          %parallel_loop3A_870 = tpu.vector_load %arg13[%parallel_loop3A_868, %parallel_loop3A_869] {strides = array<i32>} : memref<80x128xf32, #tpu.memory_space<vmem>>, vector<1x16xf32>,
          %parallel_loop3A_871 = vector.shape_cast %parallel_loop3A_870 : vector<1x16xf32> to vector<16xf32>
          %parallel_loop3A_872 = arith.addf %parallel_loop3A_867, %parallel_loop3A_871 : vector<16xf32>
          %parallel_loop3A_873 = arith.constant 0.000000e+00 : f32
          %parallel_loop3A_874 = vector.broadcast %parallel_loop3A_873 : f32 to vector<16xf32>
          %parallel_loop3A_875 = arith.maximumf %parallel_loop3A_872, %parallel_loop3A_874 : vector<16xf32>
          %parallel_loop3A_876 = arith.index_cast %parallel_loop3A_863 : i32 to index
          %parallel_loop3A_877 = arith.constant 0 : index
          %parallel_loop3A_878 = tpu.vector_load %arg11[%parallel_loop3A_876, %parallel_loop3A_877] {strides = array<i32>} : memref<80x128xf32, #tpu.memory_space<vmem>>, vector<1x16xf32>,
          %parallel_loop3A_879 = vector.shape_cast %parallel_loop3A_878 : vector<1x16xf32> to vector<16xf32>
          %parallel_loop3A_880 = vector.shape_cast %parallel_loop3A_875 : vector<16xf32> to vector<1x16xf32>
          tpu.vector_store %arg11[%parallel_loop3A_876, %parallel_loop3A_877], %parallel_loop3A_880 {strides = array<i32>} : memref<80x128xf32, #tpu.memory_space<vmem>>, vector<1x16xf32>,
          %parallel_loop3A_881 = arith.index_cast %parallel_loop3A_863 : i32 to index
          %parallel_loop3A_882 = arith.constant 16 : index
          %parallel_loop3A_883 = tpu.vector_load %arg11[%parallel_loop3A_881, %parallel_loop3A_882] {strides = array<i32>} : memref<80x128xf32, #tpu.memory_space<vmem>>, vector<1x16xf32>,
          %parallel_loop3A_884 = vector.shape_cast %parallel_loop3A_883 : vector<1x16xf32> to vector<16xf32>
          %parallel_loop3A_885 = arith.index_cast %parallel_loop3A_863 : i32 to index
          %parallel_loop3A_886 = arith.constant 16 : index
          %parallel_loop3A_887 = tpu.vector_load %arg13[%parallel_loop3A_885, %parallel_loop3A_886] {strides = array<i32>} : memref<80x128xf32, #tpu.memory_space<vmem>>, vector<1x16xf32>,
          %parallel_loop3A_888 = vector.shape_cast %parallel_loop3A_887 : vector<1x16xf32> to vector<16xf32>
          %parallel_loop3A_889 = arith.addf %parallel_loop3A_884, %parallel_loop3A_888 : vector<16xf32>
          %parallel_loop3A_890 = arith.constant 0.000000e+00 : f32
          %parallel_loop3A_891 = vector.broadcast %parallel_loop3A_890 : f32 to vector<16xf32>
          %parallel_loop3A_892 = arith.maximumf %parallel_loop3A_889, %parallel_loop3A_891 : vector<16xf32>
          %parallel_loop3A_893 = arith.index_cast %parallel_loop3A_863 : i32 to index
          %parallel_loop3A_894 = arith.constant 16 : index
          %parallel_loop3A_895 = tpu.vector_load %arg11[%parallel_loop3A_893, %parallel_loop3A_894] {strides = array<i32>} : memref<80x128xf32, #tpu.memory_space<vmem>>, vector<1x16xf32>,
          %parallel_loop3A_896 = vector.shape_cast %parallel_loop3A_895 : vector<1x16xf32> to vector<16xf32>
          %parallel_loop3A_897 = vector.shape_cast %parallel_loop3A_892 : vector<16xf32> to vector<1x16xf32>
          tpu.vector_store %arg11[%parallel_loop3A_893, %parallel_loop3A_894], %parallel_loop3A_897 {strides = array<i32>} : memref<80x128xf32, #tpu.memory_space<vmem>>, vector<1x16xf32>,
          %parallel_loop3A_898 = arith.index_cast %parallel_loop3A_863 : i32 to index
          %parallel_loop3A_899 = arith.constant 32 : index
          %parallel_loop3A_900 = tpu.vector_load %arg11[%parallel_loop3A_898, %parallel_loop3A_899] {strides = array<i32>} : memref<80x128xf32, #tpu.memory_space<vmem>>, vector<1x16xf32>,
          %parallel_loop3A_901 = vector.shape_cast %parallel_loop3A_900 : vector<1x16xf32> to vector<16xf32>
          %parallel_loop3A_902 = arith.index_cast %parallel_loop3A_863 : i32 to index
          %parallel_loop3A_903 = arith.constant 32 : index
          %parallel_loop3A_904 = tpu.vector_load %arg13[%parallel_loop3A_902, %parallel_loop3A_903] {strides = array<i32>} : memref<80x128xf32, #tpu.memory_space<vmem>>, vector<1x16xf32>,
          %parallel_loop3A_905 = vector.shape_cast %parallel_loop3A_904 : vector<1x16xf32> to vector<16xf32>
          %parallel_loop3A_906 = arith.addf %parallel_loop3A_901, %parallel_loop3A_905 : vector<16xf32>
          %parallel_loop3A_907 = arith.constant 0.000000e+00 : f32
          %parallel_loop3A_908 = vector.broadcast %parallel_loop3A_907 : f32 to vector<16xf32>
          %parallel_loop3A_909 = arith.maximumf %parallel_loop3A_906, %parallel_loop3A_908 : vector<16xf32>
          %parallel_loop3A_910 = arith.index_cast %parallel_loop3A_863 : i32 to index
          %parallel_loop3A_911 = arith.constant 32 : index
          %parallel_loop3A_912 = tpu.vector_load %arg11[%parallel_loop3A_910, %parallel_loop3A_911] {strides = array<i32>} : memref<80x128xf32, #tpu.memory_space<vmem>>, vector<1x16xf32>,
          %parallel_loop3A_913 = vector.shape_cast %parallel_loop3A_912 : vector<1x16xf32> to vector<16xf32>
          %parallel_loop3A_914 = vector.shape_cast %parallel_loop3A_909 : vector<16xf32> to vector<1x16xf32>
          tpu.vector_store %arg11[%parallel_loop3A_910, %parallel_loop3A_911], %parallel_loop3A_914 {strides = array<i32>} : memref<80x128xf32, #tpu.memory_space<vmem>>, vector<1x16xf32>,
          %parallel_loop3A_915 = arith.index_cast %parallel_loop3A_863 : i32 to index
          %parallel_loop3A_916 = arith.constant 48 : index
          %parallel_loop3A_917 = tpu.vector_load %arg11[%parallel_loop3A_915, %parallel_loop3A_916] {strides = array<i32>} : memref<80x128xf32, #tpu.memory_space<vmem>>, vector<1x16xf32>,
          %parallel_loop3A_918 = vector.shape_cast %parallel_loop3A_917 : vector<1x16xf32> to vector<16xf32>
          %parallel_loop3A_919 = arith.index_cast %parallel_loop3A_863 : i32 to index
          %parallel_loop3A_920 = arith.constant 48 : index
          %parallel_loop3A_921 = tpu.vector_load %arg13[%parallel_loop3A_919, %parallel_loop3A_920] {strides = array<i32>} : memref<80x128xf32, #tpu.memory_space<vmem>>, vector<1x16xf32>,
          %parallel_loop3A_922 = vector.shape_cast %parallel_loop3A_921 : vector<1x16xf32> to vector<16xf32>
          %parallel_loop3A_923 = arith.addf %parallel_loop3A_918, %parallel_loop3A_922 : vector<16xf32>
          %parallel_loop3A_924 = arith.constant 0.000000e+00 : f32
          %parallel_loop3A_925 = vector.broadcast %parallel_loop3A_924 : f32 to vector<16xf32>
          %parallel_loop3A_926 = arith.maximumf %parallel_loop3A_923, %parallel_loop3A_925 : vector<16xf32>
          %parallel_loop3A_927 = arith.index_cast %parallel_loop3A_863 : i32 to index
          %parallel_loop3A_928 = arith.constant 48 : index
          %parallel_loop3A_929 = tpu.vector_load %arg11[%parallel_loop3A_927, %parallel_loop3A_928] {strides = array<i32>} : memref<80x128xf32, #tpu.memory_space<vmem>>, vector<1x16xf32>,
          %parallel_loop3A_930 = vector.shape_cast %parallel_loop3A_929 : vector<1x16xf32> to vector<16xf32>
          %parallel_loop3A_931 = vector.shape_cast %parallel_loop3A_926 : vector<16xf32> to vector<1x16xf32>
          tpu.vector_store %arg11[%parallel_loop3A_927, %parallel_loop3A_928], %parallel_loop3A_931 {strides = array<i32>} : memref<80x128xf32, #tpu.memory_space<vmem>>, vector<1x16xf32>,
          %parallel_loop3A_932 = arith.index_cast %parallel_loop3A_863 : i32 to index
          %parallel_loop3A_933 = arith.constant 64 : index
          %parallel_loop3A_934 = tpu.vector_load %arg11[%parallel_loop3A_932, %parallel_loop3A_933] {strides = array<i32>} : memref<80x128xf32, #tpu.memory_space<vmem>>, vector<1x16xf32>,
          %parallel_loop3A_935 = vector.shape_cast %parallel_loop3A_934 : vector<1x16xf32> to vector<16xf32>
          %parallel_loop3A_936 = arith.index_cast %parallel_loop3A_863 : i32 to index
          %parallel_loop3A_937 = arith.constant 64 : index
          %parallel_loop3A_938 = tpu.vector_load %arg13[%parallel_loop3A_936, %parallel_loop3A_937] {strides = array<i32>} : memref<80x128xf32, #tpu.memory_space<vmem>>, vector<1x16xf32>,
          %parallel_loop3A_939 = vector.shape_cast %parallel_loop3A_938 : vector<1x16xf32> to vector<16xf32>
          %parallel_loop3A_940 = arith.addf %parallel_loop3A_935, %parallel_loop3A_939 : vector<16xf32>
          %parallel_loop3A_941 = arith.constant 0.000000e+00 : f32
          %parallel_loop3A_942 = vector.broadcast %parallel_loop3A_941 : f32 to vector<16xf32>
          %parallel_loop3A_943 = arith.maximumf %parallel_loop3A_940, %parallel_loop3A_942 : vector<16xf32>
          %parallel_loop3A_944 = arith.index_cast %parallel_loop3A_863 : i32 to index
          %parallel_loop3A_945 = arith.constant 64 : index
          %parallel_loop3A_946 = tpu.vector_load %arg11[%parallel_loop3A_944, %parallel_loop3A_945] {strides = array<i32>} : memref<80x128xf32, #tpu.memory_space<vmem>>, vector<1x16xf32>,
          %parallel_loop3A_947 = vector.shape_cast %parallel_loop3A_946 : vector<1x16xf32> to vector<16xf32>
          %parallel_loop3A_948 = vector.shape_cast %parallel_loop3A_943 : vector<16xf32> to vector<1x16xf32>
          tpu.vector_store %arg11[%parallel_loop3A_944, %parallel_loop3A_945], %parallel_loop3A_948 {strides = array<i32>} : memref<80x128xf32, #tpu.memory_space<vmem>>, vector<1x16xf32>,
          %parallel_loop3A_949 = arith.index_cast %parallel_loop3A_863 : i32 to index
          %parallel_loop3A_950 = arith.constant 80 : index
          %parallel_loop3A_951 = tpu.vector_load %arg11[%parallel_loop3A_949, %parallel_loop3A_950] {strides = array<i32>} : memref<80x128xf32, #tpu.memory_space<vmem>>, vector<1x16xf32>,
          %parallel_loop3A_952 = vector.shape_cast %parallel_loop3A_951 : vector<1x16xf32> to vector<16xf32>
          %parallel_loop3A_953 = arith.index_cast %parallel_loop3A_863 : i32 to index
          %parallel_loop3A_954 = arith.constant 80 : index
          %parallel_loop3A_955 = tpu.vector_load %arg13[%parallel_loop3A_953, %parallel_loop3A_954] {strides = array<i32>} : memref<80x128xf32, #tpu.memory_space<vmem>>, vector<1x16xf32>,
          %parallel_loop3A_956 = vector.shape_cast %parallel_loop3A_955 : vector<1x16xf32> to vector<16xf32>
          %parallel_loop3A_957 = arith.addf %parallel_loop3A_952, %parallel_loop3A_956 : vector<16xf32>
          %parallel_loop3A_958 = arith.constant 0.000000e+00 : f32
          %parallel_loop3A_959 = vector.broadcast %parallel_loop3A_958 : f32 to vector<16xf32>
          %parallel_loop3A_960 = arith.maximumf %parallel_loop3A_957, %parallel_loop3A_959 : vector<16xf32>
          %parallel_loop3A_961 = arith.index_cast %parallel_loop3A_863 : i32 to index
          %parallel_loop3A_962 = arith.constant 80 : index
          %parallel_loop3A_963 = tpu.vector_load %arg11[%parallel_loop3A_961, %parallel_loop3A_962] {strides = array<i32>} : memref<80x128xf32, #tpu.memory_space<vmem>>, vector<1x16xf32>,
          %parallel_loop3A_964 = vector.shape_cast %parallel_loop3A_963 : vector<1x16xf32> to vector<16xf32>
          %parallel_loop3A_965 = vector.shape_cast %parallel_loop3A_960 : vector<16xf32> to vector<1x16xf32>
          tpu.vector_store %arg11[%parallel_loop3A_961, %parallel_loop3A_962], %parallel_loop3A_965 {strides = array<i32>} : memref<80x128xf32, #tpu.memory_space<vmem>>, vector<1x16xf32>,
          %parallel_loop3A_966 = arith.index_cast %parallel_loop3A_863 : i32 to index
          %parallel_loop3A_967 = arith.constant 96 : index
          %parallel_loop3A_968 = tpu.vector_load %arg11[%parallel_loop3A_966, %parallel_loop3A_967] {strides = array<i32>} : memref<80x128xf32, #tpu.memory_space<vmem>>, vector<1x16xf32>,
          %parallel_loop3A_969 = vector.shape_cast %parallel_loop3A_968 : vector<1x16xf32> to vector<16xf32>
          %parallel_loop3A_970 = arith.index_cast %parallel_loop3A_863 : i32 to index
          %parallel_loop3A_971 = arith.constant 96 : index
          %parallel_loop3A_972 = tpu.vector_load %arg13[%parallel_loop3A_970, %parallel_loop3A_971] {strides = array<i32>} : memref<80x128xf32, #tpu.memory_space<vmem>>, vector<1x16xf32>,
          %parallel_loop3A_973 = vector.shape_cast %parallel_loop3A_972 : vector<1x16xf32> to vector<16xf32>
          %parallel_loop3A_974 = arith.addf %parallel_loop3A_969, %parallel_loop3A_973 : vector<16xf32>
          %parallel_loop3A_975 = arith.constant 0.000000e+00 : f32
          %parallel_loop3A_976 = vector.broadcast %parallel_loop3A_975 : f32 to vector<16xf32>
          %parallel_loop3A_977 = arith.maximumf %parallel_loop3A_974, %parallel_loop3A_976 : vector<16xf32>
          %parallel_loop3A_978 = arith.index_cast %parallel_loop3A_863 : i32 to index
          %parallel_loop3A_979 = arith.constant 96 : index
          %parallel_loop3A_980 = tpu.vector_load %arg11[%parallel_loop3A_978, %parallel_loop3A_979] {strides = array<i32>} : memref<80x128xf32, #tpu.memory_space<vmem>>, vector<1x16xf32>,
          %parallel_loop3A_981 = vector.shape_cast %parallel_loop3A_980 : vector<1x16xf32> to vector<16xf32>
          %parallel_loop3A_982 = vector.shape_cast %parallel_loop3A_977 : vector<16xf32> to vector<1x16xf32>
          tpu.vector_store %arg11[%parallel_loop3A_978, %parallel_loop3A_979], %parallel_loop3A_982 {strides = array<i32>} : memref<80x128xf32, #tpu.memory_space<vmem>>, vector<1x16xf32>,
          %parallel_loop3A_983 = arith.index_cast %parallel_loop3A_863 : i32 to index
          %parallel_loop3A_984 = arith.constant 112 : index
          %parallel_loop3A_985 = tpu.vector_load %arg11[%parallel_loop3A_983, %parallel_loop3A_984] {strides = array<i32>} : memref<80x128xf32, #tpu.memory_space<vmem>>, vector<1x16xf32>,
          %parallel_loop3A_986 = vector.shape_cast %parallel_loop3A_985 : vector<1x16xf32> to vector<16xf32>
          %parallel_loop3A_987 = arith.index_cast %parallel_loop3A_863 : i32 to index
          %parallel_loop3A_988 = arith.constant 112 : index
          %parallel_loop3A_989 = tpu.vector_load %arg13[%parallel_loop3A_987, %parallel_loop3A_988] {strides = array<i32>} : memref<80x128xf32, #tpu.memory_space<vmem>>, vector<1x16xf32>,
          %parallel_loop3A_990 = vector.shape_cast %parallel_loop3A_989 : vector<1x16xf32> to vector<16xf32>
          %parallel_loop3A_991 = arith.addf %parallel_loop3A_986, %parallel_loop3A_990 : vector<16xf32>
          %parallel_loop3A_992 = arith.constant 0.000000e+00 : f32
          %parallel_loop3A_993 = vector.broadcast %parallel_loop3A_992 : f32 to vector<16xf32>
          %parallel_loop3A_994 = arith.maximumf %parallel_loop3A_991, %parallel_loop3A_993 : vector<16xf32>
          %parallel_loop3A_995 = arith.index_cast %parallel_loop3A_863 : i32 to index
          %parallel_loop3A_996 = arith.constant 112 : index
          %parallel_loop3A_997 = tpu.vector_load %arg11[%parallel_loop3A_995, %parallel_loop3A_996] {strides = array<i32>} : memref<80x128xf32, #tpu.memory_space<vmem>>, vector<1x16xf32>,
          %parallel_loop3A_998 = vector.shape_cast %parallel_loop3A_997 : vector<1x16xf32> to vector<16xf32>
          %parallel_loop3A_999 = vector.shape_cast %parallel_loop3A_994 : vector<16xf32> to vector<1x16xf32>
          tpu.vector_store %arg11[%parallel_loop3A_995, %parallel_loop3A_996], %parallel_loop3A_999 {strides = array<i32>} : memref<80x128xf32, #tpu.memory_space<vmem>>, vector<1x16xf32>,
        } {sc.loop_unroll_factor = 2 : i64, sc.parallel_access}
        %dma_start3A_769 = arith.constant 0 : i32
        %dma_start3A_770 = arith.constant 0 : i32
        %dma_start3A_771 = tpu.memref_slice %arg14[%dma_start3A_769, %dma_start3A_770] : memref<10240x128xf32, #tpu.memory_space<vmem_shared>> -> memref<10240x128xf32, #tpu.memory_space<vmem_shared>>
        tpu.enqueue_indirect_dma source(%arg11 : memref<80x128xf32, #tpu.memory_space<vmem>>) target(%dma_start3A_771 : memref<10240x128xf32, #tpu.memory_space<vmem_shared>>) offsets(%arg9 : memref<80xi32, #tpu.memory_space<vmem>>) semaphore(%arg16 : memref<!tpu.dma_semaphore, #tpu.memory_space<semaphore_mem>>) {add = true}
        %add3A_772 = arith.constant 1 : i32
        %add3A_773 = arith.addi %add3A_683, %add3A_772 : i32
        %dma_wait3A_774 = arith.constant 0 : i32
        %dma_wait3A_775 = arith.constant 0 : i32
        %dma_wait3A_776 = tpu.memref_slice %arg14[%dma_wait3A_774, %dma_wait3A_775] : memref<10240x128xf32, #tpu.memory_space<vmem_shared>> -> memref<10240x128xf32, #tpu.memory_space<vmem_shared>>
        tpu.wait_indirect_dma semaphore(%arg16 : memref<!tpu.dma_semaphore, #tpu.memory_space<semaphore_mem>>) src(%arg11 : memref<80x128xf32, #tpu.memory_space<vmem>>) dst(%dma_wait3A_776 : memref<10240x128xf32, #tpu.memory_space<vmem_shared>>)
        %add3A_777 = arith.constant 1 : i32
        %add3A_778 = arith.addi %add3A_773, %add3A_777 : i32
        %mul3A_779 = arith.constant 80 : i32
        %mul3A_780 = arith.muli %add3A_778, %mul3A_779 : i32
        %dma_start3A_781 = tpu.memref_slice %arg6[%mul3A_780] : memref<2000xi32, #tpu.memory_space<vmem>> -> memref<80xi32, #tpu.memory_space<vmem>>
        %dma_start3A_782 = arith.constant 0 : i32
        %dma_start3A_783 = arith.constant 0 : i32
        %dma_start3A_784 = tpu.memref_slice %arg2[%dma_start3A_782, %dma_start3A_783] : memref<10000x128xf32, #tpu.memory_space<hbm>> -> memref<10000x128xf32, #tpu.memory_space<hbm>>
        tpu.enqueue_indirect_dma source(%dma_start3A_784 : memref<10000x128xf32, #tpu.memory_space<hbm>>) target(%arg11 : memref<80x128xf32, #tpu.memory_space<vmem>>) offsets(%dma_start3A_781 : memref<80xi32, #tpu.memory_space<vmem>>) semaphore(%arg15 : memref<!tpu.dma_semaphore, #tpu.memory_space<semaphore_mem>>)
        %mul3A_785 = arith.constant 80 : i32
        %mul3A_786 = arith.muli %add3A_778, %mul3A_785 : i32
        %dma_start3A_787 = tpu.memref_slice %arg7[%mul3A_786] : memref<2000xi32, #tpu.memory_space<vmem>> -> memref<80xi32, #tpu.memory_space<vmem>>
        %dma_start3A_788 = arith.constant 0 : i32
        %dma_start3A_789 = arith.constant 0 : i32
        %dma_start3A_790 = tpu.memref_slice %arg3[%dma_start3A_788, %dma_start3A_789] : memref<10000x128xf32, #tpu.memory_space<hbm>> -> memref<10000x128xf32, #tpu.memory_space<hbm>>
        tpu.enqueue_indirect_dma source(%dma_start3A_790 : memref<10000x128xf32, #tpu.memory_space<hbm>>) target(%arg13 : memref<80x128xf32, #tpu.memory_space<vmem>>) offsets(%dma_start3A_787 : memref<80xi32, #tpu.memory_space<vmem>>) semaphore(%arg15 : memref<!tpu.dma_semaphore, #tpu.memory_space<semaphore_mem>>)
        %dma_wait3A_791 = arith.constant 0 : i32
        %dma_wait3A_792 = tpu.memref_slice %arg6[%dma_wait3A_791] : memref<2000xi32, #tpu.memory_space<vmem>> -> memref<80xi32, #tpu.memory_space<vmem>>
        %dma_wait3A_793 = arith.constant 0 : i32
        %dma_wait3A_794 = arith.constant 0 : i32
        %dma_wait3A_795 = tpu.memref_slice %arg2[%dma_wait3A_793, %dma_wait3A_794] : memref<10000x128xf32, #tpu.memory_space<hbm>> -> memref<10000x128xf32, #tpu.memory_space<hbm>>
        tpu.wait_indirect_dma semaphore(%arg15 : memref<!tpu.dma_semaphore, #tpu.memory_space<semaphore_mem>>) src(%dma_wait3A_795 : memref<10000x128xf32, #tpu.memory_space<hbm>>) dst(%arg10 : memref<80x128xf32, #tpu.memory_space<vmem>>)
        %dma_wait3A_796 = arith.constant 0 : i32
        %dma_wait3A_797 = tpu.memref_slice %arg7[%dma_wait3A_796] : memref<2000xi32, #tpu.memory_space<vmem>> -> memref<80xi32, #tpu.memory_space<vmem>>
        %dma_wait3A_798 = arith.constant 0 : i32
        %dma_wait3A_799 = arith.constant 0 : i32
        %dma_wait3A_800 = tpu.memref_slice %arg3[%dma_wait3A_798, %dma_wait3A_799] : memref<10000x128xf32, #tpu.memory_space<hbm>> -> memref<10000x128xf32, #tpu.memory_space<hbm>>
        tpu.wait_indirect_dma semaphore(%arg15 : memref<!tpu.dma_semaphore, #tpu.memory_space<semaphore_mem>>) src(%dma_wait3A_800 : memref<10000x128xf32, #tpu.memory_space<hbm>>) dst(%arg12 : memref<80x128xf32, #tpu.memory_space<vmem>>)
        %mul3A_801 = arith.constant 80 : i32
        %mul3A_802 = arith.muli %add3A_773, %mul3A_801 : i32
        %add3A_803 = arith.constant 0 : i32
        %add3A_804 = arith.addi %mul3A_802, %add3A_803 : i32
        %get3A_805 = arith.index_cast %add3A_804 : i32 to index
        %get3A_806 = tpu.vector_load %arg7[%get3A_805] {strides = array<i32>} : memref<2000xi32, #tpu.memory_space<vmem>>, vector<16xi32>,
        %get3A_807 = vector.shape_cast %get3A_806 : vector<16xi32> to vector<16xi32>
        %swap3A_808 = arith.constant 0 : index
        %swap3A_809 = tpu.vector_load %arg8[%swap3A_808] {strides = array<i32>} : memref<80xi32, #tpu.memory_space<vmem>>, vector<16xi32>,
        %swap3A_810 = vector.shape_cast %swap3A_809 : vector<16xi32> to vector<16xi32>
        %swap3A_811 = vector.shape_cast %get3A_807 : vector<16xi32> to vector<16xi32>
        tpu.vector_store %arg8[%swap3A_808], %swap3A_811 {strides = array<i32>} : memref<80xi32, #tpu.memory_space<vmem>>, vector<16xi32>,
        %mul3A_812 = arith.constant 80 : i32
        %mul3A_813 = arith.muli %add3A_773, %mul3A_812 : i32
        %add3A_814 = arith.constant 16 : i32
        %add3A_815 = arith.addi %mul3A_813, %add3A_814 : i32
        %get3A_816 = arith.index_cast %add3A_815 : i32 to index
        %get3A_817 = tpu.vector_load %arg7[%get3A_816] {strides = array<i32>} : memref<2000xi32, #tpu.memory_space<vmem>>, vector<16xi32>,
        %get3A_818 = vector.shape_cast %get3A_817 : vector<16xi32> to vector<16xi32>
        %swap3A_819 = arith.constant 16 : index
        %swap3A_820 = tpu.vector_load %arg8[%swap3A_819] {strides = array<i32>} : memref<80xi32, #tpu.memory_space<vmem>>, vector<16xi32>,
        %swap3A_821 = vector.shape_cast %swap3A_820 : vector<16xi32> to vector<16xi32>
        %swap3A_822 = vector.shape_cast %get3A_818 : vector<16xi32> to vector<16xi32>
        tpu.vector_store %arg8[%swap3A_819], %swap3A_822 {strides = array<i32>} : memref<80xi32, #tpu.memory_space<vmem>>, vector<16xi32>,
        %mul3A_823 = arith.constant 80 : i32
        %mul3A_824 = arith.muli %add3A_773, %mul3A_823 : i32
        %add3A_825 = arith.constant 32 : i32
        %add3A_826 = arith.addi %mul3A_824, %add3A_825 : i32
        %get3A_827 = arith.index_cast %add3A_826 : i32 to index
        %get3A_828 = tpu.vector_load %arg7[%get3A_827] {strides = array<i32>} : memref<2000xi32, #tpu.memory_space<vmem>>, vector<16xi32>,
        %get3A_829 = vector.shape_cast %get3A_828 : vector<16xi32> to vector<16xi32>
        %swap3A_830 = arith.constant 32 : index
        %swap3A_831 = tpu.vector_load %arg8[%swap3A_830] {strides = array<i32>} : memref<80xi32, #tpu.memory_space<vmem>>, vector<16xi32>,
        %swap3A_832 = vector.shape_cast %swap3A_831 : vector<16xi32> to vector<16xi32>
        %swap3A_833 = vector.shape_cast %get3A_829 : vector<16xi32> to vector<16xi32>
        tpu.vector_store %arg8[%swap3A_830], %swap3A_833 {strides = array<i32>} : memref<80xi32, #tpu.memory_space<vmem>>, vector<16xi32>,
        %mul3A_834 = arith.constant 80 : i32
        %mul3A_835 = arith.muli %add3A_773, %mul3A_834 : i32
        %add3A_836 = arith.constant 48 : i32
        %add3A_837 = arith.addi %mul3A_835, %add3A_836 : i32
        %get3A_838 = arith.index_cast %add3A_837 : i32 to index
        %get3A_839 = tpu.vector_load %arg7[%get3A_838] {strides = array<i32>} : memref<2000xi32, #tpu.memory_space<vmem>>, vector<16xi32>,
        %get3A_840 = vector.shape_cast %get3A_839 : vector<16xi32> to vector<16xi32>
        %swap3A_841 = arith.constant 48 : index
        %swap3A_842 = tpu.vector_load %arg8[%swap3A_841] {strides = array<i32>} : memref<80xi32, #tpu.memory_space<vmem>>, vector<16xi32>,
        %swap3A_843 = vector.shape_cast %swap3A_842 : vector<16xi32> to vector<16xi32>
        %swap3A_844 = vector.shape_cast %get3A_840 : vector<16xi32> to vector<16xi32>
        tpu.vector_store %arg8[%swap3A_841], %swap3A_844 {strides = array<i32>} : memref<80xi32, #tpu.memory_space<vmem>>, vector<16xi32>,
        %mul3A_845 = arith.constant 80 : i32
        %mul3A_846 = arith.muli %add3A_773, %mul3A_845 : i32
        %add3A_847 = arith.constant 64 : i32
        %add3A_848 = arith.addi %mul3A_846, %add3A_847 : i32
        %get3A_849 = arith.index_cast %add3A_848 : i32 to index
        %get3A_850 = tpu.vector_load %arg7[%get3A_849] {strides = array<i32>} : memref<2000xi32, #tpu.memory_space<vmem>>, vector<16xi32>,
        %get3A_851 = vector.shape_cast %get3A_850 : vector<16xi32> to vector<16xi32>
        %swap3A_852 = arith.constant 64 : index
        %swap3A_853 = tpu.vector_load %arg8[%swap3A_852] {strides = array<i32>} : memref<80xi32, #tpu.memory_space<vmem>>, vector<16xi32>,
        %swap3A_854 = vector.shape_cast %swap3A_853 : vector<16xi32> to vector<16xi32>
        %swap3A_855 = vector.shape_cast %get3A_851 : vector<16xi32> to vector<16xi32>
        tpu.vector_store %arg8[%swap3A_852], %swap3A_855 {strides = array<i32>} : memref<80xi32, #tpu.memory_space<vmem>>, vector<16xi32>,
        %parallel_loop3A_856 = arith.constant 0 : i32
        %parallel_loop3A_857 = arith.constant 80 : i32
        %parallel_loop3A_858 = arith.constant 1 : i32
        scf.for %parallel_loop3A_863 = %parallel_loop3A_856 to %parallel_loop3A_857 step %parallel_loop3A_858  : i32 {
          %parallel_loop3A_864 = arith.index_cast %parallel_loop3A_863 : i32 to index
          %parallel_loop3A_865 = arith.constant 0 : index
          %parallel_loop3A_866 = tpu.vector_load %arg10[%parallel_loop3A_864, %parallel_loop3A_865] {strides = array<i32>} : memref<80x128xf32, #tpu.memory_space<vmem>>, vector<1x16xf32>,
          %parallel_loop3A_867 = vector.shape_cast %parallel_loop3A_866 : vector<1x16xf32> to vector<16xf32>
          %parallel_loop3A_868 = arith.index_cast %parallel_loop3A_863 : i32 to index
          %parallel_loop3A_869 = arith.constant 0 : index
          %parallel_loop3A_870 = tpu.vector_load %arg12[%parallel_loop3A_868, %parallel_loop3A_869] {strides = array<i32>} : memref<80x128xf32, #tpu.memory_space<vmem>>, vector<1x16xf32>,
          %parallel_loop3A_871 = vector.shape_cast %parallel_loop3A_870 : vector<1x16xf32> to vector<16xf32>
          %parallel_loop3A_872 = arith.addf %parallel_loop3A_867, %parallel_loop3A_871 : vector<16xf32>
          %parallel_loop3A_873 = arith.constant 0.000000e+00 : f32
          %parallel_loop3A_874 = vector.broadcast %parallel_loop3A_873 : f32 to vector<16xf32>
          %parallel_loop3A_875 = arith.maximumf %parallel_loop3A_872, %parallel_loop3A_874 : vector<16xf32>
          %parallel_loop3A_876 = arith.index_cast %parallel_loop3A_863 : i32 to index
          %parallel_loop3A_877 = arith.constant 0 : index
          %parallel_loop3A_878 = tpu.vector_load %arg10[%parallel_loop3A_876, %parallel_loop3A_877] {strides = array<i32>} : memref<80x128xf32, #tpu.memory_space<vmem>>, vector<1x16xf32>,
          %parallel_loop3A_879 = vector.shape_cast %parallel_loop3A_878 : vector<1x16xf32> to vector<16xf32>
          %parallel_loop3A_880 = vector.shape_cast %parallel_loop3A_875 : vector<16xf32> to vector<1x16xf32>
          tpu.vector_store %arg10[%parallel_loop3A_876, %parallel_loop3A_877], %parallel_loop3A_880 {strides = array<i32>} : memref<80x128xf32, #tpu.memory_space<vmem>>, vector<1x16xf32>,
          %parallel_loop3A_881 = arith.index_cast %parallel_loop3A_863 : i32 to index
          %parallel_loop3A_882 = arith.constant 16 : index
          %parallel_loop3A_883 = tpu.vector_load %arg10[%parallel_loop3A_881, %parallel_loop3A_882] {strides = array<i32>} : memref<80x128xf32, #tpu.memory_space<vmem>>, vector<1x16xf32>,
          %parallel_loop3A_884 = vector.shape_cast %parallel_loop3A_883 : vector<1x16xf32> to vector<16xf32>
          %parallel_loop3A_885 = arith.index_cast %parallel_loop3A_863 : i32 to index
          %parallel_loop3A_886 = arith.constant 16 : index
          %parallel_loop3A_887 = tpu.vector_load %arg12[%parallel_loop3A_885, %parallel_loop3A_886] {strides = array<i32>} : memref<80x128xf32, #tpu.memory_space<vmem>>, vector<1x16xf32>,
          %parallel_loop3A_888 = vector.shape_cast %parallel_loop3A_887 : vector<1x16xf32> to vector<16xf32>
          %parallel_loop3A_889 = arith.addf %parallel_loop3A_884, %parallel_loop3A_888 : vector<16xf32>
          %parallel_loop3A_890 = arith.constant 0.000000e+00 : f32
          %parallel_loop3A_891 = vector.broadcast %parallel_loop3A_890 : f32 to vector<16xf32>
          %parallel_loop3A_892 = arith.maximumf %parallel_loop3A_889, %parallel_loop3A_891 : vector<16xf32>
          %parallel_loop3A_893 = arith.index_cast %parallel_loop3A_863 : i32 to index
          %parallel_loop3A_894 = arith.constant 16 : index
          %parallel_loop3A_895 = tpu.vector_load %arg10[%parallel_loop3A_893, %parallel_loop3A_894] {strides = array<i32>} : memref<80x128xf32, #tpu.memory_space<vmem>>, vector<1x16xf32>,
          %parallel_loop3A_896 = vector.shape_cast %parallel_loop3A_895 : vector<1x16xf32> to vector<16xf32>
          %parallel_loop3A_897 = vector.shape_cast %parallel_loop3A_892 : vector<16xf32> to vector<1x16xf32>
          tpu.vector_store %arg10[%parallel_loop3A_893, %parallel_loop3A_894], %parallel_loop3A_897 {strides = array<i32>} : memref<80x128xf32, #tpu.memory_space<vmem>>, vector<1x16xf32>,
          %parallel_loop3A_898 = arith.index_cast %parallel_loop3A_863 : i32 to index
          %parallel_loop3A_899 = arith.constant 32 : index
          %parallel_loop3A_900 = tpu.vector_load %arg10[%parallel_loop3A_898, %parallel_loop3A_899] {strides = array<i32>} : memref<80x128xf32, #tpu.memory_space<vmem>>, vector<1x16xf32>,
          %parallel_loop3A_901 = vector.shape_cast %parallel_loop3A_900 : vector<1x16xf32> to vector<16xf32>
          %parallel_loop3A_902 = arith.index_cast %parallel_loop3A_863 : i32 to index
          %parallel_loop3A_903 = arith.constant 32 : index
          %parallel_loop3A_904 = tpu.vector_load %arg12[%parallel_loop3A_902, %parallel_loop3A_903] {strides = array<i32>} : memref<80x128xf32, #tpu.memory_space<vmem>>, vector<1x16xf32>,
          %parallel_loop3A_905 = vector.shape_cast %parallel_loop3A_904 : vector<1x16xf32> to vector<16xf32>
          %parallel_loop3A_906 = arith.addf %parallel_loop3A_901, %parallel_loop3A_905 : vector<16xf32>
          %parallel_loop3A_907 = arith.constant 0.000000e+00 : f32
          %parallel_loop3A_908 = vector.broadcast %parallel_loop3A_907 : f32 to vector<16xf32>
          %parallel_loop3A_909 = arith.maximumf %parallel_loop3A_906, %parallel_loop3A_908 : vector<16xf32>
          %parallel_loop3A_910 = arith.index_cast %parallel_loop3A_863 : i32 to index
          %parallel_loop3A_911 = arith.constant 32 : index
          %parallel_loop3A_912 = tpu.vector_load %arg10[%parallel_loop3A_910, %parallel_loop3A_911] {strides = array<i32>} : memref<80x128xf32, #tpu.memory_space<vmem>>, vector<1x16xf32>,
          %parallel_loop3A_913 = vector.shape_cast %parallel_loop3A_912 : vector<1x16xf32> to vector<16xf32>
          %parallel_loop3A_914 = vector.shape_cast %parallel_loop3A_909 : vector<16xf32> to vector<1x16xf32>
          tpu.vector_store %arg10[%parallel_loop3A_910, %parallel_loop3A_911], %parallel_loop3A_914 {strides = array<i32>} : memref<80x128xf32, #tpu.memory_space<vmem>>, vector<1x16xf32>,
          %parallel_loop3A_915 = arith.index_cast %parallel_loop3A_863 : i32 to index
          %parallel_loop3A_916 = arith.constant 48 : index
          %parallel_loop3A_917 = tpu.vector_load %arg10[%parallel_loop3A_915, %parallel_loop3A_916] {strides = array<i32>} : memref<80x128xf32, #tpu.memory_space<vmem>>, vector<1x16xf32>,
          %parallel_loop3A_918 = vector.shape_cast %parallel_loop3A_917 : vector<1x16xf32> to vector<16xf32>
          %parallel_loop3A_919 = arith.index_cast %parallel_loop3A_863 : i32 to index
          %parallel_loop3A_920 = arith.constant 48 : index
          %parallel_loop3A_921 = tpu.vector_load %arg12[%parallel_loop3A_919, %parallel_loop3A_920] {strides = array<i32>} : memref<80x128xf32, #tpu.memory_space<vmem>>, vector<1x16xf32>,
          %parallel_loop3A_922 = vector.shape_cast %parallel_loop3A_921 : vector<1x16xf32> to vector<16xf32>
          %parallel_loop3A_923 = arith.addf %parallel_loop3A_918, %parallel_loop3A_922 : vector<16xf32>
          %parallel_loop3A_924 = arith.constant 0.000000e+00 : f32
          %parallel_loop3A_925 = vector.broadcast %parallel_loop3A_924 : f32 to vector<16xf32>
          %parallel_loop3A_926 = arith.maximumf %parallel_loop3A_923, %parallel_loop3A_925 : vector<16xf32>
          %parallel_loop3A_927 = arith.index_cast %parallel_loop3A_863 : i32 to index
          %parallel_loop3A_928 = arith.constant 48 : index
          %parallel_loop3A_929 = tpu.vector_load %arg10[%parallel_loop3A_927, %parallel_loop3A_928] {strides = array<i32>} : memref<80x128xf32, #tpu.memory_space<vmem>>, vector<1x16xf32>,
          %parallel_loop3A_930 = vector.shape_cast %parallel_loop3A_929 : vector<1x16xf32> to vector<16xf32>
          %parallel_loop3A_931 = vector.shape_cast %parallel_loop3A_926 : vector<16xf32> to vector<1x16xf32>
          tpu.vector_store %arg10[%parallel_loop3A_927, %parallel_loop3A_928], %parallel_loop3A_931 {strides = array<i32>} : memref<80x128xf32, #tpu.memory_space<vmem>>, vector<1x16xf32>,
          %parallel_loop3A_932 = arith.index_cast %parallel_loop3A_863 : i32 to index
          %parallel_loop3A_933 = arith.constant 64 : index
          %parallel_loop3A_934 = tpu.vector_load %arg10[%parallel_loop3A_932, %parallel_loop3A_933] {strides = array<i32>} : memref<80x128xf32, #tpu.memory_space<vmem>>, vector<1x16xf32>,
          %parallel_loop3A_935 = vector.shape_cast %parallel_loop3A_934 : vector<1x16xf32> to vector<16xf32>
          %parallel_loop3A_936 = arith.index_cast %parallel_loop3A_863 : i32 to index
          %parallel_loop3A_937 = arith.constant 64 : index
          %parallel_loop3A_938 = tpu.vector_load %arg12[%parallel_loop3A_936, %parallel_loop3A_937] {strides = array<i32>} : memref<80x128xf32, #tpu.memory_space<vmem>>, vector<1x16xf32>,
          %parallel_loop3A_939 = vector.shape_cast %parallel_loop3A_938 : vector<1x16xf32> to vector<16xf32>
          %parallel_loop3A_940 = arith.addf %parallel_loop3A_935, %parallel_loop3A_939 : vector<16xf32>
          %parallel_loop3A_941 = arith.constant 0.000000e+00 : f32
          %parallel_loop3A_942 = vector.broadcast %parallel_loop3A_941 : f32 to vector<16xf32>
          %parallel_loop3A_943 = arith.maximumf %parallel_loop3A_940, %parallel_loop3A_942 : vector<16xf32>
          %parallel_loop3A_944 = arith.index_cast %parallel_loop3A_863 : i32 to index
          %parallel_loop3A_945 = arith.constant 64 : index
          %parallel_loop3A_946 = tpu.vector_load %arg10[%parallel_loop3A_944, %parallel_loop3A_945] {strides = array<i32>} : memref<80x128xf32, #tpu.memory_space<vmem>>, vector<1x16xf32>,
          %parallel_loop3A_947 = vector.shape_cast %parallel_loop3A_946 : vector<1x16xf32> to vector<16xf32>
          %parallel_loop3A_948 = vector.shape_cast %parallel_loop3A_943 : vector<16xf32> to vector<1x16xf32>
          tpu.vector_store %arg10[%parallel_loop3A_944, %parallel_loop3A_945], %parallel_loop3A_948 {strides = array<i32>} : memref<80x128xf32, #tpu.memory_space<vmem>>, vector<1x16xf32>,
          %parallel_loop3A_949 = arith.index_cast %parallel_loop3A_863 : i32 to index
          %parallel_loop3A_950 = arith.constant 80 : index
          %parallel_loop3A_951 = tpu.vector_load %arg10[%parallel_loop3A_949, %parallel_loop3A_950] {strides = array<i32>} : memref<80x128xf32, #tpu.memory_space<vmem>>, vector<1x16xf32>,
          %parallel_loop3A_952 = vector.shape_cast %parallel_loop3A_951 : vector<1x16xf32> to vector<16xf32>
          %parallel_loop3A_953 = arith.index_cast %parallel_loop3A_863 : i32 to index
          %parallel_loop3A_954 = arith.constant 80 : index
          %parallel_loop3A_955 = tpu.vector_load %arg12[%parallel_loop3A_953, %parallel_loop3A_954] {strides = array<i32>} : memref<80x128xf32, #tpu.memory_space<vmem>>, vector<1x16xf32>,
          %parallel_loop3A_956 = vector.shape_cast %parallel_loop3A_955 : vector<1x16xf32> to vector<16xf32>
          %parallel_loop3A_957 = arith.addf %parallel_loop3A_952, %parallel_loop3A_956 : vector<16xf32>
          %parallel_loop3A_958 = arith.constant 0.000000e+00 : f32
          %parallel_loop3A_959 = vector.broadcast %parallel_loop3A_958 : f32 to vector<16xf32>
          %parallel_loop3A_960 = arith.maximumf %parallel_loop3A_957, %parallel_loop3A_959 : vector<16xf32>
          %parallel_loop3A_961 = arith.index_cast %parallel_loop3A_863 : i32 to index
          %parallel_loop3A_962 = arith.constant 80 : index
          %parallel_loop3A_963 = tpu.vector_load %arg10[%parallel_loop3A_961, %parallel_loop3A_962] {strides = array<i32>} : memref<80x128xf32, #tpu.memory_space<vmem>>, vector<1x16xf32>,
          %parallel_loop3A_964 = vector.shape_cast %parallel_loop3A_963 : vector<1x16xf32> to vector<16xf32>
          %parallel_loop3A_965 = vector.shape_cast %parallel_loop3A_960 : vector<16xf32> to vector<1x16xf32>
          tpu.vector_store %arg10[%parallel_loop3A_961, %parallel_loop3A_962], %parallel_loop3A_965 {strides = array<i32>} : memref<80x128xf32, #tpu.memory_space<vmem>>, vector<1x16xf32>,
          %parallel_loop3A_966 = arith.index_cast %parallel_loop3A_863 : i32 to index
          %parallel_loop3A_967 = arith.constant 96 : index
          %parallel_loop3A_968 = tpu.vector_load %arg10[%parallel_loop3A_966, %parallel_loop3A_967] {strides = array<i32>} : memref<80x128xf32, #tpu.memory_space<vmem>>, vector<1x16xf32>,
          %parallel_loop3A_969 = vector.shape_cast %parallel_loop3A_968 : vector<1x16xf32> to vector<16xf32>
          %parallel_loop3A_970 = arith.index_cast %parallel_loop3A_863 : i32 to index
          %parallel_loop3A_971 = arith.constant 96 : index
          %parallel_loop3A_972 = tpu.vector_load %arg12[%parallel_loop3A_970, %parallel_loop3A_971] {strides = array<i32>} : memref<80x128xf32, #tpu.memory_space<vmem>>, vector<1x16xf32>,
          %parallel_loop3A_973 = vector.shape_cast %parallel_loop3A_972 : vector<1x16xf32> to vector<16xf32>
          %parallel_loop3A_974 = arith.addf %parallel_loop3A_969, %parallel_loop3A_973 : vector<16xf32>
          %parallel_loop3A_975 = arith.constant 0.000000e+00 : f32
          %parallel_loop3A_976 = vector.broadcast %parallel_loop3A_975 : f32 to vector<16xf32>
          %parallel_loop3A_977 = arith.maximumf %parallel_loop3A_974, %parallel_loop3A_976 : vector<16xf32>
          %parallel_loop3A_978 = arith.index_cast %parallel_loop3A_863 : i32 to index
          %parallel_loop3A_979 = arith.constant 96 : index
          %parallel_loop3A_980 = tpu.vector_load %arg10[%parallel_loop3A_978, %parallel_loop3A_979] {strides = array<i32>} : memref<80x128xf32, #tpu.memory_space<vmem>>, vector<1x16xf32>,
          %parallel_loop3A_981 = vector.shape_cast %parallel_loop3A_980 : vector<1x16xf32> to vector<16xf32>
          %parallel_loop3A_982 = vector.shape_cast %parallel_loop3A_977 : vector<16xf32> to vector<1x16xf32>
          tpu.vector_store %arg10[%parallel_loop3A_978, %parallel_loop3A_979], %parallel_loop3A_982 {strides = array<i32>} : memref<80x128xf32, #tpu.memory_space<vmem>>, vector<1x16xf32>,
          %parallel_loop3A_983 = arith.index_cast %parallel_loop3A_863 : i32 to index
          %parallel_loop3A_984 = arith.constant 112 : index
          %parallel_loop3A_985 = tpu.vector_load %arg10[%parallel_loop3A_983, %parallel_loop3A_984] {strides = array<i32>} : memref<80x128xf32, #tpu.memory_space<vmem>>, vector<1x16xf32>,
          %parallel_loop3A_986 = vector.shape_cast %parallel_loop3A_985 : vector<1x16xf32> to vector<16xf32>
          %parallel_loop3A_987 = arith.index_cast %parallel_loop3A_863 : i32 to index
          %parallel_loop3A_988 = arith.constant 112 : index
          %parallel_loop3A_989 = tpu.vector_load %arg12[%parallel_loop3A_987, %parallel_loop3A_988] {strides = array<i32>} : memref<80x128xf32, #tpu.memory_space<vmem>>, vector<1x16xf32>,
          %parallel_loop3A_990 = vector.shape_cast %parallel_loop3A_989 : vector<1x16xf32> to vector<16xf32>
          %parallel_loop3A_991 = arith.addf %parallel_loop3A_986, %parallel_loop3A_990 : vector<16xf32>
          %parallel_loop3A_992 = arith.constant 0.000000e+00 : f32
          %parallel_loop3A_993 = vector.broadcast %parallel_loop3A_992 : f32 to vector<16xf32>
          %parallel_loop3A_994 = arith.maximumf %parallel_loop3A_991, %parallel_loop3A_993 : vector<16xf32>
          %parallel_loop3A_995 = arith.index_cast %parallel_loop3A_863 : i32 to index
          %parallel_loop3A_996 = arith.constant 112 : index
          %parallel_loop3A_997 = tpu.vector_load %arg10[%parallel_loop3A_995, %parallel_loop3A_996] {strides = array<i32>} : memref<80x128xf32, #tpu.memory_space<vmem>>, vector<1x16xf32>,
          %parallel_loop3A_998 = vector.shape_cast %parallel_loop3A_997 : vector<1x16xf32> to vector<16xf32>
          %parallel_loop3A_999 = vector.shape_cast %parallel_loop3A_994 : vector<16xf32> to vector<1x16xf32>
          tpu.vector_store %arg10[%parallel_loop3A_995, %parallel_loop3A_996], %parallel_loop3A_999 {strides = array<i32>} : memref<80x128xf32, #tpu.memory_space<vmem>>, vector<1x16xf32>,
        } {sc.loop_unroll_factor = 2 : i64, sc.parallel_access}
        %dma_start3A_859 = arith.constant 0 : i32
        %dma_start3A_860 = arith.constant 0 : i32
        %dma_start3A_861 = tpu.memref_slice %arg14[%dma_start3A_859, %dma_start3A_860] : memref<10240x128xf32, #tpu.memory_space<vmem_shared>> -> memref<10240x128xf32, #tpu.memory_space<vmem_shared>>
        tpu.enqueue_indirect_dma source(%arg10 : memref<80x128xf32, #tpu.memory_space<vmem>>) target(%dma_start3A_861 : memref<10240x128xf32, #tpu.memory_space<vmem_shared>>) offsets(%arg8 : memref<80xi32, #tpu.memory_space<vmem>>) semaphore(%arg16 : memref<!tpu.dma_semaphore, #tpu.memory_space<semaphore_mem>>) {add = true}
        %scan3A_862 = arith.constant 0 : i32
        scf.yield %scan3A_862 : i32
      }
      %scan3A_561 = arith.constant 11 : i32
      %dma_wait3A_562 = arith.constant 0 : i32
      %dma_wait3A_563 = arith.constant 0 : i32
      %dma_wait3A_564 = tpu.memref_slice %arg14[%dma_wait3A_562, %dma_wait3A_563] : memref<10240x128xf32, #tpu.memory_space<vmem_shared>> -> memref<10240x128xf32, #tpu.memory_space<vmem_shared>>
      tpu.wait_indirect_dma semaphore(%arg16 : memref<!tpu.dma_semaphore, #tpu.memory_space<semaphore_mem>>) src(%arg10 : memref<80x128xf32, #tpu.memory_space<vmem>>) dst(%dma_wait3A_564 : memref<10240x128xf32, #tpu.memory_space<vmem_shared>>)
      %dma_start3A_565 = arith.constant 1920 : i32
      %dma_start3A_566 = tpu.memref_slice %arg6[%dma_start3A_565] : memref<2000xi32, #tpu.memory_space<vmem>> -> memref<80xi32, #tpu.memory_space<vmem>>
      %dma_start3A_567 = arith.constant 0 : i32
      %dma_start3A_568 = arith.constant 0 : i32
      %dma_start3A_569 = tpu.memref_slice %arg2[%dma_start3A_567, %dma_start3A_568] : memref<10000x128xf32, #tpu.memory_space<hbm>> -> memref<10000x128xf32, #tpu.memory_space<hbm>>
      tpu.enqueue_indirect_dma source(%dma_start3A_569 : memref<10000x128xf32, #tpu.memory_space<hbm>>) target(%arg10 : memref<80x128xf32, #tpu.memory_space<vmem>>) offsets(%dma_start3A_566 : memref<80xi32, #tpu.memory_space<vmem>>) semaphore(%arg15 : memref<!tpu.dma_semaphore, #tpu.memory_space<semaphore_mem>>)
      %dma_start3A_570 = arith.constant 1920 : i32
      %dma_start3A_571 = tpu.memref_slice %arg7[%dma_start3A_570] : memref<2000xi32, #tpu.memory_space<vmem>> -> memref<80xi32, #tpu.memory_space<vmem>>
      %dma_start3A_572 = arith.constant 0 : i32
      %dma_start3A_573 = arith.constant 0 : i32
      %dma_start3A_574 = tpu.memref_slice %arg3[%dma_start3A_572, %dma_start3A_573] : memref<10000x128xf32, #tpu.memory_space<hbm>> -> memref<10000x128xf32, #tpu.memory_space<hbm>>
      tpu.enqueue_indirect_dma source(%dma_start3A_574 : memref<10000x128xf32, #tpu.memory_space<hbm>>) target(%arg12 : memref<80x128xf32, #tpu.memory_space<vmem>>) offsets(%dma_start3A_571 : memref<80xi32, #tpu.memory_space<vmem>>) semaphore(%arg15 : memref<!tpu.dma_semaphore, #tpu.memory_space<semaphore_mem>>)
      %dma_wait3A_575 = arith.constant 0 : i32
      %dma_wait3A_576 = tpu.memref_slice %arg6[%dma_wait3A_575] : memref<2000xi32, #tpu.memory_space<vmem>> -> memref<80xi32, #tpu.memory_space<vmem>>
      %dma_wait3A_577 = arith.constant 0 : i32
      %dma_wait3A_578 = arith.constant 0 : i32
      %dma_wait3A_579 = tpu.memref_slice %arg2[%dma_wait3A_577, %dma_wait3A_578] : memref<10000x128xf32, #tpu.memory_space<hbm>> -> memref<10000x128xf32, #tpu.memory_space<hbm>>
      tpu.wait_indirect_dma semaphore(%arg15 : memref<!tpu.dma_semaphore, #tpu.memory_space<semaphore_mem>>) src(%dma_wait3A_579 : memref<10000x128xf32, #tpu.memory_space<hbm>>) dst(%arg11 : memref<80x128xf32, #tpu.memory_space<vmem>>)
      %dma_wait3A_580 = arith.constant 0 : i32
      %dma_wait3A_581 = tpu.memref_slice %arg7[%dma_wait3A_580] : memref<2000xi32, #tpu.memory_space<vmem>> -> memref<80xi32, #tpu.memory_space<vmem>>
      %dma_wait3A_582 = arith.constant 0 : i32
      %dma_wait3A_583 = arith.constant 0 : i32
      %dma_wait3A_584 = tpu.memref_slice %arg3[%dma_wait3A_582, %dma_wait3A_583] : memref<10000x128xf32, #tpu.memory_space<hbm>> -> memref<10000x128xf32, #tpu.memory_space<hbm>>
      tpu.wait_indirect_dma semaphore(%arg15 : memref<!tpu.dma_semaphore, #tpu.memory_space<semaphore_mem>>) src(%dma_wait3A_584 : memref<10000x128xf32, #tpu.memory_space<hbm>>) dst(%arg13 : memref<80x128xf32, #tpu.memory_space<vmem>>)
      %get3A_585 = arith.constant 1840 : index
      %get3A_586 = tpu.vector_load %arg7[%get3A_585] {strides = array<i32>} : memref<2000xi32, #tpu.memory_space<vmem>>, vector<16xi32>,
      %get3A_587 = vector.shape_cast %get3A_586 : vector<16xi32> to vector<16xi32>
      %swap3A_588 = arith.constant 0 : index
      %swap3A_589 = tpu.vector_load %arg9[%swap3A_588] {strides = array<i32>} : memref<80xi32, #tpu.memory_space<vmem>>, vector<16xi32>,
      %swap3A_590 = vector.shape_cast %swap3A_589 : vector<16xi32> to vector<16xi32>
      %swap3A_591 = vector.shape_cast %get3A_587 : vector<16xi32> to vector<16xi32>
      tpu.vector_store %arg9[%swap3A_588], %swap3A_591 {strides = array<i32>} : memref<80xi32, #tpu.memory_space<vmem>>, vector<16xi32>,
      %get3A_592 = arith.constant 1856 : index
      %get3A_593 = tpu.vector_load %arg7[%get3A_592] {strides = array<i32>} : memref<2000xi32, #tpu.memory_space<vmem>>, vector<16xi32>,
      %get3A_594 = vector.shape_cast %get3A_593 : vector<16xi32> to vector<16xi32>
      %swap3A_595 = arith.constant 16 : index
      %swap3A_596 = tpu.vector_load %arg9[%swap3A_595] {strides = array<i32>} : memref<80xi32, #tpu.memory_space<vmem>>, vector<16xi32>,
      %swap3A_597 = vector.shape_cast %swap3A_596 : vector<16xi32> to vector<16xi32>
      %swap3A_598 = vector.shape_cast %get3A_594 : vector<16xi32> to vector<16xi32>
      tpu.vector_store %arg9[%swap3A_595], %swap3A_598 {strides = array<i32>} : memref<80xi32, #tpu.memory_space<vmem>>, vector<16xi32>,
      %get3A_599 = arith.constant 1872 : index
      %get3A_600 = tpu.vector_load %arg7[%get3A_599] {strides = array<i32>} : memref<2000xi32, #tpu.memory_space<vmem>>, vector<16xi32>,
      %get3A_601 = vector.shape_cast %get3A_600 : vector<16xi32> to vector<16xi32>
      %swap3A_602 = arith.constant 32 : index
      %swap3A_603 = tpu.vector_load %arg9[%swap3A_602] {strides = array<i32>} : memref<80xi32, #tpu.memory_space<vmem>>, vector<16xi32>,
      %swap3A_604 = vector.shape_cast %swap3A_603 : vector<16xi32> to vector<16xi32>
      %swap3A_605 = vector.shape_cast %get3A_601 : vector<16xi32> to vector<16xi32>
      tpu.vector_store %arg9[%swap3A_602], %swap3A_605 {strides = array<i32>} : memref<80xi32, #tpu.memory_space<vmem>>, vector<16xi32>,
      %get3A_606 = arith.constant 1888 : index
      %get3A_607 = tpu.vector_load %arg7[%get3A_606] {strides = array<i32>} : memref<2000xi32, #tpu.memory_space<vmem>>, vector<16xi32>,
      %get3A_608 = vector.shape_cast %get3A_607 : vector<16xi32> to vector<16xi32>
      %swap3A_609 = arith.constant 48 : index
      %swap3A_610 = tpu.vector_load %arg9[%swap3A_609] {strides = array<i32>} : memref<80xi32, #tpu.memory_space<vmem>>, vector<16xi32>,
      %swap3A_611 = vector.shape_cast %swap3A_610 : vector<16xi32> to vector<16xi32>
      %swap3A_612 = vector.shape_cast %get3A_608 : vector<16xi32> to vector<16xi32>
      tpu.vector_store %arg9[%swap3A_609], %swap3A_612 {strides = array<i32>} : memref<80xi32, #tpu.memory_space<vmem>>, vector<16xi32>,
      %get3A_613 = arith.constant 1904 : index
      %get3A_614 = tpu.vector_load %arg7[%get3A_613] {strides = array<i32>} : memref<2000xi32, #tpu.memory_space<vmem>>, vector<16xi32>,
      %get3A_615 = vector.shape_cast %get3A_614 : vector<16xi32> to vector<16xi32>
      %swap3A_616 = arith.constant 64 : index
      %swap3A_617 = tpu.vector_load %arg9[%swap3A_616] {strides = array<i32>} : memref<80xi32, #tpu.memory_space<vmem>>, vector<16xi32>,
      %swap3A_618 = vector.shape_cast %swap3A_617 : vector<16xi32> to vector<16xi32>
      %swap3A_619 = vector.shape_cast %get3A_615 : vector<16xi32> to vector<16xi32>
      tpu.vector_store %arg9[%swap3A_616], %swap3A_619 {strides = array<i32>} : memref<80xi32, #tpu.memory_space<vmem>>, vector<16xi32>,
      %parallel_loop3A_620 = arith.constant 0 : i32
      %parallel_loop3A_621 = arith.constant 80 : i32
      %parallel_loop3A_622 = arith.constant 1 : i32
      scf.for %parallel_loop3A_678 = %parallel_loop3A_620 to %parallel_loop3A_621 step %parallel_loop3A_622  : i32 {
        %parallel_loop3A_679 = arith.index_cast %parallel_loop3A_678 : i32 to index
        %parallel_loop3A_680 = arith.constant 0 : index
        %parallel_loop3A_681 = tpu.vector_load %arg11[%parallel_loop3A_679, %parallel_loop3A_680] {strides = array<i32>} : memref<80x128xf32, #tpu.memory_space<vmem>>, vector<1x16xf32>,
        %parallel_loop3A_682 = vector.shape_cast %parallel_loop3A_681 : vector<1x16xf32> to vector<16xf32>
        %parallel_loop3A_683 = arith.index_cast %parallel_loop3A_678 : i32 to index
        %parallel_loop3A_684 = arith.constant 0 : index
        %parallel_loop3A_685 = tpu.vector_load %arg13[%parallel_loop3A_683, %parallel_loop3A_684] {strides = array<i32>} : memref<80x128xf32, #tpu.memory_space<vmem>>, vector<1x16xf32>,
        %parallel_loop3A_686 = vector.shape_cast %parallel_loop3A_685 : vector<1x16xf32> to vector<16xf32>
        %parallel_loop3A_687 = arith.addf %parallel_loop3A_682, %parallel_loop3A_686 : vector<16xf32>
        %parallel_loop3A_688 = arith.constant 0.000000e+00 : f32
        %parallel_loop3A_689 = vector.broadcast %parallel_loop3A_688 : f32 to vector<16xf32>
        %parallel_loop3A_690 = arith.maximumf %parallel_loop3A_687, %parallel_loop3A_689 : vector<16xf32>
        %parallel_loop3A_691 = arith.index_cast %parallel_loop3A_678 : i32 to index
        %parallel_loop3A_692 = arith.constant 0 : index
        %parallel_loop3A_693 = tpu.vector_load %arg11[%parallel_loop3A_691, %parallel_loop3A_692] {strides = array<i32>} : memref<80x128xf32, #tpu.memory_space<vmem>>, vector<1x16xf32>,
        %parallel_loop3A_694 = vector.shape_cast %parallel_loop3A_693 : vector<1x16xf32> to vector<16xf32>
        %parallel_loop3A_695 = vector.shape_cast %parallel_loop3A_690 : vector<16xf32> to vector<1x16xf32>
        tpu.vector_store %arg11[%parallel_loop3A_691, %parallel_loop3A_692], %parallel_loop3A_695 {strides = array<i32>} : memref<80x128xf32, #tpu.memory_space<vmem>>, vector<1x16xf32>,
        %parallel_loop3A_696 = arith.index_cast %parallel_loop3A_678 : i32 to index
        %parallel_loop3A_697 = arith.constant 16 : index
        %parallel_loop3A_698 = tpu.vector_load %arg11[%parallel_loop3A_696, %parallel_loop3A_697] {strides = array<i32>} : memref<80x128xf32, #tpu.memory_space<vmem>>, vector<1x16xf32>,
        %parallel_loop3A_699 = vector.shape_cast %parallel_loop3A_698 : vector<1x16xf32> to vector<16xf32>
        %parallel_loop3A_700 = arith.index_cast %parallel_loop3A_678 : i32 to index
        %parallel_loop3A_701 = arith.constant 16 : index
        %parallel_loop3A_702 = tpu.vector_load %arg13[%parallel_loop3A_700, %parallel_loop3A_701] {strides = array<i32>} : memref<80x128xf32, #tpu.memory_space<vmem>>, vector<1x16xf32>,
        %parallel_loop3A_703 = vector.shape_cast %parallel_loop3A_702 : vector<1x16xf32> to vector<16xf32>
        %parallel_loop3A_704 = arith.addf %parallel_loop3A_699, %parallel_loop3A_703 : vector<16xf32>
        %parallel_loop3A_705 = arith.constant 0.000000e+00 : f32
        %parallel_loop3A_706 = vector.broadcast %parallel_loop3A_705 : f32 to vector<16xf32>
        %parallel_loop3A_707 = arith.maximumf %parallel_loop3A_704, %parallel_loop3A_706 : vector<16xf32>
        %parallel_loop3A_708 = arith.index_cast %parallel_loop3A_678 : i32 to index
        %parallel_loop3A_709 = arith.constant 16 : index
        %parallel_loop3A_710 = tpu.vector_load %arg11[%parallel_loop3A_708, %parallel_loop3A_709] {strides = array<i32>} : memref<80x128xf32, #tpu.memory_space<vmem>>, vector<1x16xf32>,
        %parallel_loop3A_711 = vector.shape_cast %parallel_loop3A_710 : vector<1x16xf32> to vector<16xf32>
        %parallel_loop3A_712 = vector.shape_cast %parallel_loop3A_707 : vector<16xf32> to vector<1x16xf32>
        tpu.vector_store %arg11[%parallel_loop3A_708, %parallel_loop3A_709], %parallel_loop3A_712 {strides = array<i32>} : memref<80x128xf32, #tpu.memory_space<vmem>>, vector<1x16xf32>,
        %parallel_loop3A_713 = arith.index_cast %parallel_loop3A_678 : i32 to index
        %parallel_loop3A_714 = arith.constant 32 : index
        %parallel_loop3A_715 = tpu.vector_load %arg11[%parallel_loop3A_713, %parallel_loop3A_714] {strides = array<i32>} : memref<80x128xf32, #tpu.memory_space<vmem>>, vector<1x16xf32>,
        %parallel_loop3A_716 = vector.shape_cast %parallel_loop3A_715 : vector<1x16xf32> to vector<16xf32>
        %parallel_loop3A_717 = arith.index_cast %parallel_loop3A_678 : i32 to index
        %parallel_loop3A_718 = arith.constant 32 : index
        %parallel_loop3A_719 = tpu.vector_load %arg13[%parallel_loop3A_717, %parallel_loop3A_718] {strides = array<i32>} : memref<80x128xf32, #tpu.memory_space<vmem>>, vector<1x16xf32>,
        %parallel_loop3A_720 = vector.shape_cast %parallel_loop3A_719 : vector<1x16xf32> to vector<16xf32>
        %parallel_loop3A_721 = arith.addf %parallel_loop3A_716, %parallel_loop3A_720 : vector<16xf32>
        %parallel_loop3A_722 = arith.constant 0.000000e+00 : f32
        %parallel_loop3A_723 = vector.broadcast %parallel_loop3A_722 : f32 to vector<16xf32>
        %parallel_loop3A_724 = arith.maximumf %parallel_loop3A_721, %parallel_loop3A_723 : vector<16xf32>
        %parallel_loop3A_725 = arith.index_cast %parallel_loop3A_678 : i32 to index
        %parallel_loop3A_726 = arith.constant 32 : index
        %parallel_loop3A_727 = tpu.vector_load %arg11[%parallel_loop3A_725, %parallel_loop3A_726] {strides = array<i32>} : memref<80x128xf32, #tpu.memory_space<vmem>>, vector<1x16xf32>,
        %parallel_loop3A_728 = vector.shape_cast %parallel_loop3A_727 : vector<1x16xf32> to vector<16xf32>
        %parallel_loop3A_729 = vector.shape_cast %parallel_loop3A_724 : vector<16xf32> to vector<1x16xf32>
        tpu.vector_store %arg11[%parallel_loop3A_725, %parallel_loop3A_726], %parallel_loop3A_729 {strides = array<i32>} : memref<80x128xf32, #tpu.memory_space<vmem>>, vector<1x16xf32>,
        %parallel_loop3A_730 = arith.index_cast %parallel_loop3A_678 : i32 to index
        %parallel_loop3A_731 = arith.constant 48 : index
        %parallel_loop3A_732 = tpu.vector_load %arg11[%parallel_loop3A_730, %parallel_loop3A_731] {strides = array<i32>} : memref<80x128xf32, #tpu.memory_space<vmem>>, vector<1x16xf32>,
        %parallel_loop3A_733 = vector.shape_cast %parallel_loop3A_732 : vector<1x16xf32> to vector<16xf32>
        %parallel_loop3A_734 = arith.index_cast %parallel_loop3A_678 : i32 to index
        %parallel_loop3A_735 = arith.constant 48 : index
        %parallel_loop3A_736 = tpu.vector_load %arg13[%parallel_loop3A_734, %parallel_loop3A_735] {strides = array<i32>} : memref<80x128xf32, #tpu.memory_space<vmem>>, vector<1x16xf32>,
        %parallel_loop3A_737 = vector.shape_cast %parallel_loop3A_736 : vector<1x16xf32> to vector<16xf32>
        %parallel_loop3A_738 = arith.addf %parallel_loop3A_733, %parallel_loop3A_737 : vector<16xf32>
        %parallel_loop3A_739 = arith.constant 0.000000e+00 : f32
        %parallel_loop3A_740 = vector.broadcast %parallel_loop3A_739 : f32 to vector<16xf32>
        %parallel_loop3A_741 = arith.maximumf %parallel_loop3A_738, %parallel_loop3A_740 : vector<16xf32>
        %parallel_loop3A_742 = arith.index_cast %parallel_loop3A_678 : i32 to index
        %parallel_loop3A_743 = arith.constant 48 : index
        %parallel_loop3A_744 = tpu.vector_load %arg11[%parallel_loop3A_742, %parallel_loop3A_743] {strides = array<i32>} : memref<80x128xf32, #tpu.memory_space<vmem>>, vector<1x16xf32>,
        %parallel_loop3A_745 = vector.shape_cast %parallel_loop3A_744 : vector<1x16xf32> to vector<16xf32>
        %parallel_loop3A_746 = vector.shape_cast %parallel_loop3A_741 : vector<16xf32> to vector<1x16xf32>
        tpu.vector_store %arg11[%parallel_loop3A_742, %parallel_loop3A_743], %parallel_loop3A_746 {strides = array<i32>} : memref<80x128xf32, #tpu.memory_space<vmem>>, vector<1x16xf32>,
        %parallel_loop3A_747 = arith.index_cast %parallel_loop3A_678 : i32 to index
        %parallel_loop3A_748 = arith.constant 64 : index
        %parallel_loop3A_749 = tpu.vector_load %arg11[%parallel_loop3A_747, %parallel_loop3A_748] {strides = array<i32>} : memref<80x128xf32, #tpu.memory_space<vmem>>, vector<1x16xf32>,
        %parallel_loop3A_750 = vector.shape_cast %parallel_loop3A_749 : vector<1x16xf32> to vector<16xf32>
        %parallel_loop3A_751 = arith.index_cast %parallel_loop3A_678 : i32 to index
        %parallel_loop3A_752 = arith.constant 64 : index
        %parallel_loop3A_753 = tpu.vector_load %arg13[%parallel_loop3A_751, %parallel_loop3A_752] {strides = array<i32>} : memref<80x128xf32, #tpu.memory_space<vmem>>, vector<1x16xf32>,
        %parallel_loop3A_754 = vector.shape_cast %parallel_loop3A_753 : vector<1x16xf32> to vector<16xf32>
        %parallel_loop3A_755 = arith.addf %parallel_loop3A_750, %parallel_loop3A_754 : vector<16xf32>
        %parallel_loop3A_756 = arith.constant 0.000000e+00 : f32
        %parallel_loop3A_757 = vector.broadcast %parallel_loop3A_756 : f32 to vector<16xf32>
        %parallel_loop3A_758 = arith.maximumf %parallel_loop3A_755, %parallel_loop3A_757 : vector<16xf32>
        %parallel_loop3A_759 = arith.index_cast %parallel_loop3A_678 : i32 to index
        %parallel_loop3A_760 = arith.constant 64 : index
        %parallel_loop3A_761 = tpu.vector_load %arg11[%parallel_loop3A_759, %parallel_loop3A_760] {strides = array<i32>} : memref<80x128xf32, #tpu.memory_space<vmem>>, vector<1x16xf32>,
        %parallel_loop3A_762 = vector.shape_cast %parallel_loop3A_761 : vector<1x16xf32> to vector<16xf32>
        %parallel_loop3A_763 = vector.shape_cast %parallel_loop3A_758 : vector<16xf32> to vector<1x16xf32>
        tpu.vector_store %arg11[%parallel_loop3A_759, %parallel_loop3A_760], %parallel_loop3A_763 {strides = array<i32>} : memref<80x128xf32, #tpu.memory_space<vmem>>, vector<1x16xf32>,
        %parallel_loop3A_764 = arith.index_cast %parallel_loop3A_678 : i32 to index
        %parallel_loop3A_765 = arith.constant 80 : index
        %parallel_loop3A_766 = tpu.vector_load %arg11[%parallel_loop3A_764, %parallel_loop3A_765] {strides = array<i32>} : memref<80x128xf32, #tpu.memory_space<vmem>>, vector<1x16xf32>,
        %parallel_loop3A_767 = vector.shape_cast %parallel_loop3A_766 : vector<1x16xf32> to vector<16xf32>
        %parallel_loop3A_768 = arith.index_cast %parallel_loop3A_678 : i32 to index
        %parallel_loop3A_769 = arith.constant 80 : index
        %parallel_loop3A_770 = tpu.vector_load %arg13[%parallel_loop3A_768, %parallel_loop3A_769] {strides = array<i32>} : memref<80x128xf32, #tpu.memory_space<vmem>>, vector<1x16xf32>,
        %parallel_loop3A_771 = vector.shape_cast %parallel_loop3A_770 : vector<1x16xf32> to vector<16xf32>
        %parallel_loop3A_772 = arith.addf %parallel_loop3A_767, %parallel_loop3A_771 : vector<16xf32>
        %parallel_loop3A_773 = arith.constant 0.000000e+00 : f32
        %parallel_loop3A_774 = vector.broadcast %parallel_loop3A_773 : f32 to vector<16xf32>
        %parallel_loop3A_775 = arith.maximumf %parallel_loop3A_772, %parallel_loop3A_774 : vector<16xf32>
        %parallel_loop3A_776 = arith.index_cast %parallel_loop3A_678 : i32 to index
        %parallel_loop3A_777 = arith.constant 80 : index
        %parallel_loop3A_778 = tpu.vector_load %arg11[%parallel_loop3A_776, %parallel_loop3A_777] {strides = array<i32>} : memref<80x128xf32, #tpu.memory_space<vmem>>, vector<1x16xf32>,
        %parallel_loop3A_779 = vector.shape_cast %parallel_loop3A_778 : vector<1x16xf32> to vector<16xf32>
        %parallel_loop3A_780 = vector.shape_cast %parallel_loop3A_775 : vector<16xf32> to vector<1x16xf32>
        tpu.vector_store %arg11[%parallel_loop3A_776, %parallel_loop3A_777], %parallel_loop3A_780 {strides = array<i32>} : memref<80x128xf32, #tpu.memory_space<vmem>>, vector<1x16xf32>,
        %parallel_loop3A_781 = arith.index_cast %parallel_loop3A_678 : i32 to index
        %parallel_loop3A_782 = arith.constant 96 : index
        %parallel_loop3A_783 = tpu.vector_load %arg11[%parallel_loop3A_781, %parallel_loop3A_782] {strides = array<i32>} : memref<80x128xf32, #tpu.memory_space<vmem>>, vector<1x16xf32>,
        %parallel_loop3A_784 = vector.shape_cast %parallel_loop3A_783 : vector<1x16xf32> to vector<16xf32>
        %parallel_loop3A_785 = arith.index_cast %parallel_loop3A_678 : i32 to index
        %parallel_loop3A_786 = arith.constant 96 : index
        %parallel_loop3A_787 = tpu.vector_load %arg13[%parallel_loop3A_785, %parallel_loop3A_786] {strides = array<i32>} : memref<80x128xf32, #tpu.memory_space<vmem>>, vector<1x16xf32>,
        %parallel_loop3A_788 = vector.shape_cast %parallel_loop3A_787 : vector<1x16xf32> to vector<16xf32>
        %parallel_loop3A_789 = arith.addf %parallel_loop3A_784, %parallel_loop3A_788 : vector<16xf32>
        %parallel_loop3A_790 = arith.constant 0.000000e+00 : f32
        %parallel_loop3A_791 = vector.broadcast %parallel_loop3A_790 : f32 to vector<16xf32>
        %parallel_loop3A_792 = arith.maximumf %parallel_loop3A_789, %parallel_loop3A_791 : vector<16xf32>
        %parallel_loop3A_793 = arith.index_cast %parallel_loop3A_678 : i32 to index
        %parallel_loop3A_794 = arith.constant 96 : index
        %parallel_loop3A_795 = tpu.vector_load %arg11[%parallel_loop3A_793, %parallel_loop3A_794] {strides = array<i32>} : memref<80x128xf32, #tpu.memory_space<vmem>>, vector<1x16xf32>,
        %parallel_loop3A_796 = vector.shape_cast %parallel_loop3A_795 : vector<1x16xf32> to vector<16xf32>
        %parallel_loop3A_797 = vector.shape_cast %parallel_loop3A_792 : vector<16xf32> to vector<1x16xf32>
        tpu.vector_store %arg11[%parallel_loop3A_793, %parallel_loop3A_794], %parallel_loop3A_797 {strides = array<i32>} : memref<80x128xf32, #tpu.memory_space<vmem>>, vector<1x16xf32>,
        %parallel_loop3A_798 = arith.index_cast %parallel_loop3A_678 : i32 to index
        %parallel_loop3A_799 = arith.constant 112 : index
        %parallel_loop3A_800 = tpu.vector_load %arg11[%parallel_loop3A_798, %parallel_loop3A_799] {strides = array<i32>} : memref<80x128xf32, #tpu.memory_space<vmem>>, vector<1x16xf32>,
        %parallel_loop3A_801 = vector.shape_cast %parallel_loop3A_800 : vector<1x16xf32> to vector<16xf32>
        %parallel_loop3A_802 = arith.index_cast %parallel_loop3A_678 : i32 to index
        %parallel_loop3A_803 = arith.constant 112 : index
        %parallel_loop3A_804 = tpu.vector_load %arg13[%parallel_loop3A_802, %parallel_loop3A_803] {strides = array<i32>} : memref<80x128xf32, #tpu.memory_space<vmem>>, vector<1x16xf32>,
        %parallel_loop3A_805 = vector.shape_cast %parallel_loop3A_804 : vector<1x16xf32> to vector<16xf32>
        %parallel_loop3A_806 = arith.addf %parallel_loop3A_801, %parallel_loop3A_805 : vector<16xf32>
        %parallel_loop3A_807 = arith.constant 0.000000e+00 : f32
        %parallel_loop3A_808 = vector.broadcast %parallel_loop3A_807 : f32 to vector<16xf32>
        %parallel_loop3A_809 = arith.maximumf %parallel_loop3A_806, %parallel_loop3A_808 : vector<16xf32>
        %parallel_loop3A_810 = arith.index_cast %parallel_loop3A_678 : i32 to index
        %parallel_loop3A_811 = arith.constant 112 : index
        %parallel_loop3A_812 = tpu.vector_load %arg11[%parallel_loop3A_810, %parallel_loop3A_811] {strides = array<i32>} : memref<80x128xf32, #tpu.memory_space<vmem>>, vector<1x16xf32>,
        %parallel_loop3A_813 = vector.shape_cast %parallel_loop3A_812 : vector<1x16xf32> to vector<16xf32>
        %parallel_loop3A_814 = vector.shape_cast %parallel_loop3A_809 : vector<16xf32> to vector<1x16xf32>
        tpu.vector_store %arg11[%parallel_loop3A_810, %parallel_loop3A_811], %parallel_loop3A_814 {strides = array<i32>} : memref<80x128xf32, #tpu.memory_space<vmem>>, vector<1x16xf32>,
      } {sc.loop_unroll_factor = 2 : i64, sc.parallel_access}
      %dma_start3A_623 = arith.constant 0 : i32
      %dma_start3A_624 = arith.constant 0 : i32
      %dma_start3A_625 = tpu.memref_slice %arg14[%dma_start3A_623, %dma_start3A_624] : memref<10240x128xf32, #tpu.memory_space<vmem_shared>> -> memref<10240x128xf32, #tpu.memory_space<vmem_shared>>
      tpu.enqueue_indirect_dma source(%arg11 : memref<80x128xf32, #tpu.memory_space<vmem>>) target(%dma_start3A_625 : memref<10240x128xf32, #tpu.memory_space<vmem_shared>>) offsets(%arg9 : memref<80xi32, #tpu.memory_space<vmem>>) semaphore(%arg16 : memref<!tpu.dma_semaphore, #tpu.memory_space<semaphore_mem>>) {add = true}
      %dma_wait3A_626 = arith.constant 0 : i32
      %dma_wait3A_627 = tpu.memref_slice %arg6[%dma_wait3A_626] : memref<2000xi32, #tpu.memory_space<vmem>> -> memref<80xi32, #tpu.memory_space<vmem>>
      %dma_wait3A_628 = arith.constant 0 : i32
      %dma_wait3A_629 = arith.constant 0 : i32
      %dma_wait3A_630 = tpu.memref_slice %arg2[%dma_wait3A_628, %dma_wait3A_629] : memref<10000x128xf32, #tpu.memory_space<hbm>> -> memref<10000x128xf32, #tpu.memory_space<hbm>>
      tpu.wait_indirect_dma semaphore(%arg15 : memref<!tpu.dma_semaphore, #tpu.memory_space<semaphore_mem>>) src(%dma_wait3A_630 : memref<10000x128xf32, #tpu.memory_space<hbm>>) dst(%arg10 : memref<80x128xf32, #tpu.memory_space<vmem>>)
      %dma_wait3A_631 = arith.constant 0 : i32
      %dma_wait3A_632 = tpu.memref_slice %arg7[%dma_wait3A_631] : memref<2000xi32, #tpu.memory_space<vmem>> -> memref<80xi32, #tpu.memory_space<vmem>>
      %dma_wait3A_633 = arith.constant 0 : i32
      %dma_wait3A_634 = arith.constant 0 : i32
      %dma_wait3A_635 = tpu.memref_slice %arg3[%dma_wait3A_633, %dma_wait3A_634] : memref<10000x128xf32, #tpu.memory_space<hbm>> -> memref<10000x128xf32, #tpu.memory_space<hbm>>
      tpu.wait_indirect_dma semaphore(%arg15 : memref<!tpu.dma_semaphore, #tpu.memory_space<semaphore_mem>>) src(%dma_wait3A_635 : memref<10000x128xf32, #tpu.memory_space<hbm>>) dst(%arg12 : memref<80x128xf32, #tpu.memory_space<vmem>>)
      %get3A_636 = arith.constant 1920 : index
      %get3A_637 = tpu.vector_load %arg7[%get3A_636] {strides = array<i32>} : memref<2000xi32, #tpu.memory_space<vmem>>, vector<16xi32>,
      %get3A_638 = vector.shape_cast %get3A_637 : vector<16xi32> to vector<16xi32>
      %swap3A_639 = arith.constant 0 : index
      %swap3A_640 = tpu.vector_load %arg8[%swap3A_639] {strides = array<i32>} : memref<80xi32, #tpu.memory_space<vmem>>, vector<16xi32>,
      %swap3A_641 = vector.shape_cast %swap3A_640 : vector<16xi32> to vector<16xi32>
      %swap3A_642 = vector.shape_cast %get3A_638 : vector<16xi32> to vector<16xi32>
      tpu.vector_store %arg8[%swap3A_639], %swap3A_642 {strides = array<i32>} : memref<80xi32, #tpu.memory_space<vmem>>, vector<16xi32>,
      %get3A_643 = arith.constant 1936 : index
      %get3A_644 = tpu.vector_load %arg7[%get3A_643] {strides = array<i32>} : memref<2000xi32, #tpu.memory_space<vmem>>, vector<16xi32>,
      %get3A_645 = vector.shape_cast %get3A_644 : vector<16xi32> to vector<16xi32>
      %swap3A_646 = arith.constant 16 : index
      %swap3A_647 = tpu.vector_load %arg8[%swap3A_646] {strides = array<i32>} : memref<80xi32, #tpu.memory_space<vmem>>, vector<16xi32>,
      %swap3A_648 = vector.shape_cast %swap3A_647 : vector<16xi32> to vector<16xi32>
      %swap3A_649 = vector.shape_cast %get3A_645 : vector<16xi32> to vector<16xi32>
      tpu.vector_store %arg8[%swap3A_646], %swap3A_649 {strides = array<i32>} : memref<80xi32, #tpu.memory_space<vmem>>, vector<16xi32>,
      %get3A_650 = arith.constant 1952 : index
      %get3A_651 = tpu.vector_load %arg7[%get3A_650] {strides = array<i32>} : memref<2000xi32, #tpu.memory_space<vmem>>, vector<16xi32>,
      %get3A_652 = vector.shape_cast %get3A_651 : vector<16xi32> to vector<16xi32>
      %swap3A_653 = arith.constant 32 : index
      %swap3A_654 = tpu.vector_load %arg8[%swap3A_653] {strides = array<i32>} : memref<80xi32, #tpu.memory_space<vmem>>, vector<16xi32>,
      %swap3A_655 = vector.shape_cast %swap3A_654 : vector<16xi32> to vector<16xi32>
      %swap3A_656 = vector.shape_cast %get3A_652 : vector<16xi32> to vector<16xi32>
      tpu.vector_store %arg8[%swap3A_653], %swap3A_656 {strides = array<i32>} : memref<80xi32, #tpu.memory_space<vmem>>, vector<16xi32>,
      %get3A_657 = arith.constant 1968 : index
      %get3A_658 = tpu.vector_load %arg7[%get3A_657] {strides = array<i32>} : memref<2000xi32, #tpu.memory_space<vmem>>, vector<16xi32>,
      %get3A_659 = vector.shape_cast %get3A_658 : vector<16xi32> to vector<16xi32>
      %swap3A_660 = arith.constant 48 : index
      %swap3A_661 = tpu.vector_load %arg8[%swap3A_660] {strides = array<i32>} : memref<80xi32, #tpu.memory_space<vmem>>, vector<16xi32>,
      %swap3A_662 = vector.shape_cast %swap3A_661 : vector<16xi32> to vector<16xi32>
      %swap3A_663 = vector.shape_cast %get3A_659 : vector<16xi32> to vector<16xi32>
      tpu.vector_store %arg8[%swap3A_660], %swap3A_663 {strides = array<i32>} : memref<80xi32, #tpu.memory_space<vmem>>, vector<16xi32>,
      %get3A_664 = arith.constant 1984 : index
      %get3A_665 = tpu.vector_load %arg7[%get3A_664] {strides = array<i32>} : memref<2000xi32, #tpu.memory_space<vmem>>, vector<16xi32>,
      %get3A_666 = vector.shape_cast %get3A_665 : vector<16xi32> to vector<16xi32>
      %swap3A_667 = arith.constant 64 : index
      %swap3A_668 = tpu.vector_load %arg8[%swap3A_667] {strides = array<i32>} : memref<80xi32, #tpu.memory_space<vmem>>, vector<16xi32>,
      %swap3A_669 = vector.shape_cast %swap3A_668 : vector<16xi32> to vector<16xi32>
      %swap3A_670 = vector.shape_cast %get3A_666 : vector<16xi32> to vector<16xi32>
      tpu.vector_store %arg8[%swap3A_667], %swap3A_670 {strides = array<i32>} : memref<80xi32, #tpu.memory_space<vmem>>, vector<16xi32>,
      %parallel_loop3A_671 = arith.constant 0 : i32
      %parallel_loop3A_672 = arith.constant 80 : i32
      %parallel_loop3A_673 = arith.constant 1 : i32
      scf.for %parallel_loop3A_678 = %parallel_loop3A_671 to %parallel_loop3A_672 step %parallel_loop3A_673  : i32 {
        %parallel_loop3A_679 = arith.index_cast %parallel_loop3A_678 : i32 to index
        %parallel_loop3A_680 = arith.constant 0 : index
        %parallel_loop3A_681 = tpu.vector_load %arg10[%parallel_loop3A_679, %parallel_loop3A_680] {strides = array<i32>} : memref<80x128xf32, #tpu.memory_space<vmem>>, vector<1x16xf32>,
        %parallel_loop3A_682 = vector.shape_cast %parallel_loop3A_681 : vector<1x16xf32> to vector<16xf32>
        %parallel_loop3A_683 = arith.index_cast %parallel_loop3A_678 : i32 to index
        %parallel_loop3A_684 = arith.constant 0 : index
        %parallel_loop3A_685 = tpu.vector_load %arg12[%parallel_loop3A_683, %parallel_loop3A_684] {strides = array<i32>} : memref<80x128xf32, #tpu.memory_space<vmem>>, vector<1x16xf32>,
        %parallel_loop3A_686 = vector.shape_cast %parallel_loop3A_685 : vector<1x16xf32> to vector<16xf32>
        %parallel_loop3A_687 = arith.addf %parallel_loop3A_682, %parallel_loop3A_686 : vector<16xf32>
        %parallel_loop3A_688 = arith.constant 0.000000e+00 : f32
        %parallel_loop3A_689 = vector.broadcast %parallel_loop3A_688 : f32 to vector<16xf32>
        %parallel_loop3A_690 = arith.maximumf %parallel_loop3A_687, %parallel_loop3A_689 : vector<16xf32>
        %parallel_loop3A_691 = arith.index_cast %parallel_loop3A_678 : i32 to index
        %parallel_loop3A_692 = arith.constant 0 : index
        %parallel_loop3A_693 = tpu.vector_load %arg10[%parallel_loop3A_691, %parallel_loop3A_692] {strides = array<i32>} : memref<80x128xf32, #tpu.memory_space<vmem>>, vector<1x16xf32>,
        %parallel_loop3A_694 = vector.shape_cast %parallel_loop3A_693 : vector<1x16xf32> to vector<16xf32>
        %parallel_loop3A_695 = vector.shape_cast %parallel_loop3A_690 : vector<16xf32> to vector<1x16xf32>
        tpu.vector_store %arg10[%parallel_loop3A_691, %parallel_loop3A_692], %parallel_loop3A_695 {strides = array<i32>} : memref<80x128xf32, #tpu.memory_space<vmem>>, vector<1x16xf32>,
        %parallel_loop3A_696 = arith.index_cast %parallel_loop3A_678 : i32 to index
        %parallel_loop3A_697 = arith.constant 16 : index
        %parallel_loop3A_698 = tpu.vector_load %arg10[%parallel_loop3A_696, %parallel_loop3A_697] {strides = array<i32>} : memref<80x128xf32, #tpu.memory_space<vmem>>, vector<1x16xf32>,
        %parallel_loop3A_699 = vector.shape_cast %parallel_loop3A_698 : vector<1x16xf32> to vector<16xf32>
        %parallel_loop3A_700 = arith.index_cast %parallel_loop3A_678 : i32 to index
        %parallel_loop3A_701 = arith.constant 16 : index
        %parallel_loop3A_702 = tpu.vector_load %arg12[%parallel_loop3A_700, %parallel_loop3A_701] {strides = array<i32>} : memref<80x128xf32, #tpu.memory_space<vmem>>, vector<1x16xf32>,
        %parallel_loop3A_703 = vector.shape_cast %parallel_loop3A_702 : vector<1x16xf32> to vector<16xf32>
        %parallel_loop3A_704 = arith.addf %parallel_loop3A_699, %parallel_loop3A_703 : vector<16xf32>
        %parallel_loop3A_705 = arith.constant 0.000000e+00 : f32
        %parallel_loop3A_706 = vector.broadcast %parallel_loop3A_705 : f32 to vector<16xf32>
        %parallel_loop3A_707 = arith.maximumf %parallel_loop3A_704, %parallel_loop3A_706 : vector<16xf32>
        %parallel_loop3A_708 = arith.index_cast %parallel_loop3A_678 : i32 to index
        %parallel_loop3A_709 = arith.constant 16 : index
        %parallel_loop3A_710 = tpu.vector_load %arg10[%parallel_loop3A_708, %parallel_loop3A_709] {strides = array<i32>} : memref<80x128xf32, #tpu.memory_space<vmem>>, vector<1x16xf32>,
        %parallel_loop3A_711 = vector.shape_cast %parallel_loop3A_710 : vector<1x16xf32> to vector<16xf32>
        %parallel_loop3A_712 = vector.shape_cast %parallel_loop3A_707 : vector<16xf32> to vector<1x16xf32>
        tpu.vector_store %arg10[%parallel_loop3A_708, %parallel_loop3A_709], %parallel_loop3A_712 {strides = array<i32>} : memref<80x128xf32, #tpu.memory_space<vmem>>, vector<1x16xf32>,
        %parallel_loop3A_713 = arith.index_cast %parallel_loop3A_678 : i32 to index
        %parallel_loop3A_714 = arith.constant 32 : index
        %parallel_loop3A_715 = tpu.vector_load %arg10[%parallel_loop3A_713, %parallel_loop3A_714] {strides = array<i32>} : memref<80x128xf32, #tpu.memory_space<vmem>>, vector<1x16xf32>,
        %parallel_loop3A_716 = vector.shape_cast %parallel_loop3A_715 : vector<1x16xf32> to vector<16xf32>
        %parallel_loop3A_717 = arith.index_cast %parallel_loop3A_678 : i32 to index
        %parallel_loop3A_718 = arith.constant 32 : index
        %parallel_loop3A_719 = tpu.vector_load %arg12[%parallel_loop3A_717, %parallel_loop3A_718] {strides = array<i32>} : memref<80x128xf32, #tpu.memory_space<vmem>>, vector<1x16xf32>,
        %parallel_loop3A_720 = vector.shape_cast %parallel_loop3A_719 : vector<1x16xf32> to vector<16xf32>
        %parallel_loop3A_721 = arith.addf %parallel_loop3A_716, %parallel_loop3A_720 : vector<16xf32>
        %parallel_loop3A_722 = arith.constant 0.000000e+00 : f32
        %parallel_loop3A_723 = vector.broadcast %parallel_loop3A_722 : f32 to vector<16xf32>
        %parallel_loop3A_724 = arith.maximumf %parallel_loop3A_721, %parallel_loop3A_723 : vector<16xf32>
        %parallel_loop3A_725 = arith.index_cast %parallel_loop3A_678 : i32 to index
        %parallel_loop3A_726 = arith.constant 32 : index
        %parallel_loop3A_727 = tpu.vector_load %arg10[%parallel_loop3A_725, %parallel_loop3A_726] {strides = array<i32>} : memref<80x128xf32, #tpu.memory_space<vmem>>, vector<1x16xf32>,
        %parallel_loop3A_728 = vector.shape_cast %parallel_loop3A_727 : vector<1x16xf32> to vector<16xf32>
        %parallel_loop3A_729 = vector.shape_cast %parallel_loop3A_724 : vector<16xf32> to vector<1x16xf32>
        tpu.vector_store %arg10[%parallel_loop3A_725, %parallel_loop3A_726], %parallel_loop3A_729 {strides = array<i32>} : memref<80x128xf32, #tpu.memory_space<vmem>>, vector<1x16xf32>,
        %parallel_loop3A_730 = arith.index_cast %parallel_loop3A_678 : i32 to index
        %parallel_loop3A_731 = arith.constant 48 : index
        %parallel_loop3A_732 = tpu.vector_load %arg10[%parallel_loop3A_730, %parallel_loop3A_731] {strides = array<i32>} : memref<80x128xf32, #tpu.memory_space<vmem>>, vector<1x16xf32>,
        %parallel_loop3A_733 = vector.shape_cast %parallel_loop3A_732 : vector<1x16xf32> to vector<16xf32>
        %parallel_loop3A_734 = arith.index_cast %parallel_loop3A_678 : i32 to index
        %parallel_loop3A_735 = arith.constant 48 : index
        %parallel_loop3A_736 = tpu.vector_load %arg12[%parallel_loop3A_734, %parallel_loop3A_735] {strides = array<i32>} : memref<80x128xf32, #tpu.memory_space<vmem>>, vector<1x16xf32>,
        %parallel_loop3A_737 = vector.shape_cast %parallel_loop3A_736 : vector<1x16xf32> to vector<16xf32>
        %parallel_loop3A_738 = arith.addf %parallel_loop3A_733, %parallel_loop3A_737 : vector<16xf32>
        %parallel_loop3A_739 = arith.constant 0.000000e+00 : f32
        %parallel_loop3A_740 = vector.broadcast %parallel_loop3A_739 : f32 to vector<16xf32>
        %parallel_loop3A_741 = arith.maximumf %parallel_loop3A_738, %parallel_loop3A_740 : vector<16xf32>
        %parallel_loop3A_742 = arith.index_cast %parallel_loop3A_678 : i32 to index
        %parallel_loop3A_743 = arith.constant 48 : index
        %parallel_loop3A_744 = tpu.vector_load %arg10[%parallel_loop3A_742, %parallel_loop3A_743] {strides = array<i32>} : memref<80x128xf32, #tpu.memory_space<vmem>>, vector<1x16xf32>,
        %parallel_loop3A_745 = vector.shape_cast %parallel_loop3A_744 : vector<1x16xf32> to vector<16xf32>
        %parallel_loop3A_746 = vector.shape_cast %parallel_loop3A_741 : vector<16xf32> to vector<1x16xf32>
        tpu.vector_store %arg10[%parallel_loop3A_742, %parallel_loop3A_743], %parallel_loop3A_746 {strides = array<i32>} : memref<80x128xf32, #tpu.memory_space<vmem>>, vector<1x16xf32>,
        %parallel_loop3A_747 = arith.index_cast %parallel_loop3A_678 : i32 to index
        %parallel_loop3A_748 = arith.constant 64 : index
        %parallel_loop3A_749 = tpu.vector_load %arg10[%parallel_loop3A_747, %parallel_loop3A_748] {strides = array<i32>} : memref<80x128xf32, #tpu.memory_space<vmem>>, vector<1x16xf32>,
        %parallel_loop3A_750 = vector.shape_cast %parallel_loop3A_749 : vector<1x16xf32> to vector<16xf32>
        %parallel_loop3A_751 = arith.index_cast %parallel_loop3A_678 : i32 to index
        %parallel_loop3A_752 = arith.constant 64 : index
        %parallel_loop3A_753 = tpu.vector_load %arg12[%parallel_loop3A_751, %parallel_loop3A_752] {strides = array<i32>} : memref<80x128xf32, #tpu.memory_space<vmem>>, vector<1x16xf32>,
        %parallel_loop3A_754 = vector.shape_cast %parallel_loop3A_753 : vector<1x16xf32> to vector<16xf32>
        %parallel_loop3A_755 = arith.addf %parallel_loop3A_750, %parallel_loop3A_754 : vector<16xf32>
        %parallel_loop3A_756 = arith.constant 0.000000e+00 : f32
        %parallel_loop3A_757 = vector.broadcast %parallel_loop3A_756 : f32 to vector<16xf32>
        %parallel_loop3A_758 = arith.maximumf %parallel_loop3A_755, %parallel_loop3A_757 : vector<16xf32>
        %parallel_loop3A_759 = arith.index_cast %parallel_loop3A_678 : i32 to index
        %parallel_loop3A_760 = arith.constant 64 : index
        %parallel_loop3A_761 = tpu.vector_load %arg10[%parallel_loop3A_759, %parallel_loop3A_760] {strides = array<i32>} : memref<80x128xf32, #tpu.memory_space<vmem>>, vector<1x16xf32>,
        %parallel_loop3A_762 = vector.shape_cast %parallel_loop3A_761 : vector<1x16xf32> to vector<16xf32>
        %parallel_loop3A_763 = vector.shape_cast %parallel_loop3A_758 : vector<16xf32> to vector<1x16xf32>
        tpu.vector_store %arg10[%parallel_loop3A_759, %parallel_loop3A_760], %parallel_loop3A_763 {strides = array<i32>} : memref<80x128xf32, #tpu.memory_space<vmem>>, vector<1x16xf32>,
        %parallel_loop3A_764 = arith.index_cast %parallel_loop3A_678 : i32 to index
        %parallel_loop3A_765 = arith.constant 80 : index
        %parallel_loop3A_766 = tpu.vector_load %arg10[%parallel_loop3A_764, %parallel_loop3A_765] {strides = array<i32>} : memref<80x128xf32, #tpu.memory_space<vmem>>, vector<1x16xf32>,
        %parallel_loop3A_767 = vector.shape_cast %parallel_loop3A_766 : vector<1x16xf32> to vector<16xf32>
        %parallel_loop3A_768 = arith.index_cast %parallel_loop3A_678 : i32 to index
        %parallel_loop3A_769 = arith.constant 80 : index
        %parallel_loop3A_770 = tpu.vector_load %arg12[%parallel_loop3A_768, %parallel_loop3A_769] {strides = array<i32>} : memref<80x128xf32, #tpu.memory_space<vmem>>, vector<1x16xf32>,
        %parallel_loop3A_771 = vector.shape_cast %parallel_loop3A_770 : vector<1x16xf32> to vector<16xf32>
        %parallel_loop3A_772 = arith.addf %parallel_loop3A_767, %parallel_loop3A_771 : vector<16xf32>
        %parallel_loop3A_773 = arith.constant 0.000000e+00 : f32
        %parallel_loop3A_774 = vector.broadcast %parallel_loop3A_773 : f32 to vector<16xf32>
        %parallel_loop3A_775 = arith.maximumf %parallel_loop3A_772, %parallel_loop3A_774 : vector<16xf32>
        %parallel_loop3A_776 = arith.index_cast %parallel_loop3A_678 : i32 to index
        %parallel_loop3A_777 = arith.constant 80 : index
        %parallel_loop3A_778 = tpu.vector_load %arg10[%parallel_loop3A_776, %parallel_loop3A_777] {strides = array<i32>} : memref<80x128xf32, #tpu.memory_space<vmem>>, vector<1x16xf32>,
        %parallel_loop3A_779 = vector.shape_cast %parallel_loop3A_778 : vector<1x16xf32> to vector<16xf32>
        %parallel_loop3A_780 = vector.shape_cast %parallel_loop3A_775 : vector<16xf32> to vector<1x16xf32>
        tpu.vector_store %arg10[%parallel_loop3A_776, %parallel_loop3A_777], %parallel_loop3A_780 {strides = array<i32>} : memref<80x128xf32, #tpu.memory_space<vmem>>, vector<1x16xf32>,
        %parallel_loop3A_781 = arith.index_cast %parallel_loop3A_678 : i32 to index
        %parallel_loop3A_782 = arith.constant 96 : index
        %parallel_loop3A_783 = tpu.vector_load %arg10[%parallel_loop3A_781, %parallel_loop3A_782] {strides = array<i32>} : memref<80x128xf32, #tpu.memory_space<vmem>>, vector<1x16xf32>,
        %parallel_loop3A_784 = vector.shape_cast %parallel_loop3A_783 : vector<1x16xf32> to vector<16xf32>
        %parallel_loop3A_785 = arith.index_cast %parallel_loop3A_678 : i32 to index
        %parallel_loop3A_786 = arith.constant 96 : index
        %parallel_loop3A_787 = tpu.vector_load %arg12[%parallel_loop3A_785, %parallel_loop3A_786] {strides = array<i32>} : memref<80x128xf32, #tpu.memory_space<vmem>>, vector<1x16xf32>,
        %parallel_loop3A_788 = vector.shape_cast %parallel_loop3A_787 : vector<1x16xf32> to vector<16xf32>
        %parallel_loop3A_789 = arith.addf %parallel_loop3A_784, %parallel_loop3A_788 : vector<16xf32>
        %parallel_loop3A_790 = arith.constant 0.000000e+00 : f32
        %parallel_loop3A_791 = vector.broadcast %parallel_loop3A_790 : f32 to vector<16xf32>
        %parallel_loop3A_792 = arith.maximumf %parallel_loop3A_789, %parallel_loop3A_791 : vector<16xf32>
        %parallel_loop3A_793 = arith.index_cast %parallel_loop3A_678 : i32 to index
        %parallel_loop3A_794 = arith.constant 96 : index
        %parallel_loop3A_795 = tpu.vector_load %arg10[%parallel_loop3A_793, %parallel_loop3A_794] {strides = array<i32>} : memref<80x128xf32, #tpu.memory_space<vmem>>, vector<1x16xf32>,
        %parallel_loop3A_796 = vector.shape_cast %parallel_loop3A_795 : vector<1x16xf32> to vector<16xf32>
        %parallel_loop3A_797 = vector.shape_cast %parallel_loop3A_792 : vector<16xf32> to vector<1x16xf32>
        tpu.vector_store %arg10[%parallel_loop3A_793, %parallel_loop3A_794], %parallel_loop3A_797 {strides = array<i32>} : memref<80x128xf32, #tpu.memory_space<vmem>>, vector<1x16xf32>,
        %parallel_loop3A_798 = arith.index_cast %parallel_loop3A_678 : i32 to index
        %parallel_loop3A_799 = arith.constant 112 : index
        %parallel_loop3A_800 = tpu.vector_load %arg10[%parallel_loop3A_798, %parallel_loop3A_799] {strides = array<i32>} : memref<80x128xf32, #tpu.memory_space<vmem>>, vector<1x16xf32>,
        %parallel_loop3A_801 = vector.shape_cast %parallel_loop3A_800 : vector<1x16xf32> to vector<16xf32>
        %parallel_loop3A_802 = arith.index_cast %parallel_loop3A_678 : i32 to index
        %parallel_loop3A_803 = arith.constant 112 : index
        %parallel_loop3A_804 = tpu.vector_load %arg12[%parallel_loop3A_802, %parallel_loop3A_803] {strides = array<i32>} : memref<80x128xf32, #tpu.memory_space<vmem>>, vector<1x16xf32>,
        %parallel_loop3A_805 = vector.shape_cast %parallel_loop3A_804 : vector<1x16xf32> to vector<16xf32>
        %parallel_loop3A_806 = arith.addf %parallel_loop3A_801, %parallel_loop3A_805 : vector<16xf32>
        %parallel_loop3A_807 = arith.constant 0.000000e+00 : f32
        %parallel_loop3A_808 = vector.broadcast %parallel_loop3A_807 : f32 to vector<16xf32>
        %parallel_loop3A_809 = arith.maximumf %parallel_loop3A_806, %parallel_loop3A_808 : vector<16xf32>
        %parallel_loop3A_810 = arith.index_cast %parallel_loop3A_678 : i32 to index
        %parallel_loop3A_811 = arith.constant 112 : index
        %parallel_loop3A_812 = tpu.vector_load %arg10[%parallel_loop3A_810, %parallel_loop3A_811] {strides = array<i32>} : memref<80x128xf32, #tpu.memory_space<vmem>>, vector<1x16xf32>,
        %parallel_loop3A_813 = vector.shape_cast %parallel_loop3A_812 : vector<1x16xf32> to vector<16xf32>
        %parallel_loop3A_814 = vector.shape_cast %parallel_loop3A_809 : vector<16xf32> to vector<1x16xf32>
        tpu.vector_store %arg10[%parallel_loop3A_810, %parallel_loop3A_811], %parallel_loop3A_814 {strides = array<i32>} : memref<80x128xf32, #tpu.memory_space<vmem>>, vector<1x16xf32>,
      } {sc.loop_unroll_factor = 2 : i64, sc.parallel_access}
      %dma_start3A_674 = arith.constant 0 : i32
      %dma_start3A_675 = arith.constant 0 : i32
      %dma_start3A_676 = tpu.memref_slice %arg14[%dma_start3A_674, %dma_start3A_675] : memref<10240x128xf32, #tpu.memory_space<vmem_shared>> -> memref<10240x128xf32, #tpu.memory_space<vmem_shared>>
      tpu.enqueue_indirect_dma source(%arg10 : memref<80x128xf32, #tpu.memory_space<vmem>>) target(%dma_start3A_676 : memref<10240x128xf32, #tpu.memory_space<vmem_shared>>) offsets(%arg8 : memref<80xi32, #tpu.memory_space<vmem>>) semaphore(%arg16 : memref<!tpu.dma_semaphore, #tpu.memory_space<semaphore_mem>>) {add = true}
      %scan3A_677 = arith.constant 0 : i32
      scf.yield %scan3A_677 : i32
    }
    %scan3A_319 = arith.constant 4 : i32
    %dma_wait3A_320 = arith.constant 0 : i32
    %dma_wait3A_321 = arith.constant 0 : i32
    %dma_wait3A_322 = tpu.memref_slice %arg14[%dma_wait3A_320, %dma_wait3A_321] : memref<10240x128xf32, #tpu.memory_space<vmem_shared>> -> memref<10240x128xf32, #tpu.memory_space<vmem_shared>>
    tpu.wait_indirect_dma semaphore(%arg16 : memref<!tpu.dma_semaphore, #tpu.memory_space<semaphore_mem>>) src(%arg11 : memref<80x128xf32, #tpu.memory_space<vmem>>) dst(%dma_wait3A_322 : memref<10240x128xf32, #tpu.memory_space<vmem_shared>>)
    %dma_wait3A_323 = arith.constant 0 : i32
    %dma_wait3A_324 = arith.constant 0 : i32
    %dma_wait3A_325 = tpu.memref_slice %arg14[%dma_wait3A_323, %dma_wait3A_324] : memref<10240x128xf32, #tpu.memory_space<vmem_shared>> -> memref<10240x128xf32, #tpu.memory_space<vmem_shared>>
    tpu.wait_indirect_dma semaphore(%arg16 : memref<!tpu.dma_semaphore, #tpu.memory_space<semaphore_mem>>) src(%arg10 : memref<80x128xf32, #tpu.memory_space<vmem>>) dst(%dma_wait3A_325 : memref<10240x128xf32, #tpu.memory_space<vmem_shared>>)
    %barrier3A_326 = arith.constant 0 : index
    tpu.barrier barrier_id(%barrier3A_326)
    %mul3A_327 = arith.constant 640 : i32
    %mul3A_328 = arith.muli %arg1, %mul3A_327 : i32
    %add3A_329 = arith.constant 0 : i32
    %add3A_330 = arith.addi %mul3A_328, %add3A_329 : i32
    "tpu.region"() ({
      %run_scoped3A = tpu.sem_alloc : memref<!tpu.dma_semaphore, #tpu.memory_space<semaphore_mem>>
      %dma_start3A_471 = arith.constant 0 : i32
      %dma_start3A_472 = tpu.memref_slice %arg14[%add3A_330, %dma_start3A_471] : memref<10240x128xf32, #tpu.memory_space<vmem_shared>> -> memref<80x128xf32, #tpu.memory_space<vmem_shared>>
      %dma_start3A_473 = arith.constant 0 : i32
      %dma_start3A_474 = tpu.memref_slice %arg14[%add3A_330, %dma_start3A_473] : memref<10240x128xf32, #tpu.memory_space<vmem_shared>> -> memref<80x128xf32, #tpu.memory_space<vmem_shared>>
      tpu.enqueue_dma source(%dma_start3A_474 : memref<80x128xf32, #tpu.memory_space<vmem_shared>>) target(%arg10 : memref<80x128xf32, #tpu.memory_space<vmem>>) target_semaphore(%run_scoped3A : memref<!tpu.dma_semaphore, #tpu.memory_space<semaphore_mem>>)
      %dma_wait3A_475 = arith.constant 0 : i32
      %dma_wait3A_476 = tpu.memref_slice %arg14[%add3A_330, %dma_wait3A_475] : memref<10240x128xf32, #tpu.memory_space<vmem_shared>> -> memref<80x128xf32, #tpu.memory_space<vmem_shared>>
      %dma_wait3A_477 = arith.constant 0 : i32
      %dma_wait3A_478 = tpu.memref_slice %arg14[%add3A_330, %dma_wait3A_477] : memref<10240x128xf32, #tpu.memory_space<vmem_shared>> -> memref<80x128xf32, #tpu.memory_space<vmem_shared>>
      tpu.wait_dma2 semaphore(%run_scoped3A : memref<!tpu.dma_semaphore, #tpu.memory_space<semaphore_mem>>) src(%dma_wait3A_478 : memref<80x128xf32, #tpu.memory_space<vmem_shared>>) dst(%arg10 : memref<80x128xf32, #tpu.memory_space<vmem>>)
      tpu.yield
    }) : () -> ()
    %dma_start3A_331 = arith.constant 0 : i32
    %dma_start3A_332 = tpu.memref_slice %arg5[%arg0, %add3A_330, %dma_start3A_331] : memref<2x10240x128xf32, #tpu.memory_space<hbm>> -> memref<1x80x128xf32, #tpu.memory_space<hbm>>
    %dma_start3A_333 = tpu.memref_squeeze %dma_start3A_332 : memref<1x80x128xf32, #tpu.memory_space<hbm>> -> memref<80x128xf32, #tpu.memory_space<hbm>>
    %dma_start3A_334 = arith.constant 0 : i32
    %dma_start3A_335 = tpu.memref_slice %arg5[%arg0, %add3A_330, %dma_start3A_334] : memref<2x10240x128xf32, #tpu.memory_space<hbm>> -> memref<1x80x128xf32, #tpu.memory_space<hbm>>
    %dma_start3A_336 = tpu.memref_squeeze %dma_start3A_335 : memref<1x80x128xf32, #tpu.memory_space<hbm>> -> memref<80x128xf32, #tpu.memory_space<hbm>>
    tpu.enqueue_dma source(%arg10 : memref<80x128xf32, #tpu.memory_space<vmem>>) target(%dma_start3A_336 : memref<80x128xf32, #tpu.memory_space<hbm>>) target_semaphore(%arg15 : memref<!tpu.dma_semaphore, #tpu.memory_space<semaphore_mem>>)
    %mul3A_337 = arith.constant 640 : i32
    %mul3A_338 = arith.muli %arg1, %mul3A_337 : i32
    %add3A_339 = arith.constant 80 : i32
    %add3A_340 = arith.addi %mul3A_338, %add3A_339 : i32
    "tpu.region"() ({
      %run_scoped3A = tpu.sem_alloc : memref<!tpu.dma_semaphore, #tpu.memory_space<semaphore_mem>>
      %dma_start3A_471 = arith.constant 0 : i32
      %dma_start3A_472 = tpu.memref_slice %arg14[%add3A_340, %dma_start3A_471] : memref<10240x128xf32, #tpu.memory_space<vmem_shared>> -> memref<80x128xf32, #tpu.memory_space<vmem_shared>>
      %dma_start3A_473 = arith.constant 0 : i32
      %dma_start3A_474 = tpu.memref_slice %arg14[%add3A_340, %dma_start3A_473] : memref<10240x128xf32, #tpu.memory_space<vmem_shared>> -> memref<80x128xf32, #tpu.memory_space<vmem_shared>>
      tpu.enqueue_dma source(%dma_start3A_474 : memref<80x128xf32, #tpu.memory_space<vmem_shared>>) target(%arg11 : memref<80x128xf32, #tpu.memory_space<vmem>>) target_semaphore(%run_scoped3A : memref<!tpu.dma_semaphore, #tpu.memory_space<semaphore_mem>>)
      %dma_wait3A_475 = arith.constant 0 : i32
      %dma_wait3A_476 = tpu.memref_slice %arg14[%add3A_340, %dma_wait3A_475] : memref<10240x128xf32, #tpu.memory_space<vmem_shared>> -> memref<80x128xf32, #tpu.memory_space<vmem_shared>>
      %dma_wait3A_477 = arith.constant 0 : i32
      %dma_wait3A_478 = tpu.memref_slice %arg14[%add3A_340, %dma_wait3A_477] : memref<10240x128xf32, #tpu.memory_space<vmem_shared>> -> memref<80x128xf32, #tpu.memory_space<vmem_shared>>
      tpu.wait_dma2 semaphore(%run_scoped3A : memref<!tpu.dma_semaphore, #tpu.memory_space<semaphore_mem>>) src(%dma_wait3A_478 : memref<80x128xf32, #tpu.memory_space<vmem_shared>>) dst(%arg11 : memref<80x128xf32, #tpu.memory_space<vmem>>)
      tpu.yield
    }) : () -> ()
    %dma_start3A_341 = arith.constant 0 : i32
    %dma_start3A_342 = tpu.memref_slice %arg5[%arg0, %add3A_340, %dma_start3A_341] : memref<2x10240x128xf32, #tpu.memory_space<hbm>> -> memref<1x80x128xf32, #tpu.memory_space<hbm>>
    %dma_start3A_343 = tpu.memref_squeeze %dma_start3A_342 : memref<1x80x128xf32, #tpu.memory_space<hbm>> -> memref<80x128xf32, #tpu.memory_space<hbm>>
    %dma_start3A_344 = arith.constant 0 : i32
    %dma_start3A_345 = tpu.memref_slice %arg5[%arg0, %add3A_340, %dma_start3A_344] : memref<2x10240x128xf32, #tpu.memory_space<hbm>> -> memref<1x80x128xf32, #tpu.memory_space<hbm>>
    %dma_start3A_346 = tpu.memref_squeeze %dma_start3A_345 : memref<1x80x128xf32, #tpu.memory_space<hbm>> -> memref<80x128xf32, #tpu.memory_space<hbm>>
    tpu.enqueue_dma source(%arg11 : memref<80x128xf32, #tpu.memory_space<vmem>>) target(%dma_start3A_346 : memref<80x128xf32, #tpu.memory_space<hbm>>) target_semaphore(%arg15 : memref<!tpu.dma_semaphore, #tpu.memory_space<semaphore_mem>>)
    %mul3A_347 = arith.constant 640 : i32
    %mul3A_348 = arith.muli %arg1, %mul3A_347 : i32
    %add3A_349 = arith.constant 160 : i32
    %add3A_350 = arith.addi %mul3A_348, %add3A_349 : i32
    %dma_wait3A_351 = arith.constant 0 : i32
    %dma_wait3A_352 = arith.constant 0 : i32
    %dma_wait3A_353 = tpu.memref_slice %arg5[%arg0, %dma_wait3A_351, %dma_wait3A_352] : memref<2x10240x128xf32, #tpu.memory_space<hbm>> -> memref<1x80x128xf32, #tpu.memory_space<hbm>>
    %dma_wait3A_354 = tpu.memref_squeeze %dma_wait3A_353 : memref<1x80x128xf32, #tpu.memory_space<hbm>> -> memref<80x128xf32, #tpu.memory_space<hbm>>
    %dma_wait3A_355 = arith.constant 0 : i32
    %dma_wait3A_356 = arith.constant 0 : i32
    %dma_wait3A_357 = tpu.memref_slice %arg5[%arg0, %dma_wait3A_355, %dma_wait3A_356] : memref<2x10240x128xf32, #tpu.memory_space<hbm>> -> memref<1x80x128xf32, #tpu.memory_space<hbm>>
    %dma_wait3A_358 = tpu.memref_squeeze %dma_wait3A_357 : memref<1x80x128xf32, #tpu.memory_space<hbm>> -> memref<80x128xf32, #tpu.memory_space<hbm>>
    tpu.wait_dma2 semaphore(%arg15 : memref<!tpu.dma_semaphore, #tpu.memory_space<semaphore_mem>>) src(%arg10 : memref<80x128xf32, #tpu.memory_space<vmem>>) dst(%dma_wait3A_358 : memref<80x128xf32, #tpu.memory_space<hbm>>)
    "tpu.region"() ({
      %run_scoped3A = tpu.sem_alloc : memref<!tpu.dma_semaphore, #tpu.memory_space<semaphore_mem>>
      %dma_start3A_471 = arith.constant 0 : i32
      %dma_start3A_472 = tpu.memref_slice %arg14[%add3A_350, %dma_start3A_471] : memref<10240x128xf32, #tpu.memory_space<vmem_shared>> -> memref<80x128xf32, #tpu.memory_space<vmem_shared>>
      %dma_start3A_473 = arith.constant 0 : i32
      %dma_start3A_474 = tpu.memref_slice %arg14[%add3A_350, %dma_start3A_473] : memref<10240x128xf32, #tpu.memory_space<vmem_shared>> -> memref<80x128xf32, #tpu.memory_space<vmem_shared>>
      tpu.enqueue_dma source(%dma_start3A_474 : memref<80x128xf32, #tpu.memory_space<vmem_shared>>) target(%arg10 : memref<80x128xf32, #tpu.memory_space<vmem>>) target_semaphore(%run_scoped3A : memref<!tpu.dma_semaphore, #tpu.memory_space<semaphore_mem>>)
      %dma_wait3A_475 = arith.constant 0 : i32
      %dma_wait3A_476 = tpu.memref_slice %arg14[%add3A_350, %dma_wait3A_475] : memref<10240x128xf32, #tpu.memory_space<vmem_shared>> -> memref<80x128xf32, #tpu.memory_space<vmem_shared>>
      %dma_wait3A_477 = arith.constant 0 : i32
      %dma_wait3A_478 = tpu.memref_slice %arg14[%add3A_350, %dma_wait3A_477] : memref<10240x128xf32, #tpu.memory_space<vmem_shared>> -> memref<80x128xf32, #tpu.memory_space<vmem_shared>>
      tpu.wait_dma2 semaphore(%run_scoped3A : memref<!tpu.dma_semaphore, #tpu.memory_space<semaphore_mem>>) src(%dma_wait3A_478 : memref<80x128xf32, #tpu.memory_space<vmem_shared>>) dst(%arg10 : memref<80x128xf32, #tpu.memory_space<vmem>>)
      tpu.yield
    }) : () -> ()
    %dma_start3A_359 = arith.constant 0 : i32
    %dma_start3A_360 = tpu.memref_slice %arg5[%arg0, %add3A_350, %dma_start3A_359] : memref<2x10240x128xf32, #tpu.memory_space<hbm>> -> memref<1x80x128xf32, #tpu.memory_space<hbm>>
    %dma_start3A_361 = tpu.memref_squeeze %dma_start3A_360 : memref<1x80x128xf32, #tpu.memory_space<hbm>> -> memref<80x128xf32, #tpu.memory_space<hbm>>
    %dma_start3A_362 = arith.constant 0 : i32
    %dma_start3A_363 = tpu.memref_slice %arg5[%arg0, %add3A_350, %dma_start3A_362] : memref<2x10240x128xf32, #tpu.memory_space<hbm>> -> memref<1x80x128xf32, #tpu.memory_space<hbm>>
    %dma_start3A_364 = tpu.memref_squeeze %dma_start3A_363 : memref<1x80x128xf32, #tpu.memory_space<hbm>> -> memref<80x128xf32, #tpu.memory_space<hbm>>
    tpu.enqueue_dma source(%arg10 : memref<80x128xf32, #tpu.memory_space<vmem>>) target(%dma_start3A_364 : memref<80x128xf32, #tpu.memory_space<hbm>>) target_semaphore(%arg15 : memref<!tpu.dma_semaphore, #tpu.memory_space<semaphore_mem>>)
    %mul3A_365 = arith.constant 640 : i32
    %mul3A_366 = arith.muli %arg1, %mul3A_365 : i32
    %add3A_367 = arith.constant 240 : i32
    %add3A_368 = arith.addi %mul3A_366, %add3A_367 : i32
    %dma_wait3A_369 = arith.constant 0 : i32
    %dma_wait3A_370 = arith.constant 0 : i32
    %dma_wait3A_371 = tpu.memref_slice %arg5[%arg0, %dma_wait3A_369, %dma_wait3A_370] : memref<2x10240x128xf32, #tpu.memory_space<hbm>> -> memref<1x80x128xf32, #tpu.memory_space<hbm>>
    %dma_wait3A_372 = tpu.memref_squeeze %dma_wait3A_371 : memref<1x80x128xf32, #tpu.memory_space<hbm>> -> memref<80x128xf32, #tpu.memory_space<hbm>>
    %dma_wait3A_373 = arith.constant 0 : i32
    %dma_wait3A_374 = arith.constant 0 : i32
    %dma_wait3A_375 = tpu.memref_slice %arg5[%arg0, %dma_wait3A_373, %dma_wait3A_374] : memref<2x10240x128xf32, #tpu.memory_space<hbm>> -> memref<1x80x128xf32, #tpu.memory_space<hbm>>
    %dma_wait3A_376 = tpu.memref_squeeze %dma_wait3A_375 : memref<1x80x128xf32, #tpu.memory_space<hbm>> -> memref<80x128xf32, #tpu.memory_space<hbm>>
    tpu.wait_dma2 semaphore(%arg15 : memref<!tpu.dma_semaphore, #tpu.memory_space<semaphore_mem>>) src(%arg11 : memref<80x128xf32, #tpu.memory_space<vmem>>) dst(%dma_wait3A_376 : memref<80x128xf32, #tpu.memory_space<hbm>>)
    "tpu.region"() ({
      %run_scoped3A = tpu.sem_alloc : memref<!tpu.dma_semaphore, #tpu.memory_space<semaphore_mem>>
      %dma_start3A_471 = arith.constant 0 : i32
      %dma_start3A_472 = tpu.memref_slice %arg14[%add3A_368, %dma_start3A_471] : memref<10240x128xf32, #tpu.memory_space<vmem_shared>> -> memref<80x128xf32, #tpu.memory_space<vmem_shared>>
      %dma_start3A_473 = arith.constant 0 : i32
      %dma_start3A_474 = tpu.memref_slice %arg14[%add3A_368, %dma_start3A_473] : memref<10240x128xf32, #tpu.memory_space<vmem_shared>> -> memref<80x128xf32, #tpu.memory_space<vmem_shared>>
      tpu.enqueue_dma source(%dma_start3A_474 : memref<80x128xf32, #tpu.memory_space<vmem_shared>>) target(%arg11 : memref<80x128xf32, #tpu.memory_space<vmem>>) target_semaphore(%run_scoped3A : memref<!tpu.dma_semaphore, #tpu.memory_space<semaphore_mem>>)
      %dma_wait3A_475 = arith.constant 0 : i32
      %dma_wait3A_476 = tpu.memref_slice %arg14[%add3A_368, %dma_wait3A_475] : memref<10240x128xf32, #tpu.memory_space<vmem_shared>> -> memref<80x128xf32, #tpu.memory_space<vmem_shared>>
      %dma_wait3A_477 = arith.constant 0 : i32
      %dma_wait3A_478 = tpu.memref_slice %arg14[%add3A_368, %dma_wait3A_477] : memref<10240x128xf32, #tpu.memory_space<vmem_shared>> -> memref<80x128xf32, #tpu.memory_space<vmem_shared>>
      tpu.wait_dma2 semaphore(%run_scoped3A : memref<!tpu.dma_semaphore, #tpu.memory_space<semaphore_mem>>) src(%dma_wait3A_478 : memref<80x128xf32, #tpu.memory_space<vmem_shared>>) dst(%arg11 : memref<80x128xf32, #tpu.memory_space<vmem>>)
      tpu.yield
    }) : () -> ()
    %dma_start3A_377 = arith.constant 0 : i32
    %dma_start3A_378 = tpu.memref_slice %arg5[%arg0, %add3A_368, %dma_start3A_377] : memref<2x10240x128xf32, #tpu.memory_space<hbm>> -> memref<1x80x128xf32, #tpu.memory_space<hbm>>
    %dma_start3A_379 = tpu.memref_squeeze %dma_start3A_378 : memref<1x80x128xf32, #tpu.memory_space<hbm>> -> memref<80x128xf32, #tpu.memory_space<hbm>>
    %dma_start3A_380 = arith.constant 0 : i32
    %dma_start3A_381 = tpu.memref_slice %arg5[%arg0, %add3A_368, %dma_start3A_380] : memref<2x10240x128xf32, #tpu.memory_space<hbm>> -> memref<1x80x128xf32, #tpu.memory_space<hbm>>
    %dma_start3A_382 = tpu.memref_squeeze %dma_start3A_381 : memref<1x80x128xf32, #tpu.memory_space<hbm>> -> memref<80x128xf32, #tpu.memory_space<hbm>>
    tpu.enqueue_dma source(%arg11 : memref<80x128xf32, #tpu.memory_space<vmem>>) target(%dma_start3A_382 : memref<80x128xf32, #tpu.memory_space<hbm>>) target_semaphore(%arg15 : memref<!tpu.dma_semaphore, #tpu.memory_space<semaphore_mem>>)
    %mul3A_383 = arith.constant 640 : i32
    %mul3A_384 = arith.muli %arg1, %mul3A_383 : i32
    %add3A_385 = arith.constant 320 : i32
    %add3A_386 = arith.addi %mul3A_384, %add3A_385 : i32
    %dma_wait3A_387 = arith.constant 0 : i32
    %dma_wait3A_388 = arith.constant 0 : i32
    %dma_wait3A_389 = tpu.memref_slice %arg5[%arg0, %dma_wait3A_387, %dma_wait3A_388] : memref<2x10240x128xf32, #tpu.memory_space<hbm>> -> memref<1x80x128xf32, #tpu.memory_space<hbm>>
    %dma_wait3A_390 = tpu.memref_squeeze %dma_wait3A_389 : memref<1x80x128xf32, #tpu.memory_space<hbm>> -> memref<80x128xf32, #tpu.memory_space<hbm>>
    %dma_wait3A_391 = arith.constant 0 : i32
    %dma_wait3A_392 = arith.constant 0 : i32
    %dma_wait3A_393 = tpu.memref_slice %arg5[%arg0, %dma_wait3A_391, %dma_wait3A_392] : memref<2x10240x128xf32, #tpu.memory_space<hbm>> -> memref<1x80x128xf32, #tpu.memory_space<hbm>>
    %dma_wait3A_394 = tpu.memref_squeeze %dma_wait3A_393 : memref<1x80x128xf32, #tpu.memory_space<hbm>> -> memref<80x128xf32, #tpu.memory_space<hbm>>
    tpu.wait_dma2 semaphore(%arg15 : memref<!tpu.dma_semaphore, #tpu.memory_space<semaphore_mem>>) src(%arg10 : memref<80x128xf32, #tpu.memory_space<vmem>>) dst(%dma_wait3A_394 : memref<80x128xf32, #tpu.memory_space<hbm>>)
    "tpu.region"() ({
      %run_scoped3A = tpu.sem_alloc : memref<!tpu.dma_semaphore, #tpu.memory_space<semaphore_mem>>
      %dma_start3A_471 = arith.constant 0 : i32
      %dma_start3A_472 = tpu.memref_slice %arg14[%add3A_386, %dma_start3A_471] : memref<10240x128xf32, #tpu.memory_space<vmem_shared>> -> memref<80x128xf32, #tpu.memory_space<vmem_shared>>
      %dma_start3A_473 = arith.constant 0 : i32
      %dma_start3A_474 = tpu.memref_slice %arg14[%add3A_386, %dma_start3A_473] : memref<10240x128xf32, #tpu.memory_space<vmem_shared>> -> memref<80x128xf32, #tpu.memory_space<vmem_shared>>
      tpu.enqueue_dma source(%dma_start3A_474 : memref<80x128xf32, #tpu.memory_space<vmem_shared>>) target(%arg10 : memref<80x128xf32, #tpu.memory_space<vmem>>) target_semaphore(%run_scoped3A : memref<!tpu.dma_semaphore, #tpu.memory_space<semaphore_mem>>)
      %dma_wait3A_475 = arith.constant 0 : i32
      %dma_wait3A_476 = tpu.memref_slice %arg14[%add3A_386, %dma_wait3A_475] : memref<10240x128xf32, #tpu.memory_space<vmem_shared>> -> memref<80x128xf32, #tpu.memory_space<vmem_shared>>
      %dma_wait3A_477 = arith.constant 0 : i32
      %dma_wait3A_478 = tpu.memref_slice %arg14[%add3A_386, %dma_wait3A_477] : memref<10240x128xf32, #tpu.memory_space<vmem_shared>> -> memref<80x128xf32, #tpu.memory_space<vmem_shared>>
      tpu.wait_dma2 semaphore(%run_scoped3A : memref<!tpu.dma_semaphore, #tpu.memory_space<semaphore_mem>>) src(%dma_wait3A_478 : memref<80x128xf32, #tpu.memory_space<vmem_shared>>) dst(%arg10 : memref<80x128xf32, #tpu.memory_space<vmem>>)
      tpu.yield
    }) : () -> ()
    %dma_start3A_395 = arith.constant 0 : i32
    %dma_start3A_396 = tpu.memref_slice %arg5[%arg0, %add3A_386, %dma_start3A_395] : memref<2x10240x128xf32, #tpu.memory_space<hbm>> -> memref<1x80x128xf32, #tpu.memory_space<hbm>>
    %dma_start3A_397 = tpu.memref_squeeze %dma_start3A_396 : memref<1x80x128xf32, #tpu.memory_space<hbm>> -> memref<80x128xf32, #tpu.memory_space<hbm>>
    %dma_start3A_398 = arith.constant 0 : i32
    %dma_start3A_399 = tpu.memref_slice %arg5[%arg0, %add3A_386, %dma_start3A_398] : memref<2x10240x128xf32, #tpu.memory_space<hbm>> -> memref<1x80x128xf32, #tpu.memory_space<hbm>>
    %dma_start3A_400 = tpu.memref_squeeze %dma_start3A_399 : memref<1x80x128xf32, #tpu.memory_space<hbm>> -> memref<80x128xf32, #tpu.memory_space<hbm>>
    tpu.enqueue_dma source(%arg10 : memref<80x128xf32, #tpu.memory_space<vmem>>) target(%dma_start3A_400 : memref<80x128xf32, #tpu.memory_space<hbm>>) target_semaphore(%arg15 : memref<!tpu.dma_semaphore, #tpu.memory_space<semaphore_mem>>)
    %mul3A_401 = arith.constant 640 : i32
    %mul3A_402 = arith.muli %arg1, %mul3A_401 : i32
    %add3A_403 = arith.constant 400 : i32
    %add3A_404 = arith.addi %mul3A_402, %add3A_403 : i32
    %dma_wait3A_405 = arith.constant 0 : i32
    %dma_wait3A_406 = arith.constant 0 : i32
    %dma_wait3A_407 = tpu.memref_slice %arg5[%arg0, %dma_wait3A_405, %dma_wait3A_406] : memref<2x10240x128xf32, #tpu.memory_space<hbm>> -> memref<1x80x128xf32, #tpu.memory_space<hbm>>
    %dma_wait3A_408 = tpu.memref_squeeze %dma_wait3A_407 : memref<1x80x128xf32, #tpu.memory_space<hbm>> -> memref<80x128xf32, #tpu.memory_space<hbm>>
    %dma_wait3A_409 = arith.constant 0 : i32
    %dma_wait3A_410 = arith.constant 0 : i32
    %dma_wait3A_411 = tpu.memref_slice %arg5[%arg0, %dma_wait3A_409, %dma_wait3A_410] : memref<2x10240x128xf32, #tpu.memory_space<hbm>> -> memref<1x80x128xf32, #tpu.memory_space<hbm>>
    %dma_wait3A_412 = tpu.memref_squeeze %dma_wait3A_411 : memref<1x80x128xf32, #tpu.memory_space<hbm>> -> memref<80x128xf32, #tpu.memory_space<hbm>>
    tpu.wait_dma2 semaphore(%arg15 : memref<!tpu.dma_semaphore, #tpu.memory_space<semaphore_mem>>) src(%arg11 : memref<80x128xf32, #tpu.memory_space<vmem>>) dst(%dma_wait3A_412 : memref<80x128xf32, #tpu.memory_space<hbm>>)
    "tpu.region"() ({
      %run_scoped3A = tpu.sem_alloc : memref<!tpu.dma_semaphore, #tpu.memory_space<semaphore_mem>>
      %dma_start3A_471 = arith.constant 0 : i32
      %dma_start3A_472 = tpu.memref_slice %arg14[%add3A_404, %dma_start3A_471] : memref<10240x128xf32, #tpu.memory_space<vmem_shared>> -> memref<80x128xf32, #tpu.memory_space<vmem_shared>>
      %dma_start3A_473 = arith.constant 0 : i32
      %dma_start3A_474 = tpu.memref_slice %arg14[%add3A_404, %dma_start3A_473] : memref<10240x128xf32, #tpu.memory_space<vmem_shared>> -> memref<80x128xf32, #tpu.memory_space<vmem_shared>>
      tpu.enqueue_dma source(%dma_start3A_474 : memref<80x128xf32, #tpu.memory_space<vmem_shared>>) target(%arg11 : memref<80x128xf32, #tpu.memory_space<vmem>>) target_semaphore(%run_scoped3A : memref<!tpu.dma_semaphore, #tpu.memory_space<semaphore_mem>>)
      %dma_wait3A_475 = arith.constant 0 : i32
      %dma_wait3A_476 = tpu.memref_slice %arg14[%add3A_404, %dma_wait3A_475] : memref<10240x128xf32, #tpu.memory_space<vmem_shared>> -> memref<80x128xf32, #tpu.memory_space<vmem_shared>>
      %dma_wait3A_477 = arith.constant 0 : i32
      %dma_wait3A_478 = tpu.memref_slice %arg14[%add3A_404, %dma_wait3A_477] : memref<10240x128xf32, #tpu.memory_space<vmem_shared>> -> memref<80x128xf32, #tpu.memory_space<vmem_shared>>
      tpu.wait_dma2 semaphore(%run_scoped3A : memref<!tpu.dma_semaphore, #tpu.memory_space<semaphore_mem>>) src(%dma_wait3A_478 : memref<80x128xf32, #tpu.memory_space<vmem_shared>>) dst(%arg11 : memref<80x128xf32, #tpu.memory_space<vmem>>)
      tpu.yield
    }) : () -> ()
    %dma_start3A_413 = arith.constant 0 : i32
    %dma_start3A_414 = tpu.memref_slice %arg5[%arg0, %add3A_404, %dma_start3A_413] : memref<2x10240x128xf32, #tpu.memory_space<hbm>> -> memref<1x80x128xf32, #tpu.memory_space<hbm>>
    %dma_start3A_415 = tpu.memref_squeeze %dma_start3A_414 : memref<1x80x128xf32, #tpu.memory_space<hbm>> -> memref<80x128xf32, #tpu.memory_space<hbm>>
    %dma_start3A_416 = arith.constant 0 : i32
    %dma_start3A_417 = tpu.memref_slice %arg5[%arg0, %add3A_404, %dma_start3A_416] : memref<2x10240x128xf32, #tpu.memory_space<hbm>> -> memref<1x80x128xf32, #tpu.memory_space<hbm>>
    %dma_start3A_418 = tpu.memref_squeeze %dma_start3A_417 : memref<1x80x128xf32, #tpu.memory_space<hbm>> -> memref<80x128xf32, #tpu.memory_space<hbm>>
    tpu.enqueue_dma source(%arg11 : memref<80x128xf32, #tpu.memory_space<vmem>>) target(%dma_start3A_418 : memref<80x128xf32, #tpu.memory_space<hbm>>) target_semaphore(%arg15 : memref<!tpu.dma_semaphore, #tpu.memory_space<semaphore_mem>>)
    %mul3A_419 = arith.constant 640 : i32
    %mul3A_420 = arith.muli %arg1, %mul3A_419 : i32
    %add3A_421 = arith.constant 480 : i32
    %add3A_422 = arith.addi %mul3A_420, %add3A_421 : i32
    %dma_wait3A_423 = arith.constant 0 : i32
    %dma_wait3A_424 = arith.constant 0 : i32
    %dma_wait3A_425 = tpu.memref_slice %arg5[%arg0, %dma_wait3A_423, %dma_wait3A_424] : memref<2x10240x128xf32, #tpu.memory_space<hbm>> -> memref<1x80x128xf32, #tpu.memory_space<hbm>>
    %dma_wait3A_426 = tpu.memref_squeeze %dma_wait3A_425 : memref<1x80x128xf32, #tpu.memory_space<hbm>> -> memref<80x128xf32, #tpu.memory_space<hbm>>
    %dma_wait3A_427 = arith.constant 0 : i32
    %dma_wait3A_428 = arith.constant 0 : i32
    %dma_wait3A_429 = tpu.memref_slice %arg5[%arg0, %dma_wait3A_427, %dma_wait3A_428] : memref<2x10240x128xf32, #tpu.memory_space<hbm>> -> memref<1x80x128xf32, #tpu.memory_space<hbm>>
    %dma_wait3A_430 = tpu.memref_squeeze %dma_wait3A_429 : memref<1x80x128xf32, #tpu.memory_space<hbm>> -> memref<80x128xf32, #tpu.memory_space<hbm>>
    tpu.wait_dma2 semaphore(%arg15 : memref<!tpu.dma_semaphore, #tpu.memory_space<semaphore_mem>>) src(%arg10 : memref<80x128xf32, #tpu.memory_space<vmem>>) dst(%dma_wait3A_430 : memref<80x128xf32, #tpu.memory_space<hbm>>)
    "tpu.region"() ({
      %run_scoped3A = tpu.sem_alloc : memref<!tpu.dma_semaphore, #tpu.memory_space<semaphore_mem>>
      %dma_start3A_471 = arith.constant 0 : i32
      %dma_start3A_472 = tpu.memref_slice %arg14[%add3A_422, %dma_start3A_471] : memref<10240x128xf32, #tpu.memory_space<vmem_shared>> -> memref<80x128xf32, #tpu.memory_space<vmem_shared>>
      %dma_start3A_473 = arith.constant 0 : i32
      %dma_start3A_474 = tpu.memref_slice %arg14[%add3A_422, %dma_start3A_473] : memref<10240x128xf32, #tpu.memory_space<vmem_shared>> -> memref<80x128xf32, #tpu.memory_space<vmem_shared>>
      tpu.enqueue_dma source(%dma_start3A_474 : memref<80x128xf32, #tpu.memory_space<vmem_shared>>) target(%arg10 : memref<80x128xf32, #tpu.memory_space<vmem>>) target_semaphore(%run_scoped3A : memref<!tpu.dma_semaphore, #tpu.memory_space<semaphore_mem>>)
      %dma_wait3A_475 = arith.constant 0 : i32
      %dma_wait3A_476 = tpu.memref_slice %arg14[%add3A_422, %dma_wait3A_475] : memref<10240x128xf32, #tpu.memory_space<vmem_shared>> -> memref<80x128xf32, #tpu.memory_space<vmem_shared>>
      %dma_wait3A_477 = arith.constant 0 : i32
      %dma_wait3A_478 = tpu.memref_slice %arg14[%add3A_422, %dma_wait3A_477] : memref<10240x128xf32, #tpu.memory_space<vmem_shared>> -> memref<80x128xf32, #tpu.memory_space<vmem_shared>>
      tpu.wait_dma2 semaphore(%run_scoped3A : memref<!tpu.dma_semaphore, #tpu.memory_space<semaphore_mem>>) src(%dma_wait3A_478 : memref<80x128xf32, #tpu.memory_space<vmem_shared>>) dst(%arg10 : memref<80x128xf32, #tpu.memory_space<vmem>>)
      tpu.yield
    }) : () -> ()
    %dma_start3A_431 = arith.constant 0 : i32
    %dma_start3A_432 = tpu.memref_slice %arg5[%arg0, %add3A_422, %dma_start3A_431] : memref<2x10240x128xf32, #tpu.memory_space<hbm>> -> memref<1x80x128xf32, #tpu.memory_space<hbm>>
    %dma_start3A_433 = tpu.memref_squeeze %dma_start3A_432 : memref<1x80x128xf32, #tpu.memory_space<hbm>> -> memref<80x128xf32, #tpu.memory_space<hbm>>
    %dma_start3A_434 = arith.constant 0 : i32
    %dma_start3A_435 = tpu.memref_slice %arg5[%arg0, %add3A_422, %dma_start3A_434] : memref<2x10240x128xf32, #tpu.memory_space<hbm>> -> memref<1x80x128xf32, #tpu.memory_space<hbm>>
    %dma_start3A_436 = tpu.memref_squeeze %dma_start3A_435 : memref<1x80x128xf32, #tpu.memory_space<hbm>> -> memref<80x128xf32, #tpu.memory_space<hbm>>
    tpu.enqueue_dma source(%arg10 : memref<80x128xf32, #tpu.memory_space<vmem>>) target(%dma_start3A_436 : memref<80x128xf32, #tpu.memory_space<hbm>>) target_semaphore(%arg15 : memref<!tpu.dma_semaphore, #tpu.memory_space<semaphore_mem>>)
    %mul3A_437 = arith.constant 640 : i32
    %mul3A_438 = arith.muli %arg1, %mul3A_437 : i32
    %add3A_439 = arith.constant 560 : i32
    %add3A_440 = arith.addi %mul3A_438, %add3A_439 : i32
    %dma_wait3A_441 = arith.constant 0 : i32
    %dma_wait3A_442 = arith.constant 0 : i32
    %dma_wait3A_443 = tpu.memref_slice %arg5[%arg0, %dma_wait3A_441, %dma_wait3A_442] : memref<2x10240x128xf32, #tpu.memory_space<hbm>> -> memref<1x80x128xf32, #tpu.memory_space<hbm>>
    %dma_wait3A_444 = tpu.memref_squeeze %dma_wait3A_443 : memref<1x80x128xf32, #tpu.memory_space<hbm>> -> memref<80x128xf32, #tpu.memory_space<hbm>>
    %dma_wait3A_445 = arith.constant 0 : i32
    %dma_wait3A_446 = arith.constant 0 : i32
    %dma_wait3A_447 = tpu.memref_slice %arg5[%arg0, %dma_wait3A_445, %dma_wait3A_446] : memref<2x10240x128xf32, #tpu.memory_space<hbm>> -> memref<1x80x128xf32, #tpu.memory_space<hbm>>
    %dma_wait3A_448 = tpu.memref_squeeze %dma_wait3A_447 : memref<1x80x128xf32, #tpu.memory_space<hbm>> -> memref<80x128xf32, #tpu.memory_space<hbm>>
    tpu.wait_dma2 semaphore(%arg15 : memref<!tpu.dma_semaphore, #tpu.memory_space<semaphore_mem>>) src(%arg11 : memref<80x128xf32, #tpu.memory_space<vmem>>) dst(%dma_wait3A_448 : memref<80x128xf32, #tpu.memory_space<hbm>>)
    "tpu.region"() ({
      %run_scoped3A = tpu.sem_alloc : memref<!tpu.dma_semaphore, #tpu.memory_space<semaphore_mem>>
      %dma_start3A_471 = arith.constant 0 : i32
      %dma_start3A_472 = tpu.memref_slice %arg14[%add3A_440, %dma_start3A_471] : memref<10240x128xf32, #tpu.memory_space<vmem_shared>> -> memref<80x128xf32, #tpu.memory_space<vmem_shared>>
      %dma_start3A_473 = arith.constant 0 : i32
      %dma_start3A_474 = tpu.memref_slice %arg14[%add3A_440, %dma_start3A_473] : memref<10240x128xf32, #tpu.memory_space<vmem_shared>> -> memref<80x128xf32, #tpu.memory_space<vmem_shared>>
      tpu.enqueue_dma source(%dma_start3A_474 : memref<80x128xf32, #tpu.memory_space<vmem_shared>>) target(%arg11 : memref<80x128xf32, #tpu.memory_space<vmem>>) target_semaphore(%run_scoped3A : memref<!tpu.dma_semaphore, #tpu.memory_space<semaphore_mem>>)
      %dma_wait3A_475 = arith.constant 0 : i32
      %dma_wait3A_476 = tpu.memref_slice %arg14[%add3A_440, %dma_wait3A_475] : memref<10240x128xf32, #tpu.memory_space<vmem_shared>> -> memref<80x128xf32, #tpu.memory_space<vmem_shared>>
      %dma_wait3A_477 = arith.constant 0 : i32
      %dma_wait3A_478 = tpu.memref_slice %arg14[%add3A_440, %dma_wait3A_477] : memref<10240x128xf32, #tpu.memory_space<vmem_shared>> -> memref<80x128xf32, #tpu.memory_space<vmem_shared>>
      tpu.wait_dma2 semaphore(%run_scoped3A : memref<!tpu.dma_semaphore, #tpu.memory_space<semaphore_mem>>) src(%dma_wait3A_478 : memref<80x128xf32, #tpu.memory_space<vmem_shared>>) dst(%arg11 : memref<80x128xf32, #tpu.memory_space<vmem>>)
      tpu.yield
    }) : () -> ()
    %dma_start3A_449 = arith.constant 0 : i32
    %dma_start3A_450 = tpu.memref_slice %arg5[%arg0, %add3A_440, %dma_start3A_449] : memref<2x10240x128xf32, #tpu.memory_space<hbm>> -> memref<1x80x128xf32, #tpu.memory_space<hbm>>
    %dma_start3A_451 = tpu.memref_squeeze %dma_start3A_450 : memref<1x80x128xf32, #tpu.memory_space<hbm>> -> memref<80x128xf32, #tpu.memory_space<hbm>>
    %dma_start3A_452 = arith.constant 0 : i32
    %dma_start3A_453 = tpu.memref_slice %arg5[%arg0, %add3A_440, %dma_start3A_452] : memref<2x10240x128xf32, #tpu.memory_space<hbm>> -> memref<1x80x128xf32, #tpu.memory_space<hbm>>
    %dma_start3A_454 = tpu.memref_squeeze %dma_start3A_453 : memref<1x80x128xf32, #tpu.memory_space<hbm>> -> memref<80x128xf32, #tpu.memory_space<hbm>>
    tpu.enqueue_dma source(%arg11 : memref<80x128xf32, #tpu.memory_space<vmem>>) target(%dma_start3A_454 : memref<80x128xf32, #tpu.memory_space<hbm>>) target_semaphore(%arg15 : memref<!tpu.dma_semaphore, #tpu.memory_space<semaphore_mem>>)
    %dma_wait3A_455 = arith.constant 0 : i32
    %dma_wait3A_456 = arith.constant 0 : i32
    %dma_wait3A_457 = tpu.memref_slice %arg5[%arg0, %dma_wait3A_455, %dma_wait3A_456] : memref<2x10240x128xf32, #tpu.memory_space<hbm>> -> memref<1x80x128xf32, #tpu.memory_space<hbm>>
    %dma_wait3A_458 = tpu.memref_squeeze %dma_wait3A_457 : memref<1x80x128xf32, #tpu.memory_space<hbm>> -> memref<80x128xf32, #tpu.memory_space<hbm>>
    %dma_wait3A_459 = arith.constant 0 : i32
    %dma_wait3A_460 = arith.constant 0 : i32
    %dma_wait3A_461 = tpu.memref_slice %arg5[%arg0, %dma_wait3A_459, %dma_wait3A_460] : memref<2x10240x128xf32, #tpu.memory_space<hbm>> -> memref<1x80x128xf32, #tpu.memory_space<hbm>>
    %dma_wait3A_462 = tpu.memref_squeeze %dma_wait3A_461 : memref<1x80x128xf32, #tpu.memory_space<hbm>> -> memref<80x128xf32, #tpu.memory_space<hbm>>
    tpu.wait_dma2 semaphore(%arg15 : memref<!tpu.dma_semaphore, #tpu.memory_space<semaphore_mem>>) src(%arg10 : memref<80x128xf32, #tpu.memory_space<vmem>>) dst(%dma_wait3A_462 : memref<80x128xf32, #tpu.memory_space<hbm>>)
    %dma_wait3A_463 = arith.constant 0 : i32
    %dma_wait3A_464 = arith.constant 0 : i32
    %dma_wait3A_465 = tpu.memref_slice %arg5[%arg0, %dma_wait3A_463, %dma_wait3A_464] : memref<2x10240x128xf32, #tpu.memory_space<hbm>> -> memref<1x80x128xf32, #tpu.memory_space<hbm>>
    %dma_wait3A_466 = tpu.memref_squeeze %dma_wait3A_465 : memref<1x80x128xf32, #tpu.memory_space<hbm>> -> memref<80x128xf32, #tpu.memory_space<hbm>>
    %dma_wait3A_467 = arith.constant 0 : i32
    %dma_wait3A_468 = arith.constant 0 : i32
    %dma_wait3A_469 = tpu.memref_slice %arg5[%arg0, %dma_wait3A_467, %dma_wait3A_468] : memref<2x10240x128xf32, #tpu.memory_space<hbm>> -> memref<1x80x128xf32, #tpu.memory_space<hbm>>
    %dma_wait3A_470 = tpu.memref_squeeze %dma_wait3A_469 : memref<1x80x128xf32, #tpu.memory_space<hbm>> -> memref<80x128xf32, #tpu.memory_space<hbm>>
    tpu.wait_dma2 semaphore(%arg15 : memref<!tpu.dma_semaphore, #tpu.memory_space<semaphore_mem>>) src(%arg11 : memref<80x128xf32, #tpu.memory_space<vmem>>) dst(%dma_wait3A_470 : memref<80x128xf32, #tpu.memory_space<hbm>>)
    return
  }
}

module attributes {stable_mosaic.version = 14 : i64} {
  func.func @_pre_body(%arg0: memref<10000x128xf32, #tpu.memory_space<vmem>>, %arg1: memref<128x128xf32, #tpu.memory_space<vmem>>, %arg2: memref<128x128xf32, #tpu.memory_space<vmem>>, %arg3: memref<1x128xf32, #tpu.memory_space<vmem>>, %arg4: memref<10000x128xf32, #tpu.memory_space<vmem>>, %arg5: memref<10000x128xf32, #tpu.memory_space<vmem>>) attributes {dimension_semantics = [], scalar_prefetch = 0 : i64, scratch_operands = 0 : i64, tpu.core_type = #tpu.core_type<tc>} {
    %get3A = arith.constant 0 : index
    %get3A_0 = arith.constant 0 : index
    %get3A_1 = vector.load %arg0[%get3A, %get3A_0] : memref<10000x128xf32, #tpu.memory_space<vmem>>, vector<10000x128xf32>
    %get3A_2 = arith.constant 0 : index
    %get3A_3 = arith.constant 0 : index
    %get3A_4 = vector.load %arg1[%get3A_2, %get3A_3] : memref<128x128xf32, #tpu.memory_space<vmem>>, vector<128x128xf32>
    %dot_general3A = arith.constant dense<0.000000e+00> : vector<10000x128xf32>
    %dot_general3A_5 = tpu.matmul %get3A_1, %get3A_4, %dot_general3A {dimension_numbers = #tpu.dot_dimension_numbers<[1], [0], [0], [1], [0, 0, 1, 1], [], []>, transpose_lhs_hint = false} : vector<10000x128xf32>, vector<128x128xf32>, vector<10000x128xf32> -> vector<10000x128xf32>
    %swap3A = arith.constant 0 : index
    %swap3A_6 = arith.constant 0 : index
    %swap3A_7 = vector.load %arg4[%swap3A, %swap3A_6] : memref<10000x128xf32, #tpu.memory_space<vmem>>, vector<10000x128xf32>
    tpu.vector_store %arg4[%swap3A, %swap3A_6], %dot_general3A_5 {strides = array<i32>} : memref<10000x128xf32, #tpu.memory_space<vmem>>, vector<10000x128xf32>,
    %get3A_8 = arith.constant 0 : index
    %get3A_9 = arith.constant 0 : index
    %get3A_10 = vector.load %arg2[%get3A_8, %get3A_9] : memref<128x128xf32, #tpu.memory_space<vmem>>, vector<128x128xf32>
    %dot_general3A_11 = arith.constant dense<0.000000e+00> : vector<10000x128xf32>
    %dot_general3A_12 = tpu.matmul %get3A_1, %get3A_10, %dot_general3A_11 {dimension_numbers = #tpu.dot_dimension_numbers<[1], [0], [0], [1], [0, 0, 1, 1], [], []>, transpose_lhs_hint = false} : vector<10000x128xf32>, vector<128x128xf32>, vector<10000x128xf32> -> vector<10000x128xf32>
    %get3A_13 = arith.constant 0 : index
    %get3A_14 = arith.constant 0 : index
    %get3A_15 = vector.load %arg3[%get3A_13, %get3A_14] : memref<1x128xf32, #tpu.memory_space<vmem>>, vector<1x128xf32>
    %add3A = vector.broadcast %get3A_15 : vector<1x128xf32> to vector<10000x128xf32>
    %add3A_16 = arith.addf %dot_general3A_12, %add3A : vector<10000x128xf32>
    %swap3A_17 = arith.constant 0 : index
    %swap3A_18 = arith.constant 0 : index
    %swap3A_19 = vector.load %arg5[%swap3A_17, %swap3A_18] : memref<10000x128xf32, #tpu.memory_space<vmem>>, vector<10000x128xf32>
    tpu.vector_store %arg5[%swap3A_17, %swap3A_18], %add3A_16 {strides = array<i32>} : memref<10000x128xf32, #tpu.memory_space<vmem>>, vector<10000x128xf32>,
    return
  }
}

module attributes {stable_mosaic.version = 14 : i64} {
  func.func @_upd_body(%arg0: memref<2x10240x128xf32, #tpu.memory_space<vmem>>, %arg1: memref<10000x128xf32, #tpu.memory_space<vmem>>, %arg2: memref<128x128xf32, #tpu.memory_space<vmem>>, %arg3: memref<128x128xf32, #tpu.memory_space<vmem>>, %arg4: memref<1x128xf32, #tpu.memory_space<vmem>>, %arg5: memref<10000x128xf32, #tpu.memory_space<vmem>>) attributes {dimension_semantics = [], scalar_prefetch = 0 : i64, scratch_operands = 0 : i64, tpu.core_type = #tpu.core_type<tc>} {
    %get3A = arith.constant 0 : index
    %get3A_0 = arith.constant 0 : index
    %get3A_1 = arith.constant 0 : index
    %get3A_2 = vector.load %arg0[%get3A, %get3A_0, %get3A_1] : memref<2x10240x128xf32, #tpu.memory_space<vmem>>, vector<1x10000x128xf32>
    %get3A_3 = vector.shape_cast %get3A_2 : vector<1x10000x128xf32> to vector<10000x128xf32>
    %get3A_4 = arith.constant 1 : index
    %get3A_5 = arith.constant 0 : index
    %get3A_6 = arith.constant 0 : index
    %get3A_7 = vector.load %arg0[%get3A_4, %get3A_5, %get3A_6] : memref<2x10240x128xf32, #tpu.memory_space<vmem>>, vector<1x10000x128xf32>
    %get3A_8 = vector.shape_cast %get3A_7 : vector<1x10000x128xf32> to vector<10000x128xf32>
    %add3A = arith.addf %get3A_3, %get3A_8 : vector<10000x128xf32>
    %get3A_9 = arith.constant 0 : index
    %get3A_10 = arith.constant 0 : index
    %get3A_11 = vector.load %arg2[%get3A_9, %get3A_10] : memref<128x128xf32, #tpu.memory_space<vmem>>, vector<128x128xf32>
    %dot_general3A = arith.constant dense<0.000000e+00> : vector<10000x128xf32>
    %dot_general3A_12 = tpu.matmul %add3A, %get3A_11, %dot_general3A {dimension_numbers = #tpu.dot_dimension_numbers<[1], [0], [0], [1], [0, 0, 1, 1], [], []>, transpose_lhs_hint = false} : vector<10000x128xf32>, vector<128x128xf32>, vector<10000x128xf32> -> vector<10000x128xf32>
    %get3A_13 = arith.constant 0 : index
    %get3A_14 = arith.constant 0 : index
    %get3A_15 = vector.load %arg1[%get3A_13, %get3A_14] : memref<10000x128xf32, #tpu.memory_space<vmem>>, vector<10000x128xf32>
    %get3A_16 = arith.constant 0 : index
    %get3A_17 = arith.constant 0 : index
    %get3A_18 = vector.load %arg3[%get3A_16, %get3A_17] : memref<128x128xf32, #tpu.memory_space<vmem>>, vector<128x128xf32>
    %dot_general3A_19 = arith.constant dense<0.000000e+00> : vector<10000x128xf32>
    %dot_general3A_20 = tpu.matmul %get3A_15, %get3A_18, %dot_general3A_19 {dimension_numbers = #tpu.dot_dimension_numbers<[1], [0], [0], [1], [0, 0, 1, 1], [], []>, transpose_lhs_hint = false} : vector<10000x128xf32>, vector<128x128xf32>, vector<10000x128xf32> -> vector<10000x128xf32>
    %add3A_21 = arith.addf %dot_general3A_12, %dot_general3A_20 : vector<10000x128xf32>
    %get3A_22 = arith.constant 0 : index
    %get3A_23 = arith.constant 0 : index
    %get3A_24 = vector.load %arg4[%get3A_22, %get3A_23] : memref<1x128xf32, #tpu.memory_space<vmem>>, vector<1x128xf32>
    %add3A_25 = vector.broadcast %get3A_24 : vector<1x128xf32> to vector<10000x128xf32>
    %add3A_26 = arith.addf %add3A_21, %add3A_25 : vector<10000x128xf32>
    %max3A = arith.constant 0.000000e+00 : f32
    %max3A_27 = vector.broadcast %max3A : f32 to vector<10000x128xf32>
    %max3A_28 = arith.maximumf %add3A_26, %max3A_27 : vector<10000x128xf32>
    %swap3A = arith.constant 0 : index
    %swap3A_29 = arith.constant 0 : index
    %swap3A_30 = vector.load %arg5[%swap3A, %swap3A_29] : memref<10000x128xf32, #tpu.memory_space<vmem>>, vector<10000x128xf32>
    tpu.vector_store %arg5[%swap3A, %swap3A_29], %max3A_28 {strides = array<i32>} : memref<10000x128xf32, #tpu.memory_space<vmem>>, vector<10000x128xf32>,
    return
  }
}

</mosaic_0001>

<sc_bundles>
// kernel: kernel.5.cloned.1.call-start
scs
__scs_entry_jumppad:
0x0: {  	(pc) =	sbr.rel $0x88, $3  }
0x1: {  	(tag) =	ssettag $0x0;
	lr =	simm.s32 $0x1  }
0x2: {  	[smem:$0x3F9B] =	sst lr;
	_ =	strace $0xD0000000  }
0x3: {  	_ = 	snop  }
0x4: {  	_ = 	snop  }
0x5: {  	_ = 	snop  }
0x6: {  	_ = 	snop  }
0x7: {  	_ = 	snop  }
__scs_overlays_trampoline_lowered:
0x8: {  	[smem:$0x3FAA] =	sst s0  }
0x9: {  	[smem:$0x3FAB] =	sst s1  }
0xa: {  	[smem:$0x3FAC] =	sst s2  }
0xb: {  	[smem:$0x3FAD] =	sst s3  }
0xc: {  	[smem:$0x3FAE] =	sst s4  }
0xd: {  	[smem:$0x3FAF] =	sst s5  }
0xe: {  	[smem:$0x3FB0] =	sst s6  }
0xf: {  	[smem:$0x3FB1] =	sst s7  }
0x10: {  	[smem:$0x3FB2] =	sst s8  }
0x11: {  	[smem:$0x3FB3] =	sst s9;
	s0 =	simm.s32 @!p0 $0x0  }
0x12: {  	s1 =	sld [smem:$0x3F99];
	s0 =	simm.s32 @p0 $0x1  }
0x13: {  	[smem:$0x3FB4] =	sst s0;
	s0 =	simm.s32 @!p1 $0x0  }
0x14: {  	s2 =	sld [smem:$0x3F98];
	s0 =	simm.s32 @p1 $0x1  }
0x15: {  	[smem:$0x3FB5] =	sst s0;
	s0 =	simm.s32 @!p2 $0x0  }
0x16: {  	s3 =	sld [smem:$0x3FDB];
	s0 =	simm.s32 @p2 $0x1  }
0x17: {  	s4 =	simm.s32 $0x1BF5;
	[smem:$0x3FB7] =	sst s0  }
0x18: {  	s0 =	sld [smem:$0x3F9A];
	_ =	swait.ge [sflag:s4], $0x0  }
0x19: {  	s7 =	sld [smem:$0x3F9B]  }
0x1a: {  	s8 =	sadd.s32 $0xFFFFE003, lr  }
0x1b: {  	s9 =	sadd.s32 $0xFFFFFEF7, lr;
	s5 =	simm.s32 $0xFFFFFFFF;
	p2 =	slt.u32 s8, $0xFFFFF086  }
0x1c: {  	p1 =	slt.u32 s9, $0xF7A;
	s5 =	simm.s32 @!p2 $0x0  }
0x1d: {  	s5 =	simm.s32 @p1 $0x1;
	p0 =	seq.s32 s7, s2  }
0x1e: {  	s7 =	smul.u32 @!p0 $0xF7A, s2;
	p2 =	seq.s32 @!p0 s5, $0x0  }
0x1f: {  	s9 =	smul.u32 $0xF7A, s1;
	s8 =	simm.s32 @!p0 $0x1BF5;
	p2 =	por !p2, p0  }
0x20: {  	[sflag:s8] =	ssyncset.s32 @!p0 $0xFFFFF086;
	s6 =	sadd.s32 @!p0 s3, s7;
	s7 =	simm.s32 @!p0 $0x108  }
0x21: {  	s3 =	sadd.s32 s3, s9;
	s6 =	sadd.s32 @!p0 $0x88, s6;
	s7 =	simm.s32 @p2 $0x1082  }
0x22: {  	[simem:s7], [sflag:s8] =	dma.local @!p0 [hbm:s6], $0xF7A  }
0x23: {  	s9 =	sor.u32 $0xD0000000, s2;
	s6 =	simm.s32 $0x108;
	_ =	swait.ge @!p0 [sflag:s8], $0x0  }
0x24: {  	s3 =	sadd.s32 $0x88, s3;
	s6 =	simm.s32 @!p1 $0x1082;
	[sflag:s4] =	ssyncset.s32 $0xFFFFF086  }
0x25: {  	[simem:s6], [sflag:s4] =	dma.local [hbm:s3], $0xF7A  }
0x26: {  	[smem:$0x3F9B] =	sst s1;
	(tag) =	ssettag s2;
	_ =	strace s9  }
0x27: {  	s1 =	sld [smem:$0x3FAB]  }
0x28: {  	s2 =	sld [smem:$0x3FAC]  }
0x29: {  	s4 =	sld [smem:$0x3FAE]  }
0x2a: {  	p0 =	seq.s32 s5, $0x0;
	s5 =	sld [smem:$0x3FAF]  }
0x2b: {  	s6 =	sld [smem:$0x3FB0]  }
0x2c: {  	s7 =	sld [smem:$0x3FB1]  }
0x2d: {  	s3 =	simm.s32 $0x108;
	s8 =	sld [smem:$0x3FB2]  }
0x2e: {  	s3 =	simm.s32 @!p0 $0x1082;
	s9 =	sld [smem:$0x3FB3]  }
0x2f: {  	lr =	sadd.s32 s0, s3;
	s0 =	sld [smem:$0x3FAA]  }
0x30: {  	s3 =	sld [smem:$0x3FAD]  }
0x31: {  	[smem:$0x3FB6] =	sst s10  }
0x32: {  	s10 =	sld [smem:$0x3FB4];
	_ =	sdelay $0x3  }
0x33: {  	p0 =	seq.s32 s10, $0x1;
	s10 =	sld [smem:$0x3FB6];
	_ =	sdelay $0x3  }
0x34: {  	[smem:$0x3FB6] =	sst s10  }
0x35: {  	s10 =	sld [smem:$0x3FB5];
	_ =	sdelay $0x3  }
0x36: {  	p1 =	seq.s32 s10, $0x1;
	s10 =	sld [smem:$0x3FB6];
	_ =	sdelay $0x3  }
0x37: {  	[smem:$0x3FB6] =	sst s10  }
0x38: {  	s10 =	sld [smem:$0x3FB7]  }
0x39: {  	_ = 	snop;
	(pc) =	sbr.ind lr, $3  }
0x3a: {  	_ = 	snop  }
0x3b: {  	_ = 	snop  }
0x3c: {  	p2 =	seq.s32 s10, $0x1;
	s10 =	sld [smem:$0x3FB6]  }
0x3d: {  	_ =	shalt  }
0x3e: {  	_ =	shalt  }
0x3f: {  	_ =	shalt  }
0x40: {  	_ =	shalt  }
0x41: {  	_ =	shalt  }
0x42: {  	_ =	shalt  }
0x43: {  	_ =	shalt  }
0x44: {  	_ =	shalt  }
0x45: {  	_ =	shalt  }
0x46: {  	_ =	shalt  }
0x47: {  	_ =	shalt  }
0x48: {  	_ =	shalt  }
0x49: {  	_ =	shalt  }
0x4a: {  	_ =	shalt  }
0x4b: {  	_ =	shalt  }
0x4c: {  	_ =	shalt  }
0x4d: {  	_ =	shalt  }
0x4e: {  	_ =	shalt  }
0x4f: {  	_ =	shalt  }
0x50: {  	_ =	shalt  }
0x51: {  	_ =	shalt  }
0x52: {  	_ =	shalt  }
0x53: {  	_ =	shalt  }
0x54: {  	_ =	shalt  }
0x55: {  	_ =	shalt  }
0x56: {  	_ =	shalt  }
0x57: {  	_ =	shalt  }
0x58: {  	_ =	shalt  }
0x59: {  	_ =	shalt  }
0x5a: {  	_ =	shalt  }
0x5b: {  	_ =	shalt  }
0x5c: {  	_ =	shalt  }
0x5d: {  	_ =	shalt  }
0x5e: {  	_ =	shalt  }
0x5f: {  	_ =	shalt  }
0x60: {  	_ =	shalt  }
0x61: {  	_ =	shalt  }
0x62: {  	_ =	shalt  }
0x63: {  	_ =	shalt  }
0x64: {  	_ =	shalt  }
0x65: {  	_ =	shalt  }
0x66: {  	_ =	shalt  }
0x67: {  	_ =	shalt  }
0x68: {  	_ =	shalt  }
0x69: {  	_ =	shalt  }
0x6a: {  	_ =	shalt  }
0x6b: {  	_ =	shalt  }
0x6c: {  	_ =	shalt  }
0x6d: {  	_ =	shalt  }
0x6e: {  	_ =	shalt  }
0x6f: {  	_ =	shalt  }
0x70: {  	_ =	shalt  }
0x71: {  	_ =	shalt  }
0x72: {  	_ =	shalt  }
0x73: {  	_ =	shalt  }
0x74: {  	_ =	shalt  }
0x75: {  	_ =	shalt  }
0x76: {  	_ =	shalt  }
0x77: {  	_ =	shalt  }
0x78: {  	_ =	shalt  }
0x79: {  	_ =	shalt  }
0x7a: {  	_ =	shalt  }
0x7b: {  	_ =	shalt  }
0x7c: {  	_ =	shalt  }
0x7d: {  	_ =	shalt  }
0x7e: {  	_ =	shalt  }
0x7f: {  	_ =	shalt  }
0x80: {  	_ =	shalt  }
0x81: {  	_ =	shalt  }
0x82: {  	_ =	shalt  }
0x83: {  	_ =	shalt  }
0x84: {  	_ =	shalt  }
0x85: {  	_ =	shalt  }
0x86: {  	_ =	shalt  }
0x87: {  	_ =	shalt  }
.Lfunc_end0:
.L_simem_size_0:
called_computation_lowered:
.L_overlay_start_0:
0x88: {  	s2 =	sld [smem:$0x3FD9]  }
0x89: {  	s3 =	sld [smem:$0x3FFE];
	_ =	sdelay $0x1  }
0x8a: {  	s1 =	srdreg.scid  }
0x8b: {  	s0 =	sand.u32 $0x1, s1  }
0x8c: {  	s17 =	sshll.u32 s0, $0xA;
	s2 =	sadd.s32 s3, s2  }
0x8d: {  	s2 =	sadd.s32 s2, s17  }
0x8e: {  	[smem:$0x3FC2] =	sst s2  }
0x8f: {  	_ = 	snop  }
0x90: {  	s2 =	sld [smem:$0x3FD0];
	(tm) =	ssettm $0x1  }
0x91: {  	s18 =	sld [smem:$0x3FFB];
	_ =	sdelay $0x3  }
0x92: {  	_ =	strace s18  }
0x93: {  	s3 =	sld [smem:$0x3FFC];
	_ =	sdelay $0x3  }
0x94: {  	_ =	strace s3  }
0x95: {  	s3 =	sld [smem:$0x3FFD];
	_ =	sdelay $0x3  }
0x96: {  	_ =	strace s3  }
0x97: {  	_ =	strace $0x8FFFFFFF  }
0x98: {  	s19 =	sld [smem:$0x3FDB];
	_ =	sdelay $0x1  }
0x99: {  	s4 =	simm.s32 $_scs_section_size  }
0x9a: {  	s5 =	simm.s32 $_size__tile_overlayer_lowered;
	s6 =	simm.s32 $_tile_overlayer_lowered  }
0x9b: {  	s22 =	simm.s32 $0x1BFF;
	s21 =	sshll.u32 s6, $0x1;
	s3 =	sadd.s32 s4, s19  }
0x9c: {  	s7 =	simm.s32 $0x0;
	s20 =	sshll.u32 s5, $0x1;
	s5 =	sadd.s32 s21, s3  }
0x9d: {  	[timem:s7], [sflag:s22] =	dma.local [hbm:s5], s20  }
0x9e: {  	_ =	swait.ge [sflag:s22], s20  }
0x9f: {  	s4 =	ssub.s32 $0x0, s20;
	[sflag:s22] =	ssyncset.done $0x0  }
0xa0: {  	[sflag:s22] =	ssyncadd.s32 s4;
	_ =	sdelay $0x1  }
0xa1: {  	s23 =	simm.s32 $0x1B8B  }
0xa2: {  	_ =	swait.ge [sflag:s23], $0x1  }
0xa3: {  	[sflag:s23] =	ssyncset.done $0x0  }
0xa4: {  	s25 =	simm.s32 $0x1B8E;
	s24 =	sld [smem:$0x3FFE];
	[sflag:s23] =	ssyncadd.s32 $0xFFFFFFFF  }
0xa5: {  	s26 =	simm.s32 $execute0_lowered;
	[smem:$0x3FD2] =	sst s25  }
0xa6: {  	s5 =	sshll.u32 s26, $0x1;
	_ =	strace $0x80000046;
	[dreg:$0x1] =	wrdreg $0xFFFFFFFF  }
0xa7: {  	s28 =	simm.s32 $_size_execute0_lowered;
	s3 =	sadd.s32 s3, s5;
	[dreg:$0x0] =	wrdreg $0x0  }
0xa8: {  	s5 =	sshll.u32 s28, $0x1;
	[dreg:$0x2] =	wrdreg s3  }
0xa9: {  	[dreg:$0x3] =	wrdreg s5  }
0xaa: {  	[dreg:$0x4] =	wrdreg $0xC0  }
0xab: {  	_ =	task [dreg:s7], $0x5FFFF  }
0xac: {  	[dreg:$0x1] =	wrdreg $0xFFFFFFFF  }
0xad: {  	[dreg:$0x0] =	wrdreg $0x60  }
0xae: {  	[dreg:$0x2] =	wrdreg s2  }
0xaf: {  	[dreg:$0x3] =	wrdreg s24  }
0xb0: {  	[dreg:$0x4] =	wrdreg $0xB1000  }
0xb1: {  	[dreg:$0x5] =	wrdreg $0x9  }
0xb2: {  	_ =	task.clear_ibuf [dreg:s7], $0x6FFFF;
	_ =	strace $0x90000046  }
0xb3: {  	s29 =	simm.s32 $0x9;
	_ =	strace $0x80000048  }
0xb4: {  	_ =	swait.ge [sflag:s29], $0x1  }
0xb5: {  	[sflag:s29] =	ssyncadd.s32 $0xFFFFFFFF  }
0xb6: {  	_ =	strace $0x90000048  }
0xb7: {  	_ =	sfence  }
0xb8: {  	s30 =	sld [smem:$0x0];
	_ =	sdelay $0x2  }
0xb9: {  	s31 =	sshll.u32 s1, $0xD;
	s1 =	sshrl.u32 s1, $0x2  }
0xba: {  	s3 =	sand.u32 $0x4000, s31;
	s1 =	sadd.s32 s1, s30  }
0xbb: {  	s0 =	sor.u32 s3, s0;
	s1 =	sshll.u32 s1, $0x11  }
0xbc: {  	s0 =	sor.u32 s1, s0  }
0xbd: {  	s0 =	sadd.s32 $0x8F2B, s0  }
0xbe: {  	[sflag:s0] =	ssyncadd.remote.s32 $0x1  }
0xbf: {  	_ =	sfence.sel $0xFFFF  }
0xc0: {  	[dreg:$0x0] =	wrdreg $0xFFFFFFFF;
	(pc) =	sbr.abs _section_cstart, $3  }
0xc1: {  	[dreg:$0x1] =	wrdreg $0xFFFFFFFF  }
0xc2: {  	_ =	task.clear_ibuf [dreg:s7], $0x2FFFF;
	_ =	strace $0x9FFFFFFF  }
0xc3: {  	(tm) =	ssettm $0x7FFFFFFF  }
tec
execute0_lowered:
.L_overlay_start_1:
0x0: {  	(tag) =	ssettag $0x1  }
0x1: {  	s1 =	rddreg [dreg:$0x0]  }
0x2: {  	s0 =	rddreg [dreg:$0x1]  }
0x3: {  	s2 =	rddreg [dreg:$0x2];
	s4 =	simm.s32 $0x0;
	s3 =	srdreg.scid  }
0x4: {  	s12 =	stileid.u32;
	s28 =	simm.s32 $0x1100;
	s29 =	simm.s32 $0x1  }
0x5: {  	s30 =	simm.s32 $0x3;
	s31 =	simm.s32 $0x800;
	[smem:$0x7FF] =	sst s4  }
0x6: {  	s5 =	sadd.s32 $0x15200, s0;
	s3 =	sand.u32 $0x1, s3;
	s7 =	smul.u32 $0x50000, s12  }
0x7: {  	s6 =	sadd.s32 $0x1800, s0;
	s9 =	smul.u32 $0x14000, s12;
	s0 =	sadd.s32 $0x3C400, s0  }
0x8: {  	_ =	strace $0x80000047;
	s8 =	ssub.s32 $0x2, s3;
	s15 =	smul.u32 $0x140000, s3  }
0x9: {  	s3 =	sshll.u32 s3, $0x4;
	s10 =	sshrl.u32 s8, $0x1;
	s7 =	sshrl.u32 s7, $0x2  }
0xa: {  	s20 =	sor.u32 $0x2800, s9;
	s26 =	sadd.s32 $0x5000, s9;
	s11 =	sadd.s32 $0x7800, s9  }
0xb: {  	s13 =	sadd.s32 $0xA000, s9;
	s14 =	sadd.s32 $0xC800, s9;
	s16 =	sadd.s32 $0xF000, s9  }
0xc: {  	s17 =	sadd.s32 $0x11800, s9;
	s3 =	sor.u32 s12, s3;
	s8 =	ssub.s32 s8, s10  }
0xd: {  	s21 =	sadd.s32 s7, s2;
	s22 =	sadd.s32 s20, s2;
	s23 =	sadd.s32 s26, s2  }
0xe: {  	s24 =	sadd.s32 s11, s2;
	s25 =	sadd.s32 s13, s2;
	s9 =	sadd.s32 s9, s15  }
0xf: {  	s7 =	sadd.s32 s15, s20;
	s12 =	smul.u32 $0x2710, s3;
	[dreg:$0x4] =	wrdreg s21  }
0x10: {  	s19 =	sadd.s32 s15, s26;
	s20 =	sadd.s32 s15, s11;
	[dreg:$0x5] =	wrdreg s22  }
0x11: {  	s26 =	sadd.s32 s15, s13;
	s11 =	sadd.s32 s15, s14;
	[dreg:$0x6] =	wrdreg s23  }
0x12: {  	s13 =	sadd.s32 s15, s16;
	s15 =	sadd.s32 s15, s17;
	[dreg:$0x7] =	wrdreg s24  }
0x13: {  	s9 =	sshrl.u32 s9, $0x3;
	s7 =	sshrl.u32 s7, $0x3;
	[dreg:$0x8] =	wrdreg s25  }
0x14: {  	s3 =	sadd.s32 s0, s9;
	s18 =	sadd.s32 s0, s7;
	s7 =	sshrl.u32 s20, $0x3  }
0x15: {  	s9 =	sshrl.u32 s26, $0x3;
	s20 =	sshrl.u32 s12, $0x3;
	[dreg:$0x9] =	wrdreg s3  }
0x16: {  	s26 =	smax.u32 s8, $0x1;
	s8 =	simm.s32 $0x0;
	[dreg:$0xa] =	wrdreg s18  }
0x17: {  	s3 =	sshrl.u32 s19, $0x3;
	s10 =	sadd.s32 s0, s9;
	[dreg:$0x15] =	wrdreg s26  }
0x18: {  	s18 =	sshrl.u32 s13, $0x3;
	s9 =	sadd.s32 s14, s2;
	[dreg:$0xd] =	wrdreg s10  }
0x19: {  	s19 =	sshrl.u32 s15, $0x3;
	s3 =	sadd.s32 s0, s3;
	[dreg:$0x11] =	wrdreg s9  }
0x1a: {  	s13 =	simm.s32 $0x3900;
	s10 =	sadd.s32 s16, s2;
	[dreg:$0xb] =	wrdreg s3  }
0x1b: {  	s15 =	simm.s32 $0x8900;
	s3 =	sadd.s32 s0, s7;
	[dreg:$0x12] =	wrdreg s10  }
0x1c: {  	[dreg:$0xc] =	wrdreg s3;
	s3 =	sshrl.u32 s11, $0x3;
	s11 =	sadd.s32 s17, s2  }
0x1d: {  	s16 =	simm.s32 $0x1000;
	s3 =	sadd.s32 s0, s3;
	[dreg:$0x14] =	wrdreg s11  }
0x1e: {  	s17 =	simm.s32 $0x2;
	[dreg:$0xe] =	wrdreg s3;
	s3 =	sadd.s32 s0, s18  }
0x1f: {  	s0 =	sadd.s32 s0, s19;
	s18 =	simm.s32 $0x1080;
	[dreg:$0xf] =	wrdreg s3  }
0x20: {  	s19 =	simm.s32 $0x780;
	[dreg:$0x10] =	wrdreg s0;
	s0 =	sadd.s32 s6, s20  }
0x21: {  	s3 =	simm.s32 $0x6100;
	[dreg:$0x13] =	wrdreg s0;
	s0 =	sadd.s32 $0x9C40, s0  }
0x22: {  	v0 =	vimm.f32 $0.0e+00;
	s20 =	simm.s32 $0xF80;
	[dreg:$0x16] =	wrdreg s0;
	s0 =	simm.s32 $0x50  }
.LBB2_1:
0x23: {  	[dreg:$0x17] =	wrdreg s8;
	s7 =	simm.s32 $0x0;
	s8 =	simm.s32 $0x200  }
.LBB2_2:
0x24: {  	p0 =	sne.s32 s8, $0x9E00;
	[tilespmem:s7+$0x1170] =	vst v0  }
0x25: {  	[tilespmem:s7+$0x1100] =	vst v0  }
0x26: {  	[tilespmem:s7+$0x1110] =	vst v0  }
.Ltmp0:
0x27: {  	[tilespmem:s7+$0x1120] =	vst v0;
	(pc) =	sbr.rel @p0 .LBB2_2-.Ltmp0, $4  }
0x28: {  	[tilespmem:s7+$0x1130] =	vst v0  }
0x29: {  	[tilespmem:s7+$0x1140] =	vst v0  }
0x2a: {  	[tilespmem:s7+$0x1150] =	vst v0  }
0x2b: {  	[tilespmem:s7+$0x1160] =	vst v0;
	s7 =	sshra.s32 s8, $0x2;
	s8 =	sadd.s32 $0x200, s8  }
0x2c: {  	[tilespmem:s7+$0x1170] =	vst v0  }
0x2d: {  	[tilespmem:s7+$0x1100] =	vst v0  }
0x2e: {  	[tilespmem:s7+$0x1110] =	vst v0  }
0x2f: {  	[tilespmem:s7+$0x1120] =	vst v0  }
0x30: {  	[tilespmem:s7+$0x1130] =	vst v0  }
0x31: {  	[tilespmem:s7+$0x1140] =	vst v0  }
0x32: {  	[tilespmem:s7+$0x1150] =	vst v0  }
0x33: {  	[tilespmem:s7+$0x1160] =	vst v0  }
0x34: {  	[spmem:s21] =	stream.linear.scatter [tilespmem:s28], [sflag:$0x1], $0x2800, $0x38;
	[tilespmem:$0x1F100] =	vst v63  }
0x35: {  	_ = 	snop  }
0x36: {  	[spmem:s22] =	stream.linear.scatter [tilespmem:s28], [sflag:$0x1], $0x2800, $0x38;
	[tilespmem:$0x1F100] =	vst v63  }
0x37: {  	_ = 	snop  }
0x38: {  	[spmem:s23] =	stream.linear.scatter [tilespmem:s28], [sflag:$0x1], $0x2800, $0x38;
	[tilespmem:$0x1F100] =	vst v63  }
0x39: {  	_ = 	snop  }
0x3a: {  	[spmem:s24] =	stream.linear.scatter [tilespmem:s28], [sflag:$0x1], $0x2800, $0x38;
	[tilespmem:$0x1F100] =	vst v63  }
0x3b: {  	_ = 	snop  }
0x3c: {  	[spmem:s25] =	stream.linear.scatter [tilespmem:s28], [sflag:$0x1], $0x2800, $0x38;
	[tilespmem:$0x1F100] =	vst v63  }
0x3d: {  	_ = 	snop  }
0x3e: {  	[spmem:s9] =	stream.linear.scatter [tilespmem:s28], [sflag:$0x1], $0x2800, $0x38;
	[tilespmem:$0x1F100] =	vst v63  }
0x3f: {  	_ = 	snop  }
0x40: {  	[spmem:s10] =	stream.linear.scatter [tilespmem:s28], [sflag:$0x1], $0x2800, $0x38;
	[tilespmem:$0x1F100] =	vst v63  }
0x41: {  	_ = 	snop  }
0x42: {  	[spmem:s11] =	stream.linear.scatter [tilespmem:s28], [sflag:$0x1], $0x2800, $0x38;
	[tilespmem:$0x1F100] =	vst v63  }
0x43: {  	_ =	swait.ge [sflag:s29], $0x2800  }
0x44: {  	[sflag:s29] =	ssyncset.done $0x0  }
0x45: {  	[sflag:s29] =	ssyncadd.s32 $0xFFFFD800  }
0x46: {  	_ =	swait.ge [sflag:s29], $0x2800  }
0x47: {  	[sflag:s29] =	ssyncset.done $0x0  }
0x48: {  	[sflag:s29] =	ssyncadd.s32 $0xFFFFD800  }
0x49: {  	_ =	swait.ge [sflag:s29], $0x2800  }
0x4a: {  	[sflag:s29] =	ssyncset.done $0x0  }
0x4b: {  	[sflag:s29] =	ssyncadd.s32 $0xFFFFD800  }
0x4c: {  	_ =	swait.ge [sflag:s29], $0x2800  }
0x4d: {  	[sflag:s29] =	ssyncset.done $0x0  }
0x4e: {  	[sflag:s29] =	ssyncadd.s32 $0xFFFFD800  }
0x4f: {  	_ =	swait.ge [sflag:s29], $0x2800  }
0x50: {  	[sflag:s29] =	ssyncset.done $0x0  }
0x51: {  	[sflag:s29] =	ssyncadd.s32 $0xFFFFD800  }
0x52: {  	_ =	swait.ge [sflag:s29], $0x2800  }
0x53: {  	[sflag:s29] =	ssyncset.done $0x0  }
0x54: {  	[sflag:s29] =	ssyncadd.s32 $0xFFFFD800  }
0x55: {  	_ =	swait.ge [sflag:s29], $0x2800  }
0x56: {  	[sflag:s29] =	ssyncset.done $0x0  }
0x57: {  	[sflag:s29] =	ssyncadd.s32 $0xFFFFD800  }
0x58: {  	_ =	swait.ge [sflag:s29], $0x2800  }
0x59: {  	[sflag:s29] =	ssyncset.done $0x0  }
0x5a: {  	[sflag:s29] =	ssyncadd.s32 $0xFFFFD800  }
0x5b: {  	[bflag:$0x0] =	sbarrier.arrive $0xFFFF  }
0x5c: {  	s23 =	rddreg [dreg:$0x13]  }
0x5d: {  	[tilespmem:s4], [sflag:$0x3] =	stream.linear.gather [hbm4b:s23+s4], $0x7D0, $0x38;
	[tilespmem:$0x1F100] =	vst v63  }
0x5e: {  	_ =	swait.ge [sflag:s30], $0x7D0  }
0x5f: {  	[sflag:s30] =	ssyncset.done $0x0  }
0x60: {  	s24 =	rddreg [dreg:$0x16];
	[sflag:s30] =	ssyncadd.s32 $0xFFFFF830  }
0x61: {  	[tilespmem:s31], [sflag:$0x3] =	stream.linear.gather [hbm4b:s24+s4], $0x7D0, $0x38;
	[tilespmem:$0x1F100] =	vst v63  }
0x62: {  	_ =	swait.ge [sflag:s30], $0x7D0  }
0x63: {  	[sflag:s30] =	ssyncset.done $0x0  }
0x64: {  	[sflag:s30] =	ssyncadd.s32 $0xFFFFF830  }
0x65: {  	[tilespmem:s28], [sflag:$0x1] =	stream.indirect.gather [hbm4b:s1+s0], $0x80, s4, s0, $0xb8;
	[tilespmem:$0x1F100] =	vst v63  }
0x66: {  	_ = 	snop  }
0x67: {  	[tilespmem:s3], [sflag:$0x1] =	stream.indirect.gather [hbm4b:s5+s0], $0x80, s31, s0, $0xb8;
	[tilespmem:$0x1F100] =	vst v63  }
0x68: {  	_ = 	snop  }
0x69: {  	[tilespmem:s13], [sflag:$0x1] =	stream.indirect.gather [hbm4b:s1+s0], $0x80, s0, s0, $0xb8;
	[tilespmem:$0x1F100] =	vst v63  }
0x6a: {  	s25 =	simm.s32 $0x850  }
0x6b: {  	[tilespmem:s15], [sflag:$0x1] =	stream.indirect.gather [hbm4b:s5+s0], $0x80, s25, s0, $0xb8;
	[tilespmem:$0x1F100] =	vst v63  }
0x6c: {  	_ =	swait.ge [sflag:s29], $0x2800  }
0x6d: {  	[sflag:s29] =	ssyncset.done $0x0  }
0x6e: {  	[sflag:s29] =	ssyncadd.s32 $0xFFFFD800  }
0x6f: {  	_ =	swait.ge [sflag:s29], $0x2800  }
0x70: {  	[sflag:s29] =	ssyncset.done $0x0  }
0x71: {  	[sflag:s29] =	ssyncadd.s32 $0xFFFFD800  }
0x72: {  	v1 =	vld [tilespmem:$0x800]  }
0x73: {  	v2 =	vld [tilespmem:$0x810]  }
0x74: {  	v3 =	vld [tilespmem:$0x820]  }
0x75: {  	v4 =	vld [tilespmem:$0x830]  }
0x76: {  	v5 =	vld [tilespmem:$0x840]  }
0x77: {  	[tilespmem:$0x1000] =	vst v1  }
0x78: {  	[tilespmem:$0x1010] =	vst v2  }
0x79: {  	[tilespmem:$0x1020] =	vst v3  }
0x7a: {  	[tilespmem:$0x1030] =	vst v4  }
0x7b: {  	s7 =	simm.s32 $0x1180;
	[tilespmem:$0x1040] =	vst v5  }
0x7c: {  	s26 =	simm.s32 $0x6180;
	v1 =	vld [tilespmem:s7+$0x0]  }
0x7d: {  	v2 =	vld [tilespmem:s26+$0x0];
	_ =	sdelay $0x4  }
0x7e: {  	v1 =	vadd.f32 v2, v1;
	_ =	sdelay $0x1  }
0x7f: {  	v1 =	vmax.f32 v1, $0.0e+00  }
0x80: {  	[tilespmem:s7+$0x0] =	vst v1;
	v1 =	vld [tilespmem:s7+$0x10]  }
0x81: {  	v2 =	vld [tilespmem:s26+$0x10];
	_ =	sdelay $0x3  }
0x82: {  	v3 =	vld [tilespmem:s7+$0xFFFFFF80]  }
0x83: {  	v1 =	vadd.f32 v2, v1;
	v2 =	vld [tilespmem:s26+$0xFFFFFF80];
	_ =	sdelay $0x1  }
0x84: {  	v1 =	vmax.f32 v1, $0.0e+00  }
0x85: {  	[tilespmem:s7+$0x10] =	vst v1;
	v1 =	vld [tilespmem:s7+$0x20]  }
0x86: {  	v4 =	vld [tilespmem:s26+$0x20]  }
0x87: {  	s8 =	simm.s32 $0x1280;
	v5 =	vld [tilespmem:s7+$0xFFFFFFA0];
	v2 =	vadd.f32 v2, v3  }
0x88: {  	v7 =	vld [tilespmem:s8+$0x0]  }
0x89: {  	v8 =	vld [tilespmem:s7+$0xFFFFFFC0];
	v2 =	vmax.f32 v2, $0.0e+00  }
0x8a: {  	v3 =	vld [tilespmem:s7+$0xFFFFFF90];
	[tilespmem:s7+$0xFFFFFF80] =	vst v2  }
0x8b: {  	v1 =	vadd.f32 v4, v1;
	v2 =	vld [tilespmem:s26+$0xFFFFFF90]  }
0x8c: {  	v9 =	vld [tilespmem:s7+$0xFFFFFFD0]  }
0x8d: {  	v10 =	vld [tilespmem:s7+$0x40];
	v1 =	vmax.f32 v1, $0.0e+00  }
0x8e: {  	[tilespmem:s7+$0x20] =	vst v1;
	v1 =	vld [tilespmem:s7+$0x30]  }
0x8f: {  	v6 =	vld [tilespmem:s26+$0x30]  }
0x90: {  	s9 =	simm.s32 $0x6280;
	v11 =	vld [tilespmem:s8+$0x10];
	v2 =	vadd.f32 v2, v3  }
0x91: {  	v3 =	vld [tilespmem:s9+$0x0]  }
0x92: {  	s11 =	simm.s32 $0x6380;
	v13 =	vld [tilespmem:s7+$0xFFFFFFE0];
	v2 =	vmax.f32 v2, $0.0e+00  }
0x93: {  	v17 =	vld [tilespmem:s11+$0xFFFFFF80];
	[tilespmem:s7+$0xFFFFFF90] =	vst v2  }
0x94: {  	v1 =	vadd.f32 v6, v1;
	v2 =	vld [tilespmem:s26+$0xFFFFFFA0]  }
0x95: {  	v6 =	vld [tilespmem:s9+$0xFFFFFF80]  }
0x96: {  	s10 =	simm.s32 $0x1380;
	v3 =	vadd.f32 v3, v7;
	v7 =	vld [tilespmem:s8+$0xFFFFFF80];
	v1 =	vmax.f32 v1, $0.0e+00  }
0x97: {  	v18 =	vld [tilespmem:s10+$0xFFFFFF80];
	[tilespmem:s7+$0x30] =	vst v1  }
0x98: {  	v1 =	vmax.f32 v3, $0.0e+00;
	v3 =	vld [tilespmem:s26+$0x40]  }
0x99: {  	v19 =	vld [tilespmem:s10+$0xFFFFFF90];
	[tilespmem:s8+$0x0] =	vst v1  }
0x9a: {  	v12 =	vld [tilespmem:s9+$0x10];
	v2 =	vadd.f32 v2, v5  }
0x9b: {  	v63 =	vld [tilespmem:s8+$0x60];
	v5 =	vadd.f32 v6, v7  }
0x9c: {  	v4 =	vld [tilespmem:s7+$0xFFFFFFB0];
	v2 =	vmax.f32 v2, $0.0e+00  }
0x9d: {  	v6 =	vld [tilespmem:s8+$0xFFFFFF90];
	[tilespmem:s7+$0xFFFFFFA0] =	vst v2;
	v2 =	vmax.f32 v5, $0.0e+00;
	v3 =	vadd.f32 v3, v10  }
0x9e: {  	v5 =	vld [tilespmem:s26+$0xFFFFFFB0];
	[tilespmem:s8+$0xFFFFFF80] =	vst v2  }
0x9f: {  	v10 =	vld [tilespmem:s9+$0xFFFFFF90];
	v2 =	vmax.f32 v3, $0.0e+00;
	v3 =	vadd.f32 v12, v11  }
0xa0: {  	v12 =	vld [tilespmem:s8+$0x20]  }
0xa1: {  	[tilespmem:s7+$0x40] =	vst v2;
	v2 =	vld [tilespmem:s7+$0x50];
	v3 =	vmax.f32 v3, $0.0e+00  }
0xa2: {  	v11 =	vld [tilespmem:s26+$0x50];
	[tilespmem:s8+$0x10] =	vst v3  }
0xa3: {  	v3 =	vadd.f32 v5, v4;
	v14 =	vld [tilespmem:s9+$0x20]  }
0xa4: {  	v1 =	vld [tilespmem:s7+$0xFFFFFFF0]  }
0xa5: {  	v7 =	vld [tilespmem:s8+$0xFFFFFFA0];
	v4 =	vadd.f32 v10, v6;
	v10 =	vmax.f32 v3, $0.0e+00  }
0xa6: {  	v5 =	vld [tilespmem:s8+$0xFFFFFFB0];
	[tilespmem:s7+$0xFFFFFFB0] =	vst v10  }
0xa7: {  	v2 =	vadd.f32 v11, v2;
	v11 =	vld [tilespmem:s26+$0xFFFFFFC0]  }
0xa8: {  	v6 =	vld [tilespmem:s8+$0xFFFFFFC0];
	v4 =	vmax.f32 v4, $0.0e+00;
	v10 =	vadd.f32 v14, v12  }
0xa9: {  	v3 =	vld [tilespmem:s8+$0xFFFFFFD0];
	[tilespmem:s8+$0xFFFFFF90] =	vst v4;
	v2 =	vmax.f32 v2, $0.0e+00  }
0xaa: {  	v4 =	vld [tilespmem:s8+$0xFFFFFFE0];
	[tilespmem:s7+$0x50] =	vst v2;
	v2 =	vmax.f32 v10, $0.0e+00  }
0xab: {  	v14 =	vld [tilespmem:s8+$0x30];
	[tilespmem:s8+$0x20] =	vst v2  }
0xac: {  	v8 =	vadd.f32 v11, v8;
	v15 =	vld [tilespmem:s9+$0x30]  }
0xad: {  	v12 =	vld [tilespmem:s9+$0xFFFFFFA0]  }
0xae: {  	v11 =	vld [tilespmem:s10+$0x0];
	v8 =	vmax.f32 v8, $0.0e+00  }
0xaf: {  	[tilespmem:s7+$0xFFFFFFC0] =	vst v8;
	v8 =	vld [tilespmem:s11+$0x0]  }
0xb0: {  	v10 =	vld [tilespmem:s7+$0x60]  }
0xb1: {  	v16 =	vld [tilespmem:s26+$0x60];
	v14 =	vadd.f32 v15, v14  }
0xb2: {  	v2 =	vld [tilespmem:s8+$0xFFFFFFF0]  }
0xb3: {  	v7 =	vadd.f32 v12, v7;
	v12 =	vld [tilespmem:s8+$0x40];
	v14 =	vmax.f32 v14, $0.0e+00  }
0xb4: {  	v15 =	vld [tilespmem:s26+$0xFFFFFFD0];
	v8 =	vadd.f32 v8, v11;
	[tilespmem:s8+$0x30] =	vst v14  }
0xb5: {  	v7 =	vmax.f32 v7, $0.0e+00;
	v14 =	vld [tilespmem:s9+$0x40]  }
0xb6: {  	[tilespmem:s8+$0xFFFFFFA0] =	vst v7;
	v11 =	vld [tilespmem:s7+$0x70];
	v7 =	vmax.f32 v8, $0.0e+00;
	v8 =	vadd.f32 v16, v10  }
0xb7: {  	v10 =	vld [tilespmem:s9+$0xFFFFFFB0]  }
0xb8: {  	v16 =	vld [tilespmem:s10+$0x10];
	[tilespmem:s10+$0x0] =	vst v7;
	v7 =	vadd.f32 v17, v18;
	v8 =	vmax.f32 v8, $0.0e+00  }
0xb9: {  	v17 =	vld [tilespmem:s11+$0x10];
	[tilespmem:s7+$0x60] =	vst v8  }
0xba: {  	v7 =	vmax.f32 v7, $0.0e+00;
	v62 =	vld [tilespmem:s26+$0x70];
	v12 =	vadd.f32 v14, v12  }
0xbb: {  	[tilespmem:s10+$0xFFFFFF80] =	vst v7;
	v14 =	vld [tilespmem:s10+$0xFFFFFFA0]  }
0xbc: {  	v8 =	vld [tilespmem:s11+$0xFFFFFF90];
	v7 =	vmax.f32 v12, $0.0e+00  }
0xbd: {  	v5 =	vadd.f32 v10, v5;
	v10 =	vld [tilespmem:s8+$0x50];
	[tilespmem:s8+$0x40] =	vst v7  }
0xbe: {  	v16 =	vadd.f32 v17, v16;
	v12 =	vld [tilespmem:s9+$0x50]  }
0xbf: {  	v5 =	vmax.f32 v5, $0.0e+00;
	v17 =	vld [tilespmem:s10+$0x20]  }
0xc0: {  	v9 =	vadd.f32 v15, v9;
	v7 =	vld [tilespmem:s10+$0xFFFFFFB0];
	[tilespmem:s8+$0xFFFFFFB0] =	vst v5;
	v16 =	vmax.f32 v16, $0.0e+00  }
0xc1: {  	v15 =	vld [tilespmem:s9+$0xFFFFFFC0];
	[tilespmem:s10+$0x10] =	vst v16;
	v16 =	vadd.f32 v8, v19  }
0xc2: {  	v5 =	vld [tilespmem:s10+$0xFFFFFFC0];
	v8 =	vmax.f32 v9, $0.0e+00  }
0xc3: {  	v9 =	vld [tilespmem:s11+$0x20];
	[tilespmem:s7+$0xFFFFFFD0] =	vst v8;
	v10 =	vadd.f32 v12, v10;
	v12 =	vmax.f32 v16, $0.0e+00  }
0xc4: {  	[tilespmem:s10+$0xFFFFFF90] =	vst v12;
	v12 =	vld [tilespmem:s26+$0xFFFFFFE0]  }
0xc5: {  	v8 =	vld [tilespmem:s10+$0xFFFFFFD0];
	v10 =	vmax.f32 v10, $0.0e+00  }
0xc6: {  	v16 =	vld [tilespmem:s11+$0xFFFFFFA0];
	[tilespmem:s8+$0x50] =	vst v10;
	v10 =	vadd.f32 v15, v6  }
0xc7: {  	v20 =	vld [tilespmem:s9+$0x60]  }
0xc8: {  	v15 =	vadd.f32 v9, v17;
	v6 =	vld [tilespmem:s10+$0xFFFFFFE0];
	v9 =	vmax.f32 v10, $0.0e+00  }
0xc9: {  	[tilespmem:s8+$0xFFFFFFC0] =	vst v9;
	v10 =	vadd.f32 v12, v13;
	v9 =	vld [tilespmem:s10+$0xFFFFFFF0]  }
0xca: {  	v11 =	vadd.f32 v62, v11;
	v13 =	vmax.f32 v15, $0.0e+00;
	v12 =	vld [tilespmem:s9+$0xFFFFFFD0]  }
0xcb: {  	[tilespmem:s10+$0x20] =	vst v13;
	v14 =	vadd.f32 v16, v14;
	v13 =	vld [tilespmem:s10+$0x30];
	v10 =	vmax.f32 v10, $0.0e+00  }
0xcc: {  	v11 =	vmax.f32 v11, $0.0e+00;
	v15 =	vld [tilespmem:s11+$0x30];
	v16 =	vadd.f32 v20, v63;
	[tilespmem:s7+$0xFFFFFFE0] =	vst v10  }
0xcd: {  	[tilespmem:s7+$0x70] =	vst v11;
	v10 =	vmax.f32 v14, $0.0e+00;
	v11 =	vld [tilespmem:s26+$0xFFFFFFF0]  }
0xce: {  	s21 =	simm.s32 $0x6380;
	s22 =	simm.s32 $0x4;
	s23 =	simm.s32 $0x1480;
	[tilespmem:s10+$0xFFFFFFA0] =	vst v10;
	v10 =	vld [tilespmem:s8+$0x70];
	v14 =	vmax.f32 v16, $0.0e+00  }
.LBB2_4:
0xcf: {  	v16 =	vld [tilespmem:s23+$0x0];
	v12 =	vadd.f32 v12, v3;
	[tilespmem:s8+$0x60] =	vst v14;
	v3 =	vmov v8  }
0xd0: {  	s11 =	sadd.s32 $0x100, s11;
	v8 =	vld [tilespmem:s9+$0x70]  }
0xd1: {  	s22 =	sadd.s32 $0x2, s22;
	v14 =	vld [tilespmem:s11+$0x0];
	v13 =	vadd.f32 v15, v13;
	v12 =	vmax.f32 v12, $0.0e+00  }
0xd2: {  	p0 =	slt.u32 s22, $0x4E;
	v15 =	vld [tilespmem:s11+$0xFFFFFF80];
	[tilespmem:s8+$0xFFFFFFD0] =	vst v12;
	v11 =	vadd.f32 v11, v1;
	v1 =	vmov v2;
	v2 =	vmov v9  }
0xd3: {  	v9 =	vld [tilespmem:s23+$0xFFFFFF80];
	v12 =	vmax.f32 v13, $0.0e+00  }
0xd4: {  	[tilespmem:s10+$0x30] =	vst v12;
	v12 =	vld [tilespmem:s10+$0x40];
	v11 =	vmax.f32 v11, $0.0e+00  }
0xd5: {  	v13 =	vld [tilespmem:s21+$0x40];
	v8 =	vadd.f32 v8, v10;
	[tilespmem:s7+$0xFFFFFFF0] =	vst v11;
	s7 =	smov.u32 s8;
	s8 =	smov.u32 s10;
	s10 =	smov.u32 s23  }
0xd6: {  	v10 =	vld [tilespmem:s23+$0xFFFFFF90];
	v11 =	vadd.f32 v14, v16  }
0xd7: {  	v14 =	vld [tilespmem:s23+$0xFFFFFFA0];
	v8 =	vmax.f32 v8, $0.0e+00  }
0xd8: {  	v9 =	vadd.f32 v15, v9;
	v11 =	vmax.f32 v11, $0.0e+00;
	v15 =	vld [tilespmem:s21+$0xFFFFFFB0];
	[tilespmem:s7+$0x70] =	vst v8  }
0xd9: {  	[tilespmem:s23+$0x0] =	vst v11;
	v8 =	vld [tilespmem:s23+$0x10]  }
0xda: {  	v9 =	vmax.f32 v9, $0.0e+00;
	v11 =	vld [tilespmem:s11+$0x10];
	v12 =	vadd.f32 v13, v12  }
0xdb: {  	[tilespmem:s23+$0xFFFFFF80] =	vst v9;
	v9 =	vld [tilespmem:s23+$0xFFFFFFB0]  }
0xdc: {  	v13 =	vld [tilespmem:s11+$0xFFFFFF90];
	v12 =	vmax.f32 v12, $0.0e+00  }
0xdd: {  	v18 =	vadd.f32 v15, v7;
	[tilespmem:s8+$0x40] =	vst v12;
	v12 =	vld [tilespmem:s8+$0x50]  }
0xde: {  	v15 =	vld [tilespmem:s21+$0x50]  }
0xdf: {  	v16 =	vld [tilespmem:s23+$0xFFFFFFC0];
	v11 =	vadd.f32 v11, v8;
	v17 =	vmax.f32 v18, $0.0e+00  }
0xe0: {  	v8 =	vld [tilespmem:s23+$0xFFFFFFD0];
	[tilespmem:s8+$0xFFFFFFB0] =	vst v17;
	v7 =	vmov v9  }
0xe1: {  	v9 =	vadd.f32 v13, v10;
	v10 =	vmax.f32 v11, $0.0e+00;
	v11 =	vld [tilespmem:s21+$0xFFFFFFC0]  }
0xe2: {  	[tilespmem:s23+$0x10] =	vst v10;
	v10 =	vld [tilespmem:s23+$0x20]  }
0xe3: {  	v9 =	vmax.f32 v9, $0.0e+00;
	v13 =	vld [tilespmem:s11+$0x20];
	v12 =	vadd.f32 v15, v12  }
0xe4: {  	[tilespmem:s23+$0xFFFFFF90] =	vst v9;
	v15 =	vld [tilespmem:s9+$0xFFFFFFE0]  }
0xe5: {  	v17 =	vld [tilespmem:s11+$0xFFFFFFA0];
	v9 =	vmax.f32 v12, $0.0e+00  }
0xe6: {  	v11 =	vadd.f32 v11, v5;
	[tilespmem:s8+$0x50] =	vst v9;
	v18 =	vld [tilespmem:s8+$0x60];
	v5 =	vmov v16  }
0xe7: {  	v16 =	vld [tilespmem:s21+$0x60]  }
0xe8: {  	v19 =	vld [tilespmem:s23+$0xFFFFFFE0];
	v10 =	vadd.f32 v13, v10;
	v11 =	vmax.f32 v11, $0.0e+00  }
0xe9: {  	v9 =	vld [tilespmem:s23+$0xFFFFFFF0];
	[tilespmem:s8+$0xFFFFFFC0] =	vst v11;
	v11 =	vadd.f32 v15, v4;
	v4 =	vmov v6  }
.Ltmp1:
0xea: {  	v20 =	vadd.f32 v17, v14;
	v10 =	vmax.f32 v10, $0.0e+00;
	v12 =	vld [tilespmem:s21+$0xFFFFFFD0];
	(pc) =	sbr.rel @p0 .LBB2_4-.Ltmp1, $4  }
0xeb: {  	[tilespmem:s23+$0x20] =	vst v10;
	v13 =	vld [tilespmem:s23+$0x30];
	v10 =	vmax.f32 v11, $0.0e+00  }
0xec: {  	v17 =	vmax.f32 v20, $0.0e+00;
	v15 =	vld [tilespmem:s11+$0x30];
	v14 =	vadd.f32 v16, v18;
	[tilespmem:s7+$0xFFFFFFE0] =	vst v10  }
0xed: {  	[tilespmem:s23+$0xFFFFFFA0] =	vst v17;
	v11 =	vld [tilespmem:s9+$0xFFFFFFF0];
	v6 =	vmov v19;
	s9 =	smov.u32 s21;
	s21 =	smov.u32 s11  }
0xee: {  	s23 =	sadd.s32 $0x100, s23;
	v14 =	vmax.f32 v14, $0.0e+00;
	v10 =	vld [tilespmem:s8+$0x70]  }
0xef: {  	v16 =	vld [tilespmem:s21+$0xFFFFFFB0];
	_ =	sdelay $0x3  }
0xf0: {  	v13 =	vadd.f32 v15, v13  }
0xf1: {  	v7 =	vadd.f32 v16, v7  }
0xf2: {  	v13 =	vmax.f32 v13, $0.0e+00  }
0xf3: {  	v55 =	vld [tilespmem:s10+$0x40];
	[tilespmem:s10+$0x30] =	vst v13;
	v7 =	vmax.f32 v7, $0.0e+00  }
0xf4: {  	v56 =	vld [tilespmem:s21+$0x40];
	[tilespmem:s10+$0xFFFFFFB0] =	vst v7  }
0xf5: {  	v7 =	vld [tilespmem:s21+$0xFFFFFFC0];
	_ =	sdelay $0x3  }
0xf6: {  	v13 =	vadd.f32 v56, v55  }
0xf7: {  	v5 =	vadd.f32 v7, v5  }
0xf8: {  	v13 =	vmax.f32 v13, $0.0e+00  }
0xf9: {  	v57 =	vld [tilespmem:s10+$0x50];
	[tilespmem:s10+$0x40] =	vst v13;
	v5 =	vmax.f32 v5, $0.0e+00  }
0xfa: {  	v13 =	vld [tilespmem:s21+$0x50];
	[tilespmem:s10+$0xFFFFFFC0] =	vst v5  }
0xfb: {  	v5 =	vld [tilespmem:s21+$0xFFFFFFD0];
	_ =	sdelay $0x1  }
0xfc: {  	v3 =	vadd.f32 v12, v3;
	_ =	sdelay $0x1  }
0xfd: {  	v3 =	vmax.f32 v3, $0.0e+00;
	v7 =	vadd.f32 v13, v57  }
0xfe: {  	[tilespmem:s8+$0xFFFFFFD0] =	vst v3;
	v5 =	vadd.f32 v5, v8  }
0xff: {  	v58 =	vld [tilespmem:s9+$0xFFFFFFE0];
	v3 =	vmax.f32 v7, $0.0e+00  }
0x100: {  	[tilespmem:s10+$0x50] =	vst v3;
	v3 =	vld [tilespmem:s10+$0x60];
	v5 =	vmax.f32 v5, $0.0e+00  }
0x101: {  	v59 =	vld [tilespmem:s21+$0x60];
	[tilespmem:s10+$0xFFFFFFD0] =	vst v5  }
0x102: {  	v5 =	vld [tilespmem:s21+$0xFFFFFFE0];
	_ =	sdelay $0x2  }
0x103: {  	v4 =	vadd.f32 v58, v4  }
0x104: {  	v3 =	vadd.f32 v59, v3  }
0x105: {  	[tilespmem:s8+$0x60] =	vst v14;
	v61 =	vld [tilespmem:s10+$0x70];
	v4 =	vmax.f32 v4, $0.0e+00;
	v5 =	vadd.f32 v5, v6  }
0x106: {  	v60 =	vld [tilespmem:s9+$0x70];
	[tilespmem:s8+$0xFFFFFFE0] =	vst v4;
	v3 =	vmax.f32 v3, $0.0e+00  }
0x107: {  	v62 =	vld [tilespmem:s9+$0xFFFFFFF0];
	[tilespmem:s10+$0x60] =	vst v3;
	v3 =	vmax.f32 v5, $0.0e+00  }
0x108: {  	v63 =	vld [tilespmem:s21+$0x70];
	[tilespmem:s10+$0xFFFFFFE0] =	vst v3  }
0x109: {  	v3 =	vld [tilespmem:s21+$0xFFFFFFF0]  }
0x10a: {  	v1 =	vadd.f32 v11, v1  }
0x10b: {  	v7 =	vadd.f32 v60, v10  }
0x10c: {  	v1 =	vmax.f32 v1, $0.0e+00;
	v2 =	vadd.f32 v62, v2  }
0x10d: {  	[tilespmem:s7+$0xFFFFFFF0] =	vst v1;
	v1 =	vmax.f32 v7, $0.0e+00;
	v4 =	vadd.f32 v63, v61  }
0x10e: {  	[tilespmem:s8+$0x70] =	vst v1;
	v1 =	vmax.f32 v2, $0.0e+00;
	v2 =	vadd.f32 v3, v9  }
0x10f: {  	[tilespmem:s8+$0xFFFFFFF0] =	vst v1;
	v1 =	vmax.f32 v4, $0.0e+00  }
0x110: {  	[tilespmem:s10+$0x70] =	vst v1;
	v1 =	vmax.f32 v2, $0.0e+00  }
0x111: {  	s26 =	simm.s32 $0x0;
	[tilespmem:s10+$0xFFFFFFF0] =	vst v1  }
0x112: {  	[spmem:s2] =	stream.indirect.scatter.add.f32 [tilespmem:s28], [sflag:$0x2], $0x80, s16, s0, $0xb8;
	[tilespmem:$0x1F100] =	vst v63  }
.LBB2_6:
0x113: {  	_ =	swait.ge [sflag:s17], $0x2800;
	s23 =	smul.u32 $0xA0, s26  }
0x114: {  	[sflag:s17] =	ssyncset.done $0x0  }
0x115: {  	[sflag:s17] =	ssyncadd.s32 $0xFFFFD800;
	s7 =	sadd.s32 $0xA0, s23  }
0x116: {  	[tilespmem:s28], [sflag:$0x1] =	stream.indirect.gather [hbm4b:s1+s0], $0x80, s7, s0, $0xb8;
	[tilespmem:$0x1F100] =	vst v63  }
0x117: {  	s8 =	sadd.s32 $0x8A0, s23  }
0x118: {  	[tilespmem:s3], [sflag:$0x1] =	stream.indirect.gather [hbm4b:s5+s0], $0x80, s8, s0, $0xb8;
	[tilespmem:$0x1F100] =	vst v63  }
0x119: {  	_ =	swait.ge [sflag:s29], $0x2800  }
0x11a: {  	[sflag:s29] =	ssyncset.done $0x0  }
0x11b: {  	[sflag:s29] =	ssyncadd.s32 $0xFFFFD800  }
0x11c: {  	_ =	swait.ge [sflag:s29], $0x2800  }
0x11d: {  	[sflag:s29] =	ssyncset.done $0x0  }
0x11e: {  	[sflag:s29] =	ssyncadd.s32 $0xFFFFD800  }
0x11f: {  	v1 =	vld [tilespmem:s23+$0x850];
	_ =	sdelay $0x4  }
0x120: {  	[tilespmem:$0x1080] =	vst v1  }
0x121: {  	v1 =	vld [tilespmem:s23+$0x860];
	_ =	sdelay $0x4  }
0x122: {  	[tilespmem:$0x1090] =	vst v1  }
0x123: {  	v1 =	vld [tilespmem:s23+$0x870];
	_ =	sdelay $0x4  }
0x124: {  	s25 =	sand.u32 $0xFE0, s23;
	[tilespmem:$0x10A0] =	vst v1  }
0x125: {  	v1 =	vld [tilespmem:s25+$0x880];
	_ =	sdelay $0x4  }
0x126: {  	[tilespmem:$0x10B0] =	vst v1  }
0x127: {  	v1 =	vld [tilespmem:s23+$0x890];
	_ =	sdelay $0x4  }
0x128: {  	s8 =	simm.s32 $0x3980;
	[tilespmem:$0x10C0] =	vst v1  }
0x129: {  	s22 =	simm.s32 $0x8980;
	v1 =	vld [tilespmem:s8+$0x0]  }
0x12a: {  	v2 =	vld [tilespmem:s22+$0x0];
	_ =	sdelay $0x4  }
0x12b: {  	v1 =	vadd.f32 v2, v1;
	_ =	sdelay $0x1  }
0x12c: {  	v1 =	vmax.f32 v1, $0.0e+00  }
0x12d: {  	[tilespmem:s8+$0x0] =	vst v1;
	v1 =	vld [tilespmem:s8+$0x10]  }
0x12e: {  	v2 =	vld [tilespmem:s22+$0x10];
	_ =	sdelay $0x3  }
0x12f: {  	v3 =	vld [tilespmem:s8+$0xFFFFFF80]  }
0x130: {  	v1 =	vadd.f32 v2, v1;
	v2 =	vld [tilespmem:s22+$0xFFFFFF80];
	_ =	sdelay $0x1  }
0x131: {  	v1 =	vmax.f32 v1, $0.0e+00  }
0x132: {  	[tilespmem:s8+$0x10] =	vst v1;
	v1 =	vld [tilespmem:s8+$0x20]  }
0x133: {  	v4 =	vld [tilespmem:s22+$0x20]  }
0x134: {  	s9 =	simm.s32 $0x3A80;
	v5 =	vld [tilespmem:s8+$0xFFFFFFA0];
	v2 =	vadd.f32 v2, v3  }
0x135: {  	v7 =	vld [tilespmem:s9+$0x0]  }
0x136: {  	v8 =	vld [tilespmem:s8+$0xFFFFFFC0];
	v2 =	vmax.f32 v2, $0.0e+00  }
0x137: {  	v3 =	vld [tilespmem:s8+$0xFFFFFF90];
	[tilespmem:s8+$0xFFFFFF80] =	vst v2  }
0x138: {  	v1 =	vadd.f32 v4, v1;
	v2 =	vld [tilespmem:s22+$0xFFFFFF90]  }
0x139: {  	v9 =	vld [tilespmem:s8+$0xFFFFFFD0]  }
0x13a: {  	v10 =	vld [tilespmem:s8+$0x40];
	v1 =	vmax.f32 v1, $0.0e+00  }
0x13b: {  	[tilespmem:s8+$0x20] =	vst v1;
	v1 =	vld [tilespmem:s8+$0x30]  }
0x13c: {  	v6 =	vld [tilespmem:s22+$0x30]  }
0x13d: {  	s10 =	simm.s32 $0x8A80;
	v11 =	vld [tilespmem:s9+$0x10];
	v2 =	vadd.f32 v2, v3  }
0x13e: {  	v3 =	vld [tilespmem:s10+$0x0]  }
0x13f: {  	s21 =	simm.s32 $0x8B80;
	v13 =	vld [tilespmem:s8+$0xFFFFFFE0];
	v2 =	vmax.f32 v2, $0.0e+00  }
0x140: {  	v17 =	vld [tilespmem:s21+$0xFFFFFF80];
	[tilespmem:s8+$0xFFFFFF90] =	vst v2  }
0x141: {  	v1 =	vadd.f32 v6, v1;
	v2 =	vld [tilespmem:s22+$0xFFFFFFA0]  }
0x142: {  	v6 =	vld [tilespmem:s10+$0xFFFFFF80]  }
0x143: {  	s11 =	simm.s32 $0x3B80;
	v3 =	vadd.f32 v3, v7;
	v7 =	vld [tilespmem:s9+$0xFFFFFF80];
	v1 =	vmax.f32 v1, $0.0e+00  }
0x144: {  	v18 =	vld [tilespmem:s11+$0xFFFFFF80];
	[tilespmem:s8+$0x30] =	vst v1  }
0x145: {  	v1 =	vmax.f32 v3, $0.0e+00;
	v3 =	vld [tilespmem:s22+$0x40]  }
0x146: {  	v19 =	vld [tilespmem:s11+$0xFFFFFF90];
	[tilespmem:s9+$0x0] =	vst v1  }
0x147: {  	v12 =	vld [tilespmem:s10+$0x10];
	v2 =	vadd.f32 v2, v5  }
0x148: {  	v63 =	vld [tilespmem:s9+$0x60];
	v5 =	vadd.f32 v6, v7  }
0x149: {  	v4 =	vld [tilespmem:s8+$0xFFFFFFB0];
	v2 =	vmax.f32 v2, $0.0e+00  }
0x14a: {  	v6 =	vld [tilespmem:s9+$0xFFFFFF90];
	[tilespmem:s8+$0xFFFFFFA0] =	vst v2;
	v2 =	vmax.f32 v5, $0.0e+00;
	v3 =	vadd.f32 v3, v10  }
0x14b: {  	v5 =	vld [tilespmem:s22+$0xFFFFFFB0];
	[tilespmem:s9+$0xFFFFFF80] =	vst v2  }
0x14c: {  	v10 =	vld [tilespmem:s10+$0xFFFFFF90];
	v2 =	vmax.f32 v3, $0.0e+00;
	v3 =	vadd.f32 v12, v11  }
0x14d: {  	v12 =	vld [tilespmem:s9+$0x20]  }
0x14e: {  	[tilespmem:s8+$0x40] =	vst v2;
	v2 =	vld [tilespmem:s8+$0x50];
	v3 =	vmax.f32 v3, $0.0e+00  }
0x14f: {  	v11 =	vld [tilespmem:s22+$0x50];
	[tilespmem:s9+$0x10] =	vst v3  }
0x150: {  	v3 =	vadd.f32 v5, v4;
	v14 =	vld [tilespmem:s10+$0x20]  }
0x151: {  	v1 =	vld [tilespmem:s8+$0xFFFFFFF0]  }
0x152: {  	v7 =	vld [tilespmem:s9+$0xFFFFFFA0];
	v4 =	vadd.f32 v10, v6;
	v10 =	vmax.f32 v3, $0.0e+00  }
0x153: {  	v5 =	vld [tilespmem:s9+$0xFFFFFFB0];
	[tilespmem:s8+$0xFFFFFFB0] =	vst v10  }
0x154: {  	v2 =	vadd.f32 v11, v2;
	v11 =	vld [tilespmem:s22+$0xFFFFFFC0]  }
0x155: {  	v6 =	vld [tilespmem:s9+$0xFFFFFFC0];
	v4 =	vmax.f32 v4, $0.0e+00;
	v10 =	vadd.f32 v14, v12  }
0x156: {  	v3 =	vld [tilespmem:s9+$0xFFFFFFD0];
	[tilespmem:s9+$0xFFFFFF90] =	vst v4;
	v2 =	vmax.f32 v2, $0.0e+00  }
0x157: {  	v4 =	vld [tilespmem:s9+$0xFFFFFFE0];
	[tilespmem:s8+$0x50] =	vst v2;
	v2 =	vmax.f32 v10, $0.0e+00  }
0x158: {  	v14 =	vld [tilespmem:s9+$0x30];
	[tilespmem:s9+$0x20] =	vst v2  }
0x159: {  	v8 =	vadd.f32 v11, v8;
	v15 =	vld [tilespmem:s10+$0x30]  }
0x15a: {  	v12 =	vld [tilespmem:s10+$0xFFFFFFA0]  }
0x15b: {  	v11 =	vld [tilespmem:s11+$0x0];
	v8 =	vmax.f32 v8, $0.0e+00  }
0x15c: {  	[tilespmem:s8+$0xFFFFFFC0] =	vst v8;
	v8 =	vld [tilespmem:s21+$0x0]  }
0x15d: {  	v10 =	vld [tilespmem:s8+$0x60]  }
0x15e: {  	v16 =	vld [tilespmem:s22+$0x60];
	v14 =	vadd.f32 v15, v14  }
0x15f: {  	v2 =	vld [tilespmem:s9+$0xFFFFFFF0]  }
0x160: {  	v7 =	vadd.f32 v12, v7;
	v12 =	vld [tilespmem:s9+$0x40];
	v14 =	vmax.f32 v14, $0.0e+00  }
0x161: {  	v15 =	vld [tilespmem:s22+$0xFFFFFFD0];
	v8 =	vadd.f32 v8, v11;
	[tilespmem:s9+$0x30] =	vst v14  }
0x162: {  	v7 =	vmax.f32 v7, $0.0e+00;
	v14 =	vld [tilespmem:s10+$0x40]  }
0x163: {  	[tilespmem:s9+$0xFFFFFFA0] =	vst v7;
	v11 =	vld [tilespmem:s8+$0x70];
	v7 =	vmax.f32 v8, $0.0e+00;
	v8 =	vadd.f32 v16, v10  }
0x164: {  	v10 =	vld [tilespmem:s10+$0xFFFFFFB0]  }
0x165: {  	v16 =	vld [tilespmem:s11+$0x10];
	[tilespmem:s11+$0x0] =	vst v7;
	v7 =	vadd.f32 v17, v18;
	v8 =	vmax.f32 v8, $0.0e+00  }
0x166: {  	v17 =	vld [tilespmem:s21+$0x10];
	[tilespmem:s8+$0x60] =	vst v8  }
0x167: {  	v7 =	vmax.f32 v7, $0.0e+00;
	v62 =	vld [tilespmem:s22+$0x70];
	v12 =	vadd.f32 v14, v12  }
0x168: {  	[tilespmem:s11+$0xFFFFFF80] =	vst v7;
	v14 =	vld [tilespmem:s11+$0xFFFFFFA0]  }
0x169: {  	v8 =	vld [tilespmem:s21+$0xFFFFFF90];
	v7 =	vmax.f32 v12, $0.0e+00  }
0x16a: {  	v5 =	vadd.f32 v10, v5;
	v10 =	vld [tilespmem:s9+$0x50];
	[tilespmem:s9+$0x40] =	vst v7  }
0x16b: {  	v16 =	vadd.f32 v17, v16;
	v12 =	vld [tilespmem:s10+$0x50]  }
0x16c: {  	v5 =	vmax.f32 v5, $0.0e+00;
	v17 =	vld [tilespmem:s11+$0x20]  }
0x16d: {  	v9 =	vadd.f32 v15, v9;
	v7 =	vld [tilespmem:s11+$0xFFFFFFB0];
	[tilespmem:s9+$0xFFFFFFB0] =	vst v5;
	v16 =	vmax.f32 v16, $0.0e+00  }
0x16e: {  	v15 =	vld [tilespmem:s10+$0xFFFFFFC0];
	[tilespmem:s11+$0x10] =	vst v16;
	v16 =	vadd.f32 v8, v19  }
0x16f: {  	v5 =	vld [tilespmem:s11+$0xFFFFFFC0];
	v8 =	vmax.f32 v9, $0.0e+00  }
0x170: {  	v9 =	vld [tilespmem:s21+$0x20];
	[tilespmem:s8+$0xFFFFFFD0] =	vst v8;
	v10 =	vadd.f32 v12, v10;
	v12 =	vmax.f32 v16, $0.0e+00  }
0x171: {  	[tilespmem:s11+$0xFFFFFF90] =	vst v12;
	v12 =	vld [tilespmem:s22+$0xFFFFFFE0]  }
0x172: {  	v8 =	vld [tilespmem:s11+$0xFFFFFFD0];
	v10 =	vmax.f32 v10, $0.0e+00  }
0x173: {  	v16 =	vld [tilespmem:s21+$0xFFFFFFA0];
	[tilespmem:s9+$0x50] =	vst v10;
	v10 =	vadd.f32 v15, v6  }
0x174: {  	v20 =	vld [tilespmem:s10+$0x60]  }
0x175: {  	v15 =	vadd.f32 v9, v17;
	v6 =	vld [tilespmem:s11+$0xFFFFFFE0];
	v9 =	vmax.f32 v10, $0.0e+00  }
0x176: {  	[tilespmem:s9+$0xFFFFFFC0] =	vst v9;
	v10 =	vadd.f32 v12, v13;
	v9 =	vld [tilespmem:s11+$0xFFFFFFF0]  }
0x177: {  	v11 =	vadd.f32 v62, v11;
	v13 =	vmax.f32 v15, $0.0e+00;
	v12 =	vld [tilespmem:s10+$0xFFFFFFD0]  }
0x178: {  	[tilespmem:s11+$0x20] =	vst v13;
	v14 =	vadd.f32 v16, v14;
	v13 =	vld [tilespmem:s11+$0x30];
	v10 =	vmax.f32 v10, $0.0e+00  }
0x179: {  	v11 =	vmax.f32 v11, $0.0e+00;
	v15 =	vld [tilespmem:s21+$0x30];
	v16 =	vadd.f32 v20, v63;
	[tilespmem:s8+$0xFFFFFFE0] =	vst v10  }
0x17a: {  	[tilespmem:s8+$0x70] =	vst v11;
	v10 =	vmax.f32 v14, $0.0e+00;
	v11 =	vld [tilespmem:s22+$0xFFFFFFF0]  }
0x17b: {  	s24 =	simm.s32 $0x4;
	s25 =	simm.s32 $0x3C80;
	[tilespmem:s11+$0xFFFFFFA0] =	vst v10;
	v10 =	vld [tilespmem:s9+$0x70];
	s22 =	simm.s32 $0x8B80;
	v14 =	vmax.f32 v16, $0.0e+00  }
.LBB2_7:
0x17c: {  	v16 =	vld [tilespmem:s25+$0x0];
	v12 =	vadd.f32 v12, v3;
	[tilespmem:s9+$0x60] =	vst v14;
	v3 =	vmov v8  }
0x17d: {  	s21 =	sadd.s32 $0x100, s21;
	v8 =	vld [tilespmem:s10+$0x70]  }
0x17e: {  	s24 =	sadd.s32 $0x2, s24;
	v14 =	vld [tilespmem:s21+$0x0];
	v13 =	vadd.f32 v15, v13;
	v12 =	vmax.f32 v12, $0.0e+00  }
0x17f: {  	p0 =	slt.u32 s24, $0x4E;
	v15 =	vld [tilespmem:s21+$0xFFFFFF80];
	[tilespmem:s9+$0xFFFFFFD0] =	vst v12;
	v11 =	vadd.f32 v11, v1;
	v1 =	vmov v2;
	v2 =	vmov v9  }
0x180: {  	v9 =	vld [tilespmem:s25+$0xFFFFFF80];
	v12 =	vmax.f32 v13, $0.0e+00  }
0x181: {  	[tilespmem:s11+$0x30] =	vst v12;
	v12 =	vld [tilespmem:s11+$0x40];
	v11 =	vmax.f32 v11, $0.0e+00  }
0x182: {  	v13 =	vld [tilespmem:s22+$0x40];
	v8 =	vadd.f32 v8, v10;
	[tilespmem:s8+$0xFFFFFFF0] =	vst v11;
	s8 =	smov.u32 s9;
	s9 =	smov.u32 s11;
	s11 =	smov.u32 s25  }
0x183: {  	v10 =	vld [tilespmem:s25+$0xFFFFFF90];
	v11 =	vadd.f32 v14, v16  }
0x184: {  	v14 =	vld [tilespmem:s25+$0xFFFFFFA0];
	v8 =	vmax.f32 v8, $0.0e+00  }
0x185: {  	v9 =	vadd.f32 v15, v9;
	v11 =	vmax.f32 v11, $0.0e+00;
	v15 =	vld [tilespmem:s22+$0xFFFFFFB0];
	[tilespmem:s8+$0x70] =	vst v8  }
0x186: {  	[tilespmem:s25+$0x0] =	vst v11;
	v8 =	vld [tilespmem:s25+$0x10]  }
0x187: {  	v9 =	vmax.f32 v9, $0.0e+00;
	v11 =	vld [tilespmem:s21+$0x10];
	v12 =	vadd.f32 v13, v12  }
0x188: {  	[tilespmem:s25+$0xFFFFFF80] =	vst v9;
	v9 =	vld [tilespmem:s25+$0xFFFFFFB0]  }
0x189: {  	v13 =	vld [tilespmem:s21+$0xFFFFFF90];
	v12 =	vmax.f32 v12, $0.0e+00  }
0x18a: {  	v18 =	vadd.f32 v15, v7;
	[tilespmem:s9+$0x40] =	vst v12;
	v12 =	vld [tilespmem:s9+$0x50]  }
0x18b: {  	v15 =	vld [tilespmem:s22+$0x50]  }
0x18c: {  	v16 =	vld [tilespmem:s25+$0xFFFFFFC0];
	v11 =	vadd.f32 v11, v8;
	v17 =	vmax.f32 v18, $0.0e+00  }
0x18d: {  	v8 =	vld [tilespmem:s25+$0xFFFFFFD0];
	[tilespmem:s9+$0xFFFFFFB0] =	vst v17;
	v7 =	vmov v9  }
0x18e: {  	v9 =	vadd.f32 v13, v10;
	v10 =	vmax.f32 v11, $0.0e+00;
	v11 =	vld [tilespmem:s22+$0xFFFFFFC0]  }
0x18f: {  	[tilespmem:s25+$0x10] =	vst v10;
	v10 =	vld [tilespmem:s25+$0x20]  }
0x190: {  	v9 =	vmax.f32 v9, $0.0e+00;
	v13 =	vld [tilespmem:s21+$0x20];
	v12 =	vadd.f32 v15, v12  }
0x191: {  	[tilespmem:s25+$0xFFFFFF90] =	vst v9;
	v15 =	vld [tilespmem:s10+$0xFFFFFFE0]  }
0x192: {  	v17 =	vld [tilespmem:s21+$0xFFFFFFA0];
	v9 =	vmax.f32 v12, $0.0e+00  }
0x193: {  	v11 =	vadd.f32 v11, v5;
	[tilespmem:s9+$0x50] =	vst v9;
	v18 =	vld [tilespmem:s9+$0x60];
	v5 =	vmov v16  }
0x194: {  	v16 =	vld [tilespmem:s22+$0x60]  }
0x195: {  	v19 =	vld [tilespmem:s25+$0xFFFFFFE0];
	v10 =	vadd.f32 v13, v10;
	v11 =	vmax.f32 v11, $0.0e+00  }
0x196: {  	v9 =	vld [tilespmem:s25+$0xFFFFFFF0];
	[tilespmem:s9+$0xFFFFFFC0] =	vst v11;
	v11 =	vadd.f32 v15, v4;
	v4 =	vmov v6  }
.Ltmp2:
0x197: {  	v20 =	vadd.f32 v17, v14;
	v10 =	vmax.f32 v10, $0.0e+00;
	v12 =	vld [tilespmem:s22+$0xFFFFFFD0];
	(pc) =	sbr.rel @p0 .LBB2_7-.Ltmp2, $4  }
0x198: {  	[tilespmem:s25+$0x20] =	vst v10;
	v13 =	vld [tilespmem:s25+$0x30];
	v10 =	vmax.f32 v11, $0.0e+00  }
0x199: {  	v17 =	vmax.f32 v20, $0.0e+00;
	v15 =	vld [tilespmem:s21+$0x30];
	v14 =	vadd.f32 v16, v18;
	[tilespmem:s8+$0xFFFFFFE0] =	vst v10  }
0x19a: {  	[tilespmem:s25+$0xFFFFFFA0] =	vst v17;
	v11 =	vld [tilespmem:s10+$0xFFFFFFF0];
	v6 =	vmov v19;
	s10 =	smov.u32 s22;
	s22 =	smov.u32 s21  }
0x19b: {  	s25 =	sadd.s32 $0x100, s25;
	v14 =	vmax.f32 v14, $0.0e+00;
	v10 =	vld [tilespmem:s9+$0x70]  }
0x19c: {  	v16 =	vld [tilespmem:s22+$0xFFFFFFB0];
	_ =	sdelay $0x3  }
0x19d: {  	v13 =	vadd.f32 v15, v13  }
0x19e: {  	v7 =	vadd.f32 v16, v7  }
0x19f: {  	v13 =	vmax.f32 v13, $0.0e+00  }
0x1a0: {  	[tilespmem:s11+$0x30] =	vst v13;
	v13 =	vld [tilespmem:s11+$0x40];
	v7 =	vmax.f32 v7, $0.0e+00  }
0x1a1: {  	v15 =	vld [tilespmem:s22+$0x40];
	[tilespmem:s11+$0xFFFFFFB0] =	vst v7  }
0x1a2: {  	v7 =	vld [tilespmem:s22+$0xFFFFFFC0];
	_ =	sdelay $0x3  }
0x1a3: {  	v13 =	vadd.f32 v15, v13  }
0x1a4: {  	v5 =	vadd.f32 v7, v5  }
0x1a5: {  	v13 =	vmax.f32 v13, $0.0e+00  }
0x1a6: {  	[tilespmem:s11+$0x40] =	vst v13;
	v7 =	vld [tilespmem:s11+$0x50];
	v5 =	vmax.f32 v5, $0.0e+00  }
0x1a7: {  	v13 =	vld [tilespmem:s22+$0x50];
	[tilespmem:s11+$0xFFFFFFC0] =	vst v5  }
0x1a8: {  	v5 =	vld [tilespmem:s22+$0xFFFFFFD0];
	_ =	sdelay $0x1  }
0x1a9: {  	v3 =	vadd.f32 v12, v3;
	_ =	sdelay $0x1  }
0x1aa: {  	v3 =	vmax.f32 v3, $0.0e+00;
	v7 =	vadd.f32 v13, v7  }
0x1ab: {  	[tilespmem:s9+$0xFFFFFFD0] =	vst v3;
	v5 =	vadd.f32 v5, v8  }
0x1ac: {  	v3 =	vmax.f32 v7, $0.0e+00;
	v7 =	vld [tilespmem:s10+$0xFFFFFFE0]  }
0x1ad: {  	[tilespmem:s11+$0x50] =	vst v3;
	v3 =	vld [tilespmem:s11+$0x60];
	v5 =	vmax.f32 v5, $0.0e+00  }
0x1ae: {  	v8 =	vld [tilespmem:s22+$0x60];
	[tilespmem:s11+$0xFFFFFFD0] =	vst v5  }
0x1af: {  	v5 =	vld [tilespmem:s22+$0xFFFFFFE0];
	_ =	sdelay $0x2  }
0x1b0: {  	v4 =	vadd.f32 v7, v4  }
0x1b1: {  	[tilespmem:s9+$0x60] =	vst v14;
	v3 =	vadd.f32 v8, v3  }
0x1b2: {  	v7 =	vld [tilespmem:s10+$0x70];
	v4 =	vmax.f32 v4, $0.0e+00;
	v5 =	vadd.f32 v5, v6  }
0x1b3: {  	[tilespmem:s9+$0xFFFFFFE0] =	vst v4;
	v4 =	vld [tilespmem:s11+$0x70];
	v3 =	vmax.f32 v3, $0.0e+00  }
0x1b4: {  	v6 =	vld [tilespmem:s10+$0xFFFFFFF0];
	[tilespmem:s11+$0x60] =	vst v3;
	v3 =	vmax.f32 v5, $0.0e+00  }
0x1b5: {  	v5 =	vld [tilespmem:s22+$0x70];
	[tilespmem:s11+$0xFFFFFFE0] =	vst v3  }
0x1b6: {  	v3 =	vld [tilespmem:s22+$0xFFFFFFF0]  }
0x1b7: {  	v1 =	vadd.f32 v11, v1  }
0x1b8: {  	v7 =	vadd.f32 v7, v10  }
0x1b9: {  	v1 =	vmax.f32 v1, $0.0e+00;
	v2 =	vadd.f32 v6, v2  }
0x1ba: {  	[tilespmem:s8+$0xFFFFFFF0] =	vst v1;
	v1 =	vmax.f32 v7, $0.0e+00;
	v4 =	vadd.f32 v5, v4  }
0x1bb: {  	[tilespmem:s9+$0x70] =	vst v1;
	v1 =	vmax.f32 v2, $0.0e+00;
	v2 =	vadd.f32 v3, v9  }
0x1bc: {  	[tilespmem:s9+$0xFFFFFFF0] =	vst v1;
	v1 =	vmax.f32 v4, $0.0e+00  }
0x1bd: {  	[tilespmem:s11+$0x70] =	vst v1;
	v1 =	vmax.f32 v2, $0.0e+00  }
0x1be: {  	[tilespmem:s11+$0xFFFFFFF0] =	vst v1  }
0x1bf: {  	[spmem:s2] =	stream.indirect.scatter.add.f32 [tilespmem:s13], [sflag:$0x2], $0x80, s18, s0, $0xb8;
	[tilespmem:$0x1F100] =	vst v63  }
0x1c0: {  	_ =	swait.ge [sflag:s17], $0x2800  }
0x1c1: {  	[sflag:s17] =	ssyncset.done $0x0  }
0x1c2: {  	s24 =	sadd.s32 $0xF0, s23;
	[sflag:s17] =	ssyncadd.s32 $0xFFFFD800  }
0x1c3: {  	[tilespmem:s13], [sflag:$0x1] =	stream.indirect.gather [hbm4b:s1+s0], $0x80, s24, s0, $0xb8;
	[tilespmem:$0x1F100] =	vst v63  }
0x1c4: {  	s25 =	sadd.s32 $0x8F0, s23  }
0x1c5: {  	[tilespmem:s15], [sflag:$0x1] =	stream.indirect.gather [hbm4b:s5+s0], $0x80, s25, s0, $0xb8;
	[tilespmem:$0x1F100] =	vst v63  }
0x1c6: {  	_ =	swait.ge [sflag:s29], $0x2800  }
0x1c7: {  	[sflag:s29] =	ssyncset.done $0x0  }
0x1c8: {  	[sflag:s29] =	ssyncadd.s32 $0xFFFFD800  }
0x1c9: {  	_ =	swait.ge [sflag:s29], $0x2800  }
0x1ca: {  	[sflag:s29] =	ssyncset.done $0x0  }
0x1cb: {  	[sflag:s29] =	ssyncadd.s32 $0xFFFFD800  }
0x1cc: {  	v1 =	vld [tilespmem:s7+$0x800];
	_ =	sdelay $0x4  }
0x1cd: {  	[tilespmem:$0x1000] =	vst v1  }
0x1ce: {  	v1 =	vld [tilespmem:s23+$0x8B0];
	_ =	sdelay $0x4  }
0x1cf: {  	[tilespmem:$0x1010] =	vst v1  }
0x1d0: {  	v1 =	vld [tilespmem:s23+$0x8C0];
	_ =	sdelay $0x4  }
0x1d1: {  	[tilespmem:$0x1020] =	vst v1  }
0x1d2: {  	v1 =	vld [tilespmem:s23+$0x8D0];
	_ =	sdelay $0x4  }
0x1d3: {  	[tilespmem:$0x1030] =	vst v1  }
0x1d4: {  	v1 =	vld [tilespmem:s23+$0x8E0];
	_ =	sdelay $0x4  }
0x1d5: {  	s7 =	simm.s32 $0x1180;
	[tilespmem:$0x1040] =	vst v1  }
0x1d6: {  	s21 =	simm.s32 $0x6180;
	v1 =	vld [tilespmem:s7+$0x0]  }
0x1d7: {  	v2 =	vld [tilespmem:s21+$0x0];
	_ =	sdelay $0x4  }
0x1d8: {  	v1 =	vadd.f32 v2, v1;
	_ =	sdelay $0x1  }
0x1d9: {  	v1 =	vmax.f32 v1, $0.0e+00  }
0x1da: {  	[tilespmem:s7+$0x0] =	vst v1;
	v1 =	vld [tilespmem:s7+$0x10]  }
0x1db: {  	v2 =	vld [tilespmem:s21+$0x10];
	_ =	sdelay $0x3  }
0x1dc: {  	v3 =	vld [tilespmem:s7+$0xFFFFFF80]  }
0x1dd: {  	v1 =	vadd.f32 v2, v1;
	v2 =	vld [tilespmem:s21+$0xFFFFFF80];
	_ =	sdelay $0x1  }
0x1de: {  	v1 =	vmax.f32 v1, $0.0e+00  }
0x1df: {  	[tilespmem:s7+$0x10] =	vst v1;
	v1 =	vld [tilespmem:s7+$0x20]  }
0x1e0: {  	v4 =	vld [tilespmem:s21+$0x20]  }
0x1e1: {  	s8 =	simm.s32 $0x1280;
	v5 =	vld [tilespmem:s7+$0xFFFFFFA0];
	v2 =	vadd.f32 v2, v3  }
0x1e2: {  	v7 =	vld [tilespmem:s8+$0x0]  }
0x1e3: {  	v8 =	vld [tilespmem:s7+$0xFFFFFFC0];
	v2 =	vmax.f32 v2, $0.0e+00  }
0x1e4: {  	v3 =	vld [tilespmem:s7+$0xFFFFFF90];
	[tilespmem:s7+$0xFFFFFF80] =	vst v2  }
0x1e5: {  	v1 =	vadd.f32 v4, v1;
	v2 =	vld [tilespmem:s21+$0xFFFFFF90]  }
0x1e6: {  	v9 =	vld [tilespmem:s7+$0xFFFFFFD0]  }
0x1e7: {  	v10 =	vld [tilespmem:s7+$0x40];
	v1 =	vmax.f32 v1, $0.0e+00  }
0x1e8: {  	[tilespmem:s7+$0x20] =	vst v1;
	v1 =	vld [tilespmem:s7+$0x30]  }
0x1e9: {  	v6 =	vld [tilespmem:s21+$0x30]  }
0x1ea: {  	s9 =	simm.s32 $0x6280;
	v11 =	vld [tilespmem:s8+$0x10];
	v2 =	vadd.f32 v2, v3  }
0x1eb: {  	v3 =	vld [tilespmem:s9+$0x0]  }
0x1ec: {  	s11 =	simm.s32 $0x6380;
	v13 =	vld [tilespmem:s7+$0xFFFFFFE0];
	v2 =	vmax.f32 v2, $0.0e+00  }
0x1ed: {  	v17 =	vld [tilespmem:s11+$0xFFFFFF80];
	[tilespmem:s7+$0xFFFFFF90] =	vst v2  }
0x1ee: {  	v1 =	vadd.f32 v6, v1;
	v2 =	vld [tilespmem:s21+$0xFFFFFFA0]  }
0x1ef: {  	v6 =	vld [tilespmem:s9+$0xFFFFFF80]  }
0x1f0: {  	s10 =	simm.s32 $0x1380;
	v3 =	vadd.f32 v3, v7;
	v7 =	vld [tilespmem:s8+$0xFFFFFF80];
	v1 =	vmax.f32 v1, $0.0e+00  }
0x1f1: {  	v18 =	vld [tilespmem:s10+$0xFFFFFF80];
	[tilespmem:s7+$0x30] =	vst v1  }
0x1f2: {  	v1 =	vmax.f32 v3, $0.0e+00;
	v3 =	vld [tilespmem:s21+$0x40]  }
0x1f3: {  	v19 =	vld [tilespmem:s10+$0xFFFFFF90];
	[tilespmem:s8+$0x0] =	vst v1  }
0x1f4: {  	v12 =	vld [tilespmem:s9+$0x10];
	v2 =	vadd.f32 v2, v5  }
0x1f5: {  	v63 =	vld [tilespmem:s8+$0x60];
	v5 =	vadd.f32 v6, v7  }
0x1f6: {  	v4 =	vld [tilespmem:s7+$0xFFFFFFB0];
	v2 =	vmax.f32 v2, $0.0e+00  }
0x1f7: {  	v6 =	vld [tilespmem:s8+$0xFFFFFF90];
	[tilespmem:s7+$0xFFFFFFA0] =	vst v2;
	v2 =	vmax.f32 v5, $0.0e+00;
	v3 =	vadd.f32 v3, v10  }
0x1f8: {  	v5 =	vld [tilespmem:s21+$0xFFFFFFB0];
	[tilespmem:s8+$0xFFFFFF80] =	vst v2  }
0x1f9: {  	v10 =	vld [tilespmem:s9+$0xFFFFFF90];
	v2 =	vmax.f32 v3, $0.0e+00;
	v3 =	vadd.f32 v12, v11  }
0x1fa: {  	v12 =	vld [tilespmem:s8+$0x20]  }
0x1fb: {  	[tilespmem:s7+$0x40] =	vst v2;
	v2 =	vld [tilespmem:s7+$0x50];
	v3 =	vmax.f32 v3, $0.0e+00  }
0x1fc: {  	v11 =	vld [tilespmem:s21+$0x50];
	[tilespmem:s8+$0x10] =	vst v3  }
0x1fd: {  	v3 =	vadd.f32 v5, v4;
	v14 =	vld [tilespmem:s9+$0x20]  }
0x1fe: {  	v1 =	vld [tilespmem:s7+$0xFFFFFFF0]  }
0x1ff: {  	v7 =	vld [tilespmem:s8+$0xFFFFFFA0];
	v4 =	vadd.f32 v10, v6;
	v10 =	vmax.f32 v3, $0.0e+00  }
0x200: {  	v5 =	vld [tilespmem:s8+$0xFFFFFFB0];
	[tilespmem:s7+$0xFFFFFFB0] =	vst v10  }
0x201: {  	v2 =	vadd.f32 v11, v2;
	v11 =	vld [tilespmem:s21+$0xFFFFFFC0]  }
0x202: {  	v6 =	vld [tilespmem:s8+$0xFFFFFFC0];
	v4 =	vmax.f32 v4, $0.0e+00;
	v10 =	vadd.f32 v14, v12  }
0x203: {  	v3 =	vld [tilespmem:s8+$0xFFFFFFD0];
	[tilespmem:s8+$0xFFFFFF90] =	vst v4;
	v2 =	vmax.f32 v2, $0.0e+00  }
0x204: {  	v4 =	vld [tilespmem:s8+$0xFFFFFFE0];
	[tilespmem:s7+$0x50] =	vst v2;
	v2 =	vmax.f32 v10, $0.0e+00  }
0x205: {  	v14 =	vld [tilespmem:s8+$0x30];
	[tilespmem:s8+$0x20] =	vst v2  }
0x206: {  	v8 =	vadd.f32 v11, v8;
	v15 =	vld [tilespmem:s9+$0x30]  }
0x207: {  	v12 =	vld [tilespmem:s9+$0xFFFFFFA0]  }
0x208: {  	v11 =	vld [tilespmem:s10+$0x0];
	v8 =	vmax.f32 v8, $0.0e+00  }
0x209: {  	[tilespmem:s7+$0xFFFFFFC0] =	vst v8;
	v8 =	vld [tilespmem:s11+$0x0]  }
0x20a: {  	v10 =	vld [tilespmem:s7+$0x60]  }
0x20b: {  	v16 =	vld [tilespmem:s21+$0x60];
	v14 =	vadd.f32 v15, v14  }
0x20c: {  	v2 =	vld [tilespmem:s8+$0xFFFFFFF0]  }
0x20d: {  	v7 =	vadd.f32 v12, v7;
	v12 =	vld [tilespmem:s8+$0x40];
	v14 =	vmax.f32 v14, $0.0e+00  }
0x20e: {  	v15 =	vld [tilespmem:s21+$0xFFFFFFD0];
	v8 =	vadd.f32 v8, v11;
	[tilespmem:s8+$0x30] =	vst v14  }
0x20f: {  	v7 =	vmax.f32 v7, $0.0e+00;
	v14 =	vld [tilespmem:s9+$0x40]  }
0x210: {  	[tilespmem:s8+$0xFFFFFFA0] =	vst v7;
	v11 =	vld [tilespmem:s7+$0x70];
	v7 =	vmax.f32 v8, $0.0e+00;
	v8 =	vadd.f32 v16, v10  }
0x211: {  	v10 =	vld [tilespmem:s9+$0xFFFFFFB0]  }
0x212: {  	v16 =	vld [tilespmem:s10+$0x10];
	[tilespmem:s10+$0x0] =	vst v7;
	v7 =	vadd.f32 v17, v18;
	v8 =	vmax.f32 v8, $0.0e+00  }
0x213: {  	v17 =	vld [tilespmem:s11+$0x10];
	[tilespmem:s7+$0x60] =	vst v8  }
0x214: {  	v7 =	vmax.f32 v7, $0.0e+00;
	v62 =	vld [tilespmem:s21+$0x70];
	v12 =	vadd.f32 v14, v12  }
0x215: {  	[tilespmem:s10+$0xFFFFFF80] =	vst v7;
	v14 =	vld [tilespmem:s10+$0xFFFFFFA0]  }
0x216: {  	v8 =	vld [tilespmem:s11+$0xFFFFFF90];
	v7 =	vmax.f32 v12, $0.0e+00  }
0x217: {  	v5 =	vadd.f32 v10, v5;
	v10 =	vld [tilespmem:s8+$0x50];
	[tilespmem:s8+$0x40] =	vst v7  }
0x218: {  	v16 =	vadd.f32 v17, v16;
	v12 =	vld [tilespmem:s9+$0x50]  }
0x219: {  	v5 =	vmax.f32 v5, $0.0e+00;
	v17 =	vld [tilespmem:s10+$0x20]  }
0x21a: {  	v9 =	vadd.f32 v15, v9;
	v7 =	vld [tilespmem:s10+$0xFFFFFFB0];
	[tilespmem:s8+$0xFFFFFFB0] =	vst v5;
	v16 =	vmax.f32 v16, $0.0e+00  }
0x21b: {  	v15 =	vld [tilespmem:s9+$0xFFFFFFC0];
	[tilespmem:s10+$0x10] =	vst v16;
	v16 =	vadd.f32 v8, v19  }
0x21c: {  	v5 =	vld [tilespmem:s10+$0xFFFFFFC0];
	v8 =	vmax.f32 v9, $0.0e+00  }
0x21d: {  	v9 =	vld [tilespmem:s11+$0x20];
	[tilespmem:s7+$0xFFFFFFD0] =	vst v8;
	v10 =	vadd.f32 v12, v10;
	v12 =	vmax.f32 v16, $0.0e+00  }
0x21e: {  	[tilespmem:s10+$0xFFFFFF90] =	vst v12;
	v12 =	vld [tilespmem:s21+$0xFFFFFFE0]  }
0x21f: {  	v8 =	vld [tilespmem:s10+$0xFFFFFFD0];
	v10 =	vmax.f32 v10, $0.0e+00  }
0x220: {  	v16 =	vld [tilespmem:s11+$0xFFFFFFA0];
	[tilespmem:s8+$0x50] =	vst v10;
	v10 =	vadd.f32 v15, v6  }
0x221: {  	v20 =	vld [tilespmem:s9+$0x60]  }
0x222: {  	v15 =	vadd.f32 v9, v17;
	v6 =	vld [tilespmem:s10+$0xFFFFFFE0];
	v9 =	vmax.f32 v10, $0.0e+00  }
0x223: {  	[tilespmem:s8+$0xFFFFFFC0] =	vst v9;
	v10 =	vadd.f32 v12, v13;
	v9 =	vld [tilespmem:s10+$0xFFFFFFF0]  }
0x224: {  	v11 =	vadd.f32 v62, v11;
	v13 =	vmax.f32 v15, $0.0e+00;
	v12 =	vld [tilespmem:s9+$0xFFFFFFD0]  }
0x225: {  	[tilespmem:s10+$0x20] =	vst v13;
	v14 =	vadd.f32 v16, v14;
	v13 =	vld [tilespmem:s10+$0x30];
	v10 =	vmax.f32 v10, $0.0e+00  }
0x226: {  	v11 =	vmax.f32 v11, $0.0e+00;
	v15 =	vld [tilespmem:s11+$0x30];
	v16 =	vadd.f32 v20, v63;
	[tilespmem:s7+$0xFFFFFFE0] =	vst v10  }
0x227: {  	[tilespmem:s7+$0x70] =	vst v11;
	v10 =	vmax.f32 v14, $0.0e+00;
	v11 =	vld [tilespmem:s21+$0xFFFFFFF0]  }
0x228: {  	s22 =	simm.s32 $0x4;
	s23 =	simm.s32 $0x1480;
	[tilespmem:s10+$0xFFFFFFA0] =	vst v10;
	v10 =	vld [tilespmem:s8+$0x70];
	s21 =	simm.s32 $0x6380;
	v14 =	vmax.f32 v16, $0.0e+00  }
.LBB2_9:
0x229: {  	v16 =	vld [tilespmem:s23+$0x0];
	v12 =	vadd.f32 v12, v3;
	[tilespmem:s8+$0x60] =	vst v14;
	v3 =	vmov v8  }
0x22a: {  	s11 =	sadd.s32 $0x100, s11;
	v8 =	vld [tilespmem:s9+$0x70]  }
0x22b: {  	s22 =	sadd.s32 $0x2, s22;
	v14 =	vld [tilespmem:s11+$0x0];
	v13 =	vadd.f32 v15, v13;
	v12 =	vmax.f32 v12, $0.0e+00  }
0x22c: {  	p0 =	slt.u32 s22, $0x4E;
	v15 =	vld [tilespmem:s11+$0xFFFFFF80];
	[tilespmem:s8+$0xFFFFFFD0] =	vst v12;
	v11 =	vadd.f32 v11, v1;
	v1 =	vmov v2;
	v2 =	vmov v9  }
0x22d: {  	v9 =	vld [tilespmem:s23+$0xFFFFFF80];
	v12 =	vmax.f32 v13, $0.0e+00  }
0x22e: {  	[tilespmem:s10+$0x30] =	vst v12;
	v12 =	vld [tilespmem:s10+$0x40];
	v11 =	vmax.f32 v11, $0.0e+00  }
0x22f: {  	v13 =	vld [tilespmem:s21+$0x40];
	v8 =	vadd.f32 v8, v10;
	[tilespmem:s7+$0xFFFFFFF0] =	vst v11;
	s7 =	smov.u32 s8;
	s8 =	smov.u32 s10;
	s10 =	smov.u32 s23  }
0x230: {  	v10 =	vld [tilespmem:s23+$0xFFFFFF90];
	v11 =	vadd.f32 v14, v16  }
0x231: {  	v14 =	vld [tilespmem:s23+$0xFFFFFFA0];
	v8 =	vmax.f32 v8, $0.0e+00  }
0x232: {  	v9 =	vadd.f32 v15, v9;
	v11 =	vmax.f32 v11, $0.0e+00;
	v15 =	vld [tilespmem:s21+$0xFFFFFFB0];
	[tilespmem:s7+$0x70] =	vst v8  }
0x233: {  	[tilespmem:s23+$0x0] =	vst v11;
	v8 =	vld [tilespmem:s23+$0x10]  }
0x234: {  	v9 =	vmax.f32 v9, $0.0e+00;
	v11 =	vld [tilespmem:s11+$0x10];
	v12 =	vadd.f32 v13, v12  }
0x235: {  	[tilespmem:s23+$0xFFFFFF80] =	vst v9;
	v9 =	vld [tilespmem:s23+$0xFFFFFFB0]  }
0x236: {  	v13 =	vld [tilespmem:s11+$0xFFFFFF90];
	v12 =	vmax.f32 v12, $0.0e+00  }
0x237: {  	v18 =	vadd.f32 v15, v7;
	[tilespmem:s8+$0x40] =	vst v12;
	v12 =	vld [tilespmem:s8+$0x50]  }
0x238: {  	v15 =	vld [tilespmem:s21+$0x50]  }
0x239: {  	v16 =	vld [tilespmem:s23+$0xFFFFFFC0];
	v11 =	vadd.f32 v11, v8;
	v17 =	vmax.f32 v18, $0.0e+00  }
0x23a: {  	v8 =	vld [tilespmem:s23+$0xFFFFFFD0];
	[tilespmem:s8+$0xFFFFFFB0] =	vst v17;
	v7 =	vmov v9  }
0x23b: {  	v9 =	vadd.f32 v13, v10;
	v10 =	vmax.f32 v11, $0.0e+00;
	v11 =	vld [tilespmem:s21+$0xFFFFFFC0]  }
0x23c: {  	[tilespmem:s23+$0x10] =	vst v10;
	v10 =	vld [tilespmem:s23+$0x20]  }
0x23d: {  	v9 =	vmax.f32 v9, $0.0e+00;
	v13 =	vld [tilespmem:s11+$0x20];
	v12 =	vadd.f32 v15, v12  }
0x23e: {  	[tilespmem:s23+$0xFFFFFF90] =	vst v9;
	v15 =	vld [tilespmem:s9+$0xFFFFFFE0]  }
0x23f: {  	v17 =	vld [tilespmem:s11+$0xFFFFFFA0];
	v9 =	vmax.f32 v12, $0.0e+00  }
0x240: {  	v11 =	vadd.f32 v11, v5;
	[tilespmem:s8+$0x50] =	vst v9;
	v18 =	vld [tilespmem:s8+$0x60];
	v5 =	vmov v16  }
0x241: {  	v16 =	vld [tilespmem:s21+$0x60]  }
0x242: {  	v19 =	vld [tilespmem:s23+$0xFFFFFFE0];
	v10 =	vadd.f32 v13, v10;
	v11 =	vmax.f32 v11, $0.0e+00  }
0x243: {  	v9 =	vld [tilespmem:s23+$0xFFFFFFF0];
	[tilespmem:s8+$0xFFFFFFC0] =	vst v11;
	v11 =	vadd.f32 v15, v4;
	v4 =	vmov v6  }
.Ltmp3:
0x244: {  	v20 =	vadd.f32 v17, v14;
	v10 =	vmax.f32 v10, $0.0e+00;
	v12 =	vld [tilespmem:s21+$0xFFFFFFD0];
	(pc) =	sbr.rel @p0 .LBB2_9-.Ltmp3, $4  }
0x245: {  	[tilespmem:s23+$0x20] =	vst v10;
	v13 =	vld [tilespmem:s23+$0x30];
	v10 =	vmax.f32 v11, $0.0e+00  }
0x246: {  	v17 =	vmax.f32 v20, $0.0e+00;
	v15 =	vld [tilespmem:s11+$0x30];
	v14 =	vadd.f32 v16, v18;
	[tilespmem:s7+$0xFFFFFFE0] =	vst v10  }
0x247: {  	[tilespmem:s23+$0xFFFFFFA0] =	vst v17;
	v11 =	vld [tilespmem:s9+$0xFFFFFFF0];
	v6 =	vmov v19;
	s9 =	smov.u32 s21;
	s21 =	smov.u32 s11  }
0x248: {  	s23 =	sadd.s32 $0x100, s23;
	v14 =	vmax.f32 v14, $0.0e+00;
	v10 =	vld [tilespmem:s8+$0x70]  }
0x249: {  	v16 =	vld [tilespmem:s21+$0xFFFFFFB0];
	_ =	sdelay $0x3  }
0x24a: {  	v13 =	vadd.f32 v15, v13  }
0x24b: {  	v7 =	vadd.f32 v16, v7  }
0x24c: {  	v13 =	vmax.f32 v13, $0.0e+00  }
0x24d: {  	v55 =	vld [tilespmem:s10+$0x40];
	[tilespmem:s10+$0x30] =	vst v13;
	v7 =	vmax.f32 v7, $0.0e+00  }
0x24e: {  	v56 =	vld [tilespmem:s21+$0x40];
	[tilespmem:s10+$0xFFFFFFB0] =	vst v7  }
0x24f: {  	v7 =	vld [tilespmem:s21+$0xFFFFFFC0];
	_ =	sdelay $0x3  }
0x250: {  	v13 =	vadd.f32 v56, v55  }
0x251: {  	v5 =	vadd.f32 v7, v5  }
0x252: {  	v13 =	vmax.f32 v13, $0.0e+00  }
0x253: {  	v57 =	vld [tilespmem:s10+$0x50];
	[tilespmem:s10+$0x40] =	vst v13;
	v5 =	vmax.f32 v5, $0.0e+00  }
0x254: {  	v13 =	vld [tilespmem:s21+$0x50];
	[tilespmem:s10+$0xFFFFFFC0] =	vst v5  }
0x255: {  	v5 =	vld [tilespmem:s21+$0xFFFFFFD0];
	_ =	sdelay $0x1  }
0x256: {  	v3 =	vadd.f32 v12, v3;
	_ =	sdelay $0x1  }
0x257: {  	v3 =	vmax.f32 v3, $0.0e+00;
	v7 =	vadd.f32 v13, v57  }
0x258: {  	[tilespmem:s8+$0xFFFFFFD0] =	vst v3;
	v5 =	vadd.f32 v5, v8  }
0x259: {  	v58 =	vld [tilespmem:s9+$0xFFFFFFE0];
	v3 =	vmax.f32 v7, $0.0e+00  }
0x25a: {  	[tilespmem:s10+$0x50] =	vst v3;
	v3 =	vld [tilespmem:s10+$0x60];
	v5 =	vmax.f32 v5, $0.0e+00  }
0x25b: {  	v59 =	vld [tilespmem:s21+$0x60];
	[tilespmem:s10+$0xFFFFFFD0] =	vst v5  }
0x25c: {  	v5 =	vld [tilespmem:s21+$0xFFFFFFE0];
	_ =	sdelay $0x2  }
0x25d: {  	v4 =	vadd.f32 v58, v4  }
0x25e: {  	v3 =	vadd.f32 v59, v3  }
0x25f: {  	[tilespmem:s8+$0x60] =	vst v14;
	v61 =	vld [tilespmem:s10+$0x70];
	v4 =	vmax.f32 v4, $0.0e+00;
	v5 =	vadd.f32 v5, v6  }
0x260: {  	v60 =	vld [tilespmem:s9+$0x70];
	[tilespmem:s8+$0xFFFFFFE0] =	vst v4;
	v3 =	vmax.f32 v3, $0.0e+00  }
0x261: {  	v62 =	vld [tilespmem:s9+$0xFFFFFFF0];
	[tilespmem:s10+$0x60] =	vst v3;
	v3 =	vmax.f32 v5, $0.0e+00  }
0x262: {  	v63 =	vld [tilespmem:s21+$0x70];
	[tilespmem:s10+$0xFFFFFFE0] =	vst v3  }
0x263: {  	v3 =	vld [tilespmem:s21+$0xFFFFFFF0]  }
0x264: {  	v1 =	vadd.f32 v11, v1  }
0x265: {  	v7 =	vadd.f32 v60, v10  }
0x266: {  	s26 =	sadd.s32 $0x1, s26;
	v1 =	vmax.f32 v1, $0.0e+00;
	v2 =	vadd.f32 v62, v2  }
0x267: {  	p0 =	sne.s32 s26, $0xB;
	[tilespmem:s7+$0xFFFFFFF0] =	vst v1;
	v1 =	vmax.f32 v7, $0.0e+00;
	v4 =	vadd.f32 v63, v61  }
.Ltmp4:
0x268: {  	[tilespmem:s8+$0x70] =	vst v1;
	v1 =	vmax.f32 v2, $0.0e+00;
	v2 =	vadd.f32 v3, v9;
	(pc) =	sbr.rel @p0 .LBB2_6-.Ltmp4, $4  }
0x269: {  	[tilespmem:s8+$0xFFFFFFF0] =	vst v1;
	v1 =	vmax.f32 v4, $0.0e+00  }
0x26a: {  	[tilespmem:s10+$0x70] =	vst v1;
	v1 =	vmax.f32 v2, $0.0e+00  }
0x26b: {  	[tilespmem:s10+$0xFFFFFFF0] =	vst v1  }
0x26c: {  	[spmem:s2] =	stream.indirect.scatter.add.f32 [tilespmem:s28], [sflag:$0x2], $0x80, s16, s0, $0xb8;
	[tilespmem:$0x1F100] =	vst v63  }
0x26d: {  	_ =	swait.ge [sflag:s17], $0x2800  }
0x26e: {  	[sflag:s17] =	ssyncset.done $0x0  }
0x26f: {  	[sflag:s17] =	ssyncadd.s32 $0xFFFFD800  }
0x270: {  	[tilespmem:s28], [sflag:$0x1] =	stream.indirect.gather [hbm4b:s1+s0], $0x80, s19, s0, $0xb8;
	[tilespmem:$0x1F100] =	vst v63  }
0x271: {  	_ = 	snop  }
0x272: {  	[tilespmem:s3], [sflag:$0x1] =	stream.indirect.gather [hbm4b:s5+s0], $0x80, s20, s0, $0xb8;
	[tilespmem:$0x1F100] =	vst v63  }
0x273: {  	_ =	swait.ge [sflag:s29], $0x2800  }
0x274: {  	[sflag:s29] =	ssyncset.done $0x0  }
0x275: {  	[sflag:s29] =	ssyncadd.s32 $0xFFFFD800  }
0x276: {  	_ =	swait.ge [sflag:s29], $0x2800  }
0x277: {  	[sflag:s29] =	ssyncset.done $0x0  }
0x278: {  	[sflag:s29] =	ssyncadd.s32 $0xFFFFD800  }
0x279: {  	v1 =	vld [tilespmem:$0xF30]  }
0x27a: {  	v2 =	vld [tilespmem:$0xF40]  }
0x27b: {  	v3 =	vld [tilespmem:$0xF50]  }
0x27c: {  	v4 =	vld [tilespmem:$0xF60]  }
0x27d: {  	v5 =	vld [tilespmem:$0xF70]  }
0x27e: {  	[tilespmem:$0x1080] =	vst v1  }
0x27f: {  	[tilespmem:$0x1090] =	vst v2  }
0x280: {  	[tilespmem:$0x10A0] =	vst v3  }
0x281: {  	[tilespmem:$0x10B0] =	vst v4  }
0x282: {  	s7 =	simm.s32 $0x3980;
	[tilespmem:$0x10C0] =	vst v5  }
0x283: {  	s21 =	simm.s32 $0x8980;
	v1 =	vld [tilespmem:s7+$0x0]  }
0x284: {  	v2 =	vld [tilespmem:s21+$0x0];
	_ =	sdelay $0x4  }
0x285: {  	v1 =	vadd.f32 v2, v1;
	_ =	sdelay $0x1  }
0x286: {  	v1 =	vmax.f32 v1, $0.0e+00  }
0x287: {  	[tilespmem:s7+$0x0] =	vst v1;
	v1 =	vld [tilespmem:s7+$0x10]  }
0x288: {  	v2 =	vld [tilespmem:s21+$0x10];
	_ =	sdelay $0x3  }
0x289: {  	v3 =	vld [tilespmem:s7+$0xFFFFFF80]  }
0x28a: {  	v1 =	vadd.f32 v2, v1;
	v2 =	vld [tilespmem:s21+$0xFFFFFF80];
	_ =	sdelay $0x1  }
0x28b: {  	v1 =	vmax.f32 v1, $0.0e+00  }
0x28c: {  	[tilespmem:s7+$0x10] =	vst v1;
	v1 =	vld [tilespmem:s7+$0x20]  }
0x28d: {  	v4 =	vld [tilespmem:s21+$0x20]  }
0x28e: {  	s8 =	simm.s32 $0x3A80;
	v5 =	vld [tilespmem:s7+$0xFFFFFFA0];
	v2 =	vadd.f32 v2, v3  }
0x28f: {  	v7 =	vld [tilespmem:s8+$0x0]  }
0x290: {  	v8 =	vld [tilespmem:s7+$0xFFFFFFC0];
	v2 =	vmax.f32 v2, $0.0e+00  }
0x291: {  	v3 =	vld [tilespmem:s7+$0xFFFFFF90];
	[tilespmem:s7+$0xFFFFFF80] =	vst v2  }
0x292: {  	v1 =	vadd.f32 v4, v1;
	v2 =	vld [tilespmem:s21+$0xFFFFFF90]  }
0x293: {  	v9 =	vld [tilespmem:s7+$0xFFFFFFD0]  }
0x294: {  	v10 =	vld [tilespmem:s7+$0x40];
	v1 =	vmax.f32 v1, $0.0e+00  }
0x295: {  	[tilespmem:s7+$0x20] =	vst v1;
	v1 =	vld [tilespmem:s7+$0x30]  }
0x296: {  	v6 =	vld [tilespmem:s21+$0x30]  }
0x297: {  	s9 =	simm.s32 $0x8A80;
	v11 =	vld [tilespmem:s8+$0x10];
	v2 =	vadd.f32 v2, v3  }
0x298: {  	v3 =	vld [tilespmem:s9+$0x0]  }
0x299: {  	s11 =	simm.s32 $0x8B80;
	v13 =	vld [tilespmem:s7+$0xFFFFFFE0];
	v2 =	vmax.f32 v2, $0.0e+00  }
0x29a: {  	v17 =	vld [tilespmem:s11+$0xFFFFFF80];
	[tilespmem:s7+$0xFFFFFF90] =	vst v2  }
0x29b: {  	v1 =	vadd.f32 v6, v1;
	v2 =	vld [tilespmem:s21+$0xFFFFFFA0]  }
0x29c: {  	v6 =	vld [tilespmem:s9+$0xFFFFFF80]  }
0x29d: {  	s10 =	simm.s32 $0x3B80;
	v3 =	vadd.f32 v3, v7;
	v7 =	vld [tilespmem:s8+$0xFFFFFF80];
	v1 =	vmax.f32 v1, $0.0e+00  }
0x29e: {  	v18 =	vld [tilespmem:s10+$0xFFFFFF80];
	[tilespmem:s7+$0x30] =	vst v1  }
0x29f: {  	v1 =	vmax.f32 v3, $0.0e+00;
	v3 =	vld [tilespmem:s21+$0x40]  }
0x2a0: {  	v19 =	vld [tilespmem:s10+$0xFFFFFF90];
	[tilespmem:s8+$0x0] =	vst v1  }
0x2a1: {  	v12 =	vld [tilespmem:s9+$0x10];
	v2 =	vadd.f32 v2, v5  }
0x2a2: {  	v63 =	vld [tilespmem:s8+$0x60];
	v5 =	vadd.f32 v6, v7  }
0x2a3: {  	v4 =	vld [tilespmem:s7+$0xFFFFFFB0];
	v2 =	vmax.f32 v2, $0.0e+00  }
0x2a4: {  	v6 =	vld [tilespmem:s8+$0xFFFFFF90];
	[tilespmem:s7+$0xFFFFFFA0] =	vst v2;
	v2 =	vmax.f32 v5, $0.0e+00;
	v3 =	vadd.f32 v3, v10  }
0x2a5: {  	v5 =	vld [tilespmem:s21+$0xFFFFFFB0];
	[tilespmem:s8+$0xFFFFFF80] =	vst v2  }
0x2a6: {  	v10 =	vld [tilespmem:s9+$0xFFFFFF90];
	v2 =	vmax.f32 v3, $0.0e+00;
	v3 =	vadd.f32 v12, v11  }
0x2a7: {  	v12 =	vld [tilespmem:s8+$0x20]  }
0x2a8: {  	[tilespmem:s7+$0x40] =	vst v2;
	v2 =	vld [tilespmem:s7+$0x50];
	v3 =	vmax.f32 v3, $0.0e+00  }
0x2a9: {  	v11 =	vld [tilespmem:s21+$0x50];
	[tilespmem:s8+$0x10] =	vst v3  }
0x2aa: {  	v3 =	vadd.f32 v5, v4;
	v14 =	vld [tilespmem:s9+$0x20]  }
0x2ab: {  	v1 =	vld [tilespmem:s7+$0xFFFFFFF0]  }
0x2ac: {  	v7 =	vld [tilespmem:s8+$0xFFFFFFA0];
	v4 =	vadd.f32 v10, v6;
	v10 =	vmax.f32 v3, $0.0e+00  }
0x2ad: {  	v5 =	vld [tilespmem:s8+$0xFFFFFFB0];
	[tilespmem:s7+$0xFFFFFFB0] =	vst v10  }
0x2ae: {  	v2 =	vadd.f32 v11, v2;
	v11 =	vld [tilespmem:s21+$0xFFFFFFC0]  }
0x2af: {  	v6 =	vld [tilespmem:s8+$0xFFFFFFC0];
	v4 =	vmax.f32 v4, $0.0e+00;
	v10 =	vadd.f32 v14, v12  }
0x2b0: {  	v3 =	vld [tilespmem:s8+$0xFFFFFFD0];
	[tilespmem:s8+$0xFFFFFF90] =	vst v4;
	v2 =	vmax.f32 v2, $0.0e+00  }
0x2b1: {  	v4 =	vld [tilespmem:s8+$0xFFFFFFE0];
	[tilespmem:s7+$0x50] =	vst v2;
	v2 =	vmax.f32 v10, $0.0e+00  }
0x2b2: {  	v14 =	vld [tilespmem:s8+$0x30];
	[tilespmem:s8+$0x20] =	vst v2  }
0x2b3: {  	v8 =	vadd.f32 v11, v8;
	v15 =	vld [tilespmem:s9+$0x30]  }
0x2b4: {  	v12 =	vld [tilespmem:s9+$0xFFFFFFA0]  }
0x2b5: {  	v11 =	vld [tilespmem:s10+$0x0];
	v8 =	vmax.f32 v8, $0.0e+00  }
0x2b6: {  	[tilespmem:s7+$0xFFFFFFC0] =	vst v8;
	v8 =	vld [tilespmem:s11+$0x0]  }
0x2b7: {  	v10 =	vld [tilespmem:s7+$0x60]  }
0x2b8: {  	v16 =	vld [tilespmem:s21+$0x60];
	v14 =	vadd.f32 v15, v14  }
0x2b9: {  	v2 =	vld [tilespmem:s8+$0xFFFFFFF0]  }
0x2ba: {  	v7 =	vadd.f32 v12, v7;
	v12 =	vld [tilespmem:s8+$0x40];
	v14 =	vmax.f32 v14, $0.0e+00  }
0x2bb: {  	v15 =	vld [tilespmem:s21+$0xFFFFFFD0];
	v8 =	vadd.f32 v8, v11;
	[tilespmem:s8+$0x30] =	vst v14  }
0x2bc: {  	v7 =	vmax.f32 v7, $0.0e+00;
	v14 =	vld [tilespmem:s9+$0x40]  }
0x2bd: {  	[tilespmem:s8+$0xFFFFFFA0] =	vst v7;
	v11 =	vld [tilespmem:s7+$0x70];
	v7 =	vmax.f32 v8, $0.0e+00;
	v8 =	vadd.f32 v16, v10  }
0x2be: {  	v10 =	vld [tilespmem:s9+$0xFFFFFFB0]  }
0x2bf: {  	v16 =	vld [tilespmem:s10+$0x10];
	[tilespmem:s10+$0x0] =	vst v7;
	v7 =	vadd.f32 v17, v18;
	v8 =	vmax.f32 v8, $0.0e+00  }
0x2c0: {  	v17 =	vld [tilespmem:s11+$0x10];
	[tilespmem:s7+$0x60] =	vst v8  }
0x2c1: {  	v7 =	vmax.f32 v7, $0.0e+00;
	v62 =	vld [tilespmem:s21+$0x70];
	v12 =	vadd.f32 v14, v12  }
0x2c2: {  	[tilespmem:s10+$0xFFFFFF80] =	vst v7;
	v14 =	vld [tilespmem:s10+$0xFFFFFFA0]  }
0x2c3: {  	v8 =	vld [tilespmem:s11+$0xFFFFFF90];
	v7 =	vmax.f32 v12, $0.0e+00  }
0x2c4: {  	v5 =	vadd.f32 v10, v5;
	v10 =	vld [tilespmem:s8+$0x50];
	[tilespmem:s8+$0x40] =	vst v7  }
0x2c5: {  	v16 =	vadd.f32 v17, v16;
	v12 =	vld [tilespmem:s9+$0x50]  }
0x2c6: {  	v5 =	vmax.f32 v5, $0.0e+00;
	v17 =	vld [tilespmem:s10+$0x20]  }
0x2c7: {  	v9 =	vadd.f32 v15, v9;
	v7 =	vld [tilespmem:s10+$0xFFFFFFB0];
	[tilespmem:s8+$0xFFFFFFB0] =	vst v5;
	v16 =	vmax.f32 v16, $0.0e+00  }
0x2c8: {  	v15 =	vld [tilespmem:s9+$0xFFFFFFC0];
	[tilespmem:s10+$0x10] =	vst v16;
	v16 =	vadd.f32 v8, v19  }
0x2c9: {  	v5 =	vld [tilespmem:s10+$0xFFFFFFC0];
	v8 =	vmax.f32 v9, $0.0e+00  }
0x2ca: {  	v9 =	vld [tilespmem:s11+$0x20];
	[tilespmem:s7+$0xFFFFFFD0] =	vst v8;
	v10 =	vadd.f32 v12, v10;
	v12 =	vmax.f32 v16, $0.0e+00  }
0x2cb: {  	[tilespmem:s10+$0xFFFFFF90] =	vst v12;
	v12 =	vld [tilespmem:s21+$0xFFFFFFE0]  }
0x2cc: {  	v8 =	vld [tilespmem:s10+$0xFFFFFFD0];
	v10 =	vmax.f32 v10, $0.0e+00  }
0x2cd: {  	v16 =	vld [tilespmem:s11+$0xFFFFFFA0];
	[tilespmem:s8+$0x50] =	vst v10;
	v10 =	vadd.f32 v15, v6  }
0x2ce: {  	v20 =	vld [tilespmem:s9+$0x60]  }
0x2cf: {  	v15 =	vadd.f32 v9, v17;
	v6 =	vld [tilespmem:s10+$0xFFFFFFE0];
	v9 =	vmax.f32 v10, $0.0e+00  }
0x2d0: {  	[tilespmem:s8+$0xFFFFFFC0] =	vst v9;
	v10 =	vadd.f32 v12, v13;
	v9 =	vld [tilespmem:s10+$0xFFFFFFF0]  }
0x2d1: {  	v11 =	vadd.f32 v62, v11;
	v13 =	vmax.f32 v15, $0.0e+00;
	v12 =	vld [tilespmem:s9+$0xFFFFFFD0]  }
0x2d2: {  	[tilespmem:s10+$0x20] =	vst v13;
	v14 =	vadd.f32 v16, v14;
	v13 =	vld [tilespmem:s10+$0x30];
	v10 =	vmax.f32 v10, $0.0e+00  }
0x2d3: {  	v11 =	vmax.f32 v11, $0.0e+00;
	v15 =	vld [tilespmem:s11+$0x30];
	v16 =	vadd.f32 v20, v63;
	[tilespmem:s7+$0xFFFFFFE0] =	vst v10  }
0x2d4: {  	[tilespmem:s7+$0x70] =	vst v11;
	v10 =	vmax.f32 v14, $0.0e+00;
	v11 =	vld [tilespmem:s21+$0xFFFFFFF0]  }
0x2d5: {  	s22 =	simm.s32 $0x4;
	s23 =	simm.s32 $0x3C80;
	[tilespmem:s10+$0xFFFFFFA0] =	vst v10;
	v10 =	vld [tilespmem:s8+$0x70];
	s21 =	simm.s32 $0x8B80;
	v14 =	vmax.f32 v16, $0.0e+00  }
.LBB2_12:
0x2d6: {  	v16 =	vld [tilespmem:s23+$0x0];
	v12 =	vadd.f32 v12, v3;
	[tilespmem:s8+$0x60] =	vst v14;
	v3 =	vmov v8  }
0x2d7: {  	s11 =	sadd.s32 $0x100, s11;
	v8 =	vld [tilespmem:s9+$0x70]  }
0x2d8: {  	s22 =	sadd.s32 $0x2, s22;
	v14 =	vld [tilespmem:s11+$0x0];
	v13 =	vadd.f32 v15, v13;
	v12 =	vmax.f32 v12, $0.0e+00  }
0x2d9: {  	p0 =	slt.u32 s22, $0x4E;
	v15 =	vld [tilespmem:s11+$0xFFFFFF80];
	[tilespmem:s8+$0xFFFFFFD0] =	vst v12;
	v11 =	vadd.f32 v11, v1;
	v1 =	vmov v2;
	v2 =	vmov v9  }
0x2da: {  	v9 =	vld [tilespmem:s23+$0xFFFFFF80];
	v12 =	vmax.f32 v13, $0.0e+00  }
0x2db: {  	[tilespmem:s10+$0x30] =	vst v12;
	v12 =	vld [tilespmem:s10+$0x40];
	v11 =	vmax.f32 v11, $0.0e+00  }
0x2dc: {  	v13 =	vld [tilespmem:s21+$0x40];
	v8 =	vadd.f32 v8, v10;
	[tilespmem:s7+$0xFFFFFFF0] =	vst v11;
	s7 =	smov.u32 s8;
	s8 =	smov.u32 s10;
	s10 =	smov.u32 s23  }
0x2dd: {  	v10 =	vld [tilespmem:s23+$0xFFFFFF90];
	v11 =	vadd.f32 v14, v16  }
0x2de: {  	v14 =	vld [tilespmem:s23+$0xFFFFFFA0];
	v8 =	vmax.f32 v8, $0.0e+00  }
0x2df: {  	v9 =	vadd.f32 v15, v9;
	v11 =	vmax.f32 v11, $0.0e+00;
	v15 =	vld [tilespmem:s21+$0xFFFFFFB0];
	[tilespmem:s7+$0x70] =	vst v8  }
0x2e0: {  	[tilespmem:s23+$0x0] =	vst v11;
	v8 =	vld [tilespmem:s23+$0x10]  }
0x2e1: {  	v9 =	vmax.f32 v9, $0.0e+00;
	v11 =	vld [tilespmem:s11+$0x10];
	v12 =	vadd.f32 v13, v12  }
0x2e2: {  	[tilespmem:s23+$0xFFFFFF80] =	vst v9;
	v9 =	vld [tilespmem:s23+$0xFFFFFFB0]  }
0x2e3: {  	v13 =	vld [tilespmem:s11+$0xFFFFFF90];
	v12 =	vmax.f32 v12, $0.0e+00  }
0x2e4: {  	v18 =	vadd.f32 v15, v7;
	[tilespmem:s8+$0x40] =	vst v12;
	v12 =	vld [tilespmem:s8+$0x50]  }
0x2e5: {  	v15 =	vld [tilespmem:s21+$0x50]  }
0x2e6: {  	v16 =	vld [tilespmem:s23+$0xFFFFFFC0];
	v11 =	vadd.f32 v11, v8;
	v17 =	vmax.f32 v18, $0.0e+00  }
0x2e7: {  	v8 =	vld [tilespmem:s23+$0xFFFFFFD0];
	[tilespmem:s8+$0xFFFFFFB0] =	vst v17;
	v7 =	vmov v9  }
0x2e8: {  	v9 =	vadd.f32 v13, v10;
	v10 =	vmax.f32 v11, $0.0e+00;
	v11 =	vld [tilespmem:s21+$0xFFFFFFC0]  }
0x2e9: {  	[tilespmem:s23+$0x10] =	vst v10;
	v10 =	vld [tilespmem:s23+$0x20]  }
0x2ea: {  	v9 =	vmax.f32 v9, $0.0e+00;
	v13 =	vld [tilespmem:s11+$0x20];
	v12 =	vadd.f32 v15, v12  }
0x2eb: {  	[tilespmem:s23+$0xFFFFFF90] =	vst v9;
	v15 =	vld [tilespmem:s9+$0xFFFFFFE0]  }
0x2ec: {  	v17 =	vld [tilespmem:s11+$0xFFFFFFA0];
	v9 =	vmax.f32 v12, $0.0e+00  }
0x2ed: {  	v11 =	vadd.f32 v11, v5;
	[tilespmem:s8+$0x50] =	vst v9;
	v18 =	vld [tilespmem:s8+$0x60];
	v5 =	vmov v16  }
0x2ee: {  	v16 =	vld [tilespmem:s21+$0x60]  }
0x2ef: {  	v19 =	vld [tilespmem:s23+$0xFFFFFFE0];
	v10 =	vadd.f32 v13, v10;
	v11 =	vmax.f32 v11, $0.0e+00  }
0x2f0: {  	v9 =	vld [tilespmem:s23+$0xFFFFFFF0];
	[tilespmem:s8+$0xFFFFFFC0] =	vst v11;
	v11 =	vadd.f32 v15, v4;
	v4 =	vmov v6  }
.Ltmp5:
0x2f1: {  	v20 =	vadd.f32 v17, v14;
	v10 =	vmax.f32 v10, $0.0e+00;
	v12 =	vld [tilespmem:s21+$0xFFFFFFD0];
	(pc) =	sbr.rel @p0 .LBB2_12-.Ltmp5, $4  }
0x2f2: {  	[tilespmem:s23+$0x20] =	vst v10;
	v13 =	vld [tilespmem:s23+$0x30];
	v10 =	vmax.f32 v11, $0.0e+00  }
0x2f3: {  	v17 =	vmax.f32 v20, $0.0e+00;
	v15 =	vld [tilespmem:s11+$0x30];
	v14 =	vadd.f32 v16, v18;
	[tilespmem:s7+$0xFFFFFFE0] =	vst v10  }
0x2f4: {  	[tilespmem:s23+$0xFFFFFFA0] =	vst v17;
	v11 =	vld [tilespmem:s9+$0xFFFFFFF0];
	v6 =	vmov v19;
	s9 =	smov.u32 s21;
	s21 =	smov.u32 s11  }
0x2f5: {  	s23 =	sadd.s32 $0x100, s23;
	v14 =	vmax.f32 v14, $0.0e+00;
	v10 =	vld [tilespmem:s8+$0x70]  }
0x2f6: {  	v16 =	vld [tilespmem:s21+$0xFFFFFFB0];
	_ =	sdelay $0x3  }
0x2f7: {  	v13 =	vadd.f32 v15, v13  }
0x2f8: {  	v7 =	vadd.f32 v16, v7  }
0x2f9: {  	v13 =	vmax.f32 v13, $0.0e+00  }
0x2fa: {  	[tilespmem:s10+$0x30] =	vst v13;
	v13 =	vld [tilespmem:s10+$0x40];
	v7 =	vmax.f32 v7, $0.0e+00  }
0x2fb: {  	v15 =	vld [tilespmem:s21+$0x40];
	[tilespmem:s10+$0xFFFFFFB0] =	vst v7  }
0x2fc: {  	v7 =	vld [tilespmem:s21+$0xFFFFFFC0];
	_ =	sdelay $0x3  }
0x2fd: {  	v13 =	vadd.f32 v15, v13  }
0x2fe: {  	v5 =	vadd.f32 v7, v5  }
0x2ff: {  	v13 =	vmax.f32 v13, $0.0e+00  }
0x300: {  	[tilespmem:s10+$0x40] =	vst v13;
	v7 =	vld [tilespmem:s10+$0x50];
	v5 =	vmax.f32 v5, $0.0e+00  }
0x301: {  	v13 =	vld [tilespmem:s21+$0x50];
	[tilespmem:s10+$0xFFFFFFC0] =	vst v5  }
0x302: {  	v5 =	vld [tilespmem:s21+$0xFFFFFFD0];
	_ =	sdelay $0x1  }
0x303: {  	v3 =	vadd.f32 v12, v3;
	_ =	sdelay $0x1  }
0x304: {  	v3 =	vmax.f32 v3, $0.0e+00;
	v7 =	vadd.f32 v13, v7  }
0x305: {  	[tilespmem:s8+$0xFFFFFFD0] =	vst v3;
	v5 =	vadd.f32 v5, v8  }
0x306: {  	v3 =	vmax.f32 v7, $0.0e+00;
	v7 =	vld [tilespmem:s9+$0xFFFFFFE0]  }
0x307: {  	[tilespmem:s10+$0x50] =	vst v3;
	v3 =	vld [tilespmem:s10+$0x60];
	v5 =	vmax.f32 v5, $0.0e+00  }
0x308: {  	v8 =	vld [tilespmem:s21+$0x60];
	[tilespmem:s10+$0xFFFFFFD0] =	vst v5  }
0x309: {  	v5 =	vld [tilespmem:s21+$0xFFFFFFE0];
	_ =	sdelay $0x2  }
0x30a: {  	v4 =	vadd.f32 v7, v4  }
0x30b: {  	[tilespmem:s8+$0x60] =	vst v14;
	v3 =	vadd.f32 v8, v3  }
0x30c: {  	v7 =	vld [tilespmem:s9+$0x70];
	v4 =	vmax.f32 v4, $0.0e+00;
	v5 =	vadd.f32 v5, v6  }
0x30d: {  	[tilespmem:s8+$0xFFFFFFE0] =	vst v4;
	v4 =	vld [tilespmem:s10+$0x70];
	v3 =	vmax.f32 v3, $0.0e+00  }
0x30e: {  	v6 =	vld [tilespmem:s9+$0xFFFFFFF0];
	[tilespmem:s10+$0x60] =	vst v3;
	v3 =	vmax.f32 v5, $0.0e+00  }
0x30f: {  	v5 =	vld [tilespmem:s21+$0x70];
	[tilespmem:s10+$0xFFFFFFE0] =	vst v3  }
0x310: {  	v3 =	vld [tilespmem:s21+$0xFFFFFFF0]  }
0x311: {  	v1 =	vadd.f32 v11, v1  }
0x312: {  	v7 =	vadd.f32 v7, v10  }
0x313: {  	v1 =	vmax.f32 v1, $0.0e+00;
	v2 =	vadd.f32 v6, v2  }
0x314: {  	[tilespmem:s7+$0xFFFFFFF0] =	vst v1;
	v1 =	vmax.f32 v7, $0.0e+00;
	v4 =	vadd.f32 v5, v4  }
0x315: {  	[tilespmem:s8+$0x70] =	vst v1;
	v1 =	vmax.f32 v2, $0.0e+00;
	v2 =	vadd.f32 v3, v9  }
0x316: {  	[tilespmem:s8+$0xFFFFFFF0] =	vst v1;
	v1 =	vmax.f32 v4, $0.0e+00  }
0x317: {  	[tilespmem:s10+$0x70] =	vst v1;
	v1 =	vmax.f32 v2, $0.0e+00  }
0x318: {  	[tilespmem:s10+$0xFFFFFFF0] =	vst v1  }
0x319: {  	[spmem:s2] =	stream.indirect.scatter.add.f32 [tilespmem:s13], [sflag:$0x2], $0x80, s18, s0, $0xb8;
	[tilespmem:$0x1F100] =	vst v63  }
0x31a: {  	_ =	swait.ge [sflag:s29], $0x2800  }
0x31b: {  	[sflag:s29] =	ssyncset.done $0x0  }
0x31c: {  	[sflag:s29] =	ssyncadd.s32 $0xFFFFD800  }
0x31d: {  	_ =	swait.ge [sflag:s29], $0x2800  }
0x31e: {  	[sflag:s29] =	ssyncset.done $0x0  }
0x31f: {  	[sflag:s29] =	ssyncadd.s32 $0xFFFFD800  }
0x320: {  	v1 =	vld [tilespmem:$0xF80]  }
0x321: {  	v2 =	vld [tilespmem:$0xF90]  }
0x322: {  	v3 =	vld [tilespmem:$0xFA0]  }
0x323: {  	v4 =	vld [tilespmem:$0xFB0]  }
0x324: {  	v5 =	vld [tilespmem:$0xFC0]  }
0x325: {  	[tilespmem:$0x1000] =	vst v1  }
0x326: {  	[tilespmem:$0x1010] =	vst v2  }
0x327: {  	[tilespmem:$0x1020] =	vst v3  }
0x328: {  	[tilespmem:$0x1030] =	vst v4  }
0x329: {  	s7 =	simm.s32 $0x1180;
	[tilespmem:$0x1040] =	vst v5  }
0x32a: {  	s26 =	simm.s32 $0x6180;
	v1 =	vld [tilespmem:s7+$0x0]  }
0x32b: {  	v2 =	vld [tilespmem:s26+$0x0];
	_ =	sdelay $0x4  }
0x32c: {  	v1 =	vadd.f32 v2, v1;
	_ =	sdelay $0x1  }
0x32d: {  	v1 =	vmax.f32 v1, $0.0e+00  }
0x32e: {  	[tilespmem:s7+$0x0] =	vst v1;
	v1 =	vld [tilespmem:s7+$0x10]  }
0x32f: {  	v2 =	vld [tilespmem:s26+$0x10];
	_ =	sdelay $0x3  }
0x330: {  	v3 =	vld [tilespmem:s7+$0xFFFFFF80]  }
0x331: {  	v1 =	vadd.f32 v2, v1;
	v2 =	vld [tilespmem:s26+$0xFFFFFF80];
	_ =	sdelay $0x1  }
0x332: {  	v1 =	vmax.f32 v1, $0.0e+00  }
0x333: {  	[tilespmem:s7+$0x10] =	vst v1;
	v1 =	vld [tilespmem:s7+$0x20]  }
0x334: {  	v4 =	vld [tilespmem:s26+$0x20]  }
0x335: {  	s8 =	simm.s32 $0x1280;
	v5 =	vld [tilespmem:s7+$0xFFFFFFA0];
	v2 =	vadd.f32 v2, v3  }
0x336: {  	v7 =	vld [tilespmem:s8+$0x0]  }
0x337: {  	v8 =	vld [tilespmem:s7+$0xFFFFFFC0];
	v2 =	vmax.f32 v2, $0.0e+00  }
0x338: {  	v3 =	vld [tilespmem:s7+$0xFFFFFF90];
	[tilespmem:s7+$0xFFFFFF80] =	vst v2  }
0x339: {  	v1 =	vadd.f32 v4, v1;
	v2 =	vld [tilespmem:s26+$0xFFFFFF90]  }
0x33a: {  	v9 =	vld [tilespmem:s7+$0xFFFFFFD0]  }
0x33b: {  	v10 =	vld [tilespmem:s7+$0x40];
	v1 =	vmax.f32 v1, $0.0e+00  }
0x33c: {  	[tilespmem:s7+$0x20] =	vst v1;
	v1 =	vld [tilespmem:s7+$0x30]  }
0x33d: {  	v6 =	vld [tilespmem:s26+$0x30]  }
0x33e: {  	s9 =	simm.s32 $0x6280;
	v11 =	vld [tilespmem:s8+$0x10];
	v2 =	vadd.f32 v2, v3  }
0x33f: {  	v3 =	vld [tilespmem:s9+$0x0]  }
0x340: {  	s11 =	simm.s32 $0x6380;
	v13 =	vld [tilespmem:s7+$0xFFFFFFE0];
	v2 =	vmax.f32 v2, $0.0e+00  }
0x341: {  	v17 =	vld [tilespmem:s11+$0xFFFFFF80];
	[tilespmem:s7+$0xFFFFFF90] =	vst v2  }
0x342: {  	v1 =	vadd.f32 v6, v1;
	v2 =	vld [tilespmem:s26+$0xFFFFFFA0]  }
0x343: {  	v6 =	vld [tilespmem:s9+$0xFFFFFF80]  }
0x344: {  	s10 =	simm.s32 $0x1380;
	v3 =	vadd.f32 v3, v7;
	v7 =	vld [tilespmem:s8+$0xFFFFFF80];
	v1 =	vmax.f32 v1, $0.0e+00  }
0x345: {  	v18 =	vld [tilespmem:s10+$0xFFFFFF80];
	[tilespmem:s7+$0x30] =	vst v1  }
0x346: {  	v1 =	vmax.f32 v3, $0.0e+00;
	v3 =	vld [tilespmem:s26+$0x40]  }
0x347: {  	v19 =	vld [tilespmem:s10+$0xFFFFFF90];
	[tilespmem:s8+$0x0] =	vst v1  }
0x348: {  	v12 =	vld [tilespmem:s9+$0x10];
	v2 =	vadd.f32 v2, v5  }
0x349: {  	v63 =	vld [tilespmem:s8+$0x60];
	v5 =	vadd.f32 v6, v7  }
0x34a: {  	v4 =	vld [tilespmem:s7+$0xFFFFFFB0];
	v2 =	vmax.f32 v2, $0.0e+00  }
0x34b: {  	v6 =	vld [tilespmem:s8+$0xFFFFFF90];
	[tilespmem:s7+$0xFFFFFFA0] =	vst v2;
	v2 =	vmax.f32 v5, $0.0e+00;
	v3 =	vadd.f32 v3, v10  }
0x34c: {  	v5 =	vld [tilespmem:s26+$0xFFFFFFB0];
	[tilespmem:s8+$0xFFFFFF80] =	vst v2  }
0x34d: {  	v10 =	vld [tilespmem:s9+$0xFFFFFF90];
	v2 =	vmax.f32 v3, $0.0e+00;
	v3 =	vadd.f32 v12, v11  }
0x34e: {  	v12 =	vld [tilespmem:s8+$0x20]  }
0x34f: {  	[tilespmem:s7+$0x40] =	vst v2;
	v2 =	vld [tilespmem:s7+$0x50];
	v3 =	vmax.f32 v3, $0.0e+00  }
0x350: {  	v11 =	vld [tilespmem:s26+$0x50];
	[tilespmem:s8+$0x10] =	vst v3  }
0x351: {  	v3 =	vadd.f32 v5, v4;
	v14 =	vld [tilespmem:s9+$0x20]  }
0x352: {  	v1 =	vld [tilespmem:s7+$0xFFFFFFF0]  }
0x353: {  	v7 =	vld [tilespmem:s8+$0xFFFFFFA0];
	v4 =	vadd.f32 v10, v6;
	v10 =	vmax.f32 v3, $0.0e+00  }
0x354: {  	v5 =	vld [tilespmem:s8+$0xFFFFFFB0];
	[tilespmem:s7+$0xFFFFFFB0] =	vst v10  }
0x355: {  	v2 =	vadd.f32 v11, v2;
	v11 =	vld [tilespmem:s26+$0xFFFFFFC0]  }
0x356: {  	v6 =	vld [tilespmem:s8+$0xFFFFFFC0];
	v4 =	vmax.f32 v4, $0.0e+00;
	v10 =	vadd.f32 v14, v12  }
0x357: {  	v3 =	vld [tilespmem:s8+$0xFFFFFFD0];
	[tilespmem:s8+$0xFFFFFF90] =	vst v4;
	v2 =	vmax.f32 v2, $0.0e+00  }
0x358: {  	v4 =	vld [tilespmem:s8+$0xFFFFFFE0];
	[tilespmem:s7+$0x50] =	vst v2;
	v2 =	vmax.f32 v10, $0.0e+00  }
0x359: {  	v14 =	vld [tilespmem:s8+$0x30];
	[tilespmem:s8+$0x20] =	vst v2  }
0x35a: {  	v8 =	vadd.f32 v11, v8;
	v15 =	vld [tilespmem:s9+$0x30]  }
0x35b: {  	v12 =	vld [tilespmem:s9+$0xFFFFFFA0]  }
0x35c: {  	v11 =	vld [tilespmem:s10+$0x0];
	v8 =	vmax.f32 v8, $0.0e+00  }
0x35d: {  	[tilespmem:s7+$0xFFFFFFC0] =	vst v8;
	v8 =	vld [tilespmem:s11+$0x0]  }
0x35e: {  	v10 =	vld [tilespmem:s7+$0x60]  }
0x35f: {  	v16 =	vld [tilespmem:s26+$0x60];
	v14 =	vadd.f32 v15, v14  }
0x360: {  	v2 =	vld [tilespmem:s8+$0xFFFFFFF0]  }
0x361: {  	v7 =	vadd.f32 v12, v7;
	v12 =	vld [tilespmem:s8+$0x40];
	v14 =	vmax.f32 v14, $0.0e+00  }
0x362: {  	v15 =	vld [tilespmem:s26+$0xFFFFFFD0];
	v8 =	vadd.f32 v8, v11;
	[tilespmem:s8+$0x30] =	vst v14  }
0x363: {  	v7 =	vmax.f32 v7, $0.0e+00;
	v14 =	vld [tilespmem:s9+$0x40]  }
0x364: {  	[tilespmem:s8+$0xFFFFFFA0] =	vst v7;
	v11 =	vld [tilespmem:s7+$0x70];
	v7 =	vmax.f32 v8, $0.0e+00;
	v8 =	vadd.f32 v16, v10  }
0x365: {  	v10 =	vld [tilespmem:s9+$0xFFFFFFB0]  }
0x366: {  	v16 =	vld [tilespmem:s10+$0x10];
	[tilespmem:s10+$0x0] =	vst v7;
	v7 =	vadd.f32 v17, v18;
	v8 =	vmax.f32 v8, $0.0e+00  }
0x367: {  	v17 =	vld [tilespmem:s11+$0x10];
	[tilespmem:s7+$0x60] =	vst v8  }
0x368: {  	v7 =	vmax.f32 v7, $0.0e+00;
	v62 =	vld [tilespmem:s26+$0x70];
	v12 =	vadd.f32 v14, v12  }
0x369: {  	[tilespmem:s10+$0xFFFFFF80] =	vst v7;
	v14 =	vld [tilespmem:s10+$0xFFFFFFA0]  }
0x36a: {  	v8 =	vld [tilespmem:s11+$0xFFFFFF90];
	v7 =	vmax.f32 v12, $0.0e+00  }
0x36b: {  	v5 =	vadd.f32 v10, v5;
	v10 =	vld [tilespmem:s8+$0x50];
	[tilespmem:s8+$0x40] =	vst v7  }
0x36c: {  	v16 =	vadd.f32 v17, v16;
	v12 =	vld [tilespmem:s9+$0x50]  }
0x36d: {  	v5 =	vmax.f32 v5, $0.0e+00;
	v17 =	vld [tilespmem:s10+$0x20]  }
0x36e: {  	v9 =	vadd.f32 v15, v9;
	v7 =	vld [tilespmem:s10+$0xFFFFFFB0];
	[tilespmem:s8+$0xFFFFFFB0] =	vst v5;
	v16 =	vmax.f32 v16, $0.0e+00  }
0x36f: {  	v15 =	vld [tilespmem:s9+$0xFFFFFFC0];
	[tilespmem:s10+$0x10] =	vst v16;
	v16 =	vadd.f32 v8, v19  }
0x370: {  	v5 =	vld [tilespmem:s10+$0xFFFFFFC0];
	v8 =	vmax.f32 v9, $0.0e+00  }
0x371: {  	v9 =	vld [tilespmem:s11+$0x20];
	[tilespmem:s7+$0xFFFFFFD0] =	vst v8;
	v10 =	vadd.f32 v12, v10;
	v12 =	vmax.f32 v16, $0.0e+00  }
0x372: {  	[tilespmem:s10+$0xFFFFFF90] =	vst v12;
	v12 =	vld [tilespmem:s26+$0xFFFFFFE0]  }
0x373: {  	v8 =	vld [tilespmem:s10+$0xFFFFFFD0];
	v10 =	vmax.f32 v10, $0.0e+00  }
0x374: {  	v16 =	vld [tilespmem:s11+$0xFFFFFFA0];
	[tilespmem:s8+$0x50] =	vst v10;
	v10 =	vadd.f32 v15, v6  }
0x375: {  	v20 =	vld [tilespmem:s9+$0x60]  }
0x376: {  	v15 =	vadd.f32 v9, v17;
	v6 =	vld [tilespmem:s10+$0xFFFFFFE0];
	v9 =	vmax.f32 v10, $0.0e+00  }
0x377: {  	[tilespmem:s8+$0xFFFFFFC0] =	vst v9;
	v10 =	vadd.f32 v12, v13;
	v9 =	vld [tilespmem:s10+$0xFFFFFFF0]  }
0x378: {  	v11 =	vadd.f32 v62, v11;
	v13 =	vmax.f32 v15, $0.0e+00;
	v12 =	vld [tilespmem:s9+$0xFFFFFFD0]  }
0x379: {  	[tilespmem:s10+$0x20] =	vst v13;
	v14 =	vadd.f32 v16, v14;
	v13 =	vld [tilespmem:s10+$0x30];
	v10 =	vmax.f32 v10, $0.0e+00  }
0x37a: {  	v11 =	vmax.f32 v11, $0.0e+00;
	v15 =	vld [tilespmem:s11+$0x30];
	v16 =	vadd.f32 v20, v63;
	[tilespmem:s7+$0xFFFFFFE0] =	vst v10  }
0x37b: {  	[tilespmem:s7+$0x70] =	vst v11;
	v10 =	vmax.f32 v14, $0.0e+00;
	v11 =	vld [tilespmem:s26+$0xFFFFFFF0]  }
0x37c: {  	s22 =	simm.s32 $0x4;
	s23 =	simm.s32 $0x1480;
	s21 =	simm.s32 $0x6380;
	[tilespmem:s10+$0xFFFFFFA0] =	vst v10;
	v10 =	vld [tilespmem:s8+$0x70];
	v14 =	vmax.f32 v16, $0.0e+00  }
.LBB2_14:
0x37d: {  	v16 =	vld [tilespmem:s23+$0x0];
	v12 =	vadd.f32 v12, v3;
	[tilespmem:s8+$0x60] =	vst v14;
	v3 =	vmov v8  }
0x37e: {  	s11 =	sadd.s32 $0x100, s11;
	v8 =	vld [tilespmem:s9+$0x70]  }
0x37f: {  	s22 =	sadd.s32 $0x2, s22;
	v14 =	vld [tilespmem:s11+$0x0];
	v13 =	vadd.f32 v15, v13;
	v12 =	vmax.f32 v12, $0.0e+00  }
0x380: {  	p0 =	slt.u32 s22, $0x4E;
	v15 =	vld [tilespmem:s11+$0xFFFFFF80];
	[tilespmem:s8+$0xFFFFFFD0] =	vst v12;
	v11 =	vadd.f32 v11, v1;
	v1 =	vmov v2;
	v2 =	vmov v9  }
0x381: {  	v9 =	vld [tilespmem:s23+$0xFFFFFF80];
	v12 =	vmax.f32 v13, $0.0e+00  }
0x382: {  	[tilespmem:s10+$0x30] =	vst v12;
	v12 =	vld [tilespmem:s10+$0x40];
	v11 =	vmax.f32 v11, $0.0e+00  }
0x383: {  	v13 =	vld [tilespmem:s21+$0x40];
	v8 =	vadd.f32 v8, v10;
	[tilespmem:s7+$0xFFFFFFF0] =	vst v11;
	s7 =	smov.u32 s8;
	s8 =	smov.u32 s10;
	s10 =	smov.u32 s23  }
0x384: {  	v10 =	vld [tilespmem:s23+$0xFFFFFF90];
	v11 =	vadd.f32 v14, v16  }
0x385: {  	v14 =	vld [tilespmem:s23+$0xFFFFFFA0];
	v8 =	vmax.f32 v8, $0.0e+00  }
0x386: {  	v9 =	vadd.f32 v15, v9;
	v11 =	vmax.f32 v11, $0.0e+00;
	v15 =	vld [tilespmem:s21+$0xFFFFFFB0];
	[tilespmem:s7+$0x70] =	vst v8  }
0x387: {  	[tilespmem:s23+$0x0] =	vst v11;
	v8 =	vld [tilespmem:s23+$0x10]  }
0x388: {  	v9 =	vmax.f32 v9, $0.0e+00;
	v11 =	vld [tilespmem:s11+$0x10];
	v12 =	vadd.f32 v13, v12  }
0x389: {  	[tilespmem:s23+$0xFFFFFF80] =	vst v9;
	v9 =	vld [tilespmem:s23+$0xFFFFFFB0]  }
0x38a: {  	v13 =	vld [tilespmem:s11+$0xFFFFFF90];
	v12 =	vmax.f32 v12, $0.0e+00  }
0x38b: {  	v18 =	vadd.f32 v15, v7;
	[tilespmem:s8+$0x40] =	vst v12;
	v12 =	vld [tilespmem:s8+$0x50]  }
0x38c: {  	v15 =	vld [tilespmem:s21+$0x50]  }
0x38d: {  	v16 =	vld [tilespmem:s23+$0xFFFFFFC0];
	v11 =	vadd.f32 v11, v8;
	v17 =	vmax.f32 v18, $0.0e+00  }
0x38e: {  	v8 =	vld [tilespmem:s23+$0xFFFFFFD0];
	[tilespmem:s8+$0xFFFFFFB0] =	vst v17;
	v7 =	vmov v9  }
0x38f: {  	v9 =	vadd.f32 v13, v10;
	v10 =	vmax.f32 v11, $0.0e+00;
	v11 =	vld [tilespmem:s21+$0xFFFFFFC0]  }
0x390: {  	[tilespmem:s23+$0x10] =	vst v10;
	v10 =	vld [tilespmem:s23+$0x20]  }
0x391: {  	v9 =	vmax.f32 v9, $0.0e+00;
	v13 =	vld [tilespmem:s11+$0x20];
	v12 =	vadd.f32 v15, v12  }
0x392: {  	[tilespmem:s23+$0xFFFFFF90] =	vst v9;
	v15 =	vld [tilespmem:s9+$0xFFFFFFE0]  }
0x393: {  	v17 =	vld [tilespmem:s11+$0xFFFFFFA0];
	v9 =	vmax.f32 v12, $0.0e+00  }
0x394: {  	v11 =	vadd.f32 v11, v5;
	[tilespmem:s8+$0x50] =	vst v9;
	v18 =	vld [tilespmem:s8+$0x60];
	v5 =	vmov v16  }
0x395: {  	v16 =	vld [tilespmem:s21+$0x60]  }
0x396: {  	v19 =	vld [tilespmem:s23+$0xFFFFFFE0];
	v10 =	vadd.f32 v13, v10;
	v11 =	vmax.f32 v11, $0.0e+00  }
0x397: {  	v9 =	vld [tilespmem:s23+$0xFFFFFFF0];
	[tilespmem:s8+$0xFFFFFFC0] =	vst v11;
	v11 =	vadd.f32 v15, v4;
	v4 =	vmov v6  }
.Ltmp6:
0x398: {  	v20 =	vadd.f32 v17, v14;
	v10 =	vmax.f32 v10, $0.0e+00;
	v12 =	vld [tilespmem:s21+$0xFFFFFFD0];
	(pc) =	sbr.rel @p0 .LBB2_14-.Ltmp6, $4  }
0x399: {  	[tilespmem:s23+$0x20] =	vst v10;
	v13 =	vld [tilespmem:s23+$0x30];
	v10 =	vmax.f32 v11, $0.0e+00  }
0x39a: {  	v17 =	vmax.f32 v20, $0.0e+00;
	v15 =	vld [tilespmem:s11+$0x30];
	v14 =	vadd.f32 v16, v18;
	[tilespmem:s7+$0xFFFFFFE0] =	vst v10  }
0x39b: {  	[tilespmem:s23+$0xFFFFFFA0] =	vst v17;
	v11 =	vld [tilespmem:s9+$0xFFFFFFF0];
	v6 =	vmov v19;
	s9 =	smov.u32 s21;
	s21 =	smov.u32 s11  }
0x39c: {  	s23 =	sadd.s32 $0x100, s23;
	v14 =	vmax.f32 v14, $0.0e+00;
	v10 =	vld [tilespmem:s8+$0x70]  }
0x39d: {  	v16 =	vld [tilespmem:s21+$0xFFFFFFB0];
	_ =	sdelay $0x3  }
0x39e: {  	v13 =	vadd.f32 v15, v13  }
0x39f: {  	v7 =	vadd.f32 v16, v7  }
0x3a0: {  	v13 =	vmax.f32 v13, $0.0e+00  }
0x3a1: {  	v55 =	vld [tilespmem:s10+$0x40];
	[tilespmem:s10+$0x30] =	vst v13;
	v7 =	vmax.f32 v7, $0.0e+00  }
0x3a2: {  	v56 =	vld [tilespmem:s21+$0x40];
	[tilespmem:s10+$0xFFFFFFB0] =	vst v7  }
0x3a3: {  	v7 =	vld [tilespmem:s21+$0xFFFFFFC0];
	_ =	sdelay $0x3  }
0x3a4: {  	v13 =	vadd.f32 v56, v55  }
0x3a5: {  	v5 =	vadd.f32 v7, v5  }
0x3a6: {  	v13 =	vmax.f32 v13, $0.0e+00  }
0x3a7: {  	v57 =	vld [tilespmem:s10+$0x50];
	[tilespmem:s10+$0x40] =	vst v13;
	v5 =	vmax.f32 v5, $0.0e+00  }
0x3a8: {  	v13 =	vld [tilespmem:s21+$0x50];
	[tilespmem:s10+$0xFFFFFFC0] =	vst v5  }
0x3a9: {  	v5 =	vld [tilespmem:s21+$0xFFFFFFD0];
	_ =	sdelay $0x1  }
0x3aa: {  	v3 =	vadd.f32 v12, v3;
	_ =	sdelay $0x1  }
0x3ab: {  	v3 =	vmax.f32 v3, $0.0e+00;
	v7 =	vadd.f32 v13, v57  }
0x3ac: {  	[tilespmem:s8+$0xFFFFFFD0] =	vst v3;
	v5 =	vadd.f32 v5, v8  }
0x3ad: {  	v58 =	vld [tilespmem:s9+$0xFFFFFFE0];
	v3 =	vmax.f32 v7, $0.0e+00  }
0x3ae: {  	[tilespmem:s10+$0x50] =	vst v3;
	v3 =	vld [tilespmem:s10+$0x60];
	v5 =	vmax.f32 v5, $0.0e+00  }
0x3af: {  	v59 =	vld [tilespmem:s21+$0x60];
	[tilespmem:s10+$0xFFFFFFD0] =	vst v5  }
0x3b0: {  	v5 =	vld [tilespmem:s21+$0xFFFFFFE0];
	_ =	sdelay $0x2  }
0x3b1: {  	v4 =	vadd.f32 v58, v4  }
0x3b2: {  	v3 =	vadd.f32 v59, v3  }
0x3b3: {  	[tilespmem:s8+$0x60] =	vst v14;
	v61 =	vld [tilespmem:s10+$0x70];
	v4 =	vmax.f32 v4, $0.0e+00;
	v5 =	vadd.f32 v5, v6  }
0x3b4: {  	v60 =	vld [tilespmem:s9+$0x70];
	[tilespmem:s8+$0xFFFFFFE0] =	vst v4;
	v3 =	vmax.f32 v3, $0.0e+00  }
0x3b5: {  	v62 =	vld [tilespmem:s9+$0xFFFFFFF0];
	[tilespmem:s10+$0x60] =	vst v3;
	v3 =	vmax.f32 v5, $0.0e+00  }
0x3b6: {  	v63 =	vld [tilespmem:s21+$0x70];
	[tilespmem:s10+$0xFFFFFFE0] =	vst v3  }
0x3b7: {  	v3 =	vld [tilespmem:s21+$0xFFFFFFF0]  }
0x3b8: {  	v1 =	vadd.f32 v11, v1  }
0x3b9: {  	v7 =	vadd.f32 v60, v10  }
0x3ba: {  	v1 =	vmax.f32 v1, $0.0e+00;
	v2 =	vadd.f32 v62, v2  }
0x3bb: {  	[tilespmem:s7+$0xFFFFFFF0] =	vst v1;
	v1 =	vmax.f32 v7, $0.0e+00;
	v4 =	vadd.f32 v63, v61  }
0x3bc: {  	[tilespmem:s8+$0x70] =	vst v1;
	v1 =	vmax.f32 v2, $0.0e+00;
	v2 =	vadd.f32 v3, v9  }
0x3bd: {  	[tilespmem:s8+$0xFFFFFFF0] =	vst v1;
	v1 =	vmax.f32 v4, $0.0e+00  }
0x3be: {  	[tilespmem:s10+$0x70] =	vst v1;
	v1 =	vmax.f32 v2, $0.0e+00  }
0x3bf: {  	s26 =	simm.s32 $0x1;
	[tilespmem:s10+$0xFFFFFFF0] =	vst v1  }
0x3c0: {  	[spmem:s2] =	stream.indirect.scatter.add.f32 [tilespmem:s28], [sflag:$0x2], $0x80, s16, s0, $0xb8;
	[tilespmem:$0x1F100] =	vst v63  }
.LBB2_16:
0x3c1: {  	s7 =	smul.u32 $0x7D0, s26;
	_ =	sdelay $0x1  }
0x3c2: {  	s7 =	sadd.s32 s12, s7  }
0x3c3: {  	s7 =	sshrl.u32 s7, $0x3  }
0x3c4: {  	s7 =	sadd.s32 s6, s7  }
0x3c5: {  	[tilespmem:s4], [sflag:$0x3] =	stream.linear.gather [hbm4b:s7+s4], $0x7D0, $0x38;
	[tilespmem:$0x1F100] =	vst v63  }
0x3c6: {  	_ =	swait.ge [sflag:s30], $0x7D0  }
0x3c7: {  	[sflag:s30] =	ssyncset.done $0x0  }
0x3c8: {  	s7 =	sadd.s32 $0x9C40, s7;
	[sflag:s30] =	ssyncadd.s32 $0xFFFFF830  }
0x3c9: {  	[tilespmem:s31], [sflag:$0x3] =	stream.linear.gather [hbm4b:s7+s4], $0x7D0, $0x38;
	[tilespmem:$0x1F100] =	vst v63  }
0x3ca: {  	_ =	swait.ge [sflag:s30], $0x7D0  }
0x3cb: {  	[sflag:s30] =	ssyncset.done $0x0  }
0x3cc: {  	[sflag:s30] =	ssyncadd.s32 $0xFFFFF830  }
0x3cd: {  	_ =	swait.ge [sflag:s17], $0x2800  }
0x3ce: {  	[sflag:s17] =	ssyncset.done $0x0  }
0x3cf: {  	[sflag:s17] =	ssyncadd.s32 $0xFFFFD800  }
0x3d0: {  	[tilespmem:s28], [sflag:$0x1] =	stream.indirect.gather [hbm4b:s1+s0], $0x80, s4, s0, $0xb8;
	[tilespmem:$0x1F100] =	vst v63  }
0x3d1: {  	_ = 	snop  }
0x3d2: {  	[tilespmem:s3], [sflag:$0x1] =	stream.indirect.gather [hbm4b:s5+s0], $0x80, s31, s0, $0xb8;
	[tilespmem:$0x1F100] =	vst v63  }
0x3d3: {  	_ =	swait.ge [sflag:s17], $0x2800  }
0x3d4: {  	[sflag:s17] =	ssyncset.done $0x0  }
0x3d5: {  	[sflag:s17] =	ssyncadd.s32 $0xFFFFD800  }
0x3d6: {  	[tilespmem:s13], [sflag:$0x1] =	stream.indirect.gather [hbm4b:s1+s0], $0x80, s0, s0, $0xb8;
	[tilespmem:$0x1F100] =	vst v63  }
0x3d7: {  	s25 =	simm.s32 $0x850  }
0x3d8: {  	[tilespmem:s15], [sflag:$0x1] =	stream.indirect.gather [hbm4b:s5+s0], $0x80, s25, s0, $0xb8;
	[tilespmem:$0x1F100] =	vst v63  }
0x3d9: {  	_ =	swait.ge [sflag:s29], $0x2800  }
0x3da: {  	[sflag:s29] =	ssyncset.done $0x0  }
0x3db: {  	[sflag:s29] =	ssyncadd.s32 $0xFFFFD800  }
0x3dc: {  	_ =	swait.ge [sflag:s29], $0x2800  }
0x3dd: {  	[sflag:s29] =	ssyncset.done $0x0  }
0x3de: {  	[sflag:s29] =	ssyncadd.s32 $0xFFFFD800  }
0x3df: {  	v1 =	vld [tilespmem:$0x800]  }
0x3e0: {  	v2 =	vld [tilespmem:$0x810]  }
0x3e1: {  	v3 =	vld [tilespmem:$0x820]  }
0x3e2: {  	v4 =	vld [tilespmem:$0x830]  }
0x3e3: {  	v5 =	vld [tilespmem:$0x840]  }
0x3e4: {  	[tilespmem:$0x1000] =	vst v1  }
0x3e5: {  	[tilespmem:$0x1010] =	vst v2  }
0x3e6: {  	[tilespmem:$0x1020] =	vst v3  }
0x3e7: {  	[tilespmem:$0x1030] =	vst v4  }
0x3e8: {  	s7 =	simm.s32 $0x1180;
	[tilespmem:$0x1040] =	vst v5  }
0x3e9: {  	s21 =	simm.s32 $0x6180;
	v1 =	vld [tilespmem:s7+$0x0]  }
0x3ea: {  	v2 =	vld [tilespmem:s21+$0x0];
	_ =	sdelay $0x4  }
0x3eb: {  	v1 =	vadd.f32 v2, v1;
	_ =	sdelay $0x1  }
0x3ec: {  	v1 =	vmax.f32 v1, $0.0e+00  }
0x3ed: {  	[tilespmem:s7+$0x0] =	vst v1;
	v1 =	vld [tilespmem:s7+$0x10]  }
0x3ee: {  	v2 =	vld [tilespmem:s21+$0x10];
	_ =	sdelay $0x3  }
0x3ef: {  	v3 =	vld [tilespmem:s7+$0xFFFFFF80]  }
0x3f0: {  	v1 =	vadd.f32 v2, v1;
	v2 =	vld [tilespmem:s21+$0xFFFFFF80];
	_ =	sdelay $0x1  }
0x3f1: {  	v1 =	vmax.f32 v1, $0.0e+00  }
0x3f2: {  	[tilespmem:s7+$0x10] =	vst v1;
	v1 =	vld [tilespmem:s7+$0x20]  }
0x3f3: {  	v4 =	vld [tilespmem:s21+$0x20]  }
0x3f4: {  	s8 =	simm.s32 $0x1280;
	v5 =	vld [tilespmem:s7+$0xFFFFFFA0];
	v2 =	vadd.f32 v2, v3  }
0x3f5: {  	v7 =	vld [tilespmem:s8+$0x0]  }
0x3f6: {  	v8 =	vld [tilespmem:s7+$0xFFFFFFC0];
	v2 =	vmax.f32 v2, $0.0e+00  }
0x3f7: {  	v3 =	vld [tilespmem:s7+$0xFFFFFF90];
	[tilespmem:s7+$0xFFFFFF80] =	vst v2  }
0x3f8: {  	v1 =	vadd.f32 v4, v1;
	v2 =	vld [tilespmem:s21+$0xFFFFFF90]  }
0x3f9: {  	v9 =	vld [tilespmem:s7+$0xFFFFFFD0]  }
0x3fa: {  	v10 =	vld [tilespmem:s7+$0x40];
	v1 =	vmax.f32 v1, $0.0e+00  }
0x3fb: {  	[tilespmem:s7+$0x20] =	vst v1;
	v1 =	vld [tilespmem:s7+$0x30]  }
0x3fc: {  	v6 =	vld [tilespmem:s21+$0x30]  }
0x3fd: {  	s9 =	simm.s32 $0x6280;
	v11 =	vld [tilespmem:s8+$0x10];
	v2 =	vadd.f32 v2, v3  }
0x3fe: {  	v3 =	vld [tilespmem:s9+$0x0]  }
0x3ff: {  	s11 =	simm.s32 $0x6380;
	v13 =	vld [tilespmem:s7+$0xFFFFFFE0];
	v2 =	vmax.f32 v2, $0.0e+00  }
0x400: {  	v17 =	vld [tilespmem:s11+$0xFFFFFF80];
	[tilespmem:s7+$0xFFFFFF90] =	vst v2  }
0x401: {  	v1 =	vadd.f32 v6, v1;
	v2 =	vld [tilespmem:s21+$0xFFFFFFA0]  }
0x402: {  	v6 =	vld [tilespmem:s9+$0xFFFFFF80]  }
0x403: {  	s10 =	simm.s32 $0x1380;
	v3 =	vadd.f32 v3, v7;
	v7 =	vld [tilespmem:s8+$0xFFFFFF80];
	v1 =	vmax.f32 v1, $0.0e+00  }
0x404: {  	v18 =	vld [tilespmem:s10+$0xFFFFFF80];
	[tilespmem:s7+$0x30] =	vst v1  }
0x405: {  	v1 =	vmax.f32 v3, $0.0e+00;
	v3 =	vld [tilespmem:s21+$0x40]  }
0x406: {  	v19 =	vld [tilespmem:s10+$0xFFFFFF90];
	[tilespmem:s8+$0x0] =	vst v1  }
0x407: {  	v12 =	vld [tilespmem:s9+$0x10];
	v2 =	vadd.f32 v2, v5  }
0x408: {  	v63 =	vld [tilespmem:s8+$0x60];
	v5 =	vadd.f32 v6, v7  }
0x409: {  	v4 =	vld [tilespmem:s7+$0xFFFFFFB0];
	v2 =	vmax.f32 v2, $0.0e+00  }
0x40a: {  	v6 =	vld [tilespmem:s8+$0xFFFFFF90];
	[tilespmem:s7+$0xFFFFFFA0] =	vst v2;
	v2 =	vmax.f32 v5, $0.0e+00;
	v3 =	vadd.f32 v3, v10  }
0x40b: {  	v5 =	vld [tilespmem:s21+$0xFFFFFFB0];
	[tilespmem:s8+$0xFFFFFF80] =	vst v2  }
0x40c: {  	v10 =	vld [tilespmem:s9+$0xFFFFFF90];
	v2 =	vmax.f32 v3, $0.0e+00;
	v3 =	vadd.f32 v12, v11  }
0x40d: {  	v12 =	vld [tilespmem:s8+$0x20]  }
0x40e: {  	[tilespmem:s7+$0x40] =	vst v2;
	v2 =	vld [tilespmem:s7+$0x50];
	v3 =	vmax.f32 v3, $0.0e+00  }
0x40f: {  	v11 =	vld [tilespmem:s21+$0x50];
	[tilespmem:s8+$0x10] =	vst v3  }
0x410: {  	v3 =	vadd.f32 v5, v4;
	v14 =	vld [tilespmem:s9+$0x20]  }
0x411: {  	v1 =	vld [tilespmem:s7+$0xFFFFFFF0]  }
0x412: {  	v7 =	vld [tilespmem:s8+$0xFFFFFFA0];
	v4 =	vadd.f32 v10, v6;
	v10 =	vmax.f32 v3, $0.0e+00  }
0x413: {  	v5 =	vld [tilespmem:s8+$0xFFFFFFB0];
	[tilespmem:s7+$0xFFFFFFB0] =	vst v10  }
0x414: {  	v2 =	vadd.f32 v11, v2;
	v11 =	vld [tilespmem:s21+$0xFFFFFFC0]  }
0x415: {  	v6 =	vld [tilespmem:s8+$0xFFFFFFC0];
	v4 =	vmax.f32 v4, $0.0e+00;
	v10 =	vadd.f32 v14, v12  }
0x416: {  	v3 =	vld [tilespmem:s8+$0xFFFFFFD0];
	[tilespmem:s8+$0xFFFFFF90] =	vst v4;
	v2 =	vmax.f32 v2, $0.0e+00  }
0x417: {  	v4 =	vld [tilespmem:s8+$0xFFFFFFE0];
	[tilespmem:s7+$0x50] =	vst v2;
	v2 =	vmax.f32 v10, $0.0e+00  }
0x418: {  	v14 =	vld [tilespmem:s8+$0x30];
	[tilespmem:s8+$0x20] =	vst v2  }
0x419: {  	v8 =	vadd.f32 v11, v8;
	v15 =	vld [tilespmem:s9+$0x30]  }
0x41a: {  	v12 =	vld [tilespmem:s9+$0xFFFFFFA0]  }
0x41b: {  	v11 =	vld [tilespmem:s10+$0x0];
	v8 =	vmax.f32 v8, $0.0e+00  }
0x41c: {  	[tilespmem:s7+$0xFFFFFFC0] =	vst v8;
	v8 =	vld [tilespmem:s11+$0x0]  }
0x41d: {  	v10 =	vld [tilespmem:s7+$0x60]  }
0x41e: {  	v16 =	vld [tilespmem:s21+$0x60];
	v14 =	vadd.f32 v15, v14  }
0x41f: {  	v2 =	vld [tilespmem:s8+$0xFFFFFFF0]  }
0x420: {  	v7 =	vadd.f32 v12, v7;
	v12 =	vld [tilespmem:s8+$0x40];
	v14 =	vmax.f32 v14, $0.0e+00  }
0x421: {  	v15 =	vld [tilespmem:s21+$0xFFFFFFD0];
	v8 =	vadd.f32 v8, v11;
	[tilespmem:s8+$0x30] =	vst v14  }
0x422: {  	v7 =	vmax.f32 v7, $0.0e+00;
	v14 =	vld [tilespmem:s9+$0x40]  }
0x423: {  	[tilespmem:s8+$0xFFFFFFA0] =	vst v7;
	v11 =	vld [tilespmem:s7+$0x70];
	v7 =	vmax.f32 v8, $0.0e+00;
	v8 =	vadd.f32 v16, v10  }
0x424: {  	v10 =	vld [tilespmem:s9+$0xFFFFFFB0]  }
0x425: {  	v16 =	vld [tilespmem:s10+$0x10];
	[tilespmem:s10+$0x0] =	vst v7;
	v7 =	vadd.f32 v17, v18;
	v8 =	vmax.f32 v8, $0.0e+00  }
0x426: {  	v17 =	vld [tilespmem:s11+$0x10];
	[tilespmem:s7+$0x60] =	vst v8  }
0x427: {  	v7 =	vmax.f32 v7, $0.0e+00;
	v62 =	vld [tilespmem:s21+$0x70];
	v12 =	vadd.f32 v14, v12  }
0x428: {  	[tilespmem:s10+$0xFFFFFF80] =	vst v7;
	v14 =	vld [tilespmem:s10+$0xFFFFFFA0]  }
0x429: {  	v8 =	vld [tilespmem:s11+$0xFFFFFF90];
	v7 =	vmax.f32 v12, $0.0e+00  }
0x42a: {  	v5 =	vadd.f32 v10, v5;
	v10 =	vld [tilespmem:s8+$0x50];
	[tilespmem:s8+$0x40] =	vst v7  }
0x42b: {  	v16 =	vadd.f32 v17, v16;
	v12 =	vld [tilespmem:s9+$0x50]  }
0x42c: {  	v5 =	vmax.f32 v5, $0.0e+00;
	v17 =	vld [tilespmem:s10+$0x20]  }
0x42d: {  	v9 =	vadd.f32 v15, v9;
	v7 =	vld [tilespmem:s10+$0xFFFFFFB0];
	[tilespmem:s8+$0xFFFFFFB0] =	vst v5;
	v16 =	vmax.f32 v16, $0.0e+00  }
0x42e: {  	v15 =	vld [tilespmem:s9+$0xFFFFFFC0];
	[tilespmem:s10+$0x10] =	vst v16;
	v16 =	vadd.f32 v8, v19  }
0x42f: {  	v5 =	vld [tilespmem:s10+$0xFFFFFFC0];
	v8 =	vmax.f32 v9, $0.0e+00  }
0x430: {  	v9 =	vld [tilespmem:s11+$0x20];
	[tilespmem:s7+$0xFFFFFFD0] =	vst v8;
	v10 =	vadd.f32 v12, v10;
	v12 =	vmax.f32 v16, $0.0e+00  }
0x431: {  	[tilespmem:s10+$0xFFFFFF90] =	vst v12;
	v12 =	vld [tilespmem:s21+$0xFFFFFFE0]  }
0x432: {  	v8 =	vld [tilespmem:s10+$0xFFFFFFD0];
	v10 =	vmax.f32 v10, $0.0e+00  }
0x433: {  	v16 =	vld [tilespmem:s11+$0xFFFFFFA0];
	[tilespmem:s8+$0x50] =	vst v10;
	v10 =	vadd.f32 v15, v6  }
0x434: {  	v20 =	vld [tilespmem:s9+$0x60]  }
0x435: {  	v15 =	vadd.f32 v9, v17;
	v6 =	vld [tilespmem:s10+$0xFFFFFFE0];
	v9 =	vmax.f32 v10, $0.0e+00  }
0x436: {  	[tilespmem:s8+$0xFFFFFFC0] =	vst v9;
	v10 =	vadd.f32 v12, v13;
	v9 =	vld [tilespmem:s10+$0xFFFFFFF0]  }
0x437: {  	v11 =	vadd.f32 v62, v11;
	v13 =	vmax.f32 v15, $0.0e+00;
	v12 =	vld [tilespmem:s9+$0xFFFFFFD0]  }
0x438: {  	[tilespmem:s10+$0x20] =	vst v13;
	v14 =	vadd.f32 v16, v14;
	v13 =	vld [tilespmem:s10+$0x30];
	v10 =	vmax.f32 v10, $0.0e+00  }
0x439: {  	v11 =	vmax.f32 v11, $0.0e+00;
	v15 =	vld [tilespmem:s11+$0x30];
	v16 =	vadd.f32 v20, v63;
	[tilespmem:s7+$0xFFFFFFE0] =	vst v10  }
0x43a: {  	[tilespmem:s7+$0x70] =	vst v11;
	v10 =	vmax.f32 v14, $0.0e+00;
	v11 =	vld [tilespmem:s21+$0xFFFFFFF0]  }
0x43b: {  	s22 =	simm.s32 $0x4;
	s23 =	simm.s32 $0x1480;
	[tilespmem:s10+$0xFFFFFFA0] =	vst v10;
	v10 =	vld [tilespmem:s8+$0x70];
	s21 =	simm.s32 $0x6380;
	v14 =	vmax.f32 v16, $0.0e+00  }
.LBB2_17:
0x43c: {  	v16 =	vld [tilespmem:s23+$0x0];
	v12 =	vadd.f32 v12, v3;
	[tilespmem:s8+$0x60] =	vst v14;
	v3 =	vmov v8  }
0x43d: {  	s11 =	sadd.s32 $0x100, s11;
	v8 =	vld [tilespmem:s9+$0x70]  }
0x43e: {  	s22 =	sadd.s32 $0x2, s22;
	v14 =	vld [tilespmem:s11+$0x0];
	v13 =	vadd.f32 v15, v13;
	v12 =	vmax.f32 v12, $0.0e+00  }
0x43f: {  	p0 =	slt.u32 s22, $0x4E;
	v15 =	vld [tilespmem:s11+$0xFFFFFF80];
	[tilespmem:s8+$0xFFFFFFD0] =	vst v12;
	v11 =	vadd.f32 v11, v1;
	v1 =	vmov v2;
	v2 =	vmov v9  }
0x440: {  	v9 =	vld [tilespmem:s23+$0xFFFFFF80];
	v12 =	vmax.f32 v13, $0.0e+00  }
0x441: {  	[tilespmem:s10+$0x30] =	vst v12;
	v12 =	vld [tilespmem:s10+$0x40];
	v11 =	vmax.f32 v11, $0.0e+00  }
0x442: {  	v13 =	vld [tilespmem:s21+$0x40];
	v8 =	vadd.f32 v8, v10;
	[tilespmem:s7+$0xFFFFFFF0] =	vst v11;
	s7 =	smov.u32 s8;
	s8 =	smov.u32 s10;
	s10 =	smov.u32 s23  }
0x443: {  	v10 =	vld [tilespmem:s23+$0xFFFFFF90];
	v11 =	vadd.f32 v14, v16  }
0x444: {  	v14 =	vld [tilespmem:s23+$0xFFFFFFA0];
	v8 =	vmax.f32 v8, $0.0e+00  }
0x445: {  	v9 =	vadd.f32 v15, v9;
	v11 =	vmax.f32 v11, $0.0e+00;
	v15 =	vld [tilespmem:s21+$0xFFFFFFB0];
	[tilespmem:s7+$0x70] =	vst v8  }
0x446: {  	[tilespmem:s23+$0x0] =	vst v11;
	v8 =	vld [tilespmem:s23+$0x10]  }
0x447: {  	v9 =	vmax.f32 v9, $0.0e+00;
	v11 =	vld [tilespmem:s11+$0x10];
	v12 =	vadd.f32 v13, v12  }
0x448: {  	[tilespmem:s23+$0xFFFFFF80] =	vst v9;
	v9 =	vld [tilespmem:s23+$0xFFFFFFB0]  }
0x449: {  	v13 =	vld [tilespmem:s11+$0xFFFFFF90];
	v12 =	vmax.f32 v12, $0.0e+00  }
0x44a: {  	v18 =	vadd.f32 v15, v7;
	[tilespmem:s8+$0x40] =	vst v12;
	v12 =	vld [tilespmem:s8+$0x50]  }
0x44b: {  	v15 =	vld [tilespmem:s21+$0x50]  }
0x44c: {  	v16 =	vld [tilespmem:s23+$0xFFFFFFC0];
	v11 =	vadd.f32 v11, v8;
	v17 =	vmax.f32 v18, $0.0e+00  }
0x44d: {  	v8 =	vld [tilespmem:s23+$0xFFFFFFD0];
	[tilespmem:s8+$0xFFFFFFB0] =	vst v17;
	v7 =	vmov v9  }
0x44e: {  	v9 =	vadd.f32 v13, v10;
	v10 =	vmax.f32 v11, $0.0e+00;
	v11 =	vld [tilespmem:s21+$0xFFFFFFC0]  }
0x44f: {  	[tilespmem:s23+$0x10] =	vst v10;
	v10 =	vld [tilespmem:s23+$0x20]  }
0x450: {  	v9 =	vmax.f32 v9, $0.0e+00;
	v13 =	vld [tilespmem:s11+$0x20];
	v12 =	vadd.f32 v15, v12  }
0x451: {  	[tilespmem:s23+$0xFFFFFF90] =	vst v9;
	v15 =	vld [tilespmem:s9+$0xFFFFFFE0]  }
0x452: {  	v17 =	vld [tilespmem:s11+$0xFFFFFFA0];
	v9 =	vmax.f32 v12, $0.0e+00  }
0x453: {  	v11 =	vadd.f32 v11, v5;
	[tilespmem:s8+$0x50] =	vst v9;
	v18 =	vld [tilespmem:s8+$0x60];
	v5 =	vmov v16  }
0x454: {  	v16 =	vld [tilespmem:s21+$0x60]  }
0x455: {  	v19 =	vld [tilespmem:s23+$0xFFFFFFE0];
	v10 =	vadd.f32 v13, v10;
	v11 =	vmax.f32 v11, $0.0e+00  }
0x456: {  	v9 =	vld [tilespmem:s23+$0xFFFFFFF0];
	[tilespmem:s8+$0xFFFFFFC0] =	vst v11;
	v11 =	vadd.f32 v15, v4;
	v4 =	vmov v6  }
.Ltmp7:
0x457: {  	v20 =	vadd.f32 v17, v14;
	v10 =	vmax.f32 v10, $0.0e+00;
	v12 =	vld [tilespmem:s21+$0xFFFFFFD0];
	(pc) =	sbr.rel @p0 .LBB2_17-.Ltmp7, $4  }
0x458: {  	[tilespmem:s23+$0x20] =	vst v10;
	v13 =	vld [tilespmem:s23+$0x30];
	v10 =	vmax.f32 v11, $0.0e+00  }
0x459: {  	v17 =	vmax.f32 v20, $0.0e+00;
	v15 =	vld [tilespmem:s11+$0x30];
	v14 =	vadd.f32 v16, v18;
	[tilespmem:s7+$0xFFFFFFE0] =	vst v10  }
0x45a: {  	[tilespmem:s23+$0xFFFFFFA0] =	vst v17;
	v11 =	vld [tilespmem:s9+$0xFFFFFFF0];
	v6 =	vmov v19;
	s9 =	smov.u32 s21;
	s21 =	smov.u32 s11  }
0x45b: {  	s23 =	sadd.s32 $0x100, s23;
	v14 =	vmax.f32 v14, $0.0e+00;
	v10 =	vld [tilespmem:s8+$0x70]  }
0x45c: {  	v16 =	vld [tilespmem:s21+$0xFFFFFFB0];
	_ =	sdelay $0x3  }
0x45d: {  	v13 =	vadd.f32 v15, v13  }
0x45e: {  	v7 =	vadd.f32 v16, v7  }
0x45f: {  	v13 =	vmax.f32 v13, $0.0e+00  }
0x460: {  	v55 =	vld [tilespmem:s10+$0x40];
	[tilespmem:s10+$0x30] =	vst v13;
	v7 =	vmax.f32 v7, $0.0e+00  }
0x461: {  	v56 =	vld [tilespmem:s21+$0x40];
	[tilespmem:s10+$0xFFFFFFB0] =	vst v7  }
0x462: {  	v7 =	vld [tilespmem:s21+$0xFFFFFFC0];
	_ =	sdelay $0x3  }
0x463: {  	v13 =	vadd.f32 v56, v55  }
0x464: {  	v5 =	vadd.f32 v7, v5  }
0x465: {  	v13 =	vmax.f32 v13, $0.0e+00  }
0x466: {  	v57 =	vld [tilespmem:s10+$0x50];
	[tilespmem:s10+$0x40] =	vst v13;
	v5 =	vmax.f32 v5, $0.0e+00  }
0x467: {  	v13 =	vld [tilespmem:s21+$0x50];
	[tilespmem:s10+$0xFFFFFFC0] =	vst v5  }
0x468: {  	v5 =	vld [tilespmem:s21+$0xFFFFFFD0];
	_ =	sdelay $0x1  }
0x469: {  	v3 =	vadd.f32 v12, v3;
	_ =	sdelay $0x1  }
0x46a: {  	v3 =	vmax.f32 v3, $0.0e+00;
	v7 =	vadd.f32 v13, v57  }
0x46b: {  	[tilespmem:s8+$0xFFFFFFD0] =	vst v3;
	v5 =	vadd.f32 v5, v8  }
0x46c: {  	v58 =	vld [tilespmem:s9+$0xFFFFFFE0];
	v3 =	vmax.f32 v7, $0.0e+00  }
0x46d: {  	[tilespmem:s10+$0x50] =	vst v3;
	v3 =	vld [tilespmem:s10+$0x60];
	v5 =	vmax.f32 v5, $0.0e+00  }
0x46e: {  	v59 =	vld [tilespmem:s21+$0x60];
	[tilespmem:s10+$0xFFFFFFD0] =	vst v5  }
0x46f: {  	v5 =	vld [tilespmem:s21+$0xFFFFFFE0];
	_ =	sdelay $0x2  }
0x470: {  	v4 =	vadd.f32 v58, v4  }
0x471: {  	v3 =	vadd.f32 v59, v3  }
0x472: {  	[tilespmem:s8+$0x60] =	vst v14;
	v61 =	vld [tilespmem:s10+$0x70];
	v4 =	vmax.f32 v4, $0.0e+00;
	v5 =	vadd.f32 v5, v6  }
0x473: {  	v60 =	vld [tilespmem:s9+$0x70];
	[tilespmem:s8+$0xFFFFFFE0] =	vst v4;
	v3 =	vmax.f32 v3, $0.0e+00  }
0x474: {  	v62 =	vld [tilespmem:s9+$0xFFFFFFF0];
	[tilespmem:s10+$0x60] =	vst v3;
	v3 =	vmax.f32 v5, $0.0e+00  }
0x475: {  	v63 =	vld [tilespmem:s21+$0x70];
	[tilespmem:s10+$0xFFFFFFE0] =	vst v3  }
0x476: {  	v3 =	vld [tilespmem:s21+$0xFFFFFFF0]  }
0x477: {  	v1 =	vadd.f32 v11, v1  }
0x478: {  	v7 =	vadd.f32 v60, v10  }
0x479: {  	v1 =	vmax.f32 v1, $0.0e+00;
	v2 =	vadd.f32 v62, v2  }
0x47a: {  	[tilespmem:s7+$0xFFFFFFF0] =	vst v1;
	v1 =	vmax.f32 v7, $0.0e+00;
	v4 =	vadd.f32 v63, v61  }
0x47b: {  	[tilespmem:s8+$0x70] =	vst v1;
	v1 =	vmax.f32 v2, $0.0e+00;
	v2 =	vadd.f32 v3, v9  }
0x47c: {  	[tilespmem:s8+$0xFFFFFFF0] =	vst v1;
	v1 =	vmax.f32 v4, $0.0e+00  }
0x47d: {  	[tilespmem:s10+$0x70] =	vst v1;
	v1 =	vmax.f32 v2, $0.0e+00  }
0x47e: {  	s23 =	simm.s32 $0x0;
	[tilespmem:s10+$0xFFFFFFF0] =	vst v1  }
0x47f: {  	[spmem:s2] =	stream.indirect.scatter.add.f32 [tilespmem:s28], [sflag:$0x2], $0x80, s16, s0, $0xb8;
	[tilespmem:$0x1F100] =	vst v63  }
.LBB2_19:
0x480: {  	_ =	swait.ge [sflag:s17], $0x2800;
	s7 =	smul.u32 $0xA0, s23  }
0x481: {  	[sflag:s17] =	ssyncset.done $0x0  }
0x482: {  	[sflag:s17] =	ssyncadd.s32 $0xFFFFD800;
	s8 =	sadd.s32 $0xA0, s7  }
0x483: {  	[tilespmem:s28], [sflag:$0x1] =	stream.indirect.gather [hbm4b:s1+s0], $0x80, s8, s0, $0xb8;
	[tilespmem:$0x1F100] =	vst v63  }
0x484: {  	s9 =	sadd.s32 $0x8A0, s7  }
0x485: {  	[tilespmem:s3], [sflag:$0x1] =	stream.indirect.gather [hbm4b:s5+s0], $0x80, s9, s0, $0xb8;
	[tilespmem:$0x1F100] =	vst v63  }
0x486: {  	_ =	swait.ge [sflag:s29], $0x2800  }
0x487: {  	[sflag:s29] =	ssyncset.done $0x0  }
0x488: {  	[sflag:s29] =	ssyncadd.s32 $0xFFFFD800  }
0x489: {  	_ =	swait.ge [sflag:s29], $0x2800  }
0x48a: {  	[sflag:s29] =	ssyncset.done $0x0  }
0x48b: {  	[sflag:s29] =	ssyncadd.s32 $0xFFFFD800  }
0x48c: {  	v1 =	vld [tilespmem:s7+$0x850];
	_ =	sdelay $0x4  }
0x48d: {  	[tilespmem:$0x1080] =	vst v1  }
0x48e: {  	v1 =	vld [tilespmem:s7+$0x860];
	_ =	sdelay $0x4  }
0x48f: {  	[tilespmem:$0x1090] =	vst v1  }
0x490: {  	v1 =	vld [tilespmem:s7+$0x870];
	_ =	sdelay $0x4  }
0x491: {  	s25 =	sand.u32 $0xFE0, s7;
	[tilespmem:$0x10A0] =	vst v1  }
0x492: {  	v1 =	vld [tilespmem:s25+$0x880];
	_ =	sdelay $0x4  }
0x493: {  	[tilespmem:$0x10B0] =	vst v1  }
0x494: {  	v1 =	vld [tilespmem:s7+$0x890];
	_ =	sdelay $0x4  }
0x495: {  	s9 =	simm.s32 $0x3980;
	[tilespmem:$0x10C0] =	vst v1  }
0x496: {  	s24 =	simm.s32 $0x8980;
	v1 =	vld [tilespmem:s9+$0x0]  }
0x497: {  	v2 =	vld [tilespmem:s24+$0x0];
	_ =	sdelay $0x4  }
0x498: {  	v1 =	vadd.f32 v2, v1;
	_ =	sdelay $0x1  }
0x499: {  	v1 =	vmax.f32 v1, $0.0e+00  }
0x49a: {  	[tilespmem:s9+$0x0] =	vst v1;
	v1 =	vld [tilespmem:s9+$0x10]  }
0x49b: {  	v2 =	vld [tilespmem:s24+$0x10];
	_ =	sdelay $0x3  }
0x49c: {  	v3 =	vld [tilespmem:s9+$0xFFFFFF80]  }
0x49d: {  	v1 =	vadd.f32 v2, v1;
	v2 =	vld [tilespmem:s24+$0xFFFFFF80];
	_ =	sdelay $0x1  }
0x49e: {  	v1 =	vmax.f32 v1, $0.0e+00  }
0x49f: {  	[tilespmem:s9+$0x10] =	vst v1;
	v1 =	vld [tilespmem:s9+$0x20]  }
0x4a0: {  	v4 =	vld [tilespmem:s24+$0x20]  }
0x4a1: {  	s10 =	simm.s32 $0x3A80;
	v5 =	vld [tilespmem:s9+$0xFFFFFFA0];
	v2 =	vadd.f32 v2, v3  }
0x4a2: {  	v7 =	vld [tilespmem:s10+$0x0]  }
0x4a3: {  	v8 =	vld [tilespmem:s9+$0xFFFFFFC0];
	v2 =	vmax.f32 v2, $0.0e+00  }
0x4a4: {  	v3 =	vld [tilespmem:s9+$0xFFFFFF90];
	[tilespmem:s9+$0xFFFFFF80] =	vst v2  }
0x4a5: {  	v1 =	vadd.f32 v4, v1;
	v2 =	vld [tilespmem:s24+$0xFFFFFF90]  }
0x4a6: {  	v9 =	vld [tilespmem:s9+$0xFFFFFFD0]  }
0x4a7: {  	v10 =	vld [tilespmem:s9+$0x40];
	v1 =	vmax.f32 v1, $0.0e+00  }
0x4a8: {  	[tilespmem:s9+$0x20] =	vst v1;
	v1 =	vld [tilespmem:s9+$0x30]  }
0x4a9: {  	v6 =	vld [tilespmem:s24+$0x30]  }
0x4aa: {  	s11 =	simm.s32 $0x8A80;
	v11 =	vld [tilespmem:s10+$0x10];
	v2 =	vadd.f32 v2, v3  }
0x4ab: {  	v3 =	vld [tilespmem:s11+$0x0]  }
0x4ac: {  	s22 =	simm.s32 $0x8B80;
	v13 =	vld [tilespmem:s9+$0xFFFFFFE0];
	v2 =	vmax.f32 v2, $0.0e+00  }
0x4ad: {  	v17 =	vld [tilespmem:s22+$0xFFFFFF80];
	[tilespmem:s9+$0xFFFFFF90] =	vst v2  }
0x4ae: {  	v1 =	vadd.f32 v6, v1;
	v2 =	vld [tilespmem:s24+$0xFFFFFFA0]  }
0x4af: {  	v6 =	vld [tilespmem:s11+$0xFFFFFF80]  }
0x4b0: {  	s21 =	simm.s32 $0x3B80;
	v3 =	vadd.f32 v3, v7;
	v7 =	vld [tilespmem:s10+$0xFFFFFF80];
	v1 =	vmax.f32 v1, $0.0e+00  }
0x4b1: {  	v18 =	vld [tilespmem:s21+$0xFFFFFF80];
	[tilespmem:s9+$0x30] =	vst v1  }
0x4b2: {  	v1 =	vmax.f32 v3, $0.0e+00;
	v3 =	vld [tilespmem:s24+$0x40]  }
0x4b3: {  	v19 =	vld [tilespmem:s21+$0xFFFFFF90];
	[tilespmem:s10+$0x0] =	vst v1  }
0x4b4: {  	v12 =	vld [tilespmem:s11+$0x10];
	v2 =	vadd.f32 v2, v5  }
0x4b5: {  	v63 =	vld [tilespmem:s10+$0x60];
	v5 =	vadd.f32 v6, v7  }
0x4b6: {  	v4 =	vld [tilespmem:s9+$0xFFFFFFB0];
	v2 =	vmax.f32 v2, $0.0e+00  }
0x4b7: {  	v6 =	vld [tilespmem:s10+$0xFFFFFF90];
	[tilespmem:s9+$0xFFFFFFA0] =	vst v2;
	v2 =	vmax.f32 v5, $0.0e+00;
	v3 =	vadd.f32 v3, v10  }
0x4b8: {  	v5 =	vld [tilespmem:s24+$0xFFFFFFB0];
	[tilespmem:s10+$0xFFFFFF80] =	vst v2  }
0x4b9: {  	v10 =	vld [tilespmem:s11+$0xFFFFFF90];
	v2 =	vmax.f32 v3, $0.0e+00;
	v3 =	vadd.f32 v12, v11  }
0x4ba: {  	v12 =	vld [tilespmem:s10+$0x20]  }
0x4bb: {  	[tilespmem:s9+$0x40] =	vst v2;
	v2 =	vld [tilespmem:s9+$0x50];
	v3 =	vmax.f32 v3, $0.0e+00  }
0x4bc: {  	v11 =	vld [tilespmem:s24+$0x50];
	[tilespmem:s10+$0x10] =	vst v3  }
0x4bd: {  	v3 =	vadd.f32 v5, v4;
	v14 =	vld [tilespmem:s11+$0x20]  }
0x4be: {  	v1 =	vld [tilespmem:s9+$0xFFFFFFF0]  }
0x4bf: {  	v7 =	vld [tilespmem:s10+$0xFFFFFFA0];
	v4 =	vadd.f32 v10, v6;
	v10 =	vmax.f32 v3, $0.0e+00  }
0x4c0: {  	v5 =	vld [tilespmem:s10+$0xFFFFFFB0];
	[tilespmem:s9+$0xFFFFFFB0] =	vst v10  }
0x4c1: {  	v2 =	vadd.f32 v11, v2;
	v11 =	vld [tilespmem:s24+$0xFFFFFFC0]  }
0x4c2: {  	v6 =	vld [tilespmem:s10+$0xFFFFFFC0];
	v4 =	vmax.f32 v4, $0.0e+00;
	v10 =	vadd.f32 v14, v12  }
0x4c3: {  	v3 =	vld [tilespmem:s10+$0xFFFFFFD0];
	[tilespmem:s10+$0xFFFFFF90] =	vst v4;
	v2 =	vmax.f32 v2, $0.0e+00  }
0x4c4: {  	v4 =	vld [tilespmem:s10+$0xFFFFFFE0];
	[tilespmem:s9+$0x50] =	vst v2;
	v2 =	vmax.f32 v10, $0.0e+00  }
0x4c5: {  	v14 =	vld [tilespmem:s10+$0x30];
	[tilespmem:s10+$0x20] =	vst v2  }
0x4c6: {  	v8 =	vadd.f32 v11, v8;
	v15 =	vld [tilespmem:s11+$0x30]  }
0x4c7: {  	v12 =	vld [tilespmem:s11+$0xFFFFFFA0]  }
0x4c8: {  	v11 =	vld [tilespmem:s21+$0x0];
	v8 =	vmax.f32 v8, $0.0e+00  }
0x4c9: {  	[tilespmem:s9+$0xFFFFFFC0] =	vst v8;
	v8 =	vld [tilespmem:s22+$0x0]  }
0x4ca: {  	v10 =	vld [tilespmem:s9+$0x60]  }
0x4cb: {  	v16 =	vld [tilespmem:s24+$0x60];
	v14 =	vadd.f32 v15, v14  }
0x4cc: {  	v2 =	vld [tilespmem:s10+$0xFFFFFFF0]  }
0x4cd: {  	v7 =	vadd.f32 v12, v7;
	v12 =	vld [tilespmem:s10+$0x40];
	v14 =	vmax.f32 v14, $0.0e+00  }
0x4ce: {  	v15 =	vld [tilespmem:s24+$0xFFFFFFD0];
	v8 =	vadd.f32 v8, v11;
	[tilespmem:s10+$0x30] =	vst v14  }
0x4cf: {  	v7 =	vmax.f32 v7, $0.0e+00;
	v14 =	vld [tilespmem:s11+$0x40]  }
0x4d0: {  	[tilespmem:s10+$0xFFFFFFA0] =	vst v7;
	v11 =	vld [tilespmem:s9+$0x70];
	v7 =	vmax.f32 v8, $0.0e+00;
	v8 =	vadd.f32 v16, v10  }
0x4d1: {  	v10 =	vld [tilespmem:s11+$0xFFFFFFB0]  }
0x4d2: {  	v16 =	vld [tilespmem:s21+$0x10];
	[tilespmem:s21+$0x0] =	vst v7;
	v7 =	vadd.f32 v17, v18;
	v8 =	vmax.f32 v8, $0.0e+00  }
0x4d3: {  	v17 =	vld [tilespmem:s22+$0x10];
	[tilespmem:s9+$0x60] =	vst v8  }
0x4d4: {  	v7 =	vmax.f32 v7, $0.0e+00;
	v62 =	vld [tilespmem:s24+$0x70];
	v12 =	vadd.f32 v14, v12  }
0x4d5: {  	[tilespmem:s21+$0xFFFFFF80] =	vst v7;
	v14 =	vld [tilespmem:s21+$0xFFFFFFA0]  }
0x4d6: {  	v8 =	vld [tilespmem:s22+$0xFFFFFF90];
	v7 =	vmax.f32 v12, $0.0e+00  }
0x4d7: {  	v5 =	vadd.f32 v10, v5;
	v10 =	vld [tilespmem:s10+$0x50];
	[tilespmem:s10+$0x40] =	vst v7  }
0x4d8: {  	v16 =	vadd.f32 v17, v16;
	v12 =	vld [tilespmem:s11+$0x50]  }
0x4d9: {  	v5 =	vmax.f32 v5, $0.0e+00;
	v17 =	vld [tilespmem:s21+$0x20]  }
0x4da: {  	v9 =	vadd.f32 v15, v9;
	v7 =	vld [tilespmem:s21+$0xFFFFFFB0];
	[tilespmem:s10+$0xFFFFFFB0] =	vst v5;
	v16 =	vmax.f32 v16, $0.0e+00  }
0x4db: {  	v15 =	vld [tilespmem:s11+$0xFFFFFFC0];
	[tilespmem:s21+$0x10] =	vst v16;
	v16 =	vadd.f32 v8, v19  }
0x4dc: {  	v5 =	vld [tilespmem:s21+$0xFFFFFFC0];
	v8 =	vmax.f32 v9, $0.0e+00  }
0x4dd: {  	v9 =	vld [tilespmem:s22+$0x20];
	[tilespmem:s9+$0xFFFFFFD0] =	vst v8;
	v10 =	vadd.f32 v12, v10;
	v12 =	vmax.f32 v16, $0.0e+00  }
0x4de: {  	[tilespmem:s21+$0xFFFFFF90] =	vst v12;
	v12 =	vld [tilespmem:s24+$0xFFFFFFE0]  }
0x4df: {  	v8 =	vld [tilespmem:s21+$0xFFFFFFD0];
	v10 =	vmax.f32 v10, $0.0e+00  }
0x4e0: {  	v16 =	vld [tilespmem:s22+$0xFFFFFFA0];
	[tilespmem:s10+$0x50] =	vst v10;
	v10 =	vadd.f32 v15, v6  }
0x4e1: {  	v20 =	vld [tilespmem:s11+$0x60]  }
0x4e2: {  	v15 =	vadd.f32 v9, v17;
	v6 =	vld [tilespmem:s21+$0xFFFFFFE0];
	v9 =	vmax.f32 v10, $0.0e+00  }
0x4e3: {  	[tilespmem:s10+$0xFFFFFFC0] =	vst v9;
	v10 =	vadd.f32 v12, v13;
	v9 =	vld [tilespmem:s21+$0xFFFFFFF0]  }
0x4e4: {  	v11 =	vadd.f32 v62, v11;
	v13 =	vmax.f32 v15, $0.0e+00;
	v12 =	vld [tilespmem:s11+$0xFFFFFFD0]  }
0x4e5: {  	[tilespmem:s21+$0x20] =	vst v13;
	v14 =	vadd.f32 v16, v14;
	v13 =	vld [tilespmem:s21+$0x30];
	v10 =	vmax.f32 v10, $0.0e+00  }
0x4e6: {  	v11 =	vmax.f32 v11, $0.0e+00;
	v15 =	vld [tilespmem:s22+$0x30];
	v16 =	vadd.f32 v20, v63;
	[tilespmem:s9+$0xFFFFFFE0] =	vst v10  }
0x4e7: {  	[tilespmem:s9+$0x70] =	vst v11;
	v10 =	vmax.f32 v14, $0.0e+00;
	v11 =	vld [tilespmem:s24+$0xFFFFFFF0]  }
0x4e8: {  	s14 =	simm.s32 $0x3C80;
	s25 =	simm.s32 $0x4;
	[tilespmem:s21+$0xFFFFFFA0] =	vst v10;
	v10 =	vld [tilespmem:s10+$0x70];
	s24 =	simm.s32 $0x8B80;
	v14 =	vmax.f32 v16, $0.0e+00  }
.LBB2_20:
0x4e9: {  	v16 =	vld [tilespmem:s14+$0x0];
	v12 =	vadd.f32 v12, v3;
	[tilespmem:s10+$0x60] =	vst v14;
	v3 =	vmov v8  }
0x4ea: {  	s22 =	sadd.s32 $0x100, s22;
	v8 =	vld [tilespmem:s11+$0x70]  }
0x4eb: {  	s25 =	sadd.s32 $0x2, s25;
	v14 =	vld [tilespmem:s22+$0x0];
	v13 =	vadd.f32 v15, v13;
	v12 =	vmax.f32 v12, $0.0e+00  }
0x4ec: {  	p0 =	slt.u32 s25, $0x4E;
	v15 =	vld [tilespmem:s22+$0xFFFFFF80];
	[tilespmem:s10+$0xFFFFFFD0] =	vst v12;
	v11 =	vadd.f32 v11, v1;
	v1 =	vmov v2;
	v2 =	vmov v9  }
0x4ed: {  	v9 =	vld [tilespmem:s14+$0xFFFFFF80];
	v12 =	vmax.f32 v13, $0.0e+00  }
0x4ee: {  	[tilespmem:s21+$0x30] =	vst v12;
	v12 =	vld [tilespmem:s21+$0x40];
	v11 =	vmax.f32 v11, $0.0e+00  }
0x4ef: {  	v13 =	vld [tilespmem:s24+$0x40];
	v8 =	vadd.f32 v8, v10;
	[tilespmem:s9+$0xFFFFFFF0] =	vst v11;
	s9 =	smov.u32 s10;
	s10 =	smov.u32 s21;
	s21 =	smov.u32 s14  }
0x4f0: {  	v10 =	vld [tilespmem:s14+$0xFFFFFF90];
	v11 =	vadd.f32 v14, v16  }
0x4f1: {  	v14 =	vld [tilespmem:s14+$0xFFFFFFA0];
	v8 =	vmax.f32 v8, $0.0e+00  }
0x4f2: {  	v9 =	vadd.f32 v15, v9;
	v11 =	vmax.f32 v11, $0.0e+00;
	v15 =	vld [tilespmem:s24+$0xFFFFFFB0];
	[tilespmem:s9+$0x70] =	vst v8  }
0x4f3: {  	[tilespmem:s14+$0x0] =	vst v11;
	v8 =	vld [tilespmem:s14+$0x10]  }
0x4f4: {  	v9 =	vmax.f32 v9, $0.0e+00;
	v11 =	vld [tilespmem:s22+$0x10];
	v12 =	vadd.f32 v13, v12  }
0x4f5: {  	[tilespmem:s14+$0xFFFFFF80] =	vst v9;
	v9 =	vld [tilespmem:s14+$0xFFFFFFB0]  }
0x4f6: {  	v13 =	vld [tilespmem:s22+$0xFFFFFF90];
	v12 =	vmax.f32 v12, $0.0e+00  }
0x4f7: {  	v18 =	vadd.f32 v15, v7;
	[tilespmem:s10+$0x40] =	vst v12;
	v12 =	vld [tilespmem:s10+$0x50]  }
0x4f8: {  	v15 =	vld [tilespmem:s24+$0x50]  }
0x4f9: {  	v16 =	vld [tilespmem:s14+$0xFFFFFFC0];
	v11 =	vadd.f32 v11, v8;
	v17 =	vmax.f32 v18, $0.0e+00  }
0x4fa: {  	v8 =	vld [tilespmem:s14+$0xFFFFFFD0];
	[tilespmem:s10+$0xFFFFFFB0] =	vst v17;
	v7 =	vmov v9  }
0x4fb: {  	v9 =	vadd.f32 v13, v10;
	v10 =	vmax.f32 v11, $0.0e+00;
	v11 =	vld [tilespmem:s24+$0xFFFFFFC0]  }
0x4fc: {  	[tilespmem:s14+$0x10] =	vst v10;
	v10 =	vld [tilespmem:s14+$0x20]  }
0x4fd: {  	v9 =	vmax.f32 v9, $0.0e+00;
	v13 =	vld [tilespmem:s22+$0x20];
	v12 =	vadd.f32 v15, v12  }
0x4fe: {  	[tilespmem:s14+$0xFFFFFF90] =	vst v9;
	v15 =	vld [tilespmem:s11+$0xFFFFFFE0]  }
0x4ff: {  	v17 =	vld [tilespmem:s22+$0xFFFFFFA0];
	v9 =	vmax.f32 v12, $0.0e+00  }
0x500: {  	v11 =	vadd.f32 v11, v5;
	[tilespmem:s10+$0x50] =	vst v9;
	v18 =	vld [tilespmem:s10+$0x60];
	v5 =	vmov v16  }
0x501: {  	v16 =	vld [tilespmem:s24+$0x60]  }
0x502: {  	v19 =	vld [tilespmem:s14+$0xFFFFFFE0];
	v10 =	vadd.f32 v13, v10;
	v11 =	vmax.f32 v11, $0.0e+00  }
0x503: {  	v9 =	vld [tilespmem:s14+$0xFFFFFFF0];
	[tilespmem:s10+$0xFFFFFFC0] =	vst v11;
	v11 =	vadd.f32 v15, v4;
	v4 =	vmov v6  }
.Ltmp8:
0x504: {  	v20 =	vadd.f32 v17, v14;
	v10 =	vmax.f32 v10, $0.0e+00;
	v12 =	vld [tilespmem:s24+$0xFFFFFFD0];
	(pc) =	sbr.rel @p0 .LBB2_20-.Ltmp8, $4  }
0x505: {  	[tilespmem:s14+$0x20] =	vst v10;
	v13 =	vld [tilespmem:s14+$0x30];
	v10 =	vmax.f32 v11, $0.0e+00  }
0x506: {  	v17 =	vmax.f32 v20, $0.0e+00;
	v15 =	vld [tilespmem:s22+$0x30];
	v14 =	vadd.f32 v16, v18;
	[tilespmem:s9+$0xFFFFFFE0] =	vst v10  }
0x507: {  	[tilespmem:s14+$0xFFFFFFA0] =	vst v17;
	v11 =	vld [tilespmem:s11+$0xFFFFFFF0];
	v6 =	vmov v19;
	s11 =	smov.u32 s24;
	s24 =	smov.u32 s22  }
0x508: {  	s14 =	sadd.s32 $0x100, s14;
	v14 =	vmax.f32 v14, $0.0e+00;
	v10 =	vld [tilespmem:s10+$0x70]  }
0x509: {  	v16 =	vld [tilespmem:s24+$0xFFFFFFB0];
	_ =	sdelay $0x3  }
0x50a: {  	v13 =	vadd.f32 v15, v13  }
0x50b: {  	v7 =	vadd.f32 v16, v7  }
0x50c: {  	v13 =	vmax.f32 v13, $0.0e+00  }
0x50d: {  	[tilespmem:s21+$0x30] =	vst v13;
	v13 =	vld [tilespmem:s21+$0x40];
	v7 =	vmax.f32 v7, $0.0e+00  }
0x50e: {  	v15 =	vld [tilespmem:s24+$0x40];
	[tilespmem:s21+$0xFFFFFFB0] =	vst v7  }
0x50f: {  	v7 =	vld [tilespmem:s24+$0xFFFFFFC0];
	_ =	sdelay $0x3  }
0x510: {  	v13 =	vadd.f32 v15, v13  }
0x511: {  	v5 =	vadd.f32 v7, v5  }
0x512: {  	v13 =	vmax.f32 v13, $0.0e+00  }
0x513: {  	[tilespmem:s21+$0x40] =	vst v13;
	v7 =	vld [tilespmem:s21+$0x50];
	v5 =	vmax.f32 v5, $0.0e+00  }
0x514: {  	v13 =	vld [tilespmem:s24+$0x50];
	[tilespmem:s21+$0xFFFFFFC0] =	vst v5  }
0x515: {  	v5 =	vld [tilespmem:s24+$0xFFFFFFD0];
	_ =	sdelay $0x1  }
0x516: {  	v3 =	vadd.f32 v12, v3;
	_ =	sdelay $0x1  }
0x517: {  	v3 =	vmax.f32 v3, $0.0e+00;
	v7 =	vadd.f32 v13, v7  }
0x518: {  	[tilespmem:s10+$0xFFFFFFD0] =	vst v3;
	v5 =	vadd.f32 v5, v8  }
0x519: {  	v3 =	vmax.f32 v7, $0.0e+00;
	v7 =	vld [tilespmem:s11+$0xFFFFFFE0]  }
0x51a: {  	[tilespmem:s21+$0x50] =	vst v3;
	v3 =	vld [tilespmem:s21+$0x60];
	v5 =	vmax.f32 v5, $0.0e+00  }
0x51b: {  	v8 =	vld [tilespmem:s24+$0x60];
	[tilespmem:s21+$0xFFFFFFD0] =	vst v5  }
0x51c: {  	v5 =	vld [tilespmem:s24+$0xFFFFFFE0];
	_ =	sdelay $0x2  }
0x51d: {  	v4 =	vadd.f32 v7, v4  }
0x51e: {  	[tilespmem:s10+$0x60] =	vst v14;
	v3 =	vadd.f32 v8, v3  }
0x51f: {  	v7 =	vld [tilespmem:s11+$0x70];
	v4 =	vmax.f32 v4, $0.0e+00;
	v5 =	vadd.f32 v5, v6  }
0x520: {  	[tilespmem:s10+$0xFFFFFFE0] =	vst v4;
	v4 =	vld [tilespmem:s21+$0x70];
	v3 =	vmax.f32 v3, $0.0e+00  }
0x521: {  	v6 =	vld [tilespmem:s11+$0xFFFFFFF0];
	[tilespmem:s21+$0x60] =	vst v3;
	v3 =	vmax.f32 v5, $0.0e+00  }
0x522: {  	v5 =	vld [tilespmem:s24+$0x70];
	[tilespmem:s21+$0xFFFFFFE0] =	vst v3  }
0x523: {  	v3 =	vld [tilespmem:s24+$0xFFFFFFF0]  }
0x524: {  	v1 =	vadd.f32 v11, v1  }
0x525: {  	v7 =	vadd.f32 v7, v10  }
0x526: {  	v1 =	vmax.f32 v1, $0.0e+00;
	v2 =	vadd.f32 v6, v2  }
0x527: {  	[tilespmem:s9+$0xFFFFFFF0] =	vst v1;
	v1 =	vmax.f32 v7, $0.0e+00;
	v4 =	vadd.f32 v5, v4  }
0x528: {  	[tilespmem:s10+$0x70] =	vst v1;
	v1 =	vmax.f32 v2, $0.0e+00;
	v2 =	vadd.f32 v3, v9  }
0x529: {  	[tilespmem:s10+$0xFFFFFFF0] =	vst v1;
	v1 =	vmax.f32 v4, $0.0e+00  }
0x52a: {  	[tilespmem:s21+$0x70] =	vst v1;
	v1 =	vmax.f32 v2, $0.0e+00  }
0x52b: {  	[tilespmem:s21+$0xFFFFFFF0] =	vst v1  }
0x52c: {  	[spmem:s2] =	stream.indirect.scatter.add.f32 [tilespmem:s13], [sflag:$0x2], $0x80, s18, s0, $0xb8;
	[tilespmem:$0x1F100] =	vst v63  }
0x52d: {  	_ =	swait.ge [sflag:s17], $0x2800  }
0x52e: {  	[sflag:s17] =	ssyncset.done $0x0  }
0x52f: {  	s22 =	sadd.s32 $0xF0, s7;
	[sflag:s17] =	ssyncadd.s32 $0xFFFFD800  }
0x530: {  	[tilespmem:s13], [sflag:$0x1] =	stream.indirect.gather [hbm4b:s1+s0], $0x80, s22, s0, $0xb8;
	[tilespmem:$0x1F100] =	vst v63  }
0x531: {  	s24 =	sadd.s32 $0x8F0, s7  }
0x532: {  	[tilespmem:s15], [sflag:$0x1] =	stream.indirect.gather [hbm4b:s5+s0], $0x80, s24, s0, $0xb8;
	[tilespmem:$0x1F100] =	vst v63  }
0x533: {  	_ =	swait.ge [sflag:s29], $0x2800  }
0x534: {  	[sflag:s29] =	ssyncset.done $0x0  }
0x535: {  	[sflag:s29] =	ssyncadd.s32 $0xFFFFD800  }
0x536: {  	_ =	swait.ge [sflag:s29], $0x2800  }
0x537: {  	[sflag:s29] =	ssyncset.done $0x0  }
0x538: {  	[sflag:s29] =	ssyncadd.s32 $0xFFFFD800  }
0x539: {  	v1 =	vld [tilespmem:s8+$0x800];
	_ =	sdelay $0x4  }
0x53a: {  	[tilespmem:$0x1000] =	vst v1  }
0x53b: {  	v1 =	vld [tilespmem:s7+$0x8B0];
	_ =	sdelay $0x4  }
0x53c: {  	[tilespmem:$0x1010] =	vst v1  }
0x53d: {  	v1 =	vld [tilespmem:s7+$0x8C0];
	_ =	sdelay $0x4  }
0x53e: {  	[tilespmem:$0x1020] =	vst v1  }
0x53f: {  	v1 =	vld [tilespmem:s7+$0x8D0];
	_ =	sdelay $0x4  }
0x540: {  	[tilespmem:$0x1030] =	vst v1  }
0x541: {  	v1 =	vld [tilespmem:s7+$0x8E0];
	_ =	sdelay $0x4  }
0x542: {  	s7 =	simm.s32 $0x1180;
	[tilespmem:$0x1040] =	vst v1  }
0x543: {  	s25 =	simm.s32 $0x6180;
	v1 =	vld [tilespmem:s7+$0x0]  }
0x544: {  	v2 =	vld [tilespmem:s25+$0x0];
	_ =	sdelay $0x4  }
0x545: {  	v1 =	vadd.f32 v2, v1;
	_ =	sdelay $0x1  }
0x546: {  	v1 =	vmax.f32 v1, $0.0e+00  }
0x547: {  	[tilespmem:s7+$0x0] =	vst v1;
	v1 =	vld [tilespmem:s7+$0x10]  }
0x548: {  	v2 =	vld [tilespmem:s25+$0x10];
	_ =	sdelay $0x3  }
0x549: {  	v3 =	vld [tilespmem:s7+$0xFFFFFF80]  }
0x54a: {  	v1 =	vadd.f32 v2, v1;
	v2 =	vld [tilespmem:s25+$0xFFFFFF80];
	_ =	sdelay $0x1  }
0x54b: {  	v1 =	vmax.f32 v1, $0.0e+00  }
0x54c: {  	[tilespmem:s7+$0x10] =	vst v1;
	v1 =	vld [tilespmem:s7+$0x20]  }
0x54d: {  	v4 =	vld [tilespmem:s25+$0x20]  }
0x54e: {  	s8 =	simm.s32 $0x1280;
	v5 =	vld [tilespmem:s7+$0xFFFFFFA0];
	v2 =	vadd.f32 v2, v3  }
0x54f: {  	v7 =	vld [tilespmem:s8+$0x0]  }
0x550: {  	v8 =	vld [tilespmem:s7+$0xFFFFFFC0];
	v2 =	vmax.f32 v2, $0.0e+00  }
0x551: {  	v3 =	vld [tilespmem:s7+$0xFFFFFF90];
	[tilespmem:s7+$0xFFFFFF80] =	vst v2  }
0x552: {  	v1 =	vadd.f32 v4, v1;
	v2 =	vld [tilespmem:s25+$0xFFFFFF90]  }
0x553: {  	v9 =	vld [tilespmem:s7+$0xFFFFFFD0]  }
0x554: {  	v10 =	vld [tilespmem:s7+$0x40];
	v1 =	vmax.f32 v1, $0.0e+00  }
0x555: {  	[tilespmem:s7+$0x20] =	vst v1;
	v1 =	vld [tilespmem:s7+$0x30]  }
0x556: {  	v6 =	vld [tilespmem:s25+$0x30]  }
0x557: {  	s9 =	simm.s32 $0x6280;
	v11 =	vld [tilespmem:s8+$0x10];
	v2 =	vadd.f32 v2, v3  }
0x558: {  	v3 =	vld [tilespmem:s9+$0x0]  }
0x559: {  	s11 =	simm.s32 $0x6380;
	v13 =	vld [tilespmem:s7+$0xFFFFFFE0];
	v2 =	vmax.f32 v2, $0.0e+00  }
0x55a: {  	v17 =	vld [tilespmem:s11+$0xFFFFFF80];
	[tilespmem:s7+$0xFFFFFF90] =	vst v2  }
0x55b: {  	v1 =	vadd.f32 v6, v1;
	v2 =	vld [tilespmem:s25+$0xFFFFFFA0]  }
0x55c: {  	v6 =	vld [tilespmem:s9+$0xFFFFFF80]  }
0x55d: {  	s10 =	simm.s32 $0x1380;
	v3 =	vadd.f32 v3, v7;
	v7 =	vld [tilespmem:s8+$0xFFFFFF80];
	v1 =	vmax.f32 v1, $0.0e+00  }
0x55e: {  	v18 =	vld [tilespmem:s10+$0xFFFFFF80];
	[tilespmem:s7+$0x30] =	vst v1  }
0x55f: {  	v1 =	vmax.f32 v3, $0.0e+00;
	v3 =	vld [tilespmem:s25+$0x40]  }
0x560: {  	v19 =	vld [tilespmem:s10+$0xFFFFFF90];
	[tilespmem:s8+$0x0] =	vst v1  }
0x561: {  	v12 =	vld [tilespmem:s9+$0x10];
	v2 =	vadd.f32 v2, v5  }
0x562: {  	v63 =	vld [tilespmem:s8+$0x60];
	v5 =	vadd.f32 v6, v7  }
0x563: {  	v4 =	vld [tilespmem:s7+$0xFFFFFFB0];
	v2 =	vmax.f32 v2, $0.0e+00  }
0x564: {  	v6 =	vld [tilespmem:s8+$0xFFFFFF90];
	[tilespmem:s7+$0xFFFFFFA0] =	vst v2;
	v2 =	vmax.f32 v5, $0.0e+00;
	v3 =	vadd.f32 v3, v10  }
0x565: {  	v5 =	vld [tilespmem:s25+$0xFFFFFFB0];
	[tilespmem:s8+$0xFFFFFF80] =	vst v2  }
0x566: {  	v10 =	vld [tilespmem:s9+$0xFFFFFF90];
	v2 =	vmax.f32 v3, $0.0e+00;
	v3 =	vadd.f32 v12, v11  }
0x567: {  	v12 =	vld [tilespmem:s8+$0x20]  }
0x568: {  	[tilespmem:s7+$0x40] =	vst v2;
	v2 =	vld [tilespmem:s7+$0x50];
	v3 =	vmax.f32 v3, $0.0e+00  }
0x569: {  	v11 =	vld [tilespmem:s25+$0x50];
	[tilespmem:s8+$0x10] =	vst v3  }
0x56a: {  	v3 =	vadd.f32 v5, v4;
	v14 =	vld [tilespmem:s9+$0x20]  }
0x56b: {  	v1 =	vld [tilespmem:s7+$0xFFFFFFF0]  }
0x56c: {  	v7 =	vld [tilespmem:s8+$0xFFFFFFA0];
	v4 =	vadd.f32 v10, v6;
	v10 =	vmax.f32 v3, $0.0e+00  }
0x56d: {  	v5 =	vld [tilespmem:s8+$0xFFFFFFB0];
	[tilespmem:s7+$0xFFFFFFB0] =	vst v10  }
0x56e: {  	v2 =	vadd.f32 v11, v2;
	v11 =	vld [tilespmem:s25+$0xFFFFFFC0]  }
0x56f: {  	v6 =	vld [tilespmem:s8+$0xFFFFFFC0];
	v4 =	vmax.f32 v4, $0.0e+00;
	v10 =	vadd.f32 v14, v12  }
0x570: {  	v3 =	vld [tilespmem:s8+$0xFFFFFFD0];
	[tilespmem:s8+$0xFFFFFF90] =	vst v4;
	v2 =	vmax.f32 v2, $0.0e+00  }
0x571: {  	v4 =	vld [tilespmem:s8+$0xFFFFFFE0];
	[tilespmem:s7+$0x50] =	vst v2;
	v2 =	vmax.f32 v10, $0.0e+00  }
0x572: {  	v14 =	vld [tilespmem:s8+$0x30];
	[tilespmem:s8+$0x20] =	vst v2  }
0x573: {  	v8 =	vadd.f32 v11, v8;
	v15 =	vld [tilespmem:s9+$0x30]  }
0x574: {  	v12 =	vld [tilespmem:s9+$0xFFFFFFA0]  }
0x575: {  	v11 =	vld [tilespmem:s10+$0x0];
	v8 =	vmax.f32 v8, $0.0e+00  }
0x576: {  	[tilespmem:s7+$0xFFFFFFC0] =	vst v8;
	v8 =	vld [tilespmem:s11+$0x0]  }
0x577: {  	v10 =	vld [tilespmem:s7+$0x60]  }
0x578: {  	v16 =	vld [tilespmem:s25+$0x60];
	v14 =	vadd.f32 v15, v14  }
0x579: {  	v2 =	vld [tilespmem:s8+$0xFFFFFFF0]  }
0x57a: {  	v7 =	vadd.f32 v12, v7;
	v12 =	vld [tilespmem:s8+$0x40];
	v14 =	vmax.f32 v14, $0.0e+00  }
0x57b: {  	v15 =	vld [tilespmem:s25+$0xFFFFFFD0];
	v8 =	vadd.f32 v8, v11;
	[tilespmem:s8+$0x30] =	vst v14  }
0x57c: {  	v7 =	vmax.f32 v7, $0.0e+00;
	v14 =	vld [tilespmem:s9+$0x40]  }
0x57d: {  	[tilespmem:s8+$0xFFFFFFA0] =	vst v7;
	v11 =	vld [tilespmem:s7+$0x70];
	v7 =	vmax.f32 v8, $0.0e+00;
	v8 =	vadd.f32 v16, v10  }
0x57e: {  	v10 =	vld [tilespmem:s9+$0xFFFFFFB0]  }
0x57f: {  	v16 =	vld [tilespmem:s10+$0x10];
	[tilespmem:s10+$0x0] =	vst v7;
	v7 =	vadd.f32 v17, v18;
	v8 =	vmax.f32 v8, $0.0e+00  }
0x580: {  	v17 =	vld [tilespmem:s11+$0x10];
	[tilespmem:s7+$0x60] =	vst v8  }
0x581: {  	v7 =	vmax.f32 v7, $0.0e+00;
	v62 =	vld [tilespmem:s25+$0x70];
	v12 =	vadd.f32 v14, v12  }
0x582: {  	[tilespmem:s10+$0xFFFFFF80] =	vst v7;
	v14 =	vld [tilespmem:s10+$0xFFFFFFA0]  }
0x583: {  	v8 =	vld [tilespmem:s11+$0xFFFFFF90];
	v7 =	vmax.f32 v12, $0.0e+00  }
0x584: {  	v5 =	vadd.f32 v10, v5;
	v10 =	vld [tilespmem:s8+$0x50];
	[tilespmem:s8+$0x40] =	vst v7  }
0x585: {  	v16 =	vadd.f32 v17, v16;
	v12 =	vld [tilespmem:s9+$0x50]  }
0x586: {  	v5 =	vmax.f32 v5, $0.0e+00;
	v17 =	vld [tilespmem:s10+$0x20]  }
0x587: {  	v9 =	vadd.f32 v15, v9;
	v7 =	vld [tilespmem:s10+$0xFFFFFFB0];
	[tilespmem:s8+$0xFFFFFFB0] =	vst v5;
	v16 =	vmax.f32 v16, $0.0e+00  }
0x588: {  	v15 =	vld [tilespmem:s9+$0xFFFFFFC0];
	[tilespmem:s10+$0x10] =	vst v16;
	v16 =	vadd.f32 v8, v19  }
0x589: {  	v5 =	vld [tilespmem:s10+$0xFFFFFFC0];
	v8 =	vmax.f32 v9, $0.0e+00  }
0x58a: {  	v9 =	vld [tilespmem:s11+$0x20];
	[tilespmem:s7+$0xFFFFFFD0] =	vst v8;
	v10 =	vadd.f32 v12, v10;
	v12 =	vmax.f32 v16, $0.0e+00  }
0x58b: {  	[tilespmem:s10+$0xFFFFFF90] =	vst v12;
	v12 =	vld [tilespmem:s25+$0xFFFFFFE0]  }
0x58c: {  	v8 =	vld [tilespmem:s10+$0xFFFFFFD0];
	v10 =	vmax.f32 v10, $0.0e+00  }
0x58d: {  	v16 =	vld [tilespmem:s11+$0xFFFFFFA0];
	[tilespmem:s8+$0x50] =	vst v10;
	v10 =	vadd.f32 v15, v6  }
0x58e: {  	v20 =	vld [tilespmem:s9+$0x60]  }
0x58f: {  	v15 =	vadd.f32 v9, v17;
	v6 =	vld [tilespmem:s10+$0xFFFFFFE0];
	v9 =	vmax.f32 v10, $0.0e+00  }
0x590: {  	[tilespmem:s8+$0xFFFFFFC0] =	vst v9;
	v10 =	vadd.f32 v12, v13;
	v9 =	vld [tilespmem:s10+$0xFFFFFFF0]  }
0x591: {  	v11 =	vadd.f32 v62, v11;
	v13 =	vmax.f32 v15, $0.0e+00;
	v12 =	vld [tilespmem:s9+$0xFFFFFFD0]  }
0x592: {  	[tilespmem:s10+$0x20] =	vst v13;
	v14 =	vadd.f32 v16, v14;
	v13 =	vld [tilespmem:s10+$0x30];
	v10 =	vmax.f32 v10, $0.0e+00  }
0x593: {  	v11 =	vmax.f32 v11, $0.0e+00;
	v15 =	vld [tilespmem:s11+$0x30];
	v16 =	vadd.f32 v20, v63;
	[tilespmem:s7+$0xFFFFFFE0] =	vst v10  }
0x594: {  	[tilespmem:s7+$0x70] =	vst v11;
	v10 =	vmax.f32 v14, $0.0e+00;
	v11 =	vld [tilespmem:s25+$0xFFFFFFF0]  }
0x595: {  	s14 =	simm.s32 $0x1480;
	s21 =	simm.s32 $0x6380;
	s22 =	simm.s32 $0x4;
	[tilespmem:s10+$0xFFFFFFA0] =	vst v10;
	v10 =	vld [tilespmem:s8+$0x70];
	v14 =	vmax.f32 v16, $0.0e+00  }
.LBB2_22:
0x596: {  	v16 =	vld [tilespmem:s14+$0x0];
	v12 =	vadd.f32 v12, v3;
	[tilespmem:s8+$0x60] =	vst v14;
	v3 =	vmov v8  }
0x597: {  	s11 =	sadd.s32 $0x100, s11;
	v8 =	vld [tilespmem:s9+$0x70]  }
0x598: {  	s22 =	sadd.s32 $0x2, s22;
	v14 =	vld [tilespmem:s11+$0x0];
	v13 =	vadd.f32 v15, v13;
	v12 =	vmax.f32 v12, $0.0e+00  }
0x599: {  	p0 =	slt.u32 s22, $0x4E;
	v15 =	vld [tilespmem:s11+$0xFFFFFF80];
	[tilespmem:s8+$0xFFFFFFD0] =	vst v12;
	v11 =	vadd.f32 v11, v1;
	v1 =	vmov v2;
	v2 =	vmov v9  }
0x59a: {  	v9 =	vld [tilespmem:s14+$0xFFFFFF80];
	v12 =	vmax.f32 v13, $0.0e+00  }
0x59b: {  	[tilespmem:s10+$0x30] =	vst v12;
	v12 =	vld [tilespmem:s10+$0x40];
	v11 =	vmax.f32 v11, $0.0e+00  }
0x59c: {  	v13 =	vld [tilespmem:s21+$0x40];
	v8 =	vadd.f32 v8, v10;
	[tilespmem:s7+$0xFFFFFFF0] =	vst v11;
	s7 =	smov.u32 s8;
	s8 =	smov.u32 s10;
	s10 =	smov.u32 s14  }
0x59d: {  	v10 =	vld [tilespmem:s14+$0xFFFFFF90];
	v11 =	vadd.f32 v14, v16  }
0x59e: {  	v14 =	vld [tilespmem:s14+$0xFFFFFFA0];
	v8 =	vmax.f32 v8, $0.0e+00  }
0x59f: {  	v9 =	vadd.f32 v15, v9;
	v11 =	vmax.f32 v11, $0.0e+00;
	v15 =	vld [tilespmem:s21+$0xFFFFFFB0];
	[tilespmem:s7+$0x70] =	vst v8  }
0x5a0: {  	[tilespmem:s14+$0x0] =	vst v11;
	v8 =	vld [tilespmem:s14+$0x10]  }
0x5a1: {  	v9 =	vmax.f32 v9, $0.0e+00;
	v11 =	vld [tilespmem:s11+$0x10];
	v12 =	vadd.f32 v13, v12  }
0x5a2: {  	[tilespmem:s14+$0xFFFFFF80] =	vst v9;
	v9 =	vld [tilespmem:s14+$0xFFFFFFB0]  }
0x5a3: {  	v13 =	vld [tilespmem:s11+$0xFFFFFF90];
	v12 =	vmax.f32 v12, $0.0e+00  }
0x5a4: {  	v18 =	vadd.f32 v15, v7;
	[tilespmem:s8+$0x40] =	vst v12;
	v12 =	vld [tilespmem:s8+$0x50]  }
0x5a5: {  	v15 =	vld [tilespmem:s21+$0x50]  }
0x5a6: {  	v16 =	vld [tilespmem:s14+$0xFFFFFFC0];
	v11 =	vadd.f32 v11, v8;
	v17 =	vmax.f32 v18, $0.0e+00  }
0x5a7: {  	v8 =	vld [tilespmem:s14+$0xFFFFFFD0];
	[tilespmem:s8+$0xFFFFFFB0] =	vst v17;
	v7 =	vmov v9  }
0x5a8: {  	v9 =	vadd.f32 v13, v10;
	v10 =	vmax.f32 v11, $0.0e+00;
	v11 =	vld [tilespmem:s21+$0xFFFFFFC0]  }
0x5a9: {  	[tilespmem:s14+$0x10] =	vst v10;
	v10 =	vld [tilespmem:s14+$0x20]  }
0x5aa: {  	v9 =	vmax.f32 v9, $0.0e+00;
	v13 =	vld [tilespmem:s11+$0x20];
	v12 =	vadd.f32 v15, v12  }
0x5ab: {  	[tilespmem:s14+$0xFFFFFF90] =	vst v9;
	v15 =	vld [tilespmem:s9+$0xFFFFFFE0]  }
0x5ac: {  	v17 =	vld [tilespmem:s11+$0xFFFFFFA0];
	v9 =	vmax.f32 v12, $0.0e+00  }
0x5ad: {  	v11 =	vadd.f32 v11, v5;
	[tilespmem:s8+$0x50] =	vst v9;
	v18 =	vld [tilespmem:s8+$0x60];
	v5 =	vmov v16  }
0x5ae: {  	v16 =	vld [tilespmem:s21+$0x60]  }
0x5af: {  	v19 =	vld [tilespmem:s14+$0xFFFFFFE0];
	v10 =	vadd.f32 v13, v10;
	v11 =	vmax.f32 v11, $0.0e+00  }
0x5b0: {  	v9 =	vld [tilespmem:s14+$0xFFFFFFF0];
	[tilespmem:s8+$0xFFFFFFC0] =	vst v11;
	v11 =	vadd.f32 v15, v4;
	v4 =	vmov v6  }
.Ltmp9:
0x5b1: {  	v20 =	vadd.f32 v17, v14;
	v10 =	vmax.f32 v10, $0.0e+00;
	v12 =	vld [tilespmem:s21+$0xFFFFFFD0];
	(pc) =	sbr.rel @p0 .LBB2_22-.Ltmp9, $4  }
0x5b2: {  	[tilespmem:s14+$0x20] =	vst v10;
	v13 =	vld [tilespmem:s14+$0x30];
	v10 =	vmax.f32 v11, $0.0e+00  }
0x5b3: {  	v17 =	vmax.f32 v20, $0.0e+00;
	v15 =	vld [tilespmem:s11+$0x30];
	v14 =	vadd.f32 v16, v18;
	[tilespmem:s7+$0xFFFFFFE0] =	vst v10  }
0x5b4: {  	[tilespmem:s14+$0xFFFFFFA0] =	vst v17;
	v11 =	vld [tilespmem:s9+$0xFFFFFFF0];
	v6 =	vmov v19;
	s9 =	smov.u32 s21;
	s21 =	smov.u32 s11  }
0x5b5: {  	s14 =	sadd.s32 $0x100, s14;
	v14 =	vmax.f32 v14, $0.0e+00;
	v10 =	vld [tilespmem:s8+$0x70]  }
0x5b6: {  	v16 =	vld [tilespmem:s21+$0xFFFFFFB0];
	_ =	sdelay $0x3  }
0x5b7: {  	v13 =	vadd.f32 v15, v13  }
0x5b8: {  	v7 =	vadd.f32 v16, v7  }
0x5b9: {  	v13 =	vmax.f32 v13, $0.0e+00  }
0x5ba: {  	v55 =	vld [tilespmem:s10+$0x40];
	[tilespmem:s10+$0x30] =	vst v13;
	v7 =	vmax.f32 v7, $0.0e+00  }
0x5bb: {  	v56 =	vld [tilespmem:s21+$0x40];
	[tilespmem:s10+$0xFFFFFFB0] =	vst v7  }
0x5bc: {  	v7 =	vld [tilespmem:s21+$0xFFFFFFC0];
	_ =	sdelay $0x3  }
0x5bd: {  	v13 =	vadd.f32 v56, v55  }
0x5be: {  	v5 =	vadd.f32 v7, v5  }
0x5bf: {  	v13 =	vmax.f32 v13, $0.0e+00  }
0x5c0: {  	v57 =	vld [tilespmem:s10+$0x50];
	[tilespmem:s10+$0x40] =	vst v13;
	v5 =	vmax.f32 v5, $0.0e+00  }
0x5c1: {  	v13 =	vld [tilespmem:s21+$0x50];
	[tilespmem:s10+$0xFFFFFFC0] =	vst v5  }
0x5c2: {  	v5 =	vld [tilespmem:s21+$0xFFFFFFD0];
	_ =	sdelay $0x1  }
0x5c3: {  	v3 =	vadd.f32 v12, v3;
	_ =	sdelay $0x1  }
0x5c4: {  	v3 =	vmax.f32 v3, $0.0e+00;
	v7 =	vadd.f32 v13, v57  }
0x5c5: {  	[tilespmem:s8+$0xFFFFFFD0] =	vst v3;
	v5 =	vadd.f32 v5, v8  }
0x5c6: {  	v58 =	vld [tilespmem:s9+$0xFFFFFFE0];
	v3 =	vmax.f32 v7, $0.0e+00  }
0x5c7: {  	[tilespmem:s10+$0x50] =	vst v3;
	v3 =	vld [tilespmem:s10+$0x60];
	v5 =	vmax.f32 v5, $0.0e+00  }
0x5c8: {  	v59 =	vld [tilespmem:s21+$0x60];
	[tilespmem:s10+$0xFFFFFFD0] =	vst v5  }
0x5c9: {  	v5 =	vld [tilespmem:s21+$0xFFFFFFE0];
	_ =	sdelay $0x2  }
0x5ca: {  	v4 =	vadd.f32 v58, v4  }
0x5cb: {  	v3 =	vadd.f32 v59, v3  }
0x5cc: {  	[tilespmem:s8+$0x60] =	vst v14;
	v61 =	vld [tilespmem:s10+$0x70];
	v4 =	vmax.f32 v4, $0.0e+00;
	v5 =	vadd.f32 v5, v6  }
0x5cd: {  	v60 =	vld [tilespmem:s9+$0x70];
	[tilespmem:s8+$0xFFFFFFE0] =	vst v4;
	v3 =	vmax.f32 v3, $0.0e+00  }
0x5ce: {  	v62 =	vld [tilespmem:s9+$0xFFFFFFF0];
	[tilespmem:s10+$0x60] =	vst v3;
	v3 =	vmax.f32 v5, $0.0e+00  }
0x5cf: {  	v63 =	vld [tilespmem:s21+$0x70];
	[tilespmem:s10+$0xFFFFFFE0] =	vst v3  }
0x5d0: {  	v3 =	vld [tilespmem:s21+$0xFFFFFFF0]  }
0x5d1: {  	v1 =	vadd.f32 v11, v1  }
0x5d2: {  	v7 =	vadd.f32 v60, v10  }
0x5d3: {  	s23 =	sadd.s32 $0x1, s23;
	v1 =	vmax.f32 v1, $0.0e+00;
	v2 =	vadd.f32 v62, v2  }
0x5d4: {  	p0 =	sne.s32 s23, $0xB;
	[tilespmem:s7+$0xFFFFFFF0] =	vst v1;
	v1 =	vmax.f32 v7, $0.0e+00;
	v4 =	vadd.f32 v63, v61  }
.Ltmp10:
0x5d5: {  	[tilespmem:s8+$0x70] =	vst v1;
	v1 =	vmax.f32 v2, $0.0e+00;
	v2 =	vadd.f32 v3, v9;
	(pc) =	sbr.rel @p0 .LBB2_19-.Ltmp10, $4  }
0x5d6: {  	[tilespmem:s8+$0xFFFFFFF0] =	vst v1;
	v1 =	vmax.f32 v4, $0.0e+00  }
0x5d7: {  	[tilespmem:s10+$0x70] =	vst v1;
	v1 =	vmax.f32 v2, $0.0e+00  }
0x5d8: {  	[tilespmem:s10+$0xFFFFFFF0] =	vst v1  }
0x5d9: {  	[spmem:s2] =	stream.indirect.scatter.add.f32 [tilespmem:s28], [sflag:$0x2], $0x80, s16, s0, $0xb8;
	[tilespmem:$0x1F100] =	vst v63  }
0x5da: {  	_ =	swait.ge [sflag:s17], $0x2800  }
0x5db: {  	[sflag:s17] =	ssyncset.done $0x0  }
0x5dc: {  	[sflag:s17] =	ssyncadd.s32 $0xFFFFD800  }
0x5dd: {  	[tilespmem:s28], [sflag:$0x1] =	stream.indirect.gather [hbm4b:s1+s0], $0x80, s19, s0, $0xb8;
	[tilespmem:$0x1F100] =	vst v63  }
0x5de: {  	_ = 	snop  }
0x5df: {  	[tilespmem:s3], [sflag:$0x1] =	stream.indirect.gather [hbm4b:s5+s0], $0x80, s20, s0, $0xb8;
	[tilespmem:$0x1F100] =	vst v63  }
0x5e0: {  	_ =	swait.ge [sflag:s29], $0x2800  }
0x5e1: {  	[sflag:s29] =	ssyncset.done $0x0  }
0x5e2: {  	[sflag:s29] =	ssyncadd.s32 $0xFFFFD800  }
0x5e3: {  	_ =	swait.ge [sflag:s29], $0x2800  }
0x5e4: {  	[sflag:s29] =	ssyncset.done $0x0  }
0x5e5: {  	[sflag:s29] =	ssyncadd.s32 $0xFFFFD800  }
0x5e6: {  	v1 =	vld [tilespmem:$0xF30]  }
0x5e7: {  	v2 =	vld [tilespmem:$0xF40]  }
0x5e8: {  	v3 =	vld [tilespmem:$0xF50]  }
0x5e9: {  	v4 =	vld [tilespmem:$0xF60]  }
0x5ea: {  	v5 =	vld [tilespmem:$0xF70]  }
0x5eb: {  	[tilespmem:$0x1080] =	vst v1  }
0x5ec: {  	[tilespmem:$0x1090] =	vst v2  }
0x5ed: {  	[tilespmem:$0x10A0] =	vst v3  }
0x5ee: {  	[tilespmem:$0x10B0] =	vst v4  }
0x5ef: {  	s7 =	simm.s32 $0x3980;
	[tilespmem:$0x10C0] =	vst v5  }
0x5f0: {  	s21 =	simm.s32 $0x8980;
	v1 =	vld [tilespmem:s7+$0x0]  }
0x5f1: {  	v2 =	vld [tilespmem:s21+$0x0];
	_ =	sdelay $0x4  }
0x5f2: {  	v1 =	vadd.f32 v2, v1;
	_ =	sdelay $0x1  }
0x5f3: {  	v1 =	vmax.f32 v1, $0.0e+00  }
0x5f4: {  	[tilespmem:s7+$0x0] =	vst v1;
	v1 =	vld [tilespmem:s7+$0x10]  }
0x5f5: {  	v2 =	vld [tilespmem:s21+$0x10];
	_ =	sdelay $0x3  }
0x5f6: {  	v3 =	vld [tilespmem:s7+$0xFFFFFF80]  }
0x5f7: {  	v1 =	vadd.f32 v2, v1;
	v2 =	vld [tilespmem:s21+$0xFFFFFF80];
	_ =	sdelay $0x1  }
0x5f8: {  	v1 =	vmax.f32 v1, $0.0e+00  }
0x5f9: {  	[tilespmem:s7+$0x10] =	vst v1;
	v1 =	vld [tilespmem:s7+$0x20]  }
0x5fa: {  	v4 =	vld [tilespmem:s21+$0x20]  }
0x5fb: {  	s8 =	simm.s32 $0x3A80;
	v5 =	vld [tilespmem:s7+$0xFFFFFFA0];
	v2 =	vadd.f32 v2, v3  }
0x5fc: {  	v7 =	vld [tilespmem:s8+$0x0]  }
0x5fd: {  	v8 =	vld [tilespmem:s7+$0xFFFFFFC0];
	v2 =	vmax.f32 v2, $0.0e+00  }
0x5fe: {  	v3 =	vld [tilespmem:s7+$0xFFFFFF90];
	[tilespmem:s7+$0xFFFFFF80] =	vst v2  }
0x5ff: {  	v1 =	vadd.f32 v4, v1;
	v2 =	vld [tilespmem:s21+$0xFFFFFF90]  }
0x600: {  	v9 =	vld [tilespmem:s7+$0xFFFFFFD0]  }
0x601: {  	v10 =	vld [tilespmem:s7+$0x40];
	v1 =	vmax.f32 v1, $0.0e+00  }
0x602: {  	[tilespmem:s7+$0x20] =	vst v1;
	v1 =	vld [tilespmem:s7+$0x30]  }
0x603: {  	v6 =	vld [tilespmem:s21+$0x30]  }
0x604: {  	s9 =	simm.s32 $0x8A80;
	v11 =	vld [tilespmem:s8+$0x10];
	v2 =	vadd.f32 v2, v3  }
0x605: {  	v3 =	vld [tilespmem:s9+$0x0]  }
0x606: {  	s11 =	simm.s32 $0x8B80;
	v13 =	vld [tilespmem:s7+$0xFFFFFFE0];
	v2 =	vmax.f32 v2, $0.0e+00  }
0x607: {  	v17 =	vld [tilespmem:s11+$0xFFFFFF80];
	[tilespmem:s7+$0xFFFFFF90] =	vst v2  }
0x608: {  	v1 =	vadd.f32 v6, v1;
	v2 =	vld [tilespmem:s21+$0xFFFFFFA0]  }
0x609: {  	v6 =	vld [tilespmem:s9+$0xFFFFFF80]  }
0x60a: {  	s10 =	simm.s32 $0x3B80;
	v3 =	vadd.f32 v3, v7;
	v7 =	vld [tilespmem:s8+$0xFFFFFF80];
	v1 =	vmax.f32 v1, $0.0e+00  }
0x60b: {  	v18 =	vld [tilespmem:s10+$0xFFFFFF80];
	[tilespmem:s7+$0x30] =	vst v1  }
0x60c: {  	v1 =	vmax.f32 v3, $0.0e+00;
	v3 =	vld [tilespmem:s21+$0x40]  }
0x60d: {  	v19 =	vld [tilespmem:s10+$0xFFFFFF90];
	[tilespmem:s8+$0x0] =	vst v1  }
0x60e: {  	v12 =	vld [tilespmem:s9+$0x10];
	v2 =	vadd.f32 v2, v5  }
0x60f: {  	v63 =	vld [tilespmem:s8+$0x60];
	v5 =	vadd.f32 v6, v7  }
0x610: {  	v4 =	vld [tilespmem:s7+$0xFFFFFFB0];
	v2 =	vmax.f32 v2, $0.0e+00  }
0x611: {  	v6 =	vld [tilespmem:s8+$0xFFFFFF90];
	[tilespmem:s7+$0xFFFFFFA0] =	vst v2;
	v2 =	vmax.f32 v5, $0.0e+00;
	v3 =	vadd.f32 v3, v10  }
0x612: {  	v5 =	vld [tilespmem:s21+$0xFFFFFFB0];
	[tilespmem:s8+$0xFFFFFF80] =	vst v2  }
0x613: {  	v10 =	vld [tilespmem:s9+$0xFFFFFF90];
	v2 =	vmax.f32 v3, $0.0e+00;
	v3 =	vadd.f32 v12, v11  }
0x614: {  	v12 =	vld [tilespmem:s8+$0x20]  }
0x615: {  	[tilespmem:s7+$0x40] =	vst v2;
	v2 =	vld [tilespmem:s7+$0x50];
	v3 =	vmax.f32 v3, $0.0e+00  }
0x616: {  	v11 =	vld [tilespmem:s21+$0x50];
	[tilespmem:s8+$0x10] =	vst v3  }
0x617: {  	v3 =	vadd.f32 v5, v4;
	v14 =	vld [tilespmem:s9+$0x20]  }
0x618: {  	v1 =	vld [tilespmem:s7+$0xFFFFFFF0]  }
0x619: {  	v7 =	vld [tilespmem:s8+$0xFFFFFFA0];
	v4 =	vadd.f32 v10, v6;
	v10 =	vmax.f32 v3, $0.0e+00  }
0x61a: {  	v5 =	vld [tilespmem:s8+$0xFFFFFFB0];
	[tilespmem:s7+$0xFFFFFFB0] =	vst v10  }
0x61b: {  	v2 =	vadd.f32 v11, v2;
	v11 =	vld [tilespmem:s21+$0xFFFFFFC0]  }
0x61c: {  	v6 =	vld [tilespmem:s8+$0xFFFFFFC0];
	v4 =	vmax.f32 v4, $0.0e+00;
	v10 =	vadd.f32 v14, v12  }
0x61d: {  	v3 =	vld [tilespmem:s8+$0xFFFFFFD0];
	[tilespmem:s8+$0xFFFFFF90] =	vst v4;
	v2 =	vmax.f32 v2, $0.0e+00  }
0x61e: {  	v4 =	vld [tilespmem:s8+$0xFFFFFFE0];
	[tilespmem:s7+$0x50] =	vst v2;
	v2 =	vmax.f32 v10, $0.0e+00  }
0x61f: {  	v14 =	vld [tilespmem:s8+$0x30];
	[tilespmem:s8+$0x20] =	vst v2  }
0x620: {  	v8 =	vadd.f32 v11, v8;
	v15 =	vld [tilespmem:s9+$0x30]  }
0x621: {  	v12 =	vld [tilespmem:s9+$0xFFFFFFA0]  }
0x622: {  	v11 =	vld [tilespmem:s10+$0x0];
	v8 =	vmax.f32 v8, $0.0e+00  }
0x623: {  	[tilespmem:s7+$0xFFFFFFC0] =	vst v8;
	v8 =	vld [tilespmem:s11+$0x0]  }
0x624: {  	v10 =	vld [tilespmem:s7+$0x60]  }
0x625: {  	v16 =	vld [tilespmem:s21+$0x60];
	v14 =	vadd.f32 v15, v14  }
0x626: {  	v2 =	vld [tilespmem:s8+$0xFFFFFFF0]  }
0x627: {  	v7 =	vadd.f32 v12, v7;
	v12 =	vld [tilespmem:s8+$0x40];
	v14 =	vmax.f32 v14, $0.0e+00  }
0x628: {  	v15 =	vld [tilespmem:s21+$0xFFFFFFD0];
	v8 =	vadd.f32 v8, v11;
	[tilespmem:s8+$0x30] =	vst v14  }
0x629: {  	v7 =	vmax.f32 v7, $0.0e+00;
	v14 =	vld [tilespmem:s9+$0x40]  }
0x62a: {  	[tilespmem:s8+$0xFFFFFFA0] =	vst v7;
	v11 =	vld [tilespmem:s7+$0x70];
	v7 =	vmax.f32 v8, $0.0e+00;
	v8 =	vadd.f32 v16, v10  }
0x62b: {  	v10 =	vld [tilespmem:s9+$0xFFFFFFB0]  }
0x62c: {  	v16 =	vld [tilespmem:s10+$0x10];
	[tilespmem:s10+$0x0] =	vst v7;
	v7 =	vadd.f32 v17, v18;
	v8 =	vmax.f32 v8, $0.0e+00  }
0x62d: {  	v17 =	vld [tilespmem:s11+$0x10];
	[tilespmem:s7+$0x60] =	vst v8  }
0x62e: {  	v7 =	vmax.f32 v7, $0.0e+00;
	v62 =	vld [tilespmem:s21+$0x70];
	v12 =	vadd.f32 v14, v12  }
0x62f: {  	[tilespmem:s10+$0xFFFFFF80] =	vst v7;
	v14 =	vld [tilespmem:s10+$0xFFFFFFA0]  }
0x630: {  	v8 =	vld [tilespmem:s11+$0xFFFFFF90];
	v7 =	vmax.f32 v12, $0.0e+00  }
0x631: {  	v5 =	vadd.f32 v10, v5;
	v10 =	vld [tilespmem:s8+$0x50];
	[tilespmem:s8+$0x40] =	vst v7  }
0x632: {  	v16 =	vadd.f32 v17, v16;
	v12 =	vld [tilespmem:s9+$0x50]  }
0x633: {  	v5 =	vmax.f32 v5, $0.0e+00;
	v17 =	vld [tilespmem:s10+$0x20]  }
0x634: {  	v9 =	vadd.f32 v15, v9;
	v7 =	vld [tilespmem:s10+$0xFFFFFFB0];
	[tilespmem:s8+$0xFFFFFFB0] =	vst v5;
	v16 =	vmax.f32 v16, $0.0e+00  }
0x635: {  	v15 =	vld [tilespmem:s9+$0xFFFFFFC0];
	[tilespmem:s10+$0x10] =	vst v16;
	v16 =	vadd.f32 v8, v19  }
0x636: {  	v5 =	vld [tilespmem:s10+$0xFFFFFFC0];
	v8 =	vmax.f32 v9, $0.0e+00  }
0x637: {  	v9 =	vld [tilespmem:s11+$0x20];
	[tilespmem:s7+$0xFFFFFFD0] =	vst v8;
	v10 =	vadd.f32 v12, v10;
	v12 =	vmax.f32 v16, $0.0e+00  }
0x638: {  	[tilespmem:s10+$0xFFFFFF90] =	vst v12;
	v12 =	vld [tilespmem:s21+$0xFFFFFFE0]  }
0x639: {  	v8 =	vld [tilespmem:s10+$0xFFFFFFD0];
	v10 =	vmax.f32 v10, $0.0e+00  }
0x63a: {  	v16 =	vld [tilespmem:s11+$0xFFFFFFA0];
	[tilespmem:s8+$0x50] =	vst v10;
	v10 =	vadd.f32 v15, v6  }
0x63b: {  	v20 =	vld [tilespmem:s9+$0x60]  }
0x63c: {  	v15 =	vadd.f32 v9, v17;
	v6 =	vld [tilespmem:s10+$0xFFFFFFE0];
	v9 =	vmax.f32 v10, $0.0e+00  }
0x63d: {  	[tilespmem:s8+$0xFFFFFFC0] =	vst v9;
	v10 =	vadd.f32 v12, v13;
	v9 =	vld [tilespmem:s10+$0xFFFFFFF0]  }
0x63e: {  	v11 =	vadd.f32 v62, v11;
	v13 =	vmax.f32 v15, $0.0e+00;
	v12 =	vld [tilespmem:s9+$0xFFFFFFD0]  }
0x63f: {  	[tilespmem:s10+$0x20] =	vst v13;
	v14 =	vadd.f32 v16, v14;
	v13 =	vld [tilespmem:s10+$0x30];
	v10 =	vmax.f32 v10, $0.0e+00  }
0x640: {  	v11 =	vmax.f32 v11, $0.0e+00;
	v15 =	vld [tilespmem:s11+$0x30];
	v16 =	vadd.f32 v20, v63;
	[tilespmem:s7+$0xFFFFFFE0] =	vst v10  }
0x641: {  	[tilespmem:s7+$0x70] =	vst v11;
	v10 =	vmax.f32 v14, $0.0e+00;
	v11 =	vld [tilespmem:s21+$0xFFFFFFF0]  }
0x642: {  	s22 =	simm.s32 $0x4;
	s14 =	simm.s32 $0x3C80;
	[tilespmem:s10+$0xFFFFFFA0] =	vst v10;
	v10 =	vld [tilespmem:s8+$0x70];
	s21 =	simm.s32 $0x8B80;
	v14 =	vmax.f32 v16, $0.0e+00  }
.LBB2_25:
0x643: {  	v16 =	vld [tilespmem:s14+$0x0];
	v12 =	vadd.f32 v12, v3;
	[tilespmem:s8+$0x60] =	vst v14;
	v3 =	vmov v8  }
0x644: {  	s11 =	sadd.s32 $0x100, s11;
	v8 =	vld [tilespmem:s9+$0x70]  }
0x645: {  	s22 =	sadd.s32 $0x2, s22;
	v14 =	vld [tilespmem:s11+$0x0];
	v13 =	vadd.f32 v15, v13;
	v12 =	vmax.f32 v12, $0.0e+00  }
0x646: {  	p0 =	slt.u32 s22, $0x4E;
	v15 =	vld [tilespmem:s11+$0xFFFFFF80];
	[tilespmem:s8+$0xFFFFFFD0] =	vst v12;
	v11 =	vadd.f32 v11, v1;
	v1 =	vmov v2;
	v2 =	vmov v9  }
0x647: {  	v9 =	vld [tilespmem:s14+$0xFFFFFF80];
	v12 =	vmax.f32 v13, $0.0e+00  }
0x648: {  	[tilespmem:s10+$0x30] =	vst v12;
	v12 =	vld [tilespmem:s10+$0x40];
	v11 =	vmax.f32 v11, $0.0e+00  }
0x649: {  	v13 =	vld [tilespmem:s21+$0x40];
	v8 =	vadd.f32 v8, v10;
	[tilespmem:s7+$0xFFFFFFF0] =	vst v11;
	s7 =	smov.u32 s8;
	s8 =	smov.u32 s10;
	s10 =	smov.u32 s14  }
0x64a: {  	v10 =	vld [tilespmem:s14+$0xFFFFFF90];
	v11 =	vadd.f32 v14, v16  }
0x64b: {  	v14 =	vld [tilespmem:s14+$0xFFFFFFA0];
	v8 =	vmax.f32 v8, $0.0e+00  }
0x64c: {  	v9 =	vadd.f32 v15, v9;
	v11 =	vmax.f32 v11, $0.0e+00;
	v15 =	vld [tilespmem:s21+$0xFFFFFFB0];
	[tilespmem:s7+$0x70] =	vst v8  }
0x64d: {  	[tilespmem:s14+$0x0] =	vst v11;
	v8 =	vld [tilespmem:s14+$0x10]  }
0x64e: {  	v9 =	vmax.f32 v9, $0.0e+00;
	v11 =	vld [tilespmem:s11+$0x10];
	v12 =	vadd.f32 v13, v12  }
0x64f: {  	[tilespmem:s14+$0xFFFFFF80] =	vst v9;
	v9 =	vld [tilespmem:s14+$0xFFFFFFB0]  }
0x650: {  	v13 =	vld [tilespmem:s11+$0xFFFFFF90];
	v12 =	vmax.f32 v12, $0.0e+00  }
0x651: {  	v18 =	vadd.f32 v15, v7;
	[tilespmem:s8+$0x40] =	vst v12;
	v12 =	vld [tilespmem:s8+$0x50]  }
0x652: {  	v15 =	vld [tilespmem:s21+$0x50]  }
0x653: {  	v16 =	vld [tilespmem:s14+$0xFFFFFFC0];
	v11 =	vadd.f32 v11, v8;
	v17 =	vmax.f32 v18, $0.0e+00  }
0x654: {  	v8 =	vld [tilespmem:s14+$0xFFFFFFD0];
	[tilespmem:s8+$0xFFFFFFB0] =	vst v17;
	v7 =	vmov v9  }
0x655: {  	v9 =	vadd.f32 v13, v10;
	v10 =	vmax.f32 v11, $0.0e+00;
	v11 =	vld [tilespmem:s21+$0xFFFFFFC0]  }
0x656: {  	[tilespmem:s14+$0x10] =	vst v10;
	v10 =	vld [tilespmem:s14+$0x20]  }
0x657: {  	v9 =	vmax.f32 v9, $0.0e+00;
	v13 =	vld [tilespmem:s11+$0x20];
	v12 =	vadd.f32 v15, v12  }
0x658: {  	[tilespmem:s14+$0xFFFFFF90] =	vst v9;
	v15 =	vld [tilespmem:s9+$0xFFFFFFE0]  }
0x659: {  	v17 =	vld [tilespmem:s11+$0xFFFFFFA0];
	v9 =	vmax.f32 v12, $0.0e+00  }
0x65a: {  	v11 =	vadd.f32 v11, v5;
	[tilespmem:s8+$0x50] =	vst v9;
	v18 =	vld [tilespmem:s8+$0x60];
	v5 =	vmov v16  }
0x65b: {  	v16 =	vld [tilespmem:s21+$0x60]  }
0x65c: {  	v19 =	vld [tilespmem:s14+$0xFFFFFFE0];
	v10 =	vadd.f32 v13, v10;
	v11 =	vmax.f32 v11, $0.0e+00  }
0x65d: {  	v9 =	vld [tilespmem:s14+$0xFFFFFFF0];
	[tilespmem:s8+$0xFFFFFFC0] =	vst v11;
	v11 =	vadd.f32 v15, v4;
	v4 =	vmov v6  }
.Ltmp11:
0x65e: {  	v20 =	vadd.f32 v17, v14;
	v10 =	vmax.f32 v10, $0.0e+00;
	v12 =	vld [tilespmem:s21+$0xFFFFFFD0];
	(pc) =	sbr.rel @p0 .LBB2_25-.Ltmp11, $4  }
0x65f: {  	[tilespmem:s14+$0x20] =	vst v10;
	v13 =	vld [tilespmem:s14+$0x30];
	v10 =	vmax.f32 v11, $0.0e+00  }
0x660: {  	v17 =	vmax.f32 v20, $0.0e+00;
	v15 =	vld [tilespmem:s11+$0x30];
	v14 =	vadd.f32 v16, v18;
	[tilespmem:s7+$0xFFFFFFE0] =	vst v10  }
0x661: {  	[tilespmem:s14+$0xFFFFFFA0] =	vst v17;
	v11 =	vld [tilespmem:s9+$0xFFFFFFF0];
	v6 =	vmov v19;
	s9 =	smov.u32 s21;
	s21 =	smov.u32 s11  }
0x662: {  	s14 =	sadd.s32 $0x100, s14;
	v14 =	vmax.f32 v14, $0.0e+00;
	v10 =	vld [tilespmem:s8+$0x70]  }
0x663: {  	v16 =	vld [tilespmem:s21+$0xFFFFFFB0];
	_ =	sdelay $0x3  }
0x664: {  	v13 =	vadd.f32 v15, v13  }
0x665: {  	v7 =	vadd.f32 v16, v7  }
0x666: {  	v13 =	vmax.f32 v13, $0.0e+00  }
0x667: {  	[tilespmem:s10+$0x30] =	vst v13;
	v13 =	vld [tilespmem:s10+$0x40];
	v7 =	vmax.f32 v7, $0.0e+00  }
0x668: {  	v15 =	vld [tilespmem:s21+$0x40];
	[tilespmem:s10+$0xFFFFFFB0] =	vst v7  }
0x669: {  	v7 =	vld [tilespmem:s21+$0xFFFFFFC0];
	_ =	sdelay $0x3  }
0x66a: {  	v13 =	vadd.f32 v15, v13  }
0x66b: {  	v5 =	vadd.f32 v7, v5  }
0x66c: {  	v13 =	vmax.f32 v13, $0.0e+00  }
0x66d: {  	[tilespmem:s10+$0x40] =	vst v13;
	v7 =	vld [tilespmem:s10+$0x50];
	v5 =	vmax.f32 v5, $0.0e+00  }
0x66e: {  	v13 =	vld [tilespmem:s21+$0x50];
	[tilespmem:s10+$0xFFFFFFC0] =	vst v5  }
0x66f: {  	v5 =	vld [tilespmem:s21+$0xFFFFFFD0];
	_ =	sdelay $0x1  }
0x670: {  	v3 =	vadd.f32 v12, v3;
	_ =	sdelay $0x1  }
0x671: {  	v3 =	vmax.f32 v3, $0.0e+00;
	v7 =	vadd.f32 v13, v7  }
0x672: {  	[tilespmem:s8+$0xFFFFFFD0] =	vst v3;
	v5 =	vadd.f32 v5, v8  }
0x673: {  	v3 =	vmax.f32 v7, $0.0e+00;
	v7 =	vld [tilespmem:s9+$0xFFFFFFE0]  }
0x674: {  	[tilespmem:s10+$0x50] =	vst v3;
	v3 =	vld [tilespmem:s10+$0x60];
	v5 =	vmax.f32 v5, $0.0e+00  }
0x675: {  	v8 =	vld [tilespmem:s21+$0x60];
	[tilespmem:s10+$0xFFFFFFD0] =	vst v5  }
0x676: {  	v5 =	vld [tilespmem:s21+$0xFFFFFFE0];
	_ =	sdelay $0x2  }
0x677: {  	v4 =	vadd.f32 v7, v4  }
0x678: {  	[tilespmem:s8+$0x60] =	vst v14;
	v3 =	vadd.f32 v8, v3  }
0x679: {  	v7 =	vld [tilespmem:s9+$0x70];
	v4 =	vmax.f32 v4, $0.0e+00;
	v5 =	vadd.f32 v5, v6  }
0x67a: {  	[tilespmem:s8+$0xFFFFFFE0] =	vst v4;
	v4 =	vld [tilespmem:s10+$0x70];
	v3 =	vmax.f32 v3, $0.0e+00  }
0x67b: {  	v6 =	vld [tilespmem:s9+$0xFFFFFFF0];
	[tilespmem:s10+$0x60] =	vst v3;
	v3 =	vmax.f32 v5, $0.0e+00  }
0x67c: {  	v5 =	vld [tilespmem:s21+$0x70];
	[tilespmem:s10+$0xFFFFFFE0] =	vst v3  }
0x67d: {  	v3 =	vld [tilespmem:s21+$0xFFFFFFF0]  }
0x67e: {  	v1 =	vadd.f32 v11, v1  }
0x67f: {  	v7 =	vadd.f32 v7, v10  }
0x680: {  	v1 =	vmax.f32 v1, $0.0e+00;
	v2 =	vadd.f32 v6, v2  }
0x681: {  	[tilespmem:s7+$0xFFFFFFF0] =	vst v1;
	v1 =	vmax.f32 v7, $0.0e+00;
	v4 =	vadd.f32 v5, v4  }
0x682: {  	[tilespmem:s8+$0x70] =	vst v1;
	v1 =	vmax.f32 v2, $0.0e+00;
	v2 =	vadd.f32 v3, v9  }
0x683: {  	[tilespmem:s8+$0xFFFFFFF0] =	vst v1;
	v1 =	vmax.f32 v4, $0.0e+00  }
0x684: {  	[tilespmem:s10+$0x70] =	vst v1;
	v1 =	vmax.f32 v2, $0.0e+00  }
0x685: {  	[tilespmem:s10+$0xFFFFFFF0] =	vst v1  }
0x686: {  	[spmem:s2] =	stream.indirect.scatter.add.f32 [tilespmem:s13], [sflag:$0x2], $0x80, s18, s0, $0xb8;
	[tilespmem:$0x1F100] =	vst v63  }
0x687: {  	_ =	swait.ge [sflag:s29], $0x2800  }
0x688: {  	[sflag:s29] =	ssyncset.done $0x0  }
0x689: {  	[sflag:s29] =	ssyncadd.s32 $0xFFFFD800  }
0x68a: {  	_ =	swait.ge [sflag:s29], $0x2800  }
0x68b: {  	[sflag:s29] =	ssyncset.done $0x0  }
0x68c: {  	[sflag:s29] =	ssyncadd.s32 $0xFFFFD800  }
0x68d: {  	v1 =	vld [tilespmem:$0xF80]  }
0x68e: {  	v2 =	vld [tilespmem:$0xF90]  }
0x68f: {  	v3 =	vld [tilespmem:$0xFA0]  }
0x690: {  	v4 =	vld [tilespmem:$0xFB0]  }
0x691: {  	v5 =	vld [tilespmem:$0xFC0]  }
0x692: {  	[tilespmem:$0x1000] =	vst v1  }
0x693: {  	[tilespmem:$0x1010] =	vst v2  }
0x694: {  	[tilespmem:$0x1020] =	vst v3  }
0x695: {  	[tilespmem:$0x1030] =	vst v4  }
0x696: {  	s7 =	simm.s32 $0x1180;
	[tilespmem:$0x1040] =	vst v5  }
0x697: {  	s25 =	simm.s32 $0x6180;
	v1 =	vld [tilespmem:s7+$0x0]  }
0x698: {  	v2 =	vld [tilespmem:s25+$0x0];
	_ =	sdelay $0x4  }
0x699: {  	v1 =	vadd.f32 v2, v1;
	_ =	sdelay $0x1  }
0x69a: {  	v1 =	vmax.f32 v1, $0.0e+00  }
0x69b: {  	[tilespmem:s7+$0x0] =	vst v1;
	v1 =	vld [tilespmem:s7+$0x10]  }
0x69c: {  	v2 =	vld [tilespmem:s25+$0x10];
	_ =	sdelay $0x3  }
0x69d: {  	v3 =	vld [tilespmem:s7+$0xFFFFFF80]  }
0x69e: {  	v1 =	vadd.f32 v2, v1;
	v2 =	vld [tilespmem:s25+$0xFFFFFF80];
	_ =	sdelay $0x1  }
0x69f: {  	v1 =	vmax.f32 v1, $0.0e+00  }
0x6a0: {  	[tilespmem:s7+$0x10] =	vst v1;
	v1 =	vld [tilespmem:s7+$0x20]  }
0x6a1: {  	v4 =	vld [tilespmem:s25+$0x20]  }
0x6a2: {  	s8 =	simm.s32 $0x1280;
	v5 =	vld [tilespmem:s7+$0xFFFFFFA0];
	v2 =	vadd.f32 v2, v3  }
0x6a3: {  	v7 =	vld [tilespmem:s8+$0x0]  }
0x6a4: {  	v8 =	vld [tilespmem:s7+$0xFFFFFFC0];
	v2 =	vmax.f32 v2, $0.0e+00  }
0x6a5: {  	v3 =	vld [tilespmem:s7+$0xFFFFFF90];
	[tilespmem:s7+$0xFFFFFF80] =	vst v2  }
0x6a6: {  	v1 =	vadd.f32 v4, v1;
	v2 =	vld [tilespmem:s25+$0xFFFFFF90]  }
0x6a7: {  	v9 =	vld [tilespmem:s7+$0xFFFFFFD0]  }
0x6a8: {  	v10 =	vld [tilespmem:s7+$0x40];
	v1 =	vmax.f32 v1, $0.0e+00  }
0x6a9: {  	[tilespmem:s7+$0x20] =	vst v1;
	v1 =	vld [tilespmem:s7+$0x30]  }
0x6aa: {  	v6 =	vld [tilespmem:s25+$0x30]  }
0x6ab: {  	s9 =	simm.s32 $0x6280;
	v11 =	vld [tilespmem:s8+$0x10];
	v2 =	vadd.f32 v2, v3  }
0x6ac: {  	v3 =	vld [tilespmem:s9+$0x0]  }
0x6ad: {  	s11 =	simm.s32 $0x6380;
	v13 =	vld [tilespmem:s7+$0xFFFFFFE0];
	v2 =	vmax.f32 v2, $0.0e+00  }
0x6ae: {  	v17 =	vld [tilespmem:s11+$0xFFFFFF80];
	[tilespmem:s7+$0xFFFFFF90] =	vst v2  }
0x6af: {  	v1 =	vadd.f32 v6, v1;
	v2 =	vld [tilespmem:s25+$0xFFFFFFA0]  }
0x6b0: {  	v6 =	vld [tilespmem:s9+$0xFFFFFF80]  }
0x6b1: {  	s10 =	simm.s32 $0x1380;
	v3 =	vadd.f32 v3, v7;
	v7 =	vld [tilespmem:s8+$0xFFFFFF80];
	v1 =	vmax.f32 v1, $0.0e+00  }
0x6b2: {  	v18 =	vld [tilespmem:s10+$0xFFFFFF80];
	[tilespmem:s7+$0x30] =	vst v1  }
0x6b3: {  	v1 =	vmax.f32 v3, $0.0e+00;
	v3 =	vld [tilespmem:s25+$0x40]  }
0x6b4: {  	v19 =	vld [tilespmem:s10+$0xFFFFFF90];
	[tilespmem:s8+$0x0] =	vst v1  }
0x6b5: {  	v12 =	vld [tilespmem:s9+$0x10];
	v2 =	vadd.f32 v2, v5  }
0x6b6: {  	v63 =	vld [tilespmem:s8+$0x60];
	v5 =	vadd.f32 v6, v7  }
0x6b7: {  	v4 =	vld [tilespmem:s7+$0xFFFFFFB0];
	v2 =	vmax.f32 v2, $0.0e+00  }
0x6b8: {  	v6 =	vld [tilespmem:s8+$0xFFFFFF90];
	[tilespmem:s7+$0xFFFFFFA0] =	vst v2;
	v2 =	vmax.f32 v5, $0.0e+00;
	v3 =	vadd.f32 v3, v10  }
0x6b9: {  	v5 =	vld [tilespmem:s25+$0xFFFFFFB0];
	[tilespmem:s8+$0xFFFFFF80] =	vst v2  }
0x6ba: {  	v10 =	vld [tilespmem:s9+$0xFFFFFF90];
	v2 =	vmax.f32 v3, $0.0e+00;
	v3 =	vadd.f32 v12, v11  }
0x6bb: {  	v12 =	vld [tilespmem:s8+$0x20]  }
0x6bc: {  	[tilespmem:s7+$0x40] =	vst v2;
	v2 =	vld [tilespmem:s7+$0x50];
	v3 =	vmax.f32 v3, $0.0e+00  }
0x6bd: {  	v11 =	vld [tilespmem:s25+$0x50];
	[tilespmem:s8+$0x10] =	vst v3  }
0x6be: {  	v3 =	vadd.f32 v5, v4;
	v14 =	vld [tilespmem:s9+$0x20]  }
0x6bf: {  	v1 =	vld [tilespmem:s7+$0xFFFFFFF0]  }
0x6c0: {  	v7 =	vld [tilespmem:s8+$0xFFFFFFA0];
	v4 =	vadd.f32 v10, v6;
	v10 =	vmax.f32 v3, $0.0e+00  }
0x6c1: {  	v5 =	vld [tilespmem:s8+$0xFFFFFFB0];
	[tilespmem:s7+$0xFFFFFFB0] =	vst v10  }
0x6c2: {  	v2 =	vadd.f32 v11, v2;
	v11 =	vld [tilespmem:s25+$0xFFFFFFC0]  }
0x6c3: {  	v6 =	vld [tilespmem:s8+$0xFFFFFFC0];
	v4 =	vmax.f32 v4, $0.0e+00;
	v10 =	vadd.f32 v14, v12  }
0x6c4: {  	v3 =	vld [tilespmem:s8+$0xFFFFFFD0];
	[tilespmem:s8+$0xFFFFFF90] =	vst v4;
	v2 =	vmax.f32 v2, $0.0e+00  }
0x6c5: {  	v4 =	vld [tilespmem:s8+$0xFFFFFFE0];
	[tilespmem:s7+$0x50] =	vst v2;
	v2 =	vmax.f32 v10, $0.0e+00  }
0x6c6: {  	v14 =	vld [tilespmem:s8+$0x30];
	[tilespmem:s8+$0x20] =	vst v2  }
0x6c7: {  	v8 =	vadd.f32 v11, v8;
	v15 =	vld [tilespmem:s9+$0x30]  }
0x6c8: {  	v12 =	vld [tilespmem:s9+$0xFFFFFFA0]  }
0x6c9: {  	v11 =	vld [tilespmem:s10+$0x0];
	v8 =	vmax.f32 v8, $0.0e+00  }
0x6ca: {  	[tilespmem:s7+$0xFFFFFFC0] =	vst v8;
	v8 =	vld [tilespmem:s11+$0x0]  }
0x6cb: {  	v10 =	vld [tilespmem:s7+$0x60]  }
0x6cc: {  	v16 =	vld [tilespmem:s25+$0x60];
	v14 =	vadd.f32 v15, v14  }
0x6cd: {  	v2 =	vld [tilespmem:s8+$0xFFFFFFF0]  }
0x6ce: {  	v7 =	vadd.f32 v12, v7;
	v12 =	vld [tilespmem:s8+$0x40];
	v14 =	vmax.f32 v14, $0.0e+00  }
0x6cf: {  	v15 =	vld [tilespmem:s25+$0xFFFFFFD0];
	v8 =	vadd.f32 v8, v11;
	[tilespmem:s8+$0x30] =	vst v14  }
0x6d0: {  	v7 =	vmax.f32 v7, $0.0e+00;
	v14 =	vld [tilespmem:s9+$0x40]  }
0x6d1: {  	[tilespmem:s8+$0xFFFFFFA0] =	vst v7;
	v11 =	vld [tilespmem:s7+$0x70];
	v7 =	vmax.f32 v8, $0.0e+00;
	v8 =	vadd.f32 v16, v10  }
0x6d2: {  	v10 =	vld [tilespmem:s9+$0xFFFFFFB0]  }
0x6d3: {  	v16 =	vld [tilespmem:s10+$0x10];
	[tilespmem:s10+$0x0] =	vst v7;
	v7 =	vadd.f32 v17, v18;
	v8 =	vmax.f32 v8, $0.0e+00  }
0x6d4: {  	v17 =	vld [tilespmem:s11+$0x10];
	[tilespmem:s7+$0x60] =	vst v8  }
0x6d5: {  	v7 =	vmax.f32 v7, $0.0e+00;
	v62 =	vld [tilespmem:s25+$0x70];
	v12 =	vadd.f32 v14, v12  }
0x6d6: {  	[tilespmem:s10+$0xFFFFFF80] =	vst v7;
	v14 =	vld [tilespmem:s10+$0xFFFFFFA0]  }
0x6d7: {  	v8 =	vld [tilespmem:s11+$0xFFFFFF90];
	v7 =	vmax.f32 v12, $0.0e+00  }
0x6d8: {  	v5 =	vadd.f32 v10, v5;
	v10 =	vld [tilespmem:s8+$0x50];
	[tilespmem:s8+$0x40] =	vst v7  }
0x6d9: {  	v16 =	vadd.f32 v17, v16;
	v12 =	vld [tilespmem:s9+$0x50]  }
0x6da: {  	v5 =	vmax.f32 v5, $0.0e+00;
	v17 =	vld [tilespmem:s10+$0x20]  }
0x6db: {  	v9 =	vadd.f32 v15, v9;
	v7 =	vld [tilespmem:s10+$0xFFFFFFB0];
	[tilespmem:s8+$0xFFFFFFB0] =	vst v5;
	v16 =	vmax.f32 v16, $0.0e+00  }
0x6dc: {  	v15 =	vld [tilespmem:s9+$0xFFFFFFC0];
	[tilespmem:s10+$0x10] =	vst v16;
	v16 =	vadd.f32 v8, v19  }
0x6dd: {  	v5 =	vld [tilespmem:s10+$0xFFFFFFC0];
	v8 =	vmax.f32 v9, $0.0e+00  }
0x6de: {  	v9 =	vld [tilespmem:s11+$0x20];
	[tilespmem:s7+$0xFFFFFFD0] =	vst v8;
	v10 =	vadd.f32 v12, v10;
	v12 =	vmax.f32 v16, $0.0e+00  }
0x6df: {  	[tilespmem:s10+$0xFFFFFF90] =	vst v12;
	v12 =	vld [tilespmem:s25+$0xFFFFFFE0]  }
0x6e0: {  	v8 =	vld [tilespmem:s10+$0xFFFFFFD0];
	v10 =	vmax.f32 v10, $0.0e+00  }
0x6e1: {  	v16 =	vld [tilespmem:s11+$0xFFFFFFA0];
	[tilespmem:s8+$0x50] =	vst v10;
	v10 =	vadd.f32 v15, v6  }
0x6e2: {  	v20 =	vld [tilespmem:s9+$0x60]  }
0x6e3: {  	v15 =	vadd.f32 v9, v17;
	v6 =	vld [tilespmem:s10+$0xFFFFFFE0];
	v9 =	vmax.f32 v10, $0.0e+00  }
0x6e4: {  	[tilespmem:s8+$0xFFFFFFC0] =	vst v9;
	v10 =	vadd.f32 v12, v13;
	v9 =	vld [tilespmem:s10+$0xFFFFFFF0]  }
0x6e5: {  	v11 =	vadd.f32 v62, v11;
	v13 =	vmax.f32 v15, $0.0e+00;
	v12 =	vld [tilespmem:s9+$0xFFFFFFD0]  }
0x6e6: {  	[tilespmem:s10+$0x20] =	vst v13;
	v14 =	vadd.f32 v16, v14;
	v13 =	vld [tilespmem:s10+$0x30];
	v10 =	vmax.f32 v10, $0.0e+00  }
0x6e7: {  	v11 =	vmax.f32 v11, $0.0e+00;
	v15 =	vld [tilespmem:s11+$0x30];
	v16 =	vadd.f32 v20, v63;
	[tilespmem:s7+$0xFFFFFFE0] =	vst v10  }
0x6e8: {  	[tilespmem:s7+$0x70] =	vst v11;
	v10 =	vmax.f32 v14, $0.0e+00;
	v11 =	vld [tilespmem:s25+$0xFFFFFFF0]  }
0x6e9: {  	s22 =	simm.s32 $0x4;
	s14 =	simm.s32 $0x1480;
	s21 =	simm.s32 $0x6380;
	[tilespmem:s10+$0xFFFFFFA0] =	vst v10;
	v10 =	vld [tilespmem:s8+$0x70];
	v14 =	vmax.f32 v16, $0.0e+00  }
.LBB2_27:
0x6ea: {  	v16 =	vld [tilespmem:s14+$0x0];
	v12 =	vadd.f32 v12, v3;
	[tilespmem:s8+$0x60] =	vst v14;
	v3 =	vmov v8  }
0x6eb: {  	s11 =	sadd.s32 $0x100, s11;
	v8 =	vld [tilespmem:s9+$0x70]  }
0x6ec: {  	s22 =	sadd.s32 $0x2, s22;
	v14 =	vld [tilespmem:s11+$0x0];
	v13 =	vadd.f32 v15, v13;
	v12 =	vmax.f32 v12, $0.0e+00  }
0x6ed: {  	p0 =	slt.u32 s22, $0x4E;
	v15 =	vld [tilespmem:s11+$0xFFFFFF80];
	[tilespmem:s8+$0xFFFFFFD0] =	vst v12;
	v11 =	vadd.f32 v11, v1;
	v1 =	vmov v2;
	v2 =	vmov v9  }
0x6ee: {  	v9 =	vld [tilespmem:s14+$0xFFFFFF80];
	v12 =	vmax.f32 v13, $0.0e+00  }
0x6ef: {  	[tilespmem:s10+$0x30] =	vst v12;
	v12 =	vld [tilespmem:s10+$0x40];
	v11 =	vmax.f32 v11, $0.0e+00  }
0x6f0: {  	v13 =	vld [tilespmem:s21+$0x40];
	v8 =	vadd.f32 v8, v10;
	[tilespmem:s7+$0xFFFFFFF0] =	vst v11;
	s7 =	smov.u32 s8;
	s8 =	smov.u32 s10;
	s10 =	smov.u32 s14  }
0x6f1: {  	v10 =	vld [tilespmem:s14+$0xFFFFFF90];
	v11 =	vadd.f32 v14, v16  }
0x6f2: {  	v14 =	vld [tilespmem:s14+$0xFFFFFFA0];
	v8 =	vmax.f32 v8, $0.0e+00  }
0x6f3: {  	v9 =	vadd.f32 v15, v9;
	v11 =	vmax.f32 v11, $0.0e+00;
	v15 =	vld [tilespmem:s21+$0xFFFFFFB0];
	[tilespmem:s7+$0x70] =	vst v8  }
0x6f4: {  	[tilespmem:s14+$0x0] =	vst v11;
	v8 =	vld [tilespmem:s14+$0x10]  }
0x6f5: {  	v9 =	vmax.f32 v9, $0.0e+00;
	v11 =	vld [tilespmem:s11+$0x10];
	v12 =	vadd.f32 v13, v12  }
0x6f6: {  	[tilespmem:s14+$0xFFFFFF80] =	vst v9;
	v9 =	vld [tilespmem:s14+$0xFFFFFFB0]  }
0x6f7: {  	v13 =	vld [tilespmem:s11+$0xFFFFFF90];
	v12 =	vmax.f32 v12, $0.0e+00  }
0x6f8: {  	v18 =	vadd.f32 v15, v7;
	[tilespmem:s8+$0x40] =	vst v12;
	v12 =	vld [tilespmem:s8+$0x50]  }
0x6f9: {  	v15 =	vld [tilespmem:s21+$0x50]  }
0x6fa: {  	v16 =	vld [tilespmem:s14+$0xFFFFFFC0];
	v11 =	vadd.f32 v11, v8;
	v17 =	vmax.f32 v18, $0.0e+00  }
0x6fb: {  	v8 =	vld [tilespmem:s14+$0xFFFFFFD0];
	[tilespmem:s8+$0xFFFFFFB0] =	vst v17;
	v7 =	vmov v9  }
0x6fc: {  	v9 =	vadd.f32 v13, v10;
	v10 =	vmax.f32 v11, $0.0e+00;
	v11 =	vld [tilespmem:s21+$0xFFFFFFC0]  }
0x6fd: {  	[tilespmem:s14+$0x10] =	vst v10;
	v10 =	vld [tilespmem:s14+$0x20]  }
0x6fe: {  	v9 =	vmax.f32 v9, $0.0e+00;
	v13 =	vld [tilespmem:s11+$0x20];
	v12 =	vadd.f32 v15, v12  }
0x6ff: {  	[tilespmem:s14+$0xFFFFFF90] =	vst v9;
	v15 =	vld [tilespmem:s9+$0xFFFFFFE0]  }
0x700: {  	v17 =	vld [tilespmem:s11+$0xFFFFFFA0];
	v9 =	vmax.f32 v12, $0.0e+00  }
0x701: {  	v11 =	vadd.f32 v11, v5;
	[tilespmem:s8+$0x50] =	vst v9;
	v18 =	vld [tilespmem:s8+$0x60];
	v5 =	vmov v16  }
0x702: {  	v16 =	vld [tilespmem:s21+$0x60]  }
0x703: {  	v19 =	vld [tilespmem:s14+$0xFFFFFFE0];
	v10 =	vadd.f32 v13, v10;
	v11 =	vmax.f32 v11, $0.0e+00  }
0x704: {  	v9 =	vld [tilespmem:s14+$0xFFFFFFF0];
	[tilespmem:s8+$0xFFFFFFC0] =	vst v11;
	v11 =	vadd.f32 v15, v4;
	v4 =	vmov v6  }
.Ltmp12:
0x705: {  	v20 =	vadd.f32 v17, v14;
	v10 =	vmax.f32 v10, $0.0e+00;
	v12 =	vld [tilespmem:s21+$0xFFFFFFD0];
	(pc) =	sbr.rel @p0 .LBB2_27-.Ltmp12, $4  }
0x706: {  	[tilespmem:s14+$0x20] =	vst v10;
	v13 =	vld [tilespmem:s14+$0x30];
	v10 =	vmax.f32 v11, $0.0e+00  }
0x707: {  	v17 =	vmax.f32 v20, $0.0e+00;
	v15 =	vld [tilespmem:s11+$0x30];
	v14 =	vadd.f32 v16, v18;
	[tilespmem:s7+$0xFFFFFFE0] =	vst v10  }
0x708: {  	[tilespmem:s14+$0xFFFFFFA0] =	vst v17;
	v11 =	vld [tilespmem:s9+$0xFFFFFFF0];
	v6 =	vmov v19;
	s9 =	smov.u32 s21;
	s21 =	smov.u32 s11  }
0x709: {  	s14 =	sadd.s32 $0x100, s14;
	v14 =	vmax.f32 v14, $0.0e+00;
	v10 =	vld [tilespmem:s8+$0x70]  }
0x70a: {  	v16 =	vld [tilespmem:s21+$0xFFFFFFB0];
	_ =	sdelay $0x3  }
0x70b: {  	v13 =	vadd.f32 v15, v13  }
0x70c: {  	v7 =	vadd.f32 v16, v7  }
0x70d: {  	v13 =	vmax.f32 v13, $0.0e+00  }
0x70e: {  	v55 =	vld [tilespmem:s10+$0x40];
	[tilespmem:s10+$0x30] =	vst v13;
	v7 =	vmax.f32 v7, $0.0e+00  }
0x70f: {  	v56 =	vld [tilespmem:s21+$0x40];
	[tilespmem:s10+$0xFFFFFFB0] =	vst v7  }
0x710: {  	v7 =	vld [tilespmem:s21+$0xFFFFFFC0];
	_ =	sdelay $0x3  }
0x711: {  	v13 =	vadd.f32 v56, v55  }
0x712: {  	v5 =	vadd.f32 v7, v5  }
0x713: {  	v13 =	vmax.f32 v13, $0.0e+00  }
0x714: {  	v57 =	vld [tilespmem:s10+$0x50];
	[tilespmem:s10+$0x40] =	vst v13;
	v5 =	vmax.f32 v5, $0.0e+00  }
0x715: {  	v13 =	vld [tilespmem:s21+$0x50];
	[tilespmem:s10+$0xFFFFFFC0] =	vst v5  }
0x716: {  	v5 =	vld [tilespmem:s21+$0xFFFFFFD0];
	_ =	sdelay $0x1  }
0x717: {  	v3 =	vadd.f32 v12, v3;
	_ =	sdelay $0x1  }
0x718: {  	v3 =	vmax.f32 v3, $0.0e+00;
	v7 =	vadd.f32 v13, v57  }
0x719: {  	[tilespmem:s8+$0xFFFFFFD0] =	vst v3;
	v5 =	vadd.f32 v5, v8  }
0x71a: {  	v58 =	vld [tilespmem:s9+$0xFFFFFFE0];
	v3 =	vmax.f32 v7, $0.0e+00  }
0x71b: {  	[tilespmem:s10+$0x50] =	vst v3;
	v3 =	vld [tilespmem:s10+$0x60];
	v5 =	vmax.f32 v5, $0.0e+00  }
0x71c: {  	v59 =	vld [tilespmem:s21+$0x60];
	[tilespmem:s10+$0xFFFFFFD0] =	vst v5  }
0x71d: {  	v5 =	vld [tilespmem:s21+$0xFFFFFFE0];
	_ =	sdelay $0x2  }
0x71e: {  	v4 =	vadd.f32 v58, v4  }
0x71f: {  	v3 =	vadd.f32 v59, v3  }
0x720: {  	[tilespmem:s8+$0x60] =	vst v14;
	v61 =	vld [tilespmem:s10+$0x70];
	v4 =	vmax.f32 v4, $0.0e+00;
	v5 =	vadd.f32 v5, v6  }
0x721: {  	v60 =	vld [tilespmem:s9+$0x70];
	[tilespmem:s8+$0xFFFFFFE0] =	vst v4;
	v3 =	vmax.f32 v3, $0.0e+00  }
0x722: {  	v62 =	vld [tilespmem:s9+$0xFFFFFFF0];
	[tilespmem:s10+$0x60] =	vst v3;
	v3 =	vmax.f32 v5, $0.0e+00  }
0x723: {  	v63 =	vld [tilespmem:s21+$0x70];
	[tilespmem:s10+$0xFFFFFFE0] =	vst v3  }
0x724: {  	v3 =	vld [tilespmem:s21+$0xFFFFFFF0]  }
0x725: {  	v1 =	vadd.f32 v11, v1  }
0x726: {  	v7 =	vadd.f32 v60, v10  }
0x727: {  	s26 =	sadd.s32 $0x1, s26;
	v1 =	vmax.f32 v1, $0.0e+00;
	v2 =	vadd.f32 v62, v2  }
0x728: {  	p0 =	sne.s32 s26, $0x5;
	[tilespmem:s7+$0xFFFFFFF0] =	vst v1;
	v1 =	vmax.f32 v7, $0.0e+00;
	v4 =	vadd.f32 v63, v61  }
.Ltmp13:
0x729: {  	[tilespmem:s8+$0x70] =	vst v1;
	v1 =	vmax.f32 v2, $0.0e+00;
	v2 =	vadd.f32 v3, v9;
	(pc) =	sbr.rel @p0 .LBB2_16-.Ltmp13, $4  }
0x72a: {  	[tilespmem:s8+$0xFFFFFFF0] =	vst v1;
	v1 =	vmax.f32 v4, $0.0e+00  }
0x72b: {  	[tilespmem:s10+$0x70] =	vst v1;
	v1 =	vmax.f32 v2, $0.0e+00  }
0x72c: {  	[tilespmem:s10+$0xFFFFFFF0] =	vst v1  }
0x72d: {  	[spmem:s2] =	stream.indirect.scatter.add.f32 [tilespmem:s28], [sflag:$0x2], $0x80, s16, s0, $0xb8;
	[tilespmem:$0x1F100] =	vst v63  }
0x72e: {  	_ =	swait.ge [sflag:s17], $0x2800  }
0x72f: {  	[sflag:s17] =	ssyncset.done $0x0  }
0x730: {  	[sflag:s17] =	ssyncadd.s32 $0xFFFFD800  }
0x731: {  	_ =	swait.ge [sflag:s17], $0x2800  }
0x732: {  	[sflag:s17] =	ssyncset.done $0x0  }
0x733: {  	[sflag:s17] =	ssyncadd.s32 $0xFFFFD800  }
0x734: {  	[bflag:$0x0] =	sbarrier.arrive $0xFFFF  }
0x735: {  	s21 =	rddreg [dreg:$0x4]  }
0x736: {  	[tilespmem:s28], [sflag:$0x3] =	stream.linear.gather [spmem:s21], $0x2800, $0x38;
	[tilespmem:$0x1F100] =	vst v63  }
0x737: {  	_ =	swait.ge [sflag:s30], $0x2800  }
0x738: {  	[sflag:s30] =	ssyncset.done $0x0  }
0x739: {  	s7 =	rddreg [dreg:$0x9];
	[sflag:s30] =	ssyncadd.s32 $0xFFFFD800  }
0x73a: {  	[hbm4b:s7+s4] =	stream.linear.scatter [tilespmem:s28], [sflag:$0x1], $0x2800, $0x38;
	[tilespmem:$0x1F100] =	vst v63  }
0x73b: {  	s22 =	rddreg [dreg:$0x5]  }
0x73c: {  	[tilespmem:s13], [sflag:$0x3] =	stream.linear.gather [spmem:s22], $0x2800, $0x38;
	[tilespmem:$0x1F100] =	vst v63  }
0x73d: {  	_ =	swait.ge [sflag:s30], $0x2800  }
0x73e: {  	[sflag:s30] =	ssyncset.done $0x0  }
0x73f: {  	s25 =	rddreg [dreg:$0xa];
	[sflag:s30] =	ssyncadd.s32 $0xFFFFD800  }
0x740: {  	[hbm4b:s25+s4] =	stream.linear.scatter [tilespmem:s13], [sflag:$0x1], $0x2800, $0x38;
	[tilespmem:$0x1F100] =	vst v63  }
0x741: {  	_ =	swait.ge [sflag:s29], $0x2800  }
0x742: {  	[sflag:s29] =	ssyncset.done $0x0  }
0x743: {  	s23 =	rddreg [dreg:$0x6];
	[sflag:s29] =	ssyncadd.s32 $0xFFFFD800  }
0x744: {  	[tilespmem:s28], [sflag:$0x3] =	stream.linear.gather [spmem:s23], $0x2800, $0x38;
	[tilespmem:$0x1F100] =	vst v63  }
0x745: {  	_ =	swait.ge [sflag:s30], $0x2800  }
0x746: {  	[sflag:s30] =	ssyncset.done $0x0  }
0x747: {  	s26 =	rddreg [dreg:$0xb];
	[sflag:s30] =	ssyncadd.s32 $0xFFFFD800  }
0x748: {  	[hbm4b:s26+s4] =	stream.linear.scatter [tilespmem:s28], [sflag:$0x1], $0x2800, $0x38;
	[tilespmem:$0x1F100] =	vst v63  }
0x749: {  	_ =	swait.ge [sflag:s29], $0x2800  }
0x74a: {  	[sflag:s29] =	ssyncset.done $0x0  }
0x74b: {  	s24 =	rddreg [dreg:$0x7];
	[sflag:s29] =	ssyncadd.s32 $0xFFFFD800  }
0x74c: {  	[tilespmem:s13], [sflag:$0x3] =	stream.linear.gather [spmem:s24], $0x2800, $0x38;
	[tilespmem:$0x1F100] =	vst v63  }
0x74d: {  	_ =	swait.ge [sflag:s30], $0x2800  }
0x74e: {  	[sflag:s30] =	ssyncset.done $0x0  }
0x74f: {  	s8 =	rddreg [dreg:$0xc];
	[sflag:s30] =	ssyncadd.s32 $0xFFFFD800  }
0x750: {  	[hbm4b:s8+s4] =	stream.linear.scatter [tilespmem:s13], [sflag:$0x1], $0x2800, $0x38;
	[tilespmem:$0x1F100] =	vst v63  }
0x751: {  	_ =	swait.ge [sflag:s29], $0x2800  }
0x752: {  	[sflag:s29] =	ssyncset.done $0x0  }
0x753: {  	s25 =	rddreg [dreg:$0x8];
	[sflag:s29] =	ssyncadd.s32 $0xFFFFD800  }
0x754: {  	[tilespmem:s28], [sflag:$0x3] =	stream.linear.gather [spmem:s25], $0x2800, $0x38;
	[tilespmem:$0x1F100] =	vst v63  }
0x755: {  	_ =	swait.ge [sflag:s30], $0x2800  }
0x756: {  	[sflag:s30] =	ssyncset.done $0x0  }
0x757: {  	s9 =	rddreg [dreg:$0xd];
	[sflag:s30] =	ssyncadd.s32 $0xFFFFD800  }
0x758: {  	[hbm4b:s9+s4] =	stream.linear.scatter [tilespmem:s28], [sflag:$0x1], $0x2800, $0x38;
	[tilespmem:$0x1F100] =	vst v63  }
0x759: {  	_ =	swait.ge [sflag:s29], $0x2800  }
0x75a: {  	[sflag:s29] =	ssyncset.done $0x0  }
0x75b: {  	s9 =	rddreg [dreg:$0x11];
	[sflag:s29] =	ssyncadd.s32 $0xFFFFD800  }
0x75c: {  	[tilespmem:s13], [sflag:$0x3] =	stream.linear.gather [spmem:s9], $0x2800, $0x38;
	[tilespmem:$0x1F100] =	vst v63  }
0x75d: {  	_ =	swait.ge [sflag:s30], $0x2800  }
0x75e: {  	[sflag:s30] =	ssyncset.done $0x0  }
0x75f: {  	s10 =	rddreg [dreg:$0xe];
	[sflag:s30] =	ssyncadd.s32 $0xFFFFD800  }
0x760: {  	[hbm4b:s10+s4] =	stream.linear.scatter [tilespmem:s13], [sflag:$0x1], $0x2800, $0x38;
	[tilespmem:$0x1F100] =	vst v63  }
0x761: {  	_ =	swait.ge [sflag:s29], $0x2800  }
0x762: {  	[sflag:s29] =	ssyncset.done $0x0  }
0x763: {  	s10 =	rddreg [dreg:$0x12];
	[sflag:s29] =	ssyncadd.s32 $0xFFFFD800  }
0x764: {  	[tilespmem:s28], [sflag:$0x3] =	stream.linear.gather [spmem:s10], $0x2800, $0x38;
	[tilespmem:$0x1F100] =	vst v63  }
0x765: {  	_ =	swait.ge [sflag:s30], $0x2800  }
0x766: {  	[sflag:s30] =	ssyncset.done $0x0  }
0x767: {  	s11 =	rddreg [dreg:$0xf];
	[sflag:s30] =	ssyncadd.s32 $0xFFFFD800  }
0x768: {  	[hbm4b:s11+s4] =	stream.linear.scatter [tilespmem:s28], [sflag:$0x1], $0x2800, $0x38;
	[tilespmem:$0x1F100] =	vst v63  }
0x769: {  	_ =	swait.ge [sflag:s29], $0x2800  }
0x76a: {  	[sflag:s29] =	ssyncset.done $0x0  }
0x76b: {  	s11 =	rddreg [dreg:$0x14];
	[sflag:s29] =	ssyncadd.s32 $0xFFFFD800  }
0x76c: {  	[tilespmem:s13], [sflag:$0x3] =	stream.linear.gather [spmem:s11], $0x2800, $0x38;
	[tilespmem:$0x1F100] =	vst v63  }
0x76d: {  	_ =	swait.ge [sflag:s30], $0x2800  }
0x76e: {  	[sflag:s30] =	ssyncset.done $0x0  }
0x76f: {  	s14 =	rddreg [dreg:$0x10];
	[sflag:s30] =	ssyncadd.s32 $0xFFFFD800  }
0x770: {  	[hbm4b:s14+s4] =	stream.linear.scatter [tilespmem:s13], [sflag:$0x1], $0x2800, $0x38;
	[tilespmem:$0x1F100] =	vst v63  }
0x771: {  	_ =	swait.ge [sflag:s29], $0x2800  }
0x772: {  	[sflag:s29] =	ssyncset.done $0x0  }
0x773: {  	[sflag:s29] =	ssyncadd.s32 $0xFFFFD800  }
0x774: {  	_ =	swait.ge [sflag:s29], $0x2800  }
0x775: {  	s8 =	rddreg [dreg:$0x17]  }
0x776: {  	s26 =	rddreg [dreg:$0x15];
	s8 =	sadd.s32 $0x1, s8  }
0x777: {  	p0 =	sne.s32 s8, s26  }
.Ltmp14:
0x778: {  	_ = 	snop;
	(pc) =	sbr.rel @p0 .LBB2_1-.Ltmp14, $3  }
0x779: {  	_ =	sdelay $0x1  }
0x77a: {  	[sflag:s29] =	ssyncset.done $0x0  }
0x77b: {  	[sflag:s29] =	ssyncadd.s32 $0xFFFFD800  }
0x77c: {  	_ =	sfence.sel $0x180000  }
0x77d: {  	[bflag:$0x0] =	sbarrier.arrive $0xFFFF  }
0x77e: {  	_ =	strace $0x90000047  }
0x77f: {  	s0 =	stileid.u32;
	[bflag:$0x2] =	sbarrier.arrive $0xFFFF  }
0x780: {  	p0 =	sne.s32 s0, $0x0;
	s0 =	rddreg [dreg:$0x3]  }
0x781: {  	s0 =	sadd.s32 @!p0 $0x100000, s0  }
0x782: {  	[sflag:s0] =	ssyncadd.tile.s32 @!p0 $0x1;
	_ =	shalt  }
.Lfunc_end2:
_tile_overlayer_lowered:
.L_overlay_start_2:
0x783: {  	(tag) =	ssettag $0x2  }
0x784: {  	s0 =	rddreg [dreg:$0x0];
	s2 =	stileid.u32  }
0x785: {  	s1 =	rddreg [dreg:$0x1];
	p0 =	sne.s32 s2, $0x0  }
0x786: {  	s3 =	rddreg [dreg:$0x2];
	[bflag:$0x3] =	sbarrier.arrive $0xFFFF;
	s2 =	simm.s32 @!p0 $0x1C03  }
0x787: {  	[timem:s3], [sflag:s2] =	dma.local @!p0 [hbm:s0], s1  }
0x788: {  	s0 =	simm.s32 @!p0 $0x3  }
0x789: {  	_ =	swait.ge @!p0 [sflag:s0], s1  }
0x78a: {  	s1 =	ssub.s32 @!p0 $0x0, s1;
	[sflag:s0] =	ssyncset.done @!p0 $0x0  }
0x78b: {  	[sflag:s0] =	ssyncadd.s32 @!p0 s1  }
0x78c: {  	[bflag:$0x3] =	sbarrier.arrive $0xFFFF  }
0x78d: {  	_ =	shalt  }

</sc_bundles>
